<compile_context>
chip_gen: v7x
topology: tpu7x:2x2x1
jax: 0.10.2.dev20260603
libtpu: 0.0.44.dev20260713+nightly
codegen_flags: <defaults>
</compile_context>

<pallas_src>
import functools
import math

import jax
import jax.numpy as jnp
from jax import lax
from jax.experimental import pallas as pl
from jax.experimental.pallas import tpu as pltpu
from jax.experimental.pallas import tpu_sc as plsc

_EMB = 128
_SCALE = math.sqrt(_EMB)

_NC = 2
_NS = 16
_NW = _NC * _NS

_CHUNK = 128
_NBUF = 4
_LAG = 2


def _make_gather(n_idx):
    per_w = n_idx // _NW
    n_chunks = per_w // _CHUNK
    assert per_w * _NW == n_idx and n_chunks * _CHUNK == per_w
    assert n_chunks % _NBUF == 0 and n_chunks >= 2 * _NBUF
    assert 2 * _LAG <= _NBUF
    mesh = plsc.VectorSubcoreMesh(core_axis_name="c", subcore_axis_name="s")

    @functools.partial(
        pl.kernel,
        mesh=mesh,
        out_type=jax.ShapeDtypeStruct((n_idx, _EMB), jnp.float32),
        scratch_types=[
            pltpu.VMEM((n_chunks, _CHUNK), jnp.int32),
            pltpu.VMEM((_NBUF, _CHUNK, _EMB), jnp.float32),
        ]
        + [pltpu.SemaphoreType.DMA] * (2 * _NBUF),
    )
    def k(table_hbm, idx_hbm, out_hbm, idx_v, rows_v, *sems):
        sem_g = sems[:_NBUF]
        sem_s = sems[_NBUF:]
        wid = lax.axis_index("s") * _NC + lax.axis_index("c")
        gbase = wid * n_chunks

        pltpu.sync_copy(idx_hbm.at[pl.ds(gbase, n_chunks)], idx_v)

        def gather(t, slot):
            pltpu.async_copy(
                table_hbm.at[idx_v.at[t]], rows_v.at[slot], sem_g[slot])

        def wait_gather(slot):
            pltpu.make_async_copy(
                table_hbm.at[pl.ds(0, _CHUNK)], rows_v.at[slot],
                sem_g[slot]).wait()

        def scatter(t, slot):
            pltpu.async_copy(
                rows_v.at[slot],
                out_hbm.at[pl.ds((gbase + t) * _CHUNK, _CHUNK)], sem_s[slot])

        def wait_scatter(slot):
            pltpu.make_async_copy(
                rows_v.at[slot], out_hbm.at[pl.ds(0, _CHUNK)],
                sem_s[slot]).wait()

        def scale(slot):
            @plsc.parallel_loop(0, _CHUNK, step=2)
            def _(r):
                for rr in range(2):
                    for j in range(_EMB // 16):
                        sl = pl.ds(j * 16, 16)
                        rows_v[slot, r + rr, sl] = (
                            rows_v[slot, r + rr, sl] * _SCALE)

        for u in range(_LAG):
            gather(u, u)
        for b in range(_NBUF - _LAG):
            u, s = _LAG + b, b
            gather(u, u)
            wait_gather(s)
            scale(s)
            scatter(s, s)
        for b in range(_LAG):
            u, s = _NBUF + b, _NBUF - _LAG + b
            wait_scatter(u % _NBUF)
            gather(u, u % _NBUF)
            wait_gather(s)
            scale(s)
            scatter(s, s)

        def body(o, carry):
            for b in range(_NBUF):
                u = _NBUF * o + _LAG + b
                s = _NBUF * o + b
                us = (_LAG + b) % _NBUF
                wait_scatter(us)
                gather(u, us)
                wait_gather(b)
                scale(b)
                scatter(s, b)
            return carry

        lax.fori_loop(1, n_chunks // _NBUF - 1, body, 0, unroll=False)

        for b in range(_NBUF - _LAG):
            u = n_chunks - (_NBUF - _LAG) + b
            wait_scatter(u % _NBUF)
            gather(u, u % _NBUF)
        for b in range(_NBUF):
            s = n_chunks - _NBUF + b
            wait_gather(s % _NBUF)
            scale(s % _NBUF)
            scatter(s, s % _NBUF)
        for b in range(_NBUF):
            wait_scatter(b)

    return k


def kernel(tokens, table):
    b, l = tokens.shape
    n_idx = b * l
    idx = tokens.reshape(n_idx // _CHUNK, _CHUNK)
    out = _make_gather(n_idx)(table, idx)
    return out.reshape(b, l, _EMB)

# --- scband reference (transcript-rebuilt; emitter-appended) ---
"""Pipeline reference for scband-embeddings-16183436771758 (READ-ONLY COPY).

The authoritative reference and input builder live on the scoring server;
editing this copy changes nothing except your own understanding.
"""

import math
import jax, jax.numpy as jnp
import numpy as np

VOCAB = 100000
EMB = 128
B = 4096
L = 200

def setup_inputs(seed: int = 0) -> dict:
    key = jax.random.key(seed)
    k_tok, k_tab = jax.random.split(key)
    tokens = jax.random.randint(k_tok, (B, L), 0, VOCAB, dtype=jnp.int64 if jax.config.jax_enable_x64 else jnp.int32).astype(jnp.int32)
    table = jax.random.normal(k_tab, (VOCAB, EMB), dtype=jnp.float32)
    return {"tokens": tokens, "table": table}

def reference(tokens, table):
    # Embeddings.forward: embedding(tokens.long()) * sqrt(emb_size)
    emb = jnp.take(table, tokens, axis=0)
    return emb * math.sqrt(EMB)

if __name__ == "__main__":
    import jax
    _d = setup_inputs()
    print(jax.jit(kernel)(*tuple(_d.values())))

</pallas_src>

<mosaic_0001>
#map = affine_map<(d0, d1) -> (0, 0)>
module attributes {stable_mosaic.version = 14 : i64} {
  func.func @k(%arg0: i32, %arg1: i32, %arg2: memref<100000x128xf32, #tpu.memory_space<hbm>>, %arg3: memref<6400x128xi32, #tpu.memory_space<hbm>>, %arg4: memref<819200x128xf32, #tpu.memory_space<hbm>>, %arg5: memref<200x128xi32, #tpu.memory_space<vmem>>, %arg6: memref<4x128x128xf32, #tpu.memory_space<vmem>>, %arg7: memref<!tpu.dma_semaphore, #tpu.memory_space<semaphore_mem>>, %arg8: memref<!tpu.dma_semaphore, #tpu.memory_space<semaphore_mem>>, %arg9: memref<!tpu.dma_semaphore, #tpu.memory_space<semaphore_mem>>, %arg10: memref<!tpu.dma_semaphore, #tpu.memory_space<semaphore_mem>>, %arg11: memref<!tpu.dma_semaphore, #tpu.memory_space<semaphore_mem>>, %arg12: memref<!tpu.dma_semaphore, #tpu.memory_space<semaphore_mem>>, %arg13: memref<!tpu.dma_semaphore, #tpu.memory_space<semaphore_mem>>, %arg14: memref<!tpu.dma_semaphore, #tpu.memory_space<semaphore_mem>>) attributes {dimension_semantics = [#tpu.dimension_semantics<core_parallel>, #tpu.dimension_semantics<subcore_parallel>], iteration_bounds = array<i64: 2, 16>, scalar_prefetch = 0 : i64, scratch_operands = 10 : i64, tpu.core_type = #tpu.core_type<sc_vector_subcore>, window_params = [{transform_indices = #map}, {transform_indices = #map}, {transform_indices = #map}]} {
    %mul3A = arith.constant 2 : i32
    %mul3A_0 = arith.muli %arg1, %mul3A : i32
    %add3A = arith.addi %mul3A_0, %arg0 : i32
    %mul3A_1 = arith.constant 200 : i32
    %mul3A_2 = arith.muli %add3A, %mul3A_1 : i32
    "tpu.region"() ({
      %run_scoped3A = tpu.sem_alloc : memref<!tpu.dma_semaphore, #tpu.memory_space<semaphore_mem>>
      %dma_start3A_501 = arith.constant 0 : i32
      %dma_start3A_502 = tpu.memref_slice %arg3[%mul3A_2, %dma_start3A_501] : memref<6400x128xi32, #tpu.memory_space<hbm>> -> memref<200x128xi32, #tpu.memory_space<hbm>>
      %dma_start3A_503 = arith.constant 0 : i32
      %dma_start3A_504 = tpu.memref_slice %arg3[%mul3A_2, %dma_start3A_503] : memref<6400x128xi32, #tpu.memory_space<hbm>> -> memref<200x128xi32, #tpu.memory_space<hbm>>
      tpu.enqueue_dma source(%dma_start3A_504 : memref<200x128xi32, #tpu.memory_space<hbm>>) target(%arg5 : memref<200x128xi32, #tpu.memory_space<vmem>>) target_semaphore(%run_scoped3A : memref<!tpu.dma_semaphore, #tpu.memory_space<semaphore_mem>>)
      %dma_wait3A_505 = arith.constant 0 : i32
      %dma_wait3A_506 = tpu.memref_slice %arg3[%mul3A_2, %dma_wait3A_505] : memref<6400x128xi32, #tpu.memory_space<hbm>> -> memref<200x128xi32, #tpu.memory_space<hbm>>
      %dma_wait3A_507 = arith.constant 0 : i32
      %dma_wait3A_508 = tpu.memref_slice %arg3[%mul3A_2, %dma_wait3A_507] : memref<6400x128xi32, #tpu.memory_space<hbm>> -> memref<200x128xi32, #tpu.memory_space<hbm>>
      tpu.wait_dma2 semaphore(%run_scoped3A : memref<!tpu.dma_semaphore, #tpu.memory_space<semaphore_mem>>) src(%dma_wait3A_508 : memref<200x128xi32, #tpu.memory_space<hbm>>) dst(%arg5 : memref<200x128xi32, #tpu.memory_space<vmem>>)
      tpu.yield
    }) : () -> ()
    %dma_start3A = arith.constant 0 : i32
    %dma_start3A_3 = arith.constant 0 : i32
    %dma_start3A_4 = arith.constant 0 : i32
    %dma_start3A_5 = arith.constant 0 : i32
    %dma_start3A_6 = tpu.memref_slice %arg6[%dma_start3A_3, %dma_start3A_4, %dma_start3A_5] : memref<4x128x128xf32, #tpu.memory_space<vmem>> -> memref<1x128x128xf32, #tpu.memory_space<vmem>>
    %dma_start3A_7 = tpu.memref_squeeze %dma_start3A_6 : memref<1x128x128xf32, #tpu.memory_space<vmem>> -> memref<128x128xf32, #tpu.memory_space<vmem>>
    %dma_start3A_8 = arith.constant 0 : i32
    %dma_start3A_9 = tpu.memref_slice %arg5[%dma_start3A, %dma_start3A_8] : memref<200x128xi32, #tpu.memory_space<vmem>> -> memref<1x128xi32, #tpu.memory_space<vmem>>
    %dma_start3A_10 = tpu.memref_squeeze %dma_start3A_9 : memref<1x128xi32, #tpu.memory_space<vmem>> -> memref<128xi32, #tpu.memory_space<vmem>>
    %dma_start3A_11 = arith.constant 0 : i32
    %dma_start3A_12 = arith.constant 0 : i32
    %dma_start3A_13 = tpu.memref_slice %arg2[%dma_start3A_11, %dma_start3A_12] : memref<100000x128xf32, #tpu.memory_space<hbm>> -> memref<100000x128xf32, #tpu.memory_space<hbm>>
    tpu.enqueue_indirect_dma source(%dma_start3A_13 : memref<100000x128xf32, #tpu.memory_space<hbm>>) target(%dma_start3A_7 : memref<128x128xf32, #tpu.memory_space<vmem>>) offsets(%dma_start3A_10 : memref<128xi32, #tpu.memory_space<vmem>>) semaphore(%arg7 : memref<!tpu.dma_semaphore, #tpu.memory_space<semaphore_mem>>)
    %dma_start3A_14 = arith.constant 1 : i32
    %dma_start3A_15 = arith.constant 1 : i32
    %dma_start3A_16 = arith.constant 0 : i32
    %dma_start3A_17 = arith.constant 0 : i32
    %dma_start3A_18 = tpu.memref_slice %arg6[%dma_start3A_15, %dma_start3A_16, %dma_start3A_17] : memref<4x128x128xf32, #tpu.memory_space<vmem>> -> memref<1x128x128xf32, #tpu.memory_space<vmem>>
    %dma_start3A_19 = tpu.memref_squeeze %dma_start3A_18 : memref<1x128x128xf32, #tpu.memory_space<vmem>> -> memref<128x128xf32, #tpu.memory_space<vmem>>
    %dma_start3A_20 = arith.constant 0 : i32
    %dma_start3A_21 = tpu.memref_slice %arg5[%dma_start3A_14, %dma_start3A_20] : memref<200x128xi32, #tpu.memory_space<vmem>> -> memref<1x128xi32, #tpu.memory_space<vmem>>
    %dma_start3A_22 = tpu.memref_squeeze %dma_start3A_21 : memref<1x128xi32, #tpu.memory_space<vmem>> -> memref<128xi32, #tpu.memory_space<vmem>>
    %dma_start3A_23 = arith.constant 0 : i32
    %dma_start3A_24 = arith.constant 0 : i32
    %dma_start3A_25 = tpu.memref_slice %arg2[%dma_start3A_23, %dma_start3A_24] : memref<100000x128xf32, #tpu.memory_space<hbm>> -> memref<100000x128xf32, #tpu.memory_space<hbm>>
    tpu.enqueue_indirect_dma source(%dma_start3A_25 : memref<100000x128xf32, #tpu.memory_space<hbm>>) target(%dma_start3A_19 : memref<128x128xf32, #tpu.memory_space<vmem>>) offsets(%dma_start3A_22 : memref<128xi32, #tpu.memory_space<vmem>>) semaphore(%arg8 : memref<!tpu.dma_semaphore, #tpu.memory_space<semaphore_mem>>)
    %dma_start3A_26 = arith.constant 2 : i32
    %dma_start3A_27 = arith.constant 2 : i32
    %dma_start3A_28 = arith.constant 0 : i32
    %dma_start3A_29 = arith.constant 0 : i32
    %dma_start3A_30 = tpu.memref_slice %arg6[%dma_start3A_27, %dma_start3A_28, %dma_start3A_29] : memref<4x128x128xf32, #tpu.memory_space<vmem>> -> memref<1x128x128xf32, #tpu.memory_space<vmem>>
    %dma_start3A_31 = tpu.memref_squeeze %dma_start3A_30 : memref<1x128x128xf32, #tpu.memory_space<vmem>> -> memref<128x128xf32, #tpu.memory_space<vmem>>
    %dma_start3A_32 = arith.constant 0 : i32
    %dma_start3A_33 = tpu.memref_slice %arg5[%dma_start3A_26, %dma_start3A_32] : memref<200x128xi32, #tpu.memory_space<vmem>> -> memref<1x128xi32, #tpu.memory_space<vmem>>
    %dma_start3A_34 = tpu.memref_squeeze %dma_start3A_33 : memref<1x128xi32, #tpu.memory_space<vmem>> -> memref<128xi32, #tpu.memory_space<vmem>>
    %dma_start3A_35 = arith.constant 0 : i32
    %dma_start3A_36 = arith.constant 0 : i32
    %dma_start3A_37 = tpu.memref_slice %arg2[%dma_start3A_35, %dma_start3A_36] : memref<100000x128xf32, #tpu.memory_space<hbm>> -> memref<100000x128xf32, #tpu.memory_space<hbm>>
    tpu.enqueue_indirect_dma source(%dma_start3A_37 : memref<100000x128xf32, #tpu.memory_space<hbm>>) target(%dma_start3A_31 : memref<128x128xf32, #tpu.memory_space<vmem>>) offsets(%dma_start3A_34 : memref<128xi32, #tpu.memory_space<vmem>>) semaphore(%arg9 : memref<!tpu.dma_semaphore, #tpu.memory_space<semaphore_mem>>)
    %dma_wait3A = arith.constant 0 : i32
    %dma_wait3A_38 = arith.constant 0 : i32
    %dma_wait3A_39 = arith.constant 0 : i32
    %dma_wait3A_40 = tpu.memref_slice %arg6[%dma_wait3A, %dma_wait3A_38, %dma_wait3A_39] : memref<4x128x128xf32, #tpu.memory_space<vmem>> -> memref<1x128x128xf32, #tpu.memory_space<vmem>>
    %dma_wait3A_41 = tpu.memref_squeeze %dma_wait3A_40 : memref<1x128x128xf32, #tpu.memory_space<vmem>> -> memref<128x128xf32, #tpu.memory_space<vmem>>
    %dma_wait3A_42 = arith.constant 0 : i32
    %dma_wait3A_43 = arith.constant 0 : i32
    %dma_wait3A_44 = tpu.memref_slice %arg2[%dma_wait3A_42, %dma_wait3A_43] : memref<100000x128xf32, #tpu.memory_space<hbm>> -> memref<128x128xf32, #tpu.memory_space<hbm>>
    %dma_wait3A_45 = arith.constant 0 : i32
    %dma_wait3A_46 = arith.constant 0 : i32
    %dma_wait3A_47 = tpu.memref_slice %arg6[%dma_wait3A, %dma_wait3A_45, %dma_wait3A_46] : memref<4x128x128xf32, #tpu.memory_space<vmem>> -> memref<1x128x128xf32, #tpu.memory_space<vmem>>
    %dma_wait3A_48 = tpu.memref_squeeze %dma_wait3A_47 : memref<1x128x128xf32, #tpu.memory_space<vmem>> -> memref<128x128xf32, #tpu.memory_space<vmem>>
    %dma_wait3A_49 = arith.constant 0 : i32
    %dma_wait3A_50 = arith.constant 0 : i32
    %dma_wait3A_51 = tpu.memref_slice %arg2[%dma_wait3A_49, %dma_wait3A_50] : memref<100000x128xf32, #tpu.memory_space<hbm>> -> memref<128x128xf32, #tpu.memory_space<hbm>>
    tpu.wait_dma2 semaphore(%arg7 : memref<!tpu.dma_semaphore, #tpu.memory_space<semaphore_mem>>) src(%dma_wait3A_51 : memref<128x128xf32, #tpu.memory_space<hbm>>) dst(%dma_wait3A_48 : memref<128x128xf32, #tpu.memory_space<vmem>>)
    %parallel_loop3A = arith.constant 0 : i32
    %parallel_loop3A_52 = arith.constant 128 : i32
    %parallel_loop3A_53 = arith.constant 2 : i32
    scf.for %parallel_loop3A_501 = %parallel_loop3A to %parallel_loop3A_52 step %parallel_loop3A_53  : i32 {
      %parallel_loop3A_502 = arith.constant 0 : i32
      %parallel_loop3A_503 = arith.addi %parallel_loop3A_501, %parallel_loop3A_502 : i32
      %parallel_loop3A_504 = arith.constant 0 : i32
      %parallel_loop3A_505 = arith.index_cast %parallel_loop3A_504 : i32 to index
      %parallel_loop3A_506 = arith.index_cast %parallel_loop3A_503 : i32 to index
      %parallel_loop3A_507 = arith.constant 0 : index
      %parallel_loop3A_508 = tpu.vector_load %arg6[%parallel_loop3A_505, %parallel_loop3A_506, %parallel_loop3A_507] {strides = array<i32>} : memref<4x128x128xf32, #tpu.memory_space<vmem>>, vector<1x1x16xf32>,
      %parallel_loop3A_509 = vector.shape_cast %parallel_loop3A_508 : vector<1x1x16xf32> to vector<16xf32>
      %parallel_loop3A_510 = arith.constant 11.3137083 : f32
      %parallel_loop3A_511 = vector.broadcast %parallel_loop3A_510 : f32 to vector<16xf32>
      %parallel_loop3A_512 = arith.mulf %parallel_loop3A_509, %parallel_loop3A_511 : vector<16xf32>
      %parallel_loop3A_513 = arith.constant 0 : i32
      %parallel_loop3A_514 = arith.addi %parallel_loop3A_501, %parallel_loop3A_513 : i32
      %parallel_loop3A_515 = arith.constant 0 : i32
      %parallel_loop3A_516 = arith.index_cast %parallel_loop3A_515 : i32 to index
      %parallel_loop3A_517 = arith.index_cast %parallel_loop3A_514 : i32 to index
      %parallel_loop3A_518 = arith.constant 0 : index
      %parallel_loop3A_519 = tpu.vector_load %arg6[%parallel_loop3A_516, %parallel_loop3A_517, %parallel_loop3A_518] {strides = array<i32>} : memref<4x128x128xf32, #tpu.memory_space<vmem>>, vector<1x1x16xf32>,
      %parallel_loop3A_520 = vector.shape_cast %parallel_loop3A_519 : vector<1x1x16xf32> to vector<16xf32>
      %parallel_loop3A_521 = vector.shape_cast %parallel_loop3A_512 : vector<16xf32> to vector<1x1x16xf32>
      tpu.vector_store %arg6[%parallel_loop3A_516, %parallel_loop3A_517, %parallel_loop3A_518], %parallel_loop3A_521 {strides = array<i32>} : memref<4x128x128xf32, #tpu.memory_space<vmem>>, vector<1x1x16xf32>,
      %parallel_loop3A_522 = arith.constant 0 : i32
      %parallel_loop3A_523 = arith.addi %parallel_loop3A_501, %parallel_loop3A_522 : i32
      %parallel_loop3A_524 = arith.constant 0 : i32
      %parallel_loop3A_525 = arith.index_cast %parallel_loop3A_524 : i32 to index
      %parallel_loop3A_526 = arith.index_cast %parallel_loop3A_523 : i32 to index
      %parallel_loop3A_527 = arith.constant 16 : index
      %parallel_loop3A_528 = tpu.vector_load %arg6[%parallel_loop3A_525, %parallel_loop3A_526, %parallel_loop3A_527] {strides = array<i32>} : memref<4x128x128xf32, #tpu.memory_space<vmem>>, vector<1x1x16xf32>,
      %parallel_loop3A_529 = vector.shape_cast %parallel_loop3A_528 : vector<1x1x16xf32> to vector<16xf32>
      %parallel_loop3A_530 = arith.constant 11.3137083 : f32
      %parallel_loop3A_531 = vector.broadcast %parallel_loop3A_530 : f32 to vector<16xf32>
      %parallel_loop3A_532 = arith.mulf %parallel_loop3A_529, %parallel_loop3A_531 : vector<16xf32>
      %parallel_loop3A_533 = arith.constant 0 : i32
      %parallel_loop3A_534 = arith.addi %parallel_loop3A_501, %parallel_loop3A_533 : i32
      %parallel_loop3A_535 = arith.constant 0 : i32
      %parallel_loop3A_536 = arith.index_cast %parallel_loop3A_535 : i32 to index
      %parallel_loop3A_537 = arith.index_cast %parallel_loop3A_534 : i32 to index
      %parallel_loop3A_538 = arith.constant 16 : index
      %parallel_loop3A_539 = tpu.vector_load %arg6[%parallel_loop3A_536, %parallel_loop3A_537, %parallel_loop3A_538] {strides = array<i32>} : memref<4x128x128xf32, #tpu.memory_space<vmem>>, vector<1x1x16xf32>,
      %parallel_loop3A_540 = vector.shape_cast %parallel_loop3A_539 : vector<1x1x16xf32> to vector<16xf32>
      %parallel_loop3A_541 = vector.shape_cast %parallel_loop3A_532 : vector<16xf32> to vector<1x1x16xf32>
      tpu.vector_store %arg6[%parallel_loop3A_536, %parallel_loop3A_537, %parallel_loop3A_538], %parallel_loop3A_541 {strides = array<i32>} : memref<4x128x128xf32, #tpu.memory_space<vmem>>, vector<1x1x16xf32>,
      %parallel_loop3A_542 = arith.constant 0 : i32
      %parallel_loop3A_543 = arith.addi %parallel_loop3A_501, %parallel_loop3A_542 : i32
      %parallel_loop3A_544 = arith.constant 0 : i32
      %parallel_loop3A_545 = arith.index_cast %parallel_loop3A_544 : i32 to index
      %parallel_loop3A_546 = arith.index_cast %parallel_loop3A_543 : i32 to index
      %parallel_loop3A_547 = arith.constant 32 : index
      %parallel_loop3A_548 = tpu.vector_load %arg6[%parallel_loop3A_545, %parallel_loop3A_546, %parallel_loop3A_547] {strides = array<i32>} : memref<4x128x128xf32, #tpu.memory_space<vmem>>, vector<1x1x16xf32>,
      %parallel_loop3A_549 = vector.shape_cast %parallel_loop3A_548 : vector<1x1x16xf32> to vector<16xf32>
      %parallel_loop3A_550 = arith.constant 11.3137083 : f32
      %parallel_loop3A_551 = vector.broadcast %parallel_loop3A_550 : f32 to vector<16xf32>
      %parallel_loop3A_552 = arith.mulf %parallel_loop3A_549, %parallel_loop3A_551 : vector<16xf32>
      %parallel_loop3A_553 = arith.constant 0 : i32
      %parallel_loop3A_554 = arith.addi %parallel_loop3A_501, %parallel_loop3A_553 : i32
      %parallel_loop3A_555 = arith.constant 0 : i32
      %parallel_loop3A_556 = arith.index_cast %parallel_loop3A_555 : i32 to index
      %parallel_loop3A_557 = arith.index_cast %parallel_loop3A_554 : i32 to index
      %parallel_loop3A_558 = arith.constant 32 : index
      %parallel_loop3A_559 = tpu.vector_load %arg6[%parallel_loop3A_556, %parallel_loop3A_557, %parallel_loop3A_558] {strides = array<i32>} : memref<4x128x128xf32, #tpu.memory_space<vmem>>, vector<1x1x16xf32>,
      %parallel_loop3A_560 = vector.shape_cast %parallel_loop3A_559 : vector<1x1x16xf32> to vector<16xf32>
      %parallel_loop3A_561 = vector.shape_cast %parallel_loop3A_552 : vector<16xf32> to vector<1x1x16xf32>
      tpu.vector_store %arg6[%parallel_loop3A_556, %parallel_loop3A_557, %parallel_loop3A_558], %parallel_loop3A_561 {strides = array<i32>} : memref<4x128x128xf32, #tpu.memory_space<vmem>>, vector<1x1x16xf32>,
      %parallel_loop3A_562 = arith.constant 0 : i32
      %parallel_loop3A_563 = arith.addi %parallel_loop3A_501, %parallel_loop3A_562 : i32
      %parallel_loop3A_564 = arith.constant 0 : i32
      %parallel_loop3A_565 = arith.index_cast %parallel_loop3A_564 : i32 to index
      %parallel_loop3A_566 = arith.index_cast %parallel_loop3A_563 : i32 to index
      %parallel_loop3A_567 = arith.constant 48 : index
      %parallel_loop3A_568 = tpu.vector_load %arg6[%parallel_loop3A_565, %parallel_loop3A_566, %parallel_loop3A_567] {strides = array<i32>} : memref<4x128x128xf32, #tpu.memory_space<vmem>>, vector<1x1x16xf32>,
      %parallel_loop3A_569 = vector.shape_cast %parallel_loop3A_568 : vector<1x1x16xf32> to vector<16xf32>
      %parallel_loop3A_570 = arith.constant 11.3137083 : f32
      %parallel_loop3A_571 = vector.broadcast %parallel_loop3A_570 : f32 to vector<16xf32>
      %parallel_loop3A_572 = arith.mulf %parallel_loop3A_569, %parallel_loop3A_571 : vector<16xf32>
      %parallel_loop3A_573 = arith.constant 0 : i32
      %parallel_loop3A_574 = arith.addi %parallel_loop3A_501, %parallel_loop3A_573 : i32
      %parallel_loop3A_575 = arith.constant 0 : i32
      %parallel_loop3A_576 = arith.index_cast %parallel_loop3A_575 : i32 to index
      %parallel_loop3A_577 = arith.index_cast %parallel_loop3A_574 : i32 to index
      %parallel_loop3A_578 = arith.constant 48 : index
      %parallel_loop3A_579 = tpu.vector_load %arg6[%parallel_loop3A_576, %parallel_loop3A_577, %parallel_loop3A_578] {strides = array<i32>} : memref<4x128x128xf32, #tpu.memory_space<vmem>>, vector<1x1x16xf32>,
      %parallel_loop3A_580 = vector.shape_cast %parallel_loop3A_579 : vector<1x1x16xf32> to vector<16xf32>
      %parallel_loop3A_581 = vector.shape_cast %parallel_loop3A_572 : vector<16xf32> to vector<1x1x16xf32>
      tpu.vector_store %arg6[%parallel_loop3A_576, %parallel_loop3A_577, %parallel_loop3A_578], %parallel_loop3A_581 {strides = array<i32>} : memref<4x128x128xf32, #tpu.memory_space<vmem>>, vector<1x1x16xf32>,
      %parallel_loop3A_582 = arith.constant 0 : i32
      %parallel_loop3A_583 = arith.addi %parallel_loop3A_501, %parallel_loop3A_582 : i32
      %parallel_loop3A_584 = arith.constant 0 : i32
      %parallel_loop3A_585 = arith.index_cast %parallel_loop3A_584 : i32 to index
      %parallel_loop3A_586 = arith.index_cast %parallel_loop3A_583 : i32 to index
      %parallel_loop3A_587 = arith.constant 64 : index
      %parallel_loop3A_588 = tpu.vector_load %arg6[%parallel_loop3A_585, %parallel_loop3A_586, %parallel_loop3A_587] {strides = array<i32>} : memref<4x128x128xf32, #tpu.memory_space<vmem>>, vector<1x1x16xf32>,
      %parallel_loop3A_589 = vector.shape_cast %parallel_loop3A_588 : vector<1x1x16xf32> to vector<16xf32>
      %parallel_loop3A_590 = arith.constant 11.3137083 : f32
      %parallel_loop3A_591 = vector.broadcast %parallel_loop3A_590 : f32 to vector<16xf32>
      %parallel_loop3A_592 = arith.mulf %parallel_loop3A_589, %parallel_loop3A_591 : vector<16xf32>
      %parallel_loop3A_593 = arith.constant 0 : i32
      %parallel_loop3A_594 = arith.addi %parallel_loop3A_501, %parallel_loop3A_593 : i32
      %parallel_loop3A_595 = arith.constant 0 : i32
      %parallel_loop3A_596 = arith.index_cast %parallel_loop3A_595 : i32 to index
      %parallel_loop3A_597 = arith.index_cast %parallel_loop3A_594 : i32 to index
      %parallel_loop3A_598 = arith.constant 64 : index
      %parallel_loop3A_599 = tpu.vector_load %arg6[%parallel_loop3A_596, %parallel_loop3A_597, %parallel_loop3A_598] {strides = array<i32>} : memref<4x128x128xf32, #tpu.memory_space<vmem>>, vector<1x1x16xf32>,
      %parallel_loop3A_600 = vector.shape_cast %parallel_loop3A_599 : vector<1x1x16xf32> to vector<16xf32>
      %parallel_loop3A_601 = vector.shape_cast %parallel_loop3A_592 : vector<16xf32> to vector<1x1x16xf32>
      tpu.vector_store %arg6[%parallel_loop3A_596, %parallel_loop3A_597, %parallel_loop3A_598], %parallel_loop3A_601 {strides = array<i32>} : memref<4x128x128xf32, #tpu.memory_space<vmem>>, vector<1x1x16xf32>,
      %parallel_loop3A_602 = arith.constant 0 : i32
      %parallel_loop3A_603 = arith.addi %parallel_loop3A_501, %parallel_loop3A_602 : i32
      %parallel_loop3A_604 = arith.constant 0 : i32
      %parallel_loop3A_605 = arith.index_cast %parallel_loop3A_604 : i32 to index
      %parallel_loop3A_606 = arith.index_cast %parallel_loop3A_603 : i32 to index
      %parallel_loop3A_607 = arith.constant 80 : index
      %parallel_loop3A_608 = tpu.vector_load %arg6[%parallel_loop3A_605, %parallel_loop3A_606, %parallel_loop3A_607] {strides = array<i32>} : memref<4x128x128xf32, #tpu.memory_space<vmem>>, vector<1x1x16xf32>,
      %parallel_loop3A_609 = vector.shape_cast %parallel_loop3A_608 : vector<1x1x16xf32> to vector<16xf32>
      %parallel_loop3A_610 = arith.constant 11.3137083 : f32
      %parallel_loop3A_611 = vector.broadcast %parallel_loop3A_610 : f32 to vector<16xf32>
      %parallel_loop3A_612 = arith.mulf %parallel_loop3A_609, %parallel_loop3A_611 : vector<16xf32>
      %parallel_loop3A_613 = arith.constant 0 : i32
      %parallel_loop3A_614 = arith.addi %parallel_loop3A_501, %parallel_loop3A_613 : i32
      %parallel_loop3A_615 = arith.constant 0 : i32
      %parallel_loop3A_616 = arith.index_cast %parallel_loop3A_615 : i32 to index
      %parallel_loop3A_617 = arith.index_cast %parallel_loop3A_614 : i32 to index
      %parallel_loop3A_618 = arith.constant 80 : index
      %parallel_loop3A_619 = tpu.vector_load %arg6[%parallel_loop3A_616, %parallel_loop3A_617, %parallel_loop3A_618] {strides = array<i32>} : memref<4x128x128xf32, #tpu.memory_space<vmem>>, vector<1x1x16xf32>,
      %parallel_loop3A_620 = vector.shape_cast %parallel_loop3A_619 : vector<1x1x16xf32> to vector<16xf32>
      %parallel_loop3A_621 = vector.shape_cast %parallel_loop3A_612 : vector<16xf32> to vector<1x1x16xf32>
      tpu.vector_store %arg6[%parallel_loop3A_616, %parallel_loop3A_617, %parallel_loop3A_618], %parallel_loop3A_621 {strides = array<i32>} : memref<4x128x128xf32, #tpu.memory_space<vmem>>, vector<1x1x16xf32>,
      %parallel_loop3A_622 = arith.constant 0 : i32
      %parallel_loop3A_623 = arith.addi %parallel_loop3A_501, %parallel_loop3A_622 : i32
      %parallel_loop3A_624 = arith.constant 0 : i32
      %parallel_loop3A_625 = arith.index_cast %parallel_loop3A_624 : i32 to index
      %parallel_loop3A_626 = arith.index_cast %parallel_loop3A_623 : i32 to index
      %parallel_loop3A_627 = arith.constant 96 : index
      %parallel_loop3A_628 = tpu.vector_load %arg6[%parallel_loop3A_625, %parallel_loop3A_626, %parallel_loop3A_627] {strides = array<i32>} : memref<4x128x128xf32, #tpu.memory_space<vmem>>, vector<1x1x16xf32>,
      %parallel_loop3A_629 = vector.shape_cast %parallel_loop3A_628 : vector<1x1x16xf32> to vector<16xf32>
      %parallel_loop3A_630 = arith.constant 11.3137083 : f32
      %parallel_loop3A_631 = vector.broadcast %parallel_loop3A_630 : f32 to vector<16xf32>
      %parallel_loop3A_632 = arith.mulf %parallel_loop3A_629, %parallel_loop3A_631 : vector<16xf32>
      %parallel_loop3A_633 = arith.constant 0 : i32
      %parallel_loop3A_634 = arith.addi %parallel_loop3A_501, %parallel_loop3A_633 : i32
      %parallel_loop3A_635 = arith.constant 0 : i32
      %parallel_loop3A_636 = arith.index_cast %parallel_loop3A_635 : i32 to index
      %parallel_loop3A_637 = arith.index_cast %parallel_loop3A_634 : i32 to index
      %parallel_loop3A_638 = arith.constant 96 : index
      %parallel_loop3A_639 = tpu.vector_load %arg6[%parallel_loop3A_636, %parallel_loop3A_637, %parallel_loop3A_638] {strides = array<i32>} : memref<4x128x128xf32, #tpu.memory_space<vmem>>, vector<1x1x16xf32>,
      %parallel_loop3A_640 = vector.shape_cast %parallel_loop3A_639 : vector<1x1x16xf32> to vector<16xf32>
      %parallel_loop3A_641 = vector.shape_cast %parallel_loop3A_632 : vector<16xf32> to vector<1x1x16xf32>
      tpu.vector_store %arg6[%parallel_loop3A_636, %parallel_loop3A_637, %parallel_loop3A_638], %parallel_loop3A_641 {strides = array<i32>} : memref<4x128x128xf32, #tpu.memory_space<vmem>>, vector<1x1x16xf32>,
      %parallel_loop3A_642 = arith.constant 0 : i32
      %parallel_loop3A_643 = arith.addi %parallel_loop3A_501, %parallel_loop3A_642 : i32
      %parallel_loop3A_644 = arith.constant 0 : i32
      %parallel_loop3A_645 = arith.index_cast %parallel_loop3A_644 : i32 to index
      %parallel_loop3A_646 = arith.index_cast %parallel_loop3A_643 : i32 to index
      %parallel_loop3A_647 = arith.constant 112 : index
      %parallel_loop3A_648 = tpu.vector_load %arg6[%parallel_loop3A_645, %parallel_loop3A_646, %parallel_loop3A_647] {strides = array<i32>} : memref<4x128x128xf32, #tpu.memory_space<vmem>>, vector<1x1x16xf32>,
      %parallel_loop3A_649 = vector.shape_cast %parallel_loop3A_648 : vector<1x1x16xf32> to vector<16xf32>
      %parallel_loop3A_650 = arith.constant 11.3137083 : f32
      %parallel_loop3A_651 = vector.broadcast %parallel_loop3A_650 : f32 to vector<16xf32>
      %parallel_loop3A_652 = arith.mulf %parallel_loop3A_649, %parallel_loop3A_651 : vector<16xf32>
      %parallel_loop3A_653 = arith.constant 0 : i32
      %parallel_loop3A_654 = arith.addi %parallel_loop3A_501, %parallel_loop3A_653 : i32
      %parallel_loop3A_655 = arith.constant 0 : i32
      %parallel_loop3A_656 = arith.index_cast %parallel_loop3A_655 : i32 to index
      %parallel_loop3A_657 = arith.index_cast %parallel_loop3A_654 : i32 to index
      %parallel_loop3A_658 = arith.constant 112 : index
      %parallel_loop3A_659 = tpu.vector_load %arg6[%parallel_loop3A_656, %parallel_loop3A_657, %parallel_loop3A_658] {strides = array<i32>} : memref<4x128x128xf32, #tpu.memory_space<vmem>>, vector<1x1x16xf32>,
      %parallel_loop3A_660 = vector.shape_cast %parallel_loop3A_659 : vector<1x1x16xf32> to vector<16xf32>
      %parallel_loop3A_661 = vector.shape_cast %parallel_loop3A_652 : vector<16xf32> to vector<1x1x16xf32>
      tpu.vector_store %arg6[%parallel_loop3A_656, %parallel_loop3A_657, %parallel_loop3A_658], %parallel_loop3A_661 {strides = array<i32>} : memref<4x128x128xf32, #tpu.memory_space<vmem>>, vector<1x1x16xf32>,
      %parallel_loop3A_662 = arith.constant 1 : i32
      %parallel_loop3A_663 = arith.addi %parallel_loop3A_501, %parallel_loop3A_662 : i32
      %parallel_loop3A_664 = arith.constant 0 : i32
      %parallel_loop3A_665 = arith.index_cast %parallel_loop3A_664 : i32 to index
      %parallel_loop3A_666 = arith.index_cast %parallel_loop3A_663 : i32 to index
      %parallel_loop3A_667 = arith.constant 0 : index
      %parallel_loop3A_668 = tpu.vector_load %arg6[%parallel_loop3A_665, %parallel_loop3A_666, %parallel_loop3A_667] {strides = array<i32>} : memref<4x128x128xf32, #tpu.memory_space<vmem>>, vector<1x1x16xf32>,
      %parallel_loop3A_669 = vector.shape_cast %parallel_loop3A_668 : vector<1x1x16xf32> to vector<16xf32>
      %parallel_loop3A_670 = arith.constant 11.3137083 : f32
      %parallel_loop3A_671 = vector.broadcast %parallel_loop3A_670 : f32 to vector<16xf32>
      %parallel_loop3A_672 = arith.mulf %parallel_loop3A_669, %parallel_loop3A_671 : vector<16xf32>
      %parallel_loop3A_673 = arith.constant 1 : i32
      %parallel_loop3A_674 = arith.addi %parallel_loop3A_501, %parallel_loop3A_673 : i32
      %parallel_loop3A_675 = arith.constant 0 : i32
      %parallel_loop3A_676 = arith.index_cast %parallel_loop3A_675 : i32 to index
      %parallel_loop3A_677 = arith.index_cast %parallel_loop3A_674 : i32 to index
      %parallel_loop3A_678 = arith.constant 0 : index
      %parallel_loop3A_679 = tpu.vector_load %arg6[%parallel_loop3A_676, %parallel_loop3A_677, %parallel_loop3A_678] {strides = array<i32>} : memref<4x128x128xf32, #tpu.memory_space<vmem>>, vector<1x1x16xf32>,
      %parallel_loop3A_680 = vector.shape_cast %parallel_loop3A_679 : vector<1x1x16xf32> to vector<16xf32>
      %parallel_loop3A_681 = vector.shape_cast %parallel_loop3A_672 : vector<16xf32> to vector<1x1x16xf32>
      tpu.vector_store %arg6[%parallel_loop3A_676, %parallel_loop3A_677, %parallel_loop3A_678], %parallel_loop3A_681 {strides = array<i32>} : memref<4x128x128xf32, #tpu.memory_space<vmem>>, vector<1x1x16xf32>,
      %parallel_loop3A_682 = arith.constant 1 : i32
      %parallel_loop3A_683 = arith.addi %parallel_loop3A_501, %parallel_loop3A_682 : i32
      %parallel_loop3A_684 = arith.constant 0 : i32
      %parallel_loop3A_685 = arith.index_cast %parallel_loop3A_684 : i32 to index
      %parallel_loop3A_686 = arith.index_cast %parallel_loop3A_683 : i32 to index
      %parallel_loop3A_687 = arith.constant 16 : index
      %parallel_loop3A_688 = tpu.vector_load %arg6[%parallel_loop3A_685, %parallel_loop3A_686, %parallel_loop3A_687] {strides = array<i32>} : memref<4x128x128xf32, #tpu.memory_space<vmem>>, vector<1x1x16xf32>,
      %parallel_loop3A_689 = vector.shape_cast %parallel_loop3A_688 : vector<1x1x16xf32> to vector<16xf32>
      %parallel_loop3A_690 = arith.constant 11.3137083 : f32
      %parallel_loop3A_691 = vector.broadcast %parallel_loop3A_690 : f32 to vector<16xf32>
      %parallel_loop3A_692 = arith.mulf %parallel_loop3A_689, %parallel_loop3A_691 : vector<16xf32>
      %parallel_loop3A_693 = arith.constant 1 : i32
      %parallel_loop3A_694 = arith.addi %parallel_loop3A_501, %parallel_loop3A_693 : i32
      %parallel_loop3A_695 = arith.constant 0 : i32
      %parallel_loop3A_696 = arith.index_cast %parallel_loop3A_695 : i32 to index
      %parallel_loop3A_697 = arith.index_cast %parallel_loop3A_694 : i32 to index
      %parallel_loop3A_698 = arith.constant 16 : index
      %parallel_loop3A_699 = tpu.vector_load %arg6[%parallel_loop3A_696, %parallel_loop3A_697, %parallel_loop3A_698] {strides = array<i32>} : memref<4x128x128xf32, #tpu.memory_space<vmem>>, vector<1x1x16xf32>,
      %parallel_loop3A_700 = vector.shape_cast %parallel_loop3A_699 : vector<1x1x16xf32> to vector<16xf32>
      %parallel_loop3A_701 = vector.shape_cast %parallel_loop3A_692 : vector<16xf32> to vector<1x1x16xf32>
      tpu.vector_store %arg6[%parallel_loop3A_696, %parallel_loop3A_697, %parallel_loop3A_698], %parallel_loop3A_701 {strides = array<i32>} : memref<4x128x128xf32, #tpu.memory_space<vmem>>, vector<1x1x16xf32>,
      %parallel_loop3A_702 = arith.constant 1 : i32
      %parallel_loop3A_703 = arith.addi %parallel_loop3A_501, %parallel_loop3A_702 : i32
      %parallel_loop3A_704 = arith.constant 0 : i32
      %parallel_loop3A_705 = arith.index_cast %parallel_loop3A_704 : i32 to index
      %parallel_loop3A_706 = arith.index_cast %parallel_loop3A_703 : i32 to index
      %parallel_loop3A_707 = arith.constant 32 : index
      %parallel_loop3A_708 = tpu.vector_load %arg6[%parallel_loop3A_705, %parallel_loop3A_706, %parallel_loop3A_707] {strides = array<i32>} : memref<4x128x128xf32, #tpu.memory_space<vmem>>, vector<1x1x16xf32>,
      %parallel_loop3A_709 = vector.shape_cast %parallel_loop3A_708 : vector<1x1x16xf32> to vector<16xf32>
      %parallel_loop3A_710 = arith.constant 11.3137083 : f32
      %parallel_loop3A_711 = vector.broadcast %parallel_loop3A_710 : f32 to vector<16xf32>
      %parallel_loop3A_712 = arith.mulf %parallel_loop3A_709, %parallel_loop3A_711 : vector<16xf32>
      %parallel_loop3A_713 = arith.constant 1 : i32
      %parallel_loop3A_714 = arith.addi %parallel_loop3A_501, %parallel_loop3A_713 : i32
      %parallel_loop3A_715 = arith.constant 0 : i32
      %parallel_loop3A_716 = arith.index_cast %parallel_loop3A_715 : i32 to index
      %parallel_loop3A_717 = arith.index_cast %parallel_loop3A_714 : i32 to index
      %parallel_loop3A_718 = arith.constant 32 : index
      %parallel_loop3A_719 = tpu.vector_load %arg6[%parallel_loop3A_716, %parallel_loop3A_717, %parallel_loop3A_718] {strides = array<i32>} : memref<4x128x128xf32, #tpu.memory_space<vmem>>, vector<1x1x16xf32>,
      %parallel_loop3A_720 = vector.shape_cast %parallel_loop3A_719 : vector<1x1x16xf32> to vector<16xf32>
      %parallel_loop3A_721 = vector.shape_cast %parallel_loop3A_712 : vector<16xf32> to vector<1x1x16xf32>
      tpu.vector_store %arg6[%parallel_loop3A_716, %parallel_loop3A_717, %parallel_loop3A_718], %parallel_loop3A_721 {strides = array<i32>} : memref<4x128x128xf32, #tpu.memory_space<vmem>>, vector<1x1x16xf32>,
      %parallel_loop3A_722 = arith.constant 1 : i32
      %parallel_loop3A_723 = arith.addi %parallel_loop3A_501, %parallel_loop3A_722 : i32
      %parallel_loop3A_724 = arith.constant 0 : i32
      %parallel_loop3A_725 = arith.index_cast %parallel_loop3A_724 : i32 to index
      %parallel_loop3A_726 = arith.index_cast %parallel_loop3A_723 : i32 to index
      %parallel_loop3A_727 = arith.constant 48 : index
      %parallel_loop3A_728 = tpu.vector_load %arg6[%parallel_loop3A_725, %parallel_loop3A_726, %parallel_loop3A_727] {strides = array<i32>} : memref<4x128x128xf32, #tpu.memory_space<vmem>>, vector<1x1x16xf32>,
      %parallel_loop3A_729 = vector.shape_cast %parallel_loop3A_728 : vector<1x1x16xf32> to vector<16xf32>
      %parallel_loop3A_730 = arith.constant 11.3137083 : f32
      %parallel_loop3A_731 = vector.broadcast %parallel_loop3A_730 : f32 to vector<16xf32>
      %parallel_loop3A_732 = arith.mulf %parallel_loop3A_729, %parallel_loop3A_731 : vector<16xf32>
      %parallel_loop3A_733 = arith.constant 1 : i32
      %parallel_loop3A_734 = arith.addi %parallel_loop3A_501, %parallel_loop3A_733 : i32
      %parallel_loop3A_735 = arith.constant 0 : i32
      %parallel_loop3A_736 = arith.index_cast %parallel_loop3A_735 : i32 to index
      %parallel_loop3A_737 = arith.index_cast %parallel_loop3A_734 : i32 to index
      %parallel_loop3A_738 = arith.constant 48 : index
      %parallel_loop3A_739 = tpu.vector_load %arg6[%parallel_loop3A_736, %parallel_loop3A_737, %parallel_loop3A_738] {strides = array<i32>} : memref<4x128x128xf32, #tpu.memory_space<vmem>>, vector<1x1x16xf32>,
      %parallel_loop3A_740 = vector.shape_cast %parallel_loop3A_739 : vector<1x1x16xf32> to vector<16xf32>
      %parallel_loop3A_741 = vector.shape_cast %parallel_loop3A_732 : vector<16xf32> to vector<1x1x16xf32>
      tpu.vector_store %arg6[%parallel_loop3A_736, %parallel_loop3A_737, %parallel_loop3A_738], %parallel_loop3A_741 {strides = array<i32>} : memref<4x128x128xf32, #tpu.memory_space<vmem>>, vector<1x1x16xf32>,
      %parallel_loop3A_742 = arith.constant 1 : i32
      %parallel_loop3A_743 = arith.addi %parallel_loop3A_501, %parallel_loop3A_742 : i32
      %parallel_loop3A_744 = arith.constant 0 : i32
      %parallel_loop3A_745 = arith.index_cast %parallel_loop3A_744 : i32 to index
      %parallel_loop3A_746 = arith.index_cast %parallel_loop3A_743 : i32 to index
      %parallel_loop3A_747 = arith.constant 64 : index
      %parallel_loop3A_748 = tpu.vector_load %arg6[%parallel_loop3A_745, %parallel_loop3A_746, %parallel_loop3A_747] {strides = array<i32>} : memref<4x128x128xf32, #tpu.memory_space<vmem>>, vector<1x1x16xf32>,
      %parallel_loop3A_749 = vector.shape_cast %parallel_loop3A_748 : vector<1x1x16xf32> to vector<16xf32>
      %parallel_loop3A_750 = arith.constant 11.3137083 : f32
      %parallel_loop3A_751 = vector.broadcast %parallel_loop3A_750 : f32 to vector<16xf32>
      %parallel_loop3A_752 = arith.mulf %parallel_loop3A_749, %parallel_loop3A_751 : vector<16xf32>
      %parallel_loop3A_753 = arith.constant 1 : i32
      %parallel_loop3A_754 = arith.addi %parallel_loop3A_501, %parallel_loop3A_753 : i32
      %parallel_loop3A_755 = arith.constant 0 : i32
      %parallel_loop3A_756 = arith.index_cast %parallel_loop3A_755 : i32 to index
      %parallel_loop3A_757 = arith.index_cast %parallel_loop3A_754 : i32 to index
      %parallel_loop3A_758 = arith.constant 64 : index
      %parallel_loop3A_759 = tpu.vector_load %arg6[%parallel_loop3A_756, %parallel_loop3A_757, %parallel_loop3A_758] {strides = array<i32>} : memref<4x128x128xf32, #tpu.memory_space<vmem>>, vector<1x1x16xf32>,
      %parallel_loop3A_760 = vector.shape_cast %parallel_loop3A_759 : vector<1x1x16xf32> to vector<16xf32>
      %parallel_loop3A_761 = vector.shape_cast %parallel_loop3A_752 : vector<16xf32> to vector<1x1x16xf32>
      tpu.vector_store %arg6[%parallel_loop3A_756, %parallel_loop3A_757, %parallel_loop3A_758], %parallel_loop3A_761 {strides = array<i32>} : memref<4x128x128xf32, #tpu.memory_space<vmem>>, vector<1x1x16xf32>,
      %parallel_loop3A_762 = arith.constant 1 : i32
      %parallel_loop3A_763 = arith.addi %parallel_loop3A_501, %parallel_loop3A_762 : i32
      %parallel_loop3A_764 = arith.constant 0 : i32
      %parallel_loop3A_765 = arith.index_cast %parallel_loop3A_764 : i32 to index
      %parallel_loop3A_766 = arith.index_cast %parallel_loop3A_763 : i32 to index
      %parallel_loop3A_767 = arith.constant 80 : index
      %parallel_loop3A_768 = tpu.vector_load %arg6[%parallel_loop3A_765, %parallel_loop3A_766, %parallel_loop3A_767] {strides = array<i32>} : memref<4x128x128xf32, #tpu.memory_space<vmem>>, vector<1x1x16xf32>,
      %parallel_loop3A_769 = vector.shape_cast %parallel_loop3A_768 : vector<1x1x16xf32> to vector<16xf32>
      %parallel_loop3A_770 = arith.constant 11.3137083 : f32
      %parallel_loop3A_771 = vector.broadcast %parallel_loop3A_770 : f32 to vector<16xf32>
      %parallel_loop3A_772 = arith.mulf %parallel_loop3A_769, %parallel_loop3A_771 : vector<16xf32>
      %parallel_loop3A_773 = arith.constant 1 : i32
      %parallel_loop3A_774 = arith.addi %parallel_loop3A_501, %parallel_loop3A_773 : i32
      %parallel_loop3A_775 = arith.constant 0 : i32
      %parallel_loop3A_776 = arith.index_cast %parallel_loop3A_775 : i32 to index
      %parallel_loop3A_777 = arith.index_cast %parallel_loop3A_774 : i32 to index
      %parallel_loop3A_778 = arith.constant 80 : index
      %parallel_loop3A_779 = tpu.vector_load %arg6[%parallel_loop3A_776, %parallel_loop3A_777, %parallel_loop3A_778] {strides = array<i32>} : memref<4x128x128xf32, #tpu.memory_space<vmem>>, vector<1x1x16xf32>,
      %parallel_loop3A_780 = vector.shape_cast %parallel_loop3A_779 : vector<1x1x16xf32> to vector<16xf32>
      %parallel_loop3A_781 = vector.shape_cast %parallel_loop3A_772 : vector<16xf32> to vector<1x1x16xf32>
      tpu.vector_store %arg6[%parallel_loop3A_776, %parallel_loop3A_777, %parallel_loop3A_778], %parallel_loop3A_781 {strides = array<i32>} : memref<4x128x128xf32, #tpu.memory_space<vmem>>, vector<1x1x16xf32>,
      %parallel_loop3A_782 = arith.constant 1 : i32
      %parallel_loop3A_783 = arith.addi %parallel_loop3A_501, %parallel_loop3A_782 : i32
      %parallel_loop3A_784 = arith.constant 0 : i32
      %parallel_loop3A_785 = arith.index_cast %parallel_loop3A_784 : i32 to index
      %parallel_loop3A_786 = arith.index_cast %parallel_loop3A_783 : i32 to index
      %parallel_loop3A_787 = arith.constant 96 : index
      %parallel_loop3A_788 = tpu.vector_load %arg6[%parallel_loop3A_785, %parallel_loop3A_786, %parallel_loop3A_787] {strides = array<i32>} : memref<4x128x128xf32, #tpu.memory_space<vmem>>, vector<1x1x16xf32>,
      %parallel_loop3A_789 = vector.shape_cast %parallel_loop3A_788 : vector<1x1x16xf32> to vector<16xf32>
      %parallel_loop3A_790 = arith.constant 11.3137083 : f32
      %parallel_loop3A_791 = vector.broadcast %parallel_loop3A_790 : f32 to vector<16xf32>
      %parallel_loop3A_792 = arith.mulf %parallel_loop3A_789, %parallel_loop3A_791 : vector<16xf32>
      %parallel_loop3A_793 = arith.constant 1 : i32
      %parallel_loop3A_794 = arith.addi %parallel_loop3A_501, %parallel_loop3A_793 : i32
      %parallel_loop3A_795 = arith.constant 0 : i32
      %parallel_loop3A_796 = arith.index_cast %parallel_loop3A_795 : i32 to index
      %parallel_loop3A_797 = arith.index_cast %parallel_loop3A_794 : i32 to index
      %parallel_loop3A_798 = arith.constant 96 : index
      %parallel_loop3A_799 = tpu.vector_load %arg6[%parallel_loop3A_796, %parallel_loop3A_797, %parallel_loop3A_798] {strides = array<i32>} : memref<4x128x128xf32, #tpu.memory_space<vmem>>, vector<1x1x16xf32>,
      %parallel_loop3A_800 = vector.shape_cast %parallel_loop3A_799 : vector<1x1x16xf32> to vector<16xf32>
      %parallel_loop3A_801 = vector.shape_cast %parallel_loop3A_792 : vector<16xf32> to vector<1x1x16xf32>
      tpu.vector_store %arg6[%parallel_loop3A_796, %parallel_loop3A_797, %parallel_loop3A_798], %parallel_loop3A_801 {strides = array<i32>} : memref<4x128x128xf32, #tpu.memory_space<vmem>>, vector<1x1x16xf32>,
      %parallel_loop3A_802 = arith.constant 1 : i32
      %parallel_loop3A_803 = arith.addi %parallel_loop3A_501, %parallel_loop3A_802 : i32
      %parallel_loop3A_804 = arith.constant 0 : i32
      %parallel_loop3A_805 = arith.index_cast %parallel_loop3A_804 : i32 to index
      %parallel_loop3A_806 = arith.index_cast %parallel_loop3A_803 : i32 to index
      %parallel_loop3A_807 = arith.constant 112 : index
      %parallel_loop3A_808 = tpu.vector_load %arg6[%parallel_loop3A_805, %parallel_loop3A_806, %parallel_loop3A_807] {strides = array<i32>} : memref<4x128x128xf32, #tpu.memory_space<vmem>>, vector<1x1x16xf32>,
      %parallel_loop3A_809 = vector.shape_cast %parallel_loop3A_808 : vector<1x1x16xf32> to vector<16xf32>
      %parallel_loop3A_810 = arith.constant 11.3137083 : f32
      %parallel_loop3A_811 = vector.broadcast %parallel_loop3A_810 : f32 to vector<16xf32>
      %parallel_loop3A_812 = arith.mulf %parallel_loop3A_809, %parallel_loop3A_811 : vector<16xf32>
      %parallel_loop3A_813 = arith.constant 1 : i32
      %parallel_loop3A_814 = arith.addi %parallel_loop3A_501, %parallel_loop3A_813 : i32
      %parallel_loop3A_815 = arith.constant 0 : i32
      %parallel_loop3A_816 = arith.index_cast %parallel_loop3A_815 : i32 to index
      %parallel_loop3A_817 = arith.index_cast %parallel_loop3A_814 : i32 to index
      %parallel_loop3A_818 = arith.constant 112 : index
      %parallel_loop3A_819 = tpu.vector_load %arg6[%parallel_loop3A_816, %parallel_loop3A_817, %parallel_loop3A_818] {strides = array<i32>} : memref<4x128x128xf32, #tpu.memory_space<vmem>>, vector<1x1x16xf32>,
      %parallel_loop3A_820 = vector.shape_cast %parallel_loop3A_819 : vector<1x1x16xf32> to vector<16xf32>
      %parallel_loop3A_821 = vector.shape_cast %parallel_loop3A_812 : vector<16xf32> to vector<1x1x16xf32>
      tpu.vector_store %arg6[%parallel_loop3A_816, %parallel_loop3A_817, %parallel_loop3A_818], %parallel_loop3A_821 {strides = array<i32>} : memref<4x128x128xf32, #tpu.memory_space<vmem>>, vector<1x1x16xf32>,
    } {sc.loop_unroll_factor = 1 : i64, sc.parallel_access}
    %add3A_54 = arith.constant 0 : i32
    %add3A_55 = arith.addi %mul3A_2, %add3A_54 : i32
    %mul3A_56 = arith.constant 128 : i32
    %mul3A_57 = arith.muli %add3A_55, %mul3A_56 : i32
    %dma_start3A_58 = arith.constant 0 : i32
    %dma_start3A_59 = arith.constant 0 : i32
    %dma_start3A_60 = arith.constant 0 : i32
    %dma_start3A_61 = tpu.memref_slice %arg6[%dma_start3A_58, %dma_start3A_59, %dma_start3A_60] : memref<4x128x128xf32, #tpu.memory_space<vmem>> -> memref<1x128x128xf32, #tpu.memory_space<vmem>>
    %dma_start3A_62 = tpu.memref_squeeze %dma_start3A_61 : memref<1x128x128xf32, #tpu.memory_space<vmem>> -> memref<128x128xf32, #tpu.memory_space<vmem>>
    %dma_start3A_63 = arith.constant 0 : i32
    %dma_start3A_64 = tpu.memref_slice %arg4[%mul3A_57, %dma_start3A_63] : memref<819200x128xf32, #tpu.memory_space<hbm>> -> memref<128x128xf32, #tpu.memory_space<hbm>>
    %dma_start3A_65 = arith.constant 0 : i32
    %dma_start3A_66 = tpu.memref_slice %arg4[%mul3A_57, %dma_start3A_65] : memref<819200x128xf32, #tpu.memory_space<hbm>> -> memref<128x128xf32, #tpu.memory_space<hbm>>
    %dma_start3A_67 = arith.constant 0 : i32
    %dma_start3A_68 = arith.constant 0 : i32
    %dma_start3A_69 = tpu.memref_slice %arg6[%dma_start3A_58, %dma_start3A_67, %dma_start3A_68] : memref<4x128x128xf32, #tpu.memory_space<vmem>> -> memref<1x128x128xf32, #tpu.memory_space<vmem>>
    %dma_start3A_70 = tpu.memref_squeeze %dma_start3A_69 : memref<1x128x128xf32, #tpu.memory_space<vmem>> -> memref<128x128xf32, #tpu.memory_space<vmem>>
    tpu.enqueue_dma source(%dma_start3A_70 : memref<128x128xf32, #tpu.memory_space<vmem>>) target(%dma_start3A_66 : memref<128x128xf32, #tpu.memory_space<hbm>>) target_semaphore(%arg11 : memref<!tpu.dma_semaphore, #tpu.memory_space<semaphore_mem>>)
    %dma_start3A_71 = arith.constant 3 : i32
    %dma_start3A_72 = arith.constant 3 : i32
    %dma_start3A_73 = arith.constant 0 : i32
    %dma_start3A_74 = arith.constant 0 : i32
    %dma_start3A_75 = tpu.memref_slice %arg6[%dma_start3A_72, %dma_start3A_73, %dma_start3A_74] : memref<4x128x128xf32, #tpu.memory_space<vmem>> -> memref<1x128x128xf32, #tpu.memory_space<vmem>>
    %dma_start3A_76 = tpu.memref_squeeze %dma_start3A_75 : memref<1x128x128xf32, #tpu.memory_space<vmem>> -> memref<128x128xf32, #tpu.memory_space<vmem>>
    %dma_start3A_77 = arith.constant 0 : i32
    %dma_start3A_78 = tpu.memref_slice %arg5[%dma_start3A_71, %dma_start3A_77] : memref<200x128xi32, #tpu.memory_space<vmem>> -> memref<1x128xi32, #tpu.memory_space<vmem>>
    %dma_start3A_79 = tpu.memref_squeeze %dma_start3A_78 : memref<1x128xi32, #tpu.memory_space<vmem>> -> memref<128xi32, #tpu.memory_space<vmem>>
    %dma_start3A_80 = arith.constant 0 : i32
    %dma_start3A_81 = arith.constant 0 : i32
    %dma_start3A_82 = tpu.memref_slice %arg2[%dma_start3A_80, %dma_start3A_81] : memref<100000x128xf32, #tpu.memory_space<hbm>> -> memref<100000x128xf32, #tpu.memory_space<hbm>>
    tpu.enqueue_indirect_dma source(%dma_start3A_82 : memref<100000x128xf32, #tpu.memory_space<hbm>>) target(%dma_start3A_76 : memref<128x128xf32, #tpu.memory_space<vmem>>) offsets(%dma_start3A_79 : memref<128xi32, #tpu.memory_space<vmem>>) semaphore(%arg10 : memref<!tpu.dma_semaphore, #tpu.memory_space<semaphore_mem>>)
    %dma_wait3A_83 = arith.constant 1 : i32
    %dma_wait3A_84 = arith.constant 0 : i32
    %dma_wait3A_85 = arith.constant 0 : i32
    %dma_wait3A_86 = tpu.memref_slice %arg6[%dma_wait3A_83, %dma_wait3A_84, %dma_wait3A_85] : memref<4x128x128xf32, #tpu.memory_space<vmem>> -> memref<1x128x128xf32, #tpu.memory_space<vmem>>
    %dma_wait3A_87 = tpu.memref_squeeze %dma_wait3A_86 : memref<1x128x128xf32, #tpu.memory_space<vmem>> -> memref<128x128xf32, #tpu.memory_space<vmem>>
    %dma_wait3A_88 = arith.constant 0 : i32
    %dma_wait3A_89 = arith.constant 0 : i32
    %dma_wait3A_90 = tpu.memref_slice %arg2[%dma_wait3A_88, %dma_wait3A_89] : memref<100000x128xf32, #tpu.memory_space<hbm>> -> memref<128x128xf32, #tpu.memory_space<hbm>>
    %dma_wait3A_91 = arith.constant 0 : i32
    %dma_wait3A_92 = arith.constant 0 : i32
    %dma_wait3A_93 = tpu.memref_slice %arg6[%dma_wait3A_83, %dma_wait3A_91, %dma_wait3A_92] : memref<4x128x128xf32, #tpu.memory_space<vmem>> -> memref<1x128x128xf32, #tpu.memory_space<vmem>>
    %dma_wait3A_94 = tpu.memref_squeeze %dma_wait3A_93 : memref<1x128x128xf32, #tpu.memory_space<vmem>> -> memref<128x128xf32, #tpu.memory_space<vmem>>
    %dma_wait3A_95 = arith.constant 0 : i32
    %dma_wait3A_96 = arith.constant 0 : i32
    %dma_wait3A_97 = tpu.memref_slice %arg2[%dma_wait3A_95, %dma_wait3A_96] : memref<100000x128xf32, #tpu.memory_space<hbm>> -> memref<128x128xf32, #tpu.memory_space<hbm>>
    tpu.wait_dma2 semaphore(%arg8 : memref<!tpu.dma_semaphore, #tpu.memory_space<semaphore_mem>>) src(%dma_wait3A_97 : memref<128x128xf32, #tpu.memory_space<hbm>>) dst(%dma_wait3A_94 : memref<128x128xf32, #tpu.memory_space<vmem>>)
    %parallel_loop3A_98 = arith.constant 0 : i32
    %parallel_loop3A_99 = arith.constant 128 : i32
    %parallel_loop3A_100 = arith.constant 2 : i32
    scf.for %parallel_loop3A_501 = %parallel_loop3A_98 to %parallel_loop3A_99 step %parallel_loop3A_100  : i32 {
      %parallel_loop3A_502 = arith.constant 0 : i32
      %parallel_loop3A_503 = arith.addi %parallel_loop3A_501, %parallel_loop3A_502 : i32
      %parallel_loop3A_504 = arith.constant 1 : i32
      %parallel_loop3A_505 = arith.index_cast %parallel_loop3A_504 : i32 to index
      %parallel_loop3A_506 = arith.index_cast %parallel_loop3A_503 : i32 to index
      %parallel_loop3A_507 = arith.constant 0 : index
      %parallel_loop3A_508 = tpu.vector_load %arg6[%parallel_loop3A_505, %parallel_loop3A_506, %parallel_loop3A_507] {strides = array<i32>} : memref<4x128x128xf32, #tpu.memory_space<vmem>>, vector<1x1x16xf32>,
      %parallel_loop3A_509 = vector.shape_cast %parallel_loop3A_508 : vector<1x1x16xf32> to vector<16xf32>
      %parallel_loop3A_510 = arith.constant 11.3137083 : f32
      %parallel_loop3A_511 = vector.broadcast %parallel_loop3A_510 : f32 to vector<16xf32>
      %parallel_loop3A_512 = arith.mulf %parallel_loop3A_509, %parallel_loop3A_511 : vector<16xf32>
      %parallel_loop3A_513 = arith.constant 0 : i32
      %parallel_loop3A_514 = arith.addi %parallel_loop3A_501, %parallel_loop3A_513 : i32
      %parallel_loop3A_515 = arith.constant 1 : i32
      %parallel_loop3A_516 = arith.index_cast %parallel_loop3A_515 : i32 to index
      %parallel_loop3A_517 = arith.index_cast %parallel_loop3A_514 : i32 to index
      %parallel_loop3A_518 = arith.constant 0 : index
      %parallel_loop3A_519 = tpu.vector_load %arg6[%parallel_loop3A_516, %parallel_loop3A_517, %parallel_loop3A_518] {strides = array<i32>} : memref<4x128x128xf32, #tpu.memory_space<vmem>>, vector<1x1x16xf32>,
      %parallel_loop3A_520 = vector.shape_cast %parallel_loop3A_519 : vector<1x1x16xf32> to vector<16xf32>
      %parallel_loop3A_521 = vector.shape_cast %parallel_loop3A_512 : vector<16xf32> to vector<1x1x16xf32>
      tpu.vector_store %arg6[%parallel_loop3A_516, %parallel_loop3A_517, %parallel_loop3A_518], %parallel_loop3A_521 {strides = array<i32>} : memref<4x128x128xf32, #tpu.memory_space<vmem>>, vector<1x1x16xf32>,
      %parallel_loop3A_522 = arith.constant 0 : i32
      %parallel_loop3A_523 = arith.addi %parallel_loop3A_501, %parallel_loop3A_522 : i32
      %parallel_loop3A_524 = arith.constant 1 : i32
      %parallel_loop3A_525 = arith.index_cast %parallel_loop3A_524 : i32 to index
      %parallel_loop3A_526 = arith.index_cast %parallel_loop3A_523 : i32 to index
      %parallel_loop3A_527 = arith.constant 16 : index
      %parallel_loop3A_528 = tpu.vector_load %arg6[%parallel_loop3A_525, %parallel_loop3A_526, %parallel_loop3A_527] {strides = array<i32>} : memref<4x128x128xf32, #tpu.memory_space<vmem>>, vector<1x1x16xf32>,
      %parallel_loop3A_529 = vector.shape_cast %parallel_loop3A_528 : vector<1x1x16xf32> to vector<16xf32>
      %parallel_loop3A_530 = arith.constant 11.3137083 : f32
      %parallel_loop3A_531 = vector.broadcast %parallel_loop3A_530 : f32 to vector<16xf32>
      %parallel_loop3A_532 = arith.mulf %parallel_loop3A_529, %parallel_loop3A_531 : vector<16xf32>
      %parallel_loop3A_533 = arith.constant 0 : i32
      %parallel_loop3A_534 = arith.addi %parallel_loop3A_501, %parallel_loop3A_533 : i32
      %parallel_loop3A_535 = arith.constant 1 : i32
      %parallel_loop3A_536 = arith.index_cast %parallel_loop3A_535 : i32 to index
      %parallel_loop3A_537 = arith.index_cast %parallel_loop3A_534 : i32 to index
      %parallel_loop3A_538 = arith.constant 16 : index
      %parallel_loop3A_539 = tpu.vector_load %arg6[%parallel_loop3A_536, %parallel_loop3A_537, %parallel_loop3A_538] {strides = array<i32>} : memref<4x128x128xf32, #tpu.memory_space<vmem>>, vector<1x1x16xf32>,
      %parallel_loop3A_540 = vector.shape_cast %parallel_loop3A_539 : vector<1x1x16xf32> to vector<16xf32>
      %parallel_loop3A_541 = vector.shape_cast %parallel_loop3A_532 : vector<16xf32> to vector<1x1x16xf32>
      tpu.vector_store %arg6[%parallel_loop3A_536, %parallel_loop3A_537, %parallel_loop3A_538], %parallel_loop3A_541 {strides = array<i32>} : memref<4x128x128xf32, #tpu.memory_space<vmem>>, vector<1x1x16xf32>,
      %parallel_loop3A_542 = arith.constant 0 : i32
      %parallel_loop3A_543 = arith.addi %parallel_loop3A_501, %parallel_loop3A_542 : i32
      %parallel_loop3A_544 = arith.constant 1 : i32
      %parallel_loop3A_545 = arith.index_cast %parallel_loop3A_544 : i32 to index
      %parallel_loop3A_546 = arith.index_cast %parallel_loop3A_543 : i32 to index
      %parallel_loop3A_547 = arith.constant 32 : index
      %parallel_loop3A_548 = tpu.vector_load %arg6[%parallel_loop3A_545, %parallel_loop3A_546, %parallel_loop3A_547] {strides = array<i32>} : memref<4x128x128xf32, #tpu.memory_space<vmem>>, vector<1x1x16xf32>,
      %parallel_loop3A_549 = vector.shape_cast %parallel_loop3A_548 : vector<1x1x16xf32> to vector<16xf32>
      %parallel_loop3A_550 = arith.constant 11.3137083 : f32
      %parallel_loop3A_551 = vector.broadcast %parallel_loop3A_550 : f32 to vector<16xf32>
      %parallel_loop3A_552 = arith.mulf %parallel_loop3A_549, %parallel_loop3A_551 : vector<16xf32>
      %parallel_loop3A_553 = arith.constant 0 : i32
      %parallel_loop3A_554 = arith.addi %parallel_loop3A_501, %parallel_loop3A_553 : i32
      %parallel_loop3A_555 = arith.constant 1 : i32
      %parallel_loop3A_556 = arith.index_cast %parallel_loop3A_555 : i32 to index
      %parallel_loop3A_557 = arith.index_cast %parallel_loop3A_554 : i32 to index
      %parallel_loop3A_558 = arith.constant 32 : index
      %parallel_loop3A_559 = tpu.vector_load %arg6[%parallel_loop3A_556, %parallel_loop3A_557, %parallel_loop3A_558] {strides = array<i32>} : memref<4x128x128xf32, #tpu.memory_space<vmem>>, vector<1x1x16xf32>,
      %parallel_loop3A_560 = vector.shape_cast %parallel_loop3A_559 : vector<1x1x16xf32> to vector<16xf32>
      %parallel_loop3A_561 = vector.shape_cast %parallel_loop3A_552 : vector<16xf32> to vector<1x1x16xf32>
      tpu.vector_store %arg6[%parallel_loop3A_556, %parallel_loop3A_557, %parallel_loop3A_558], %parallel_loop3A_561 {strides = array<i32>} : memref<4x128x128xf32, #tpu.memory_space<vmem>>, vector<1x1x16xf32>,
      %parallel_loop3A_562 = arith.constant 0 : i32
      %parallel_loop3A_563 = arith.addi %parallel_loop3A_501, %parallel_loop3A_562 : i32
      %parallel_loop3A_564 = arith.constant 1 : i32
      %parallel_loop3A_565 = arith.index_cast %parallel_loop3A_564 : i32 to index
      %parallel_loop3A_566 = arith.index_cast %parallel_loop3A_563 : i32 to index
      %parallel_loop3A_567 = arith.constant 48 : index
      %parallel_loop3A_568 = tpu.vector_load %arg6[%parallel_loop3A_565, %parallel_loop3A_566, %parallel_loop3A_567] {strides = array<i32>} : memref<4x128x128xf32, #tpu.memory_space<vmem>>, vector<1x1x16xf32>,
      %parallel_loop3A_569 = vector.shape_cast %parallel_loop3A_568 : vector<1x1x16xf32> to vector<16xf32>
      %parallel_loop3A_570 = arith.constant 11.3137083 : f32
      %parallel_loop3A_571 = vector.broadcast %parallel_loop3A_570 : f32 to vector<16xf32>
      %parallel_loop3A_572 = arith.mulf %parallel_loop3A_569, %parallel_loop3A_571 : vector<16xf32>
      %parallel_loop3A_573 = arith.constant 0 : i32
      %parallel_loop3A_574 = arith.addi %parallel_loop3A_501, %parallel_loop3A_573 : i32
      %parallel_loop3A_575 = arith.constant 1 : i32
      %parallel_loop3A_576 = arith.index_cast %parallel_loop3A_575 : i32 to index
      %parallel_loop3A_577 = arith.index_cast %parallel_loop3A_574 : i32 to index
      %parallel_loop3A_578 = arith.constant 48 : index
      %parallel_loop3A_579 = tpu.vector_load %arg6[%parallel_loop3A_576, %parallel_loop3A_577, %parallel_loop3A_578] {strides = array<i32>} : memref<4x128x128xf32, #tpu.memory_space<vmem>>, vector<1x1x16xf32>,
      %parallel_loop3A_580 = vector.shape_cast %parallel_loop3A_579 : vector<1x1x16xf32> to vector<16xf32>
      %parallel_loop3A_581 = vector.shape_cast %parallel_loop3A_572 : vector<16xf32> to vector<1x1x16xf32>
      tpu.vector_store %arg6[%parallel_loop3A_576, %parallel_loop3A_577, %parallel_loop3A_578], %parallel_loop3A_581 {strides = array<i32>} : memref<4x128x128xf32, #tpu.memory_space<vmem>>, vector<1x1x16xf32>,
      %parallel_loop3A_582 = arith.constant 0 : i32
      %parallel_loop3A_583 = arith.addi %parallel_loop3A_501, %parallel_loop3A_582 : i32
      %parallel_loop3A_584 = arith.constant 1 : i32
      %parallel_loop3A_585 = arith.index_cast %parallel_loop3A_584 : i32 to index
      %parallel_loop3A_586 = arith.index_cast %parallel_loop3A_583 : i32 to index
      %parallel_loop3A_587 = arith.constant 64 : index
      %parallel_loop3A_588 = tpu.vector_load %arg6[%parallel_loop3A_585, %parallel_loop3A_586, %parallel_loop3A_587] {strides = array<i32>} : memref<4x128x128xf32, #tpu.memory_space<vmem>>, vector<1x1x16xf32>,
      %parallel_loop3A_589 = vector.shape_cast %parallel_loop3A_588 : vector<1x1x16xf32> to vector<16xf32>
      %parallel_loop3A_590 = arith.constant 11.3137083 : f32
      %parallel_loop3A_591 = vector.broadcast %parallel_loop3A_590 : f32 to vector<16xf32>
      %parallel_loop3A_592 = arith.mulf %parallel_loop3A_589, %parallel_loop3A_591 : vector<16xf32>
      %parallel_loop3A_593 = arith.constant 0 : i32
      %parallel_loop3A_594 = arith.addi %parallel_loop3A_501, %parallel_loop3A_593 : i32
      %parallel_loop3A_595 = arith.constant 1 : i32
      %parallel_loop3A_596 = arith.index_cast %parallel_loop3A_595 : i32 to index
      %parallel_loop3A_597 = arith.index_cast %parallel_loop3A_594 : i32 to index
      %parallel_loop3A_598 = arith.constant 64 : index
      %parallel_loop3A_599 = tpu.vector_load %arg6[%parallel_loop3A_596, %parallel_loop3A_597, %parallel_loop3A_598] {strides = array<i32>} : memref<4x128x128xf32, #tpu.memory_space<vmem>>, vector<1x1x16xf32>,
      %parallel_loop3A_600 = vector.shape_cast %parallel_loop3A_599 : vector<1x1x16xf32> to vector<16xf32>
      %parallel_loop3A_601 = vector.shape_cast %parallel_loop3A_592 : vector<16xf32> to vector<1x1x16xf32>
      tpu.vector_store %arg6[%parallel_loop3A_596, %parallel_loop3A_597, %parallel_loop3A_598], %parallel_loop3A_601 {strides = array<i32>} : memref<4x128x128xf32, #tpu.memory_space<vmem>>, vector<1x1x16xf32>,
      %parallel_loop3A_602 = arith.constant 0 : i32
      %parallel_loop3A_603 = arith.addi %parallel_loop3A_501, %parallel_loop3A_602 : i32
      %parallel_loop3A_604 = arith.constant 1 : i32
      %parallel_loop3A_605 = arith.index_cast %parallel_loop3A_604 : i32 to index
      %parallel_loop3A_606 = arith.index_cast %parallel_loop3A_603 : i32 to index
      %parallel_loop3A_607 = arith.constant 80 : index
      %parallel_loop3A_608 = tpu.vector_load %arg6[%parallel_loop3A_605, %parallel_loop3A_606, %parallel_loop3A_607] {strides = array<i32>} : memref<4x128x128xf32, #tpu.memory_space<vmem>>, vector<1x1x16xf32>,
      %parallel_loop3A_609 = vector.shape_cast %parallel_loop3A_608 : vector<1x1x16xf32> to vector<16xf32>
      %parallel_loop3A_610 = arith.constant 11.3137083 : f32
      %parallel_loop3A_611 = vector.broadcast %parallel_loop3A_610 : f32 to vector<16xf32>
      %parallel_loop3A_612 = arith.mulf %parallel_loop3A_609, %parallel_loop3A_611 : vector<16xf32>
      %parallel_loop3A_613 = arith.constant 0 : i32
      %parallel_loop3A_614 = arith.addi %parallel_loop3A_501, %parallel_loop3A_613 : i32
      %parallel_loop3A_615 = arith.constant 1 : i32
      %parallel_loop3A_616 = arith.index_cast %parallel_loop3A_615 : i32 to index
      %parallel_loop3A_617 = arith.index_cast %parallel_loop3A_614 : i32 to index
      %parallel_loop3A_618 = arith.constant 80 : index
      %parallel_loop3A_619 = tpu.vector_load %arg6[%parallel_loop3A_616, %parallel_loop3A_617, %parallel_loop3A_618] {strides = array<i32>} : memref<4x128x128xf32, #tpu.memory_space<vmem>>, vector<1x1x16xf32>,
      %parallel_loop3A_620 = vector.shape_cast %parallel_loop3A_619 : vector<1x1x16xf32> to vector<16xf32>
      %parallel_loop3A_621 = vector.shape_cast %parallel_loop3A_612 : vector<16xf32> to vector<1x1x16xf32>
      tpu.vector_store %arg6[%parallel_loop3A_616, %parallel_loop3A_617, %parallel_loop3A_618], %parallel_loop3A_621 {strides = array<i32>} : memref<4x128x128xf32, #tpu.memory_space<vmem>>, vector<1x1x16xf32>,
      %parallel_loop3A_622 = arith.constant 0 : i32
      %parallel_loop3A_623 = arith.addi %parallel_loop3A_501, %parallel_loop3A_622 : i32
      %parallel_loop3A_624 = arith.constant 1 : i32
      %parallel_loop3A_625 = arith.index_cast %parallel_loop3A_624 : i32 to index
      %parallel_loop3A_626 = arith.index_cast %parallel_loop3A_623 : i32 to index
      %parallel_loop3A_627 = arith.constant 96 : index
      %parallel_loop3A_628 = tpu.vector_load %arg6[%parallel_loop3A_625, %parallel_loop3A_626, %parallel_loop3A_627] {strides = array<i32>} : memref<4x128x128xf32, #tpu.memory_space<vmem>>, vector<1x1x16xf32>,
      %parallel_loop3A_629 = vector.shape_cast %parallel_loop3A_628 : vector<1x1x16xf32> to vector<16xf32>
      %parallel_loop3A_630 = arith.constant 11.3137083 : f32
      %parallel_loop3A_631 = vector.broadcast %parallel_loop3A_630 : f32 to vector<16xf32>
      %parallel_loop3A_632 = arith.mulf %parallel_loop3A_629, %parallel_loop3A_631 : vector<16xf32>
      %parallel_loop3A_633 = arith.constant 0 : i32
      %parallel_loop3A_634 = arith.addi %parallel_loop3A_501, %parallel_loop3A_633 : i32
      %parallel_loop3A_635 = arith.constant 1 : i32
      %parallel_loop3A_636 = arith.index_cast %parallel_loop3A_635 : i32 to index
      %parallel_loop3A_637 = arith.index_cast %parallel_loop3A_634 : i32 to index
      %parallel_loop3A_638 = arith.constant 96 : index
      %parallel_loop3A_639 = tpu.vector_load %arg6[%parallel_loop3A_636, %parallel_loop3A_637, %parallel_loop3A_638] {strides = array<i32>} : memref<4x128x128xf32, #tpu.memory_space<vmem>>, vector<1x1x16xf32>,
      %parallel_loop3A_640 = vector.shape_cast %parallel_loop3A_639 : vector<1x1x16xf32> to vector<16xf32>
      %parallel_loop3A_641 = vector.shape_cast %parallel_loop3A_632 : vector<16xf32> to vector<1x1x16xf32>
      tpu.vector_store %arg6[%parallel_loop3A_636, %parallel_loop3A_637, %parallel_loop3A_638], %parallel_loop3A_641 {strides = array<i32>} : memref<4x128x128xf32, #tpu.memory_space<vmem>>, vector<1x1x16xf32>,
      %parallel_loop3A_642 = arith.constant 0 : i32
      %parallel_loop3A_643 = arith.addi %parallel_loop3A_501, %parallel_loop3A_642 : i32
      %parallel_loop3A_644 = arith.constant 1 : i32
      %parallel_loop3A_645 = arith.index_cast %parallel_loop3A_644 : i32 to index
      %parallel_loop3A_646 = arith.index_cast %parallel_loop3A_643 : i32 to index
      %parallel_loop3A_647 = arith.constant 112 : index
      %parallel_loop3A_648 = tpu.vector_load %arg6[%parallel_loop3A_645, %parallel_loop3A_646, %parallel_loop3A_647] {strides = array<i32>} : memref<4x128x128xf32, #tpu.memory_space<vmem>>, vector<1x1x16xf32>,
      %parallel_loop3A_649 = vector.shape_cast %parallel_loop3A_648 : vector<1x1x16xf32> to vector<16xf32>
      %parallel_loop3A_650 = arith.constant 11.3137083 : f32
      %parallel_loop3A_651 = vector.broadcast %parallel_loop3A_650 : f32 to vector<16xf32>
      %parallel_loop3A_652 = arith.mulf %parallel_loop3A_649, %parallel_loop3A_651 : vector<16xf32>
      %parallel_loop3A_653 = arith.constant 0 : i32
      %parallel_loop3A_654 = arith.addi %parallel_loop3A_501, %parallel_loop3A_653 : i32
      %parallel_loop3A_655 = arith.constant 1 : i32
      %parallel_loop3A_656 = arith.index_cast %parallel_loop3A_655 : i32 to index
      %parallel_loop3A_657 = arith.index_cast %parallel_loop3A_654 : i32 to index
      %parallel_loop3A_658 = arith.constant 112 : index
      %parallel_loop3A_659 = tpu.vector_load %arg6[%parallel_loop3A_656, %parallel_loop3A_657, %parallel_loop3A_658] {strides = array<i32>} : memref<4x128x128xf32, #tpu.memory_space<vmem>>, vector<1x1x16xf32>,
      %parallel_loop3A_660 = vector.shape_cast %parallel_loop3A_659 : vector<1x1x16xf32> to vector<16xf32>
      %parallel_loop3A_661 = vector.shape_cast %parallel_loop3A_652 : vector<16xf32> to vector<1x1x16xf32>
      tpu.vector_store %arg6[%parallel_loop3A_656, %parallel_loop3A_657, %parallel_loop3A_658], %parallel_loop3A_661 {strides = array<i32>} : memref<4x128x128xf32, #tpu.memory_space<vmem>>, vector<1x1x16xf32>,
      %parallel_loop3A_662 = arith.constant 1 : i32
      %parallel_loop3A_663 = arith.addi %parallel_loop3A_501, %parallel_loop3A_662 : i32
      %parallel_loop3A_664 = arith.constant 1 : i32
      %parallel_loop3A_665 = arith.index_cast %parallel_loop3A_664 : i32 to index
      %parallel_loop3A_666 = arith.index_cast %parallel_loop3A_663 : i32 to index
      %parallel_loop3A_667 = arith.constant 0 : index
      %parallel_loop3A_668 = tpu.vector_load %arg6[%parallel_loop3A_665, %parallel_loop3A_666, %parallel_loop3A_667] {strides = array<i32>} : memref<4x128x128xf32, #tpu.memory_space<vmem>>, vector<1x1x16xf32>,
      %parallel_loop3A_669 = vector.shape_cast %parallel_loop3A_668 : vector<1x1x16xf32> to vector<16xf32>
      %parallel_loop3A_670 = arith.constant 11.3137083 : f32
      %parallel_loop3A_671 = vector.broadcast %parallel_loop3A_670 : f32 to vector<16xf32>
      %parallel_loop3A_672 = arith.mulf %parallel_loop3A_669, %parallel_loop3A_671 : vector<16xf32>
      %parallel_loop3A_673 = arith.constant 1 : i32
      %parallel_loop3A_674 = arith.addi %parallel_loop3A_501, %parallel_loop3A_673 : i32
      %parallel_loop3A_675 = arith.constant 1 : i32
      %parallel_loop3A_676 = arith.index_cast %parallel_loop3A_675 : i32 to index
      %parallel_loop3A_677 = arith.index_cast %parallel_loop3A_674 : i32 to index
      %parallel_loop3A_678 = arith.constant 0 : index
      %parallel_loop3A_679 = tpu.vector_load %arg6[%parallel_loop3A_676, %parallel_loop3A_677, %parallel_loop3A_678] {strides = array<i32>} : memref<4x128x128xf32, #tpu.memory_space<vmem>>, vector<1x1x16xf32>,
      %parallel_loop3A_680 = vector.shape_cast %parallel_loop3A_679 : vector<1x1x16xf32> to vector<16xf32>
      %parallel_loop3A_681 = vector.shape_cast %parallel_loop3A_672 : vector<16xf32> to vector<1x1x16xf32>
      tpu.vector_store %arg6[%parallel_loop3A_676, %parallel_loop3A_677, %parallel_loop3A_678], %parallel_loop3A_681 {strides = array<i32>} : memref<4x128x128xf32, #tpu.memory_space<vmem>>, vector<1x1x16xf32>,
      %parallel_loop3A_682 = arith.constant 1 : i32
      %parallel_loop3A_683 = arith.addi %parallel_loop3A_501, %parallel_loop3A_682 : i32
      %parallel_loop3A_684 = arith.constant 1 : i32
      %parallel_loop3A_685 = arith.index_cast %parallel_loop3A_684 : i32 to index
      %parallel_loop3A_686 = arith.index_cast %parallel_loop3A_683 : i32 to index
      %parallel_loop3A_687 = arith.constant 16 : index
      %parallel_loop3A_688 = tpu.vector_load %arg6[%parallel_loop3A_685, %parallel_loop3A_686, %parallel_loop3A_687] {strides = array<i32>} : memref<4x128x128xf32, #tpu.memory_space<vmem>>, vector<1x1x16xf32>,
      %parallel_loop3A_689 = vector.shape_cast %parallel_loop3A_688 : vector<1x1x16xf32> to vector<16xf32>
      %parallel_loop3A_690 = arith.constant 11.3137083 : f32
      %parallel_loop3A_691 = vector.broadcast %parallel_loop3A_690 : f32 to vector<16xf32>
      %parallel_loop3A_692 = arith.mulf %parallel_loop3A_689, %parallel_loop3A_691 : vector<16xf32>
      %parallel_loop3A_693 = arith.constant 1 : i32
      %parallel_loop3A_694 = arith.addi %parallel_loop3A_501, %parallel_loop3A_693 : i32
      %parallel_loop3A_695 = arith.constant 1 : i32
      %parallel_loop3A_696 = arith.index_cast %parallel_loop3A_695 : i32 to index
      %parallel_loop3A_697 = arith.index_cast %parallel_loop3A_694 : i32 to index
      %parallel_loop3A_698 = arith.constant 16 : index
      %parallel_loop3A_699 = tpu.vector_load %arg6[%parallel_loop3A_696, %parallel_loop3A_697, %parallel_loop3A_698] {strides = array<i32>} : memref<4x128x128xf32, #tpu.memory_space<vmem>>, vector<1x1x16xf32>,
      %parallel_loop3A_700 = vector.shape_cast %parallel_loop3A_699 : vector<1x1x16xf32> to vector<16xf32>
      %parallel_loop3A_701 = vector.shape_cast %parallel_loop3A_692 : vector<16xf32> to vector<1x1x16xf32>
      tpu.vector_store %arg6[%parallel_loop3A_696, %parallel_loop3A_697, %parallel_loop3A_698], %parallel_loop3A_701 {strides = array<i32>} : memref<4x128x128xf32, #tpu.memory_space<vmem>>, vector<1x1x16xf32>,
      %parallel_loop3A_702 = arith.constant 1 : i32
      %parallel_loop3A_703 = arith.addi %parallel_loop3A_501, %parallel_loop3A_702 : i32
      %parallel_loop3A_704 = arith.constant 1 : i32
      %parallel_loop3A_705 = arith.index_cast %parallel_loop3A_704 : i32 to index
      %parallel_loop3A_706 = arith.index_cast %parallel_loop3A_703 : i32 to index
      %parallel_loop3A_707 = arith.constant 32 : index
      %parallel_loop3A_708 = tpu.vector_load %arg6[%parallel_loop3A_705, %parallel_loop3A_706, %parallel_loop3A_707] {strides = array<i32>} : memref<4x128x128xf32, #tpu.memory_space<vmem>>, vector<1x1x16xf32>,
      %parallel_loop3A_709 = vector.shape_cast %parallel_loop3A_708 : vector<1x1x16xf32> to vector<16xf32>
      %parallel_loop3A_710 = arith.constant 11.3137083 : f32
      %parallel_loop3A_711 = vector.broadcast %parallel_loop3A_710 : f32 to vector<16xf32>
      %parallel_loop3A_712 = arith.mulf %parallel_loop3A_709, %parallel_loop3A_711 : vector<16xf32>
      %parallel_loop3A_713 = arith.constant 1 : i32
      %parallel_loop3A_714 = arith.addi %parallel_loop3A_501, %parallel_loop3A_713 : i32
      %parallel_loop3A_715 = arith.constant 1 : i32
      %parallel_loop3A_716 = arith.index_cast %parallel_loop3A_715 : i32 to index
      %parallel_loop3A_717 = arith.index_cast %parallel_loop3A_714 : i32 to index
      %parallel_loop3A_718 = arith.constant 32 : index
      %parallel_loop3A_719 = tpu.vector_load %arg6[%parallel_loop3A_716, %parallel_loop3A_717, %parallel_loop3A_718] {strides = array<i32>} : memref<4x128x128xf32, #tpu.memory_space<vmem>>, vector<1x1x16xf32>,
      %parallel_loop3A_720 = vector.shape_cast %parallel_loop3A_719 : vector<1x1x16xf32> to vector<16xf32>
      %parallel_loop3A_721 = vector.shape_cast %parallel_loop3A_712 : vector<16xf32> to vector<1x1x16xf32>
      tpu.vector_store %arg6[%parallel_loop3A_716, %parallel_loop3A_717, %parallel_loop3A_718], %parallel_loop3A_721 {strides = array<i32>} : memref<4x128x128xf32, #tpu.memory_space<vmem>>, vector<1x1x16xf32>,
      %parallel_loop3A_722 = arith.constant 1 : i32
      %parallel_loop3A_723 = arith.addi %parallel_loop3A_501, %parallel_loop3A_722 : i32
      %parallel_loop3A_724 = arith.constant 1 : i32
      %parallel_loop3A_725 = arith.index_cast %parallel_loop3A_724 : i32 to index
      %parallel_loop3A_726 = arith.index_cast %parallel_loop3A_723 : i32 to index
      %parallel_loop3A_727 = arith.constant 48 : index
      %parallel_loop3A_728 = tpu.vector_load %arg6[%parallel_loop3A_725, %parallel_loop3A_726, %parallel_loop3A_727] {strides = array<i32>} : memref<4x128x128xf32, #tpu.memory_space<vmem>>, vector<1x1x16xf32>,
      %parallel_loop3A_729 = vector.shape_cast %parallel_loop3A_728 : vector<1x1x16xf32> to vector<16xf32>
      %parallel_loop3A_730 = arith.constant 11.3137083 : f32
      %parallel_loop3A_731 = vector.broadcast %parallel_loop3A_730 : f32 to vector<16xf32>
      %parallel_loop3A_732 = arith.mulf %parallel_loop3A_729, %parallel_loop3A_731 : vector<16xf32>
      %parallel_loop3A_733 = arith.constant 1 : i32
      %parallel_loop3A_734 = arith.addi %parallel_loop3A_501, %parallel_loop3A_733 : i32
      %parallel_loop3A_735 = arith.constant 1 : i32
      %parallel_loop3A_736 = arith.index_cast %parallel_loop3A_735 : i32 to index
      %parallel_loop3A_737 = arith.index_cast %parallel_loop3A_734 : i32 to index
      %parallel_loop3A_738 = arith.constant 48 : index
      %parallel_loop3A_739 = tpu.vector_load %arg6[%parallel_loop3A_736, %parallel_loop3A_737, %parallel_loop3A_738] {strides = array<i32>} : memref<4x128x128xf32, #tpu.memory_space<vmem>>, vector<1x1x16xf32>,
      %parallel_loop3A_740 = vector.shape_cast %parallel_loop3A_739 : vector<1x1x16xf32> to vector<16xf32>
      %parallel_loop3A_741 = vector.shape_cast %parallel_loop3A_732 : vector<16xf32> to vector<1x1x16xf32>
      tpu.vector_store %arg6[%parallel_loop3A_736, %parallel_loop3A_737, %parallel_loop3A_738], %parallel_loop3A_741 {strides = array<i32>} : memref<4x128x128xf32, #tpu.memory_space<vmem>>, vector<1x1x16xf32>,
      %parallel_loop3A_742 = arith.constant 1 : i32
      %parallel_loop3A_743 = arith.addi %parallel_loop3A_501, %parallel_loop3A_742 : i32
      %parallel_loop3A_744 = arith.constant 1 : i32
      %parallel_loop3A_745 = arith.index_cast %parallel_loop3A_744 : i32 to index
      %parallel_loop3A_746 = arith.index_cast %parallel_loop3A_743 : i32 to index
      %parallel_loop3A_747 = arith.constant 64 : index
      %parallel_loop3A_748 = tpu.vector_load %arg6[%parallel_loop3A_745, %parallel_loop3A_746, %parallel_loop3A_747] {strides = array<i32>} : memref<4x128x128xf32, #tpu.memory_space<vmem>>, vector<1x1x16xf32>,
      %parallel_loop3A_749 = vector.shape_cast %parallel_loop3A_748 : vector<1x1x16xf32> to vector<16xf32>
      %parallel_loop3A_750 = arith.constant 11.3137083 : f32
      %parallel_loop3A_751 = vector.broadcast %parallel_loop3A_750 : f32 to vector<16xf32>
      %parallel_loop3A_752 = arith.mulf %parallel_loop3A_749, %parallel_loop3A_751 : vector<16xf32>
      %parallel_loop3A_753 = arith.constant 1 : i32
      %parallel_loop3A_754 = arith.addi %parallel_loop3A_501, %parallel_loop3A_753 : i32
      %parallel_loop3A_755 = arith.constant 1 : i32
      %parallel_loop3A_756 = arith.index_cast %parallel_loop3A_755 : i32 to index
      %parallel_loop3A_757 = arith.index_cast %parallel_loop3A_754 : i32 to index
      %parallel_loop3A_758 = arith.constant 64 : index
      %parallel_loop3A_759 = tpu.vector_load %arg6[%parallel_loop3A_756, %parallel_loop3A_757, %parallel_loop3A_758] {strides = array<i32>} : memref<4x128x128xf32, #tpu.memory_space<vmem>>, vector<1x1x16xf32>,
      %parallel_loop3A_760 = vector.shape_cast %parallel_loop3A_759 : vector<1x1x16xf32> to vector<16xf32>
      %parallel_loop3A_761 = vector.shape_cast %parallel_loop3A_752 : vector<16xf32> to vector<1x1x16xf32>
      tpu.vector_store %arg6[%parallel_loop3A_756, %parallel_loop3A_757, %parallel_loop3A_758], %parallel_loop3A_761 {strides = array<i32>} : memref<4x128x128xf32, #tpu.memory_space<vmem>>, vector<1x1x16xf32>,
      %parallel_loop3A_762 = arith.constant 1 : i32
      %parallel_loop3A_763 = arith.addi %parallel_loop3A_501, %parallel_loop3A_762 : i32
      %parallel_loop3A_764 = arith.constant 1 : i32
      %parallel_loop3A_765 = arith.index_cast %parallel_loop3A_764 : i32 to index
      %parallel_loop3A_766 = arith.index_cast %parallel_loop3A_763 : i32 to index
      %parallel_loop3A_767 = arith.constant 80 : index
      %parallel_loop3A_768 = tpu.vector_load %arg6[%parallel_loop3A_765, %parallel_loop3A_766, %parallel_loop3A_767] {strides = array<i32>} : memref<4x128x128xf32, #tpu.memory_space<vmem>>, vector<1x1x16xf32>,
      %parallel_loop3A_769 = vector.shape_cast %parallel_loop3A_768 : vector<1x1x16xf32> to vector<16xf32>
      %parallel_loop3A_770 = arith.constant 11.3137083 : f32
      %parallel_loop3A_771 = vector.broadcast %parallel_loop3A_770 : f32 to vector<16xf32>
      %parallel_loop3A_772 = arith.mulf %parallel_loop3A_769, %parallel_loop3A_771 : vector<16xf32>
      %parallel_loop3A_773 = arith.constant 1 : i32
      %parallel_loop3A_774 = arith.addi %parallel_loop3A_501, %parallel_loop3A_773 : i32
      %parallel_loop3A_775 = arith.constant 1 : i32
      %parallel_loop3A_776 = arith.index_cast %parallel_loop3A_775 : i32 to index
      %parallel_loop3A_777 = arith.index_cast %parallel_loop3A_774 : i32 to index
      %parallel_loop3A_778 = arith.constant 80 : index
      %parallel_loop3A_779 = tpu.vector_load %arg6[%parallel_loop3A_776, %parallel_loop3A_777, %parallel_loop3A_778] {strides = array<i32>} : memref<4x128x128xf32, #tpu.memory_space<vmem>>, vector<1x1x16xf32>,
      %parallel_loop3A_780 = vector.shape_cast %parallel_loop3A_779 : vector<1x1x16xf32> to vector<16xf32>
      %parallel_loop3A_781 = vector.shape_cast %parallel_loop3A_772 : vector<16xf32> to vector<1x1x16xf32>
      tpu.vector_store %arg6[%parallel_loop3A_776, %parallel_loop3A_777, %parallel_loop3A_778], %parallel_loop3A_781 {strides = array<i32>} : memref<4x128x128xf32, #tpu.memory_space<vmem>>, vector<1x1x16xf32>,
      %parallel_loop3A_782 = arith.constant 1 : i32
      %parallel_loop3A_783 = arith.addi %parallel_loop3A_501, %parallel_loop3A_782 : i32
      %parallel_loop3A_784 = arith.constant 1 : i32
      %parallel_loop3A_785 = arith.index_cast %parallel_loop3A_784 : i32 to index
      %parallel_loop3A_786 = arith.index_cast %parallel_loop3A_783 : i32 to index
      %parallel_loop3A_787 = arith.constant 96 : index
      %parallel_loop3A_788 = tpu.vector_load %arg6[%parallel_loop3A_785, %parallel_loop3A_786, %parallel_loop3A_787] {strides = array<i32>} : memref<4x128x128xf32, #tpu.memory_space<vmem>>, vector<1x1x16xf32>,
      %parallel_loop3A_789 = vector.shape_cast %parallel_loop3A_788 : vector<1x1x16xf32> to vector<16xf32>
      %parallel_loop3A_790 = arith.constant 11.3137083 : f32
      %parallel_loop3A_791 = vector.broadcast %parallel_loop3A_790 : f32 to vector<16xf32>
      %parallel_loop3A_792 = arith.mulf %parallel_loop3A_789, %parallel_loop3A_791 : vector<16xf32>
      %parallel_loop3A_793 = arith.constant 1 : i32
      %parallel_loop3A_794 = arith.addi %parallel_loop3A_501, %parallel_loop3A_793 : i32
      %parallel_loop3A_795 = arith.constant 1 : i32
      %parallel_loop3A_796 = arith.index_cast %parallel_loop3A_795 : i32 to index
      %parallel_loop3A_797 = arith.index_cast %parallel_loop3A_794 : i32 to index
      %parallel_loop3A_798 = arith.constant 96 : index
      %parallel_loop3A_799 = tpu.vector_load %arg6[%parallel_loop3A_796, %parallel_loop3A_797, %parallel_loop3A_798] {strides = array<i32>} : memref<4x128x128xf32, #tpu.memory_space<vmem>>, vector<1x1x16xf32>,
      %parallel_loop3A_800 = vector.shape_cast %parallel_loop3A_799 : vector<1x1x16xf32> to vector<16xf32>
      %parallel_loop3A_801 = vector.shape_cast %parallel_loop3A_792 : vector<16xf32> to vector<1x1x16xf32>
      tpu.vector_store %arg6[%parallel_loop3A_796, %parallel_loop3A_797, %parallel_loop3A_798], %parallel_loop3A_801 {strides = array<i32>} : memref<4x128x128xf32, #tpu.memory_space<vmem>>, vector<1x1x16xf32>,
      %parallel_loop3A_802 = arith.constant 1 : i32
      %parallel_loop3A_803 = arith.addi %parallel_loop3A_501, %parallel_loop3A_802 : i32
      %parallel_loop3A_804 = arith.constant 1 : i32
      %parallel_loop3A_805 = arith.index_cast %parallel_loop3A_804 : i32 to index
      %parallel_loop3A_806 = arith.index_cast %parallel_loop3A_803 : i32 to index
      %parallel_loop3A_807 = arith.constant 112 : index
      %parallel_loop3A_808 = tpu.vector_load %arg6[%parallel_loop3A_805, %parallel_loop3A_806, %parallel_loop3A_807] {strides = array<i32>} : memref<4x128x128xf32, #tpu.memory_space<vmem>>, vector<1x1x16xf32>,
      %parallel_loop3A_809 = vector.shape_cast %parallel_loop3A_808 : vector<1x1x16xf32> to vector<16xf32>
      %parallel_loop3A_810 = arith.constant 11.3137083 : f32
      %parallel_loop3A_811 = vector.broadcast %parallel_loop3A_810 : f32 to vector<16xf32>
      %parallel_loop3A_812 = arith.mulf %parallel_loop3A_809, %parallel_loop3A_811 : vector<16xf32>
      %parallel_loop3A_813 = arith.constant 1 : i32
      %parallel_loop3A_814 = arith.addi %parallel_loop3A_501, %parallel_loop3A_813 : i32
      %parallel_loop3A_815 = arith.constant 1 : i32
      %parallel_loop3A_816 = arith.index_cast %parallel_loop3A_815 : i32 to index
      %parallel_loop3A_817 = arith.index_cast %parallel_loop3A_814 : i32 to index
      %parallel_loop3A_818 = arith.constant 112 : index
      %parallel_loop3A_819 = tpu.vector_load %arg6[%parallel_loop3A_816, %parallel_loop3A_817, %parallel_loop3A_818] {strides = array<i32>} : memref<4x128x128xf32, #tpu.memory_space<vmem>>, vector<1x1x16xf32>,
      %parallel_loop3A_820 = vector.shape_cast %parallel_loop3A_819 : vector<1x1x16xf32> to vector<16xf32>
      %parallel_loop3A_821 = vector.shape_cast %parallel_loop3A_812 : vector<16xf32> to vector<1x1x16xf32>
      tpu.vector_store %arg6[%parallel_loop3A_816, %parallel_loop3A_817, %parallel_loop3A_818], %parallel_loop3A_821 {strides = array<i32>} : memref<4x128x128xf32, #tpu.memory_space<vmem>>, vector<1x1x16xf32>,
    } {sc.loop_unroll_factor = 1 : i64, sc.parallel_access}
    %add3A_101 = arith.constant 1 : i32
    %add3A_102 = arith.addi %mul3A_2, %add3A_101 : i32
    %mul3A_103 = arith.constant 128 : i32
    %mul3A_104 = arith.muli %add3A_102, %mul3A_103 : i32
    %dma_start3A_105 = arith.constant 1 : i32
    %dma_start3A_106 = arith.constant 0 : i32
    %dma_start3A_107 = arith.constant 0 : i32
    %dma_start3A_108 = tpu.memref_slice %arg6[%dma_start3A_105, %dma_start3A_106, %dma_start3A_107] : memref<4x128x128xf32, #tpu.memory_space<vmem>> -> memref<1x128x128xf32, #tpu.memory_space<vmem>>
    %dma_start3A_109 = tpu.memref_squeeze %dma_start3A_108 : memref<1x128x128xf32, #tpu.memory_space<vmem>> -> memref<128x128xf32, #tpu.memory_space<vmem>>
    %dma_start3A_110 = arith.constant 0 : i32
    %dma_start3A_111 = tpu.memref_slice %arg4[%mul3A_104, %dma_start3A_110] : memref<819200x128xf32, #tpu.memory_space<hbm>> -> memref<128x128xf32, #tpu.memory_space<hbm>>
    %dma_start3A_112 = arith.constant 0 : i32
    %dma_start3A_113 = tpu.memref_slice %arg4[%mul3A_104, %dma_start3A_112] : memref<819200x128xf32, #tpu.memory_space<hbm>> -> memref<128x128xf32, #tpu.memory_space<hbm>>
    %dma_start3A_114 = arith.constant 0 : i32
    %dma_start3A_115 = arith.constant 0 : i32
    %dma_start3A_116 = tpu.memref_slice %arg6[%dma_start3A_105, %dma_start3A_114, %dma_start3A_115] : memref<4x128x128xf32, #tpu.memory_space<vmem>> -> memref<1x128x128xf32, #tpu.memory_space<vmem>>
    %dma_start3A_117 = tpu.memref_squeeze %dma_start3A_116 : memref<1x128x128xf32, #tpu.memory_space<vmem>> -> memref<128x128xf32, #tpu.memory_space<vmem>>
    tpu.enqueue_dma source(%dma_start3A_117 : memref<128x128xf32, #tpu.memory_space<vmem>>) target(%dma_start3A_113 : memref<128x128xf32, #tpu.memory_space<hbm>>) target_semaphore(%arg12 : memref<!tpu.dma_semaphore, #tpu.memory_space<semaphore_mem>>)
    %dma_wait3A_118 = arith.constant 0 : i32
    %dma_wait3A_119 = arith.constant 0 : i32
    %dma_wait3A_120 = arith.constant 0 : i32
    %dma_wait3A_121 = tpu.memref_slice %arg6[%dma_wait3A_118, %dma_wait3A_119, %dma_wait3A_120] : memref<4x128x128xf32, #tpu.memory_space<vmem>> -> memref<1x128x128xf32, #tpu.memory_space<vmem>>
    %dma_wait3A_122 = tpu.memref_squeeze %dma_wait3A_121 : memref<1x128x128xf32, #tpu.memory_space<vmem>> -> memref<128x128xf32, #tpu.memory_space<vmem>>
    %dma_wait3A_123 = arith.constant 0 : i32
    %dma_wait3A_124 = arith.constant 0 : i32
    %dma_wait3A_125 = tpu.memref_slice %arg4[%dma_wait3A_123, %dma_wait3A_124] : memref<819200x128xf32, #tpu.memory_space<hbm>> -> memref<128x128xf32, #tpu.memory_space<hbm>>
    %dma_wait3A_126 = arith.constant 0 : i32
    %dma_wait3A_127 = arith.constant 0 : i32
    %dma_wait3A_128 = tpu.memref_slice %arg4[%dma_wait3A_126, %dma_wait3A_127] : memref<819200x128xf32, #tpu.memory_space<hbm>> -> memref<128x128xf32, #tpu.memory_space<hbm>>
    %dma_wait3A_129 = arith.constant 0 : i32
    %dma_wait3A_130 = arith.constant 0 : i32
    %dma_wait3A_131 = tpu.memref_slice %arg6[%dma_wait3A_118, %dma_wait3A_129, %dma_wait3A_130] : memref<4x128x128xf32, #tpu.memory_space<vmem>> -> memref<1x128x128xf32, #tpu.memory_space<vmem>>
    %dma_wait3A_132 = tpu.memref_squeeze %dma_wait3A_131 : memref<1x128x128xf32, #tpu.memory_space<vmem>> -> memref<128x128xf32, #tpu.memory_space<vmem>>
    tpu.wait_dma2 semaphore(%arg11 : memref<!tpu.dma_semaphore, #tpu.memory_space<semaphore_mem>>) src(%dma_wait3A_132 : memref<128x128xf32, #tpu.memory_space<vmem>>) dst(%dma_wait3A_128 : memref<128x128xf32, #tpu.memory_space<hbm>>)
    %dma_start3A_133 = arith.constant 4 : i32
    %dma_start3A_134 = arith.constant 0 : i32
    %dma_start3A_135 = arith.constant 0 : i32
    %dma_start3A_136 = arith.constant 0 : i32
    %dma_start3A_137 = tpu.memref_slice %arg6[%dma_start3A_134, %dma_start3A_135, %dma_start3A_136] : memref<4x128x128xf32, #tpu.memory_space<vmem>> -> memref<1x128x128xf32, #tpu.memory_space<vmem>>
    %dma_start3A_138 = tpu.memref_squeeze %dma_start3A_137 : memref<1x128x128xf32, #tpu.memory_space<vmem>> -> memref<128x128xf32, #tpu.memory_space<vmem>>
    %dma_start3A_139 = arith.constant 0 : i32
    %dma_start3A_140 = tpu.memref_slice %arg5[%dma_start3A_133, %dma_start3A_139] : memref<200x128xi32, #tpu.memory_space<vmem>> -> memref<1x128xi32, #tpu.memory_space<vmem>>
    %dma_start3A_141 = tpu.memref_squeeze %dma_start3A_140 : memref<1x128xi32, #tpu.memory_space<vmem>> -> memref<128xi32, #tpu.memory_space<vmem>>
    %dma_start3A_142 = arith.constant 0 : i32
    %dma_start3A_143 = arith.constant 0 : i32
    %dma_start3A_144 = tpu.memref_slice %arg2[%dma_start3A_142, %dma_start3A_143] : memref<100000x128xf32, #tpu.memory_space<hbm>> -> memref<100000x128xf32, #tpu.memory_space<hbm>>
    tpu.enqueue_indirect_dma source(%dma_start3A_144 : memref<100000x128xf32, #tpu.memory_space<hbm>>) target(%dma_start3A_138 : memref<128x128xf32, #tpu.memory_space<vmem>>) offsets(%dma_start3A_141 : memref<128xi32, #tpu.memory_space<vmem>>) semaphore(%arg7 : memref<!tpu.dma_semaphore, #tpu.memory_space<semaphore_mem>>)
    %dma_wait3A_145 = arith.constant 2 : i32
    %dma_wait3A_146 = arith.constant 0 : i32
    %dma_wait3A_147 = arith.constant 0 : i32
    %dma_wait3A_148 = tpu.memref_slice %arg6[%dma_wait3A_145, %dma_wait3A_146, %dma_wait3A_147] : memref<4x128x128xf32, #tpu.memory_space<vmem>> -> memref<1x128x128xf32, #tpu.memory_space<vmem>>
    %dma_wait3A_149 = tpu.memref_squeeze %dma_wait3A_148 : memref<1x128x128xf32, #tpu.memory_space<vmem>> -> memref<128x128xf32, #tpu.memory_space<vmem>>
    %dma_wait3A_150 = arith.constant 0 : i32
    %dma_wait3A_151 = arith.constant 0 : i32
    %dma_wait3A_152 = tpu.memref_slice %arg2[%dma_wait3A_150, %dma_wait3A_151] : memref<100000x128xf32, #tpu.memory_space<hbm>> -> memref<128x128xf32, #tpu.memory_space<hbm>>
    %dma_wait3A_153 = arith.constant 0 : i32
    %dma_wait3A_154 = arith.constant 0 : i32
    %dma_wait3A_155 = tpu.memref_slice %arg6[%dma_wait3A_145, %dma_wait3A_153, %dma_wait3A_154] : memref<4x128x128xf32, #tpu.memory_space<vmem>> -> memref<1x128x128xf32, #tpu.memory_space<vmem>>
    %dma_wait3A_156 = tpu.memref_squeeze %dma_wait3A_155 : memref<1x128x128xf32, #tpu.memory_space<vmem>> -> memref<128x128xf32, #tpu.memory_space<vmem>>
    %dma_wait3A_157 = arith.constant 0 : i32
    %dma_wait3A_158 = arith.constant 0 : i32
    %dma_wait3A_159 = tpu.memref_slice %arg2[%dma_wait3A_157, %dma_wait3A_158] : memref<100000x128xf32, #tpu.memory_space<hbm>> -> memref<128x128xf32, #tpu.memory_space<hbm>>
    tpu.wait_dma2 semaphore(%arg9 : memref<!tpu.dma_semaphore, #tpu.memory_space<semaphore_mem>>) src(%dma_wait3A_159 : memref<128x128xf32, #tpu.memory_space<hbm>>) dst(%dma_wait3A_156 : memref<128x128xf32, #tpu.memory_space<vmem>>)
    %parallel_loop3A_160 = arith.constant 0 : i32
    %parallel_loop3A_161 = arith.constant 128 : i32
    %parallel_loop3A_162 = arith.constant 2 : i32
    scf.for %parallel_loop3A_501 = %parallel_loop3A_160 to %parallel_loop3A_161 step %parallel_loop3A_162  : i32 {
      %parallel_loop3A_502 = arith.constant 0 : i32
      %parallel_loop3A_503 = arith.addi %parallel_loop3A_501, %parallel_loop3A_502 : i32
      %parallel_loop3A_504 = arith.constant 2 : i32
      %parallel_loop3A_505 = arith.index_cast %parallel_loop3A_504 : i32 to index
      %parallel_loop3A_506 = arith.index_cast %parallel_loop3A_503 : i32 to index
      %parallel_loop3A_507 = arith.constant 0 : index
      %parallel_loop3A_508 = tpu.vector_load %arg6[%parallel_loop3A_505, %parallel_loop3A_506, %parallel_loop3A_507] {strides = array<i32>} : memref<4x128x128xf32, #tpu.memory_space<vmem>>, vector<1x1x16xf32>,
      %parallel_loop3A_509 = vector.shape_cast %parallel_loop3A_508 : vector<1x1x16xf32> to vector<16xf32>
      %parallel_loop3A_510 = arith.constant 11.3137083 : f32
      %parallel_loop3A_511 = vector.broadcast %parallel_loop3A_510 : f32 to vector<16xf32>
      %parallel_loop3A_512 = arith.mulf %parallel_loop3A_509, %parallel_loop3A_511 : vector<16xf32>
      %parallel_loop3A_513 = arith.constant 0 : i32
      %parallel_loop3A_514 = arith.addi %parallel_loop3A_501, %parallel_loop3A_513 : i32
      %parallel_loop3A_515 = arith.constant 2 : i32
      %parallel_loop3A_516 = arith.index_cast %parallel_loop3A_515 : i32 to index
      %parallel_loop3A_517 = arith.index_cast %parallel_loop3A_514 : i32 to index
      %parallel_loop3A_518 = arith.constant 0 : index
      %parallel_loop3A_519 = tpu.vector_load %arg6[%parallel_loop3A_516, %parallel_loop3A_517, %parallel_loop3A_518] {strides = array<i32>} : memref<4x128x128xf32, #tpu.memory_space<vmem>>, vector<1x1x16xf32>,
      %parallel_loop3A_520 = vector.shape_cast %parallel_loop3A_519 : vector<1x1x16xf32> to vector<16xf32>
      %parallel_loop3A_521 = vector.shape_cast %parallel_loop3A_512 : vector<16xf32> to vector<1x1x16xf32>
      tpu.vector_store %arg6[%parallel_loop3A_516, %parallel_loop3A_517, %parallel_loop3A_518], %parallel_loop3A_521 {strides = array<i32>} : memref<4x128x128xf32, #tpu.memory_space<vmem>>, vector<1x1x16xf32>,
      %parallel_loop3A_522 = arith.constant 0 : i32
      %parallel_loop3A_523 = arith.addi %parallel_loop3A_501, %parallel_loop3A_522 : i32
      %parallel_loop3A_524 = arith.constant 2 : i32
      %parallel_loop3A_525 = arith.index_cast %parallel_loop3A_524 : i32 to index
      %parallel_loop3A_526 = arith.index_cast %parallel_loop3A_523 : i32 to index
      %parallel_loop3A_527 = arith.constant 16 : index
      %parallel_loop3A_528 = tpu.vector_load %arg6[%parallel_loop3A_525, %parallel_loop3A_526, %parallel_loop3A_527] {strides = array<i32>} : memref<4x128x128xf32, #tpu.memory_space<vmem>>, vector<1x1x16xf32>,
      %parallel_loop3A_529 = vector.shape_cast %parallel_loop3A_528 : vector<1x1x16xf32> to vector<16xf32>
      %parallel_loop3A_530 = arith.constant 11.3137083 : f32
      %parallel_loop3A_531 = vector.broadcast %parallel_loop3A_530 : f32 to vector<16xf32>
      %parallel_loop3A_532 = arith.mulf %parallel_loop3A_529, %parallel_loop3A_531 : vector<16xf32>
      %parallel_loop3A_533 = arith.constant 0 : i32
      %parallel_loop3A_534 = arith.addi %parallel_loop3A_501, %parallel_loop3A_533 : i32
      %parallel_loop3A_535 = arith.constant 2 : i32
      %parallel_loop3A_536 = arith.index_cast %parallel_loop3A_535 : i32 to index
      %parallel_loop3A_537 = arith.index_cast %parallel_loop3A_534 : i32 to index
      %parallel_loop3A_538 = arith.constant 16 : index
      %parallel_loop3A_539 = tpu.vector_load %arg6[%parallel_loop3A_536, %parallel_loop3A_537, %parallel_loop3A_538] {strides = array<i32>} : memref<4x128x128xf32, #tpu.memory_space<vmem>>, vector<1x1x16xf32>,
      %parallel_loop3A_540 = vector.shape_cast %parallel_loop3A_539 : vector<1x1x16xf32> to vector<16xf32>
      %parallel_loop3A_541 = vector.shape_cast %parallel_loop3A_532 : vector<16xf32> to vector<1x1x16xf32>
      tpu.vector_store %arg6[%parallel_loop3A_536, %parallel_loop3A_537, %parallel_loop3A_538], %parallel_loop3A_541 {strides = array<i32>} : memref<4x128x128xf32, #tpu.memory_space<vmem>>, vector<1x1x16xf32>,
      %parallel_loop3A_542 = arith.constant 0 : i32
      %parallel_loop3A_543 = arith.addi %parallel_loop3A_501, %parallel_loop3A_542 : i32
      %parallel_loop3A_544 = arith.constant 2 : i32
      %parallel_loop3A_545 = arith.index_cast %parallel_loop3A_544 : i32 to index
      %parallel_loop3A_546 = arith.index_cast %parallel_loop3A_543 : i32 to index
      %parallel_loop3A_547 = arith.constant 32 : index
      %parallel_loop3A_548 = tpu.vector_load %arg6[%parallel_loop3A_545, %parallel_loop3A_546, %parallel_loop3A_547] {strides = array<i32>} : memref<4x128x128xf32, #tpu.memory_space<vmem>>, vector<1x1x16xf32>,
      %parallel_loop3A_549 = vector.shape_cast %parallel_loop3A_548 : vector<1x1x16xf32> to vector<16xf32>
      %parallel_loop3A_550 = arith.constant 11.3137083 : f32
      %parallel_loop3A_551 = vector.broadcast %parallel_loop3A_550 : f32 to vector<16xf32>
      %parallel_loop3A_552 = arith.mulf %parallel_loop3A_549, %parallel_loop3A_551 : vector<16xf32>
      %parallel_loop3A_553 = arith.constant 0 : i32
      %parallel_loop3A_554 = arith.addi %parallel_loop3A_501, %parallel_loop3A_553 : i32
      %parallel_loop3A_555 = arith.constant 2 : i32
      %parallel_loop3A_556 = arith.index_cast %parallel_loop3A_555 : i32 to index
      %parallel_loop3A_557 = arith.index_cast %parallel_loop3A_554 : i32 to index
      %parallel_loop3A_558 = arith.constant 32 : index
      %parallel_loop3A_559 = tpu.vector_load %arg6[%parallel_loop3A_556, %parallel_loop3A_557, %parallel_loop3A_558] {strides = array<i32>} : memref<4x128x128xf32, #tpu.memory_space<vmem>>, vector<1x1x16xf32>,
      %parallel_loop3A_560 = vector.shape_cast %parallel_loop3A_559 : vector<1x1x16xf32> to vector<16xf32>
      %parallel_loop3A_561 = vector.shape_cast %parallel_loop3A_552 : vector<16xf32> to vector<1x1x16xf32>
      tpu.vector_store %arg6[%parallel_loop3A_556, %parallel_loop3A_557, %parallel_loop3A_558], %parallel_loop3A_561 {strides = array<i32>} : memref<4x128x128xf32, #tpu.memory_space<vmem>>, vector<1x1x16xf32>,
      %parallel_loop3A_562 = arith.constant 0 : i32
      %parallel_loop3A_563 = arith.addi %parallel_loop3A_501, %parallel_loop3A_562 : i32
      %parallel_loop3A_564 = arith.constant 2 : i32
      %parallel_loop3A_565 = arith.index_cast %parallel_loop3A_564 : i32 to index
      %parallel_loop3A_566 = arith.index_cast %parallel_loop3A_563 : i32 to index
      %parallel_loop3A_567 = arith.constant 48 : index
      %parallel_loop3A_568 = tpu.vector_load %arg6[%parallel_loop3A_565, %parallel_loop3A_566, %parallel_loop3A_567] {strides = array<i32>} : memref<4x128x128xf32, #tpu.memory_space<vmem>>, vector<1x1x16xf32>,
      %parallel_loop3A_569 = vector.shape_cast %parallel_loop3A_568 : vector<1x1x16xf32> to vector<16xf32>
      %parallel_loop3A_570 = arith.constant 11.3137083 : f32
      %parallel_loop3A_571 = vector.broadcast %parallel_loop3A_570 : f32 to vector<16xf32>
      %parallel_loop3A_572 = arith.mulf %parallel_loop3A_569, %parallel_loop3A_571 : vector<16xf32>
      %parallel_loop3A_573 = arith.constant 0 : i32
      %parallel_loop3A_574 = arith.addi %parallel_loop3A_501, %parallel_loop3A_573 : i32
      %parallel_loop3A_575 = arith.constant 2 : i32
      %parallel_loop3A_576 = arith.index_cast %parallel_loop3A_575 : i32 to index
      %parallel_loop3A_577 = arith.index_cast %parallel_loop3A_574 : i32 to index
      %parallel_loop3A_578 = arith.constant 48 : index
      %parallel_loop3A_579 = tpu.vector_load %arg6[%parallel_loop3A_576, %parallel_loop3A_577, %parallel_loop3A_578] {strides = array<i32>} : memref<4x128x128xf32, #tpu.memory_space<vmem>>, vector<1x1x16xf32>,
      %parallel_loop3A_580 = vector.shape_cast %parallel_loop3A_579 : vector<1x1x16xf32> to vector<16xf32>
      %parallel_loop3A_581 = vector.shape_cast %parallel_loop3A_572 : vector<16xf32> to vector<1x1x16xf32>
      tpu.vector_store %arg6[%parallel_loop3A_576, %parallel_loop3A_577, %parallel_loop3A_578], %parallel_loop3A_581 {strides = array<i32>} : memref<4x128x128xf32, #tpu.memory_space<vmem>>, vector<1x1x16xf32>,
      %parallel_loop3A_582 = arith.constant 0 : i32
      %parallel_loop3A_583 = arith.addi %parallel_loop3A_501, %parallel_loop3A_582 : i32
      %parallel_loop3A_584 = arith.constant 2 : i32
      %parallel_loop3A_585 = arith.index_cast %parallel_loop3A_584 : i32 to index
      %parallel_loop3A_586 = arith.index_cast %parallel_loop3A_583 : i32 to index
      %parallel_loop3A_587 = arith.constant 64 : index
      %parallel_loop3A_588 = tpu.vector_load %arg6[%parallel_loop3A_585, %parallel_loop3A_586, %parallel_loop3A_587] {strides = array<i32>} : memref<4x128x128xf32, #tpu.memory_space<vmem>>, vector<1x1x16xf32>,
      %parallel_loop3A_589 = vector.shape_cast %parallel_loop3A_588 : vector<1x1x16xf32> to vector<16xf32>
      %parallel_loop3A_590 = arith.constant 11.3137083 : f32
      %parallel_loop3A_591 = vector.broadcast %parallel_loop3A_590 : f32 to vector<16xf32>
      %parallel_loop3A_592 = arith.mulf %parallel_loop3A_589, %parallel_loop3A_591 : vector<16xf32>
      %parallel_loop3A_593 = arith.constant 0 : i32
      %parallel_loop3A_594 = arith.addi %parallel_loop3A_501, %parallel_loop3A_593 : i32
      %parallel_loop3A_595 = arith.constant 2 : i32
      %parallel_loop3A_596 = arith.index_cast %parallel_loop3A_595 : i32 to index
      %parallel_loop3A_597 = arith.index_cast %parallel_loop3A_594 : i32 to index
      %parallel_loop3A_598 = arith.constant 64 : index
      %parallel_loop3A_599 = tpu.vector_load %arg6[%parallel_loop3A_596, %parallel_loop3A_597, %parallel_loop3A_598] {strides = array<i32>} : memref<4x128x128xf32, #tpu.memory_space<vmem>>, vector<1x1x16xf32>,
      %parallel_loop3A_600 = vector.shape_cast %parallel_loop3A_599 : vector<1x1x16xf32> to vector<16xf32>
      %parallel_loop3A_601 = vector.shape_cast %parallel_loop3A_592 : vector<16xf32> to vector<1x1x16xf32>
      tpu.vector_store %arg6[%parallel_loop3A_596, %parallel_loop3A_597, %parallel_loop3A_598], %parallel_loop3A_601 {strides = array<i32>} : memref<4x128x128xf32, #tpu.memory_space<vmem>>, vector<1x1x16xf32>,
      %parallel_loop3A_602 = arith.constant 0 : i32
      %parallel_loop3A_603 = arith.addi %parallel_loop3A_501, %parallel_loop3A_602 : i32
      %parallel_loop3A_604 = arith.constant 2 : i32
      %parallel_loop3A_605 = arith.index_cast %parallel_loop3A_604 : i32 to index
      %parallel_loop3A_606 = arith.index_cast %parallel_loop3A_603 : i32 to index
      %parallel_loop3A_607 = arith.constant 80 : index
      %parallel_loop3A_608 = tpu.vector_load %arg6[%parallel_loop3A_605, %parallel_loop3A_606, %parallel_loop3A_607] {strides = array<i32>} : memref<4x128x128xf32, #tpu.memory_space<vmem>>, vector<1x1x16xf32>,
      %parallel_loop3A_609 = vector.shape_cast %parallel_loop3A_608 : vector<1x1x16xf32> to vector<16xf32>
      %parallel_loop3A_610 = arith.constant 11.3137083 : f32
      %parallel_loop3A_611 = vector.broadcast %parallel_loop3A_610 : f32 to vector<16xf32>
      %parallel_loop3A_612 = arith.mulf %parallel_loop3A_609, %parallel_loop3A_611 : vector<16xf32>
      %parallel_loop3A_613 = arith.constant 0 : i32
      %parallel_loop3A_614 = arith.addi %parallel_loop3A_501, %parallel_loop3A_613 : i32
      %parallel_loop3A_615 = arith.constant 2 : i32
      %parallel_loop3A_616 = arith.index_cast %parallel_loop3A_615 : i32 to index
      %parallel_loop3A_617 = arith.index_cast %parallel_loop3A_614 : i32 to index
      %parallel_loop3A_618 = arith.constant 80 : index
      %parallel_loop3A_619 = tpu.vector_load %arg6[%parallel_loop3A_616, %parallel_loop3A_617, %parallel_loop3A_618] {strides = array<i32>} : memref<4x128x128xf32, #tpu.memory_space<vmem>>, vector<1x1x16xf32>,
      %parallel_loop3A_620 = vector.shape_cast %parallel_loop3A_619 : vector<1x1x16xf32> to vector<16xf32>
      %parallel_loop3A_621 = vector.shape_cast %parallel_loop3A_612 : vector<16xf32> to vector<1x1x16xf32>
      tpu.vector_store %arg6[%parallel_loop3A_616, %parallel_loop3A_617, %parallel_loop3A_618], %parallel_loop3A_621 {strides = array<i32>} : memref<4x128x128xf32, #tpu.memory_space<vmem>>, vector<1x1x16xf32>,
      %parallel_loop3A_622 = arith.constant 0 : i32
      %parallel_loop3A_623 = arith.addi %parallel_loop3A_501, %parallel_loop3A_622 : i32
      %parallel_loop3A_624 = arith.constant 2 : i32
      %parallel_loop3A_625 = arith.index_cast %parallel_loop3A_624 : i32 to index
      %parallel_loop3A_626 = arith.index_cast %parallel_loop3A_623 : i32 to index
      %parallel_loop3A_627 = arith.constant 96 : index
      %parallel_loop3A_628 = tpu.vector_load %arg6[%parallel_loop3A_625, %parallel_loop3A_626, %parallel_loop3A_627] {strides = array<i32>} : memref<4x128x128xf32, #tpu.memory_space<vmem>>, vector<1x1x16xf32>,
      %parallel_loop3A_629 = vector.shape_cast %parallel_loop3A_628 : vector<1x1x16xf32> to vector<16xf32>
      %parallel_loop3A_630 = arith.constant 11.3137083 : f32
      %parallel_loop3A_631 = vector.broadcast %parallel_loop3A_630 : f32 to vector<16xf32>
      %parallel_loop3A_632 = arith.mulf %parallel_loop3A_629, %parallel_loop3A_631 : vector<16xf32>
      %parallel_loop3A_633 = arith.constant 0 : i32
      %parallel_loop3A_634 = arith.addi %parallel_loop3A_501, %parallel_loop3A_633 : i32
      %parallel_loop3A_635 = arith.constant 2 : i32
      %parallel_loop3A_636 = arith.index_cast %parallel_loop3A_635 : i32 to index
      %parallel_loop3A_637 = arith.index_cast %parallel_loop3A_634 : i32 to index
      %parallel_loop3A_638 = arith.constant 96 : index
      %parallel_loop3A_639 = tpu.vector_load %arg6[%parallel_loop3A_636, %parallel_loop3A_637, %parallel_loop3A_638] {strides = array<i32>} : memref<4x128x128xf32, #tpu.memory_space<vmem>>, vector<1x1x16xf32>,
      %parallel_loop3A_640 = vector.shape_cast %parallel_loop3A_639 : vector<1x1x16xf32> to vector<16xf32>
      %parallel_loop3A_641 = vector.shape_cast %parallel_loop3A_632 : vector<16xf32> to vector<1x1x16xf32>
      tpu.vector_store %arg6[%parallel_loop3A_636, %parallel_loop3A_637, %parallel_loop3A_638], %parallel_loop3A_641 {strides = array<i32>} : memref<4x128x128xf32, #tpu.memory_space<vmem>>, vector<1x1x16xf32>,
      %parallel_loop3A_642 = arith.constant 0 : i32
      %parallel_loop3A_643 = arith.addi %parallel_loop3A_501, %parallel_loop3A_642 : i32
      %parallel_loop3A_644 = arith.constant 2 : i32
      %parallel_loop3A_645 = arith.index_cast %parallel_loop3A_644 : i32 to index
      %parallel_loop3A_646 = arith.index_cast %parallel_loop3A_643 : i32 to index
      %parallel_loop3A_647 = arith.constant 112 : index
      %parallel_loop3A_648 = tpu.vector_load %arg6[%parallel_loop3A_645, %parallel_loop3A_646, %parallel_loop3A_647] {strides = array<i32>} : memref<4x128x128xf32, #tpu.memory_space<vmem>>, vector<1x1x16xf32>,
      %parallel_loop3A_649 = vector.shape_cast %parallel_loop3A_648 : vector<1x1x16xf32> to vector<16xf32>
      %parallel_loop3A_650 = arith.constant 11.3137083 : f32
      %parallel_loop3A_651 = vector.broadcast %parallel_loop3A_650 : f32 to vector<16xf32>
      %parallel_loop3A_652 = arith.mulf %parallel_loop3A_649, %parallel_loop3A_651 : vector<16xf32>
      %parallel_loop3A_653 = arith.constant 0 : i32
      %parallel_loop3A_654 = arith.addi %parallel_loop3A_501, %parallel_loop3A_653 : i32
      %parallel_loop3A_655 = arith.constant 2 : i32
      %parallel_loop3A_656 = arith.index_cast %parallel_loop3A_655 : i32 to index
      %parallel_loop3A_657 = arith.index_cast %parallel_loop3A_654 : i32 to index
      %parallel_loop3A_658 = arith.constant 112 : index
      %parallel_loop3A_659 = tpu.vector_load %arg6[%parallel_loop3A_656, %parallel_loop3A_657, %parallel_loop3A_658] {strides = array<i32>} : memref<4x128x128xf32, #tpu.memory_space<vmem>>, vector<1x1x16xf32>,
      %parallel_loop3A_660 = vector.shape_cast %parallel_loop3A_659 : vector<1x1x16xf32> to vector<16xf32>
      %parallel_loop3A_661 = vector.shape_cast %parallel_loop3A_652 : vector<16xf32> to vector<1x1x16xf32>
      tpu.vector_store %arg6[%parallel_loop3A_656, %parallel_loop3A_657, %parallel_loop3A_658], %parallel_loop3A_661 {strides = array<i32>} : memref<4x128x128xf32, #tpu.memory_space<vmem>>, vector<1x1x16xf32>,
      %parallel_loop3A_662 = arith.constant 1 : i32
      %parallel_loop3A_663 = arith.addi %parallel_loop3A_501, %parallel_loop3A_662 : i32
      %parallel_loop3A_664 = arith.constant 2 : i32
      %parallel_loop3A_665 = arith.index_cast %parallel_loop3A_664 : i32 to index
      %parallel_loop3A_666 = arith.index_cast %parallel_loop3A_663 : i32 to index
      %parallel_loop3A_667 = arith.constant 0 : index
      %parallel_loop3A_668 = tpu.vector_load %arg6[%parallel_loop3A_665, %parallel_loop3A_666, %parallel_loop3A_667] {strides = array<i32>} : memref<4x128x128xf32, #tpu.memory_space<vmem>>, vector<1x1x16xf32>,
      %parallel_loop3A_669 = vector.shape_cast %parallel_loop3A_668 : vector<1x1x16xf32> to vector<16xf32>
      %parallel_loop3A_670 = arith.constant 11.3137083 : f32
      %parallel_loop3A_671 = vector.broadcast %parallel_loop3A_670 : f32 to vector<16xf32>
      %parallel_loop3A_672 = arith.mulf %parallel_loop3A_669, %parallel_loop3A_671 : vector<16xf32>
      %parallel_loop3A_673 = arith.constant 1 : i32
      %parallel_loop3A_674 = arith.addi %parallel_loop3A_501, %parallel_loop3A_673 : i32
      %parallel_loop3A_675 = arith.constant 2 : i32
      %parallel_loop3A_676 = arith.index_cast %parallel_loop3A_675 : i32 to index
      %parallel_loop3A_677 = arith.index_cast %parallel_loop3A_674 : i32 to index
      %parallel_loop3A_678 = arith.constant 0 : index
      %parallel_loop3A_679 = tpu.vector_load %arg6[%parallel_loop3A_676, %parallel_loop3A_677, %parallel_loop3A_678] {strides = array<i32>} : memref<4x128x128xf32, #tpu.memory_space<vmem>>, vector<1x1x16xf32>,
      %parallel_loop3A_680 = vector.shape_cast %parallel_loop3A_679 : vector<1x1x16xf32> to vector<16xf32>
      %parallel_loop3A_681 = vector.shape_cast %parallel_loop3A_672 : vector<16xf32> to vector<1x1x16xf32>
      tpu.vector_store %arg6[%parallel_loop3A_676, %parallel_loop3A_677, %parallel_loop3A_678], %parallel_loop3A_681 {strides = array<i32>} : memref<4x128x128xf32, #tpu.memory_space<vmem>>, vector<1x1x16xf32>,
      %parallel_loop3A_682 = arith.constant 1 : i32
      %parallel_loop3A_683 = arith.addi %parallel_loop3A_501, %parallel_loop3A_682 : i32
      %parallel_loop3A_684 = arith.constant 2 : i32
      %parallel_loop3A_685 = arith.index_cast %parallel_loop3A_684 : i32 to index
      %parallel_loop3A_686 = arith.index_cast %parallel_loop3A_683 : i32 to index
      %parallel_loop3A_687 = arith.constant 16 : index
      %parallel_loop3A_688 = tpu.vector_load %arg6[%parallel_loop3A_685, %parallel_loop3A_686, %parallel_loop3A_687] {strides = array<i32>} : memref<4x128x128xf32, #tpu.memory_space<vmem>>, vector<1x1x16xf32>,
      %parallel_loop3A_689 = vector.shape_cast %parallel_loop3A_688 : vector<1x1x16xf32> to vector<16xf32>
      %parallel_loop3A_690 = arith.constant 11.3137083 : f32
      %parallel_loop3A_691 = vector.broadcast %parallel_loop3A_690 : f32 to vector<16xf32>
      %parallel_loop3A_692 = arith.mulf %parallel_loop3A_689, %parallel_loop3A_691 : vector<16xf32>
      %parallel_loop3A_693 = arith.constant 1 : i32
      %parallel_loop3A_694 = arith.addi %parallel_loop3A_501, %parallel_loop3A_693 : i32
      %parallel_loop3A_695 = arith.constant 2 : i32
      %parallel_loop3A_696 = arith.index_cast %parallel_loop3A_695 : i32 to index
      %parallel_loop3A_697 = arith.index_cast %parallel_loop3A_694 : i32 to index
      %parallel_loop3A_698 = arith.constant 16 : index
      %parallel_loop3A_699 = tpu.vector_load %arg6[%parallel_loop3A_696, %parallel_loop3A_697, %parallel_loop3A_698] {strides = array<i32>} : memref<4x128x128xf32, #tpu.memory_space<vmem>>, vector<1x1x16xf32>,
      %parallel_loop3A_700 = vector.shape_cast %parallel_loop3A_699 : vector<1x1x16xf32> to vector<16xf32>
      %parallel_loop3A_701 = vector.shape_cast %parallel_loop3A_692 : vector<16xf32> to vector<1x1x16xf32>
      tpu.vector_store %arg6[%parallel_loop3A_696, %parallel_loop3A_697, %parallel_loop3A_698], %parallel_loop3A_701 {strides = array<i32>} : memref<4x128x128xf32, #tpu.memory_space<vmem>>, vector<1x1x16xf32>,
      %parallel_loop3A_702 = arith.constant 1 : i32
      %parallel_loop3A_703 = arith.addi %parallel_loop3A_501, %parallel_loop3A_702 : i32
      %parallel_loop3A_704 = arith.constant 2 : i32
      %parallel_loop3A_705 = arith.index_cast %parallel_loop3A_704 : i32 to index
      %parallel_loop3A_706 = arith.index_cast %parallel_loop3A_703 : i32 to index
      %parallel_loop3A_707 = arith.constant 32 : index
      %parallel_loop3A_708 = tpu.vector_load %arg6[%parallel_loop3A_705, %parallel_loop3A_706, %parallel_loop3A_707] {strides = array<i32>} : memref<4x128x128xf32, #tpu.memory_space<vmem>>, vector<1x1x16xf32>,
      %parallel_loop3A_709 = vector.shape_cast %parallel_loop3A_708 : vector<1x1x16xf32> to vector<16xf32>
      %parallel_loop3A_710 = arith.constant 11.3137083 : f32
      %parallel_loop3A_711 = vector.broadcast %parallel_loop3A_710 : f32 to vector<16xf32>
      %parallel_loop3A_712 = arith.mulf %parallel_loop3A_709, %parallel_loop3A_711 : vector<16xf32>
      %parallel_loop3A_713 = arith.constant 1 : i32
      %parallel_loop3A_714 = arith.addi %parallel_loop3A_501, %parallel_loop3A_713 : i32
      %parallel_loop3A_715 = arith.constant 2 : i32
      %parallel_loop3A_716 = arith.index_cast %parallel_loop3A_715 : i32 to index
      %parallel_loop3A_717 = arith.index_cast %parallel_loop3A_714 : i32 to index
      %parallel_loop3A_718 = arith.constant 32 : index
      %parallel_loop3A_719 = tpu.vector_load %arg6[%parallel_loop3A_716, %parallel_loop3A_717, %parallel_loop3A_718] {strides = array<i32>} : memref<4x128x128xf32, #tpu.memory_space<vmem>>, vector<1x1x16xf32>,
      %parallel_loop3A_720 = vector.shape_cast %parallel_loop3A_719 : vector<1x1x16xf32> to vector<16xf32>
      %parallel_loop3A_721 = vector.shape_cast %parallel_loop3A_712 : vector<16xf32> to vector<1x1x16xf32>
      tpu.vector_store %arg6[%parallel_loop3A_716, %parallel_loop3A_717, %parallel_loop3A_718], %parallel_loop3A_721 {strides = array<i32>} : memref<4x128x128xf32, #tpu.memory_space<vmem>>, vector<1x1x16xf32>,
      %parallel_loop3A_722 = arith.constant 1 : i32
      %parallel_loop3A_723 = arith.addi %parallel_loop3A_501, %parallel_loop3A_722 : i32
      %parallel_loop3A_724 = arith.constant 2 : i32
      %parallel_loop3A_725 = arith.index_cast %parallel_loop3A_724 : i32 to index
      %parallel_loop3A_726 = arith.index_cast %parallel_loop3A_723 : i32 to index
      %parallel_loop3A_727 = arith.constant 48 : index
      %parallel_loop3A_728 = tpu.vector_load %arg6[%parallel_loop3A_725, %parallel_loop3A_726, %parallel_loop3A_727] {strides = array<i32>} : memref<4x128x128xf32, #tpu.memory_space<vmem>>, vector<1x1x16xf32>,
      %parallel_loop3A_729 = vector.shape_cast %parallel_loop3A_728 : vector<1x1x16xf32> to vector<16xf32>
      %parallel_loop3A_730 = arith.constant 11.3137083 : f32
      %parallel_loop3A_731 = vector.broadcast %parallel_loop3A_730 : f32 to vector<16xf32>
      %parallel_loop3A_732 = arith.mulf %parallel_loop3A_729, %parallel_loop3A_731 : vector<16xf32>
      %parallel_loop3A_733 = arith.constant 1 : i32
      %parallel_loop3A_734 = arith.addi %parallel_loop3A_501, %parallel_loop3A_733 : i32
      %parallel_loop3A_735 = arith.constant 2 : i32
      %parallel_loop3A_736 = arith.index_cast %parallel_loop3A_735 : i32 to index
      %parallel_loop3A_737 = arith.index_cast %parallel_loop3A_734 : i32 to index
      %parallel_loop3A_738 = arith.constant 48 : index
      %parallel_loop3A_739 = tpu.vector_load %arg6[%parallel_loop3A_736, %parallel_loop3A_737, %parallel_loop3A_738] {strides = array<i32>} : memref<4x128x128xf32, #tpu.memory_space<vmem>>, vector<1x1x16xf32>,
      %parallel_loop3A_740 = vector.shape_cast %parallel_loop3A_739 : vector<1x1x16xf32> to vector<16xf32>
      %parallel_loop3A_741 = vector.shape_cast %parallel_loop3A_732 : vector<16xf32> to vector<1x1x16xf32>
      tpu.vector_store %arg6[%parallel_loop3A_736, %parallel_loop3A_737, %parallel_loop3A_738], %parallel_loop3A_741 {strides = array<i32>} : memref<4x128x128xf32, #tpu.memory_space<vmem>>, vector<1x1x16xf32>,
      %parallel_loop3A_742 = arith.constant 1 : i32
      %parallel_loop3A_743 = arith.addi %parallel_loop3A_501, %parallel_loop3A_742 : i32
      %parallel_loop3A_744 = arith.constant 2 : i32
      %parallel_loop3A_745 = arith.index_cast %parallel_loop3A_744 : i32 to index
      %parallel_loop3A_746 = arith.index_cast %parallel_loop3A_743 : i32 to index
      %parallel_loop3A_747 = arith.constant 64 : index
      %parallel_loop3A_748 = tpu.vector_load %arg6[%parallel_loop3A_745, %parallel_loop3A_746, %parallel_loop3A_747] {strides = array<i32>} : memref<4x128x128xf32, #tpu.memory_space<vmem>>, vector<1x1x16xf32>,
      %parallel_loop3A_749 = vector.shape_cast %parallel_loop3A_748 : vector<1x1x16xf32> to vector<16xf32>
      %parallel_loop3A_750 = arith.constant 11.3137083 : f32
      %parallel_loop3A_751 = vector.broadcast %parallel_loop3A_750 : f32 to vector<16xf32>
      %parallel_loop3A_752 = arith.mulf %parallel_loop3A_749, %parallel_loop3A_751 : vector<16xf32>
      %parallel_loop3A_753 = arith.constant 1 : i32
      %parallel_loop3A_754 = arith.addi %parallel_loop3A_501, %parallel_loop3A_753 : i32
      %parallel_loop3A_755 = arith.constant 2 : i32
      %parallel_loop3A_756 = arith.index_cast %parallel_loop3A_755 : i32 to index
      %parallel_loop3A_757 = arith.index_cast %parallel_loop3A_754 : i32 to index
      %parallel_loop3A_758 = arith.constant 64 : index
      %parallel_loop3A_759 = tpu.vector_load %arg6[%parallel_loop3A_756, %parallel_loop3A_757, %parallel_loop3A_758] {strides = array<i32>} : memref<4x128x128xf32, #tpu.memory_space<vmem>>, vector<1x1x16xf32>,
      %parallel_loop3A_760 = vector.shape_cast %parallel_loop3A_759 : vector<1x1x16xf32> to vector<16xf32>
      %parallel_loop3A_761 = vector.shape_cast %parallel_loop3A_752 : vector<16xf32> to vector<1x1x16xf32>
      tpu.vector_store %arg6[%parallel_loop3A_756, %parallel_loop3A_757, %parallel_loop3A_758], %parallel_loop3A_761 {strides = array<i32>} : memref<4x128x128xf32, #tpu.memory_space<vmem>>, vector<1x1x16xf32>,
      %parallel_loop3A_762 = arith.constant 1 : i32
      %parallel_loop3A_763 = arith.addi %parallel_loop3A_501, %parallel_loop3A_762 : i32
      %parallel_loop3A_764 = arith.constant 2 : i32
      %parallel_loop3A_765 = arith.index_cast %parallel_loop3A_764 : i32 to index
      %parallel_loop3A_766 = arith.index_cast %parallel_loop3A_763 : i32 to index
      %parallel_loop3A_767 = arith.constant 80 : index
      %parallel_loop3A_768 = tpu.vector_load %arg6[%parallel_loop3A_765, %parallel_loop3A_766, %parallel_loop3A_767] {strides = array<i32>} : memref<4x128x128xf32, #tpu.memory_space<vmem>>, vector<1x1x16xf32>,
      %parallel_loop3A_769 = vector.shape_cast %parallel_loop3A_768 : vector<1x1x16xf32> to vector<16xf32>
      %parallel_loop3A_770 = arith.constant 11.3137083 : f32
      %parallel_loop3A_771 = vector.broadcast %parallel_loop3A_770 : f32 to vector<16xf32>
      %parallel_loop3A_772 = arith.mulf %parallel_loop3A_769, %parallel_loop3A_771 : vector<16xf32>
      %parallel_loop3A_773 = arith.constant 1 : i32
      %parallel_loop3A_774 = arith.addi %parallel_loop3A_501, %parallel_loop3A_773 : i32
      %parallel_loop3A_775 = arith.constant 2 : i32
      %parallel_loop3A_776 = arith.index_cast %parallel_loop3A_775 : i32 to index
      %parallel_loop3A_777 = arith.index_cast %parallel_loop3A_774 : i32 to index
      %parallel_loop3A_778 = arith.constant 80 : index
      %parallel_loop3A_779 = tpu.vector_load %arg6[%parallel_loop3A_776, %parallel_loop3A_777, %parallel_loop3A_778] {strides = array<i32>} : memref<4x128x128xf32, #tpu.memory_space<vmem>>, vector<1x1x16xf32>,
      %parallel_loop3A_780 = vector.shape_cast %parallel_loop3A_779 : vector<1x1x16xf32> to vector<16xf32>
      %parallel_loop3A_781 = vector.shape_cast %parallel_loop3A_772 : vector<16xf32> to vector<1x1x16xf32>
      tpu.vector_store %arg6[%parallel_loop3A_776, %parallel_loop3A_777, %parallel_loop3A_778], %parallel_loop3A_781 {strides = array<i32>} : memref<4x128x128xf32, #tpu.memory_space<vmem>>, vector<1x1x16xf32>,
      %parallel_loop3A_782 = arith.constant 1 : i32
      %parallel_loop3A_783 = arith.addi %parallel_loop3A_501, %parallel_loop3A_782 : i32
      %parallel_loop3A_784 = arith.constant 2 : i32
      %parallel_loop3A_785 = arith.index_cast %parallel_loop3A_784 : i32 to index
      %parallel_loop3A_786 = arith.index_cast %parallel_loop3A_783 : i32 to index
      %parallel_loop3A_787 = arith.constant 96 : index
      %parallel_loop3A_788 = tpu.vector_load %arg6[%parallel_loop3A_785, %parallel_loop3A_786, %parallel_loop3A_787] {strides = array<i32>} : memref<4x128x128xf32, #tpu.memory_space<vmem>>, vector<1x1x16xf32>,
      %parallel_loop3A_789 = vector.shape_cast %parallel_loop3A_788 : vector<1x1x16xf32> to vector<16xf32>
      %parallel_loop3A_790 = arith.constant 11.3137083 : f32
      %parallel_loop3A_791 = vector.broadcast %parallel_loop3A_790 : f32 to vector<16xf32>
      %parallel_loop3A_792 = arith.mulf %parallel_loop3A_789, %parallel_loop3A_791 : vector<16xf32>
      %parallel_loop3A_793 = arith.constant 1 : i32
      %parallel_loop3A_794 = arith.addi %parallel_loop3A_501, %parallel_loop3A_793 : i32
      %parallel_loop3A_795 = arith.constant 2 : i32
      %parallel_loop3A_796 = arith.index_cast %parallel_loop3A_795 : i32 to index
      %parallel_loop3A_797 = arith.index_cast %parallel_loop3A_794 : i32 to index
      %parallel_loop3A_798 = arith.constant 96 : index
      %parallel_loop3A_799 = tpu.vector_load %arg6[%parallel_loop3A_796, %parallel_loop3A_797, %parallel_loop3A_798] {strides = array<i32>} : memref<4x128x128xf32, #tpu.memory_space<vmem>>, vector<1x1x16xf32>,
      %parallel_loop3A_800 = vector.shape_cast %parallel_loop3A_799 : vector<1x1x16xf32> to vector<16xf32>
      %parallel_loop3A_801 = vector.shape_cast %parallel_loop3A_792 : vector<16xf32> to vector<1x1x16xf32>
      tpu.vector_store %arg6[%parallel_loop3A_796, %parallel_loop3A_797, %parallel_loop3A_798], %parallel_loop3A_801 {strides = array<i32>} : memref<4x128x128xf32, #tpu.memory_space<vmem>>, vector<1x1x16xf32>,
      %parallel_loop3A_802 = arith.constant 1 : i32
      %parallel_loop3A_803 = arith.addi %parallel_loop3A_501, %parallel_loop3A_802 : i32
      %parallel_loop3A_804 = arith.constant 2 : i32
      %parallel_loop3A_805 = arith.index_cast %parallel_loop3A_804 : i32 to index
      %parallel_loop3A_806 = arith.index_cast %parallel_loop3A_803 : i32 to index
      %parallel_loop3A_807 = arith.constant 112 : index
      %parallel_loop3A_808 = tpu.vector_load %arg6[%parallel_loop3A_805, %parallel_loop3A_806, %parallel_loop3A_807] {strides = array<i32>} : memref<4x128x128xf32, #tpu.memory_space<vmem>>, vector<1x1x16xf32>,
      %parallel_loop3A_809 = vector.shape_cast %parallel_loop3A_808 : vector<1x1x16xf32> to vector<16xf32>
      %parallel_loop3A_810 = arith.constant 11.3137083 : f32
      %parallel_loop3A_811 = vector.broadcast %parallel_loop3A_810 : f32 to vector<16xf32>
      %parallel_loop3A_812 = arith.mulf %parallel_loop3A_809, %parallel_loop3A_811 : vector<16xf32>
      %parallel_loop3A_813 = arith.constant 1 : i32
      %parallel_loop3A_814 = arith.addi %parallel_loop3A_501, %parallel_loop3A_813 : i32
      %parallel_loop3A_815 = arith.constant 2 : i32
      %parallel_loop3A_816 = arith.index_cast %parallel_loop3A_815 : i32 to index
      %parallel_loop3A_817 = arith.index_cast %parallel_loop3A_814 : i32 to index
      %parallel_loop3A_818 = arith.constant 112 : index
      %parallel_loop3A_819 = tpu.vector_load %arg6[%parallel_loop3A_816, %parallel_loop3A_817, %parallel_loop3A_818] {strides = array<i32>} : memref<4x128x128xf32, #tpu.memory_space<vmem>>, vector<1x1x16xf32>,
      %parallel_loop3A_820 = vector.shape_cast %parallel_loop3A_819 : vector<1x1x16xf32> to vector<16xf32>
      %parallel_loop3A_821 = vector.shape_cast %parallel_loop3A_812 : vector<16xf32> to vector<1x1x16xf32>
      tpu.vector_store %arg6[%parallel_loop3A_816, %parallel_loop3A_817, %parallel_loop3A_818], %parallel_loop3A_821 {strides = array<i32>} : memref<4x128x128xf32, #tpu.memory_space<vmem>>, vector<1x1x16xf32>,
    } {sc.loop_unroll_factor = 1 : i64, sc.parallel_access}
    %add3A_163 = arith.constant 2 : i32
    %add3A_164 = arith.addi %mul3A_2, %add3A_163 : i32
    %mul3A_165 = arith.constant 128 : i32
    %mul3A_166 = arith.muli %add3A_164, %mul3A_165 : i32
    %dma_start3A_167 = arith.constant 2 : i32
    %dma_start3A_168 = arith.constant 0 : i32
    %dma_start3A_169 = arith.constant 0 : i32
    %dma_start3A_170 = tpu.memref_slice %arg6[%dma_start3A_167, %dma_start3A_168, %dma_start3A_169] : memref<4x128x128xf32, #tpu.memory_space<vmem>> -> memref<1x128x128xf32, #tpu.memory_space<vmem>>
    %dma_start3A_171 = tpu.memref_squeeze %dma_start3A_170 : memref<1x128x128xf32, #tpu.memory_space<vmem>> -> memref<128x128xf32, #tpu.memory_space<vmem>>
    %dma_start3A_172 = arith.constant 0 : i32
    %dma_start3A_173 = tpu.memref_slice %arg4[%mul3A_166, %dma_start3A_172] : memref<819200x128xf32, #tpu.memory_space<hbm>> -> memref<128x128xf32, #tpu.memory_space<hbm>>
    %dma_start3A_174 = arith.constant 0 : i32
    %dma_start3A_175 = tpu.memref_slice %arg4[%mul3A_166, %dma_start3A_174] : memref<819200x128xf32, #tpu.memory_space<hbm>> -> memref<128x128xf32, #tpu.memory_space<hbm>>
    %dma_start3A_176 = arith.constant 0 : i32
    %dma_start3A_177 = arith.constant 0 : i32
    %dma_start3A_178 = tpu.memref_slice %arg6[%dma_start3A_167, %dma_start3A_176, %dma_start3A_177] : memref<4x128x128xf32, #tpu.memory_space<vmem>> -> memref<1x128x128xf32, #tpu.memory_space<vmem>>
    %dma_start3A_179 = tpu.memref_squeeze %dma_start3A_178 : memref<1x128x128xf32, #tpu.memory_space<vmem>> -> memref<128x128xf32, #tpu.memory_space<vmem>>
    tpu.enqueue_dma source(%dma_start3A_179 : memref<128x128xf32, #tpu.memory_space<vmem>>) target(%dma_start3A_175 : memref<128x128xf32, #tpu.memory_space<hbm>>) target_semaphore(%arg13 : memref<!tpu.dma_semaphore, #tpu.memory_space<semaphore_mem>>)
    %dma_wait3A_180 = arith.constant 1 : i32
    %dma_wait3A_181 = arith.constant 0 : i32
    %dma_wait3A_182 = arith.constant 0 : i32
    %dma_wait3A_183 = tpu.memref_slice %arg6[%dma_wait3A_180, %dma_wait3A_181, %dma_wait3A_182] : memref<4x128x128xf32, #tpu.memory_space<vmem>> -> memref<1x128x128xf32, #tpu.memory_space<vmem>>
    %dma_wait3A_184 = tpu.memref_squeeze %dma_wait3A_183 : memref<1x128x128xf32, #tpu.memory_space<vmem>> -> memref<128x128xf32, #tpu.memory_space<vmem>>
    %dma_wait3A_185 = arith.constant 0 : i32
    %dma_wait3A_186 = arith.constant 0 : i32
    %dma_wait3A_187 = tpu.memref_slice %arg4[%dma_wait3A_185, %dma_wait3A_186] : memref<819200x128xf32, #tpu.memory_space<hbm>> -> memref<128x128xf32, #tpu.memory_space<hbm>>
    %dma_wait3A_188 = arith.constant 0 : i32
    %dma_wait3A_189 = arith.constant 0 : i32
    %dma_wait3A_190 = tpu.memref_slice %arg4[%dma_wait3A_188, %dma_wait3A_189] : memref<819200x128xf32, #tpu.memory_space<hbm>> -> memref<128x128xf32, #tpu.memory_space<hbm>>
    %dma_wait3A_191 = arith.constant 0 : i32
    %dma_wait3A_192 = arith.constant 0 : i32
    %dma_wait3A_193 = tpu.memref_slice %arg6[%dma_wait3A_180, %dma_wait3A_191, %dma_wait3A_192] : memref<4x128x128xf32, #tpu.memory_space<vmem>> -> memref<1x128x128xf32, #tpu.memory_space<vmem>>
    %dma_wait3A_194 = tpu.memref_squeeze %dma_wait3A_193 : memref<1x128x128xf32, #tpu.memory_space<vmem>> -> memref<128x128xf32, #tpu.memory_space<vmem>>
    tpu.wait_dma2 semaphore(%arg12 : memref<!tpu.dma_semaphore, #tpu.memory_space<semaphore_mem>>) src(%dma_wait3A_194 : memref<128x128xf32, #tpu.memory_space<vmem>>) dst(%dma_wait3A_190 : memref<128x128xf32, #tpu.memory_space<hbm>>)
    %dma_start3A_195 = arith.constant 5 : i32
    %dma_start3A_196 = arith.constant 1 : i32
    %dma_start3A_197 = arith.constant 0 : i32
    %dma_start3A_198 = arith.constant 0 : i32
    %dma_start3A_199 = tpu.memref_slice %arg6[%dma_start3A_196, %dma_start3A_197, %dma_start3A_198] : memref<4x128x128xf32, #tpu.memory_space<vmem>> -> memref<1x128x128xf32, #tpu.memory_space<vmem>>
    %dma_start3A_200 = tpu.memref_squeeze %dma_start3A_199 : memref<1x128x128xf32, #tpu.memory_space<vmem>> -> memref<128x128xf32, #tpu.memory_space<vmem>>
    %dma_start3A_201 = arith.constant 0 : i32
    %dma_start3A_202 = tpu.memref_slice %arg5[%dma_start3A_195, %dma_start3A_201] : memref<200x128xi32, #tpu.memory_space<vmem>> -> memref<1x128xi32, #tpu.memory_space<vmem>>
    %dma_start3A_203 = tpu.memref_squeeze %dma_start3A_202 : memref<1x128xi32, #tpu.memory_space<vmem>> -> memref<128xi32, #tpu.memory_space<vmem>>
    %dma_start3A_204 = arith.constant 0 : i32
    %dma_start3A_205 = arith.constant 0 : i32
    %dma_start3A_206 = tpu.memref_slice %arg2[%dma_start3A_204, %dma_start3A_205] : memref<100000x128xf32, #tpu.memory_space<hbm>> -> memref<100000x128xf32, #tpu.memory_space<hbm>>
    tpu.enqueue_indirect_dma source(%dma_start3A_206 : memref<100000x128xf32, #tpu.memory_space<hbm>>) target(%dma_start3A_200 : memref<128x128xf32, #tpu.memory_space<vmem>>) offsets(%dma_start3A_203 : memref<128xi32, #tpu.memory_space<vmem>>) semaphore(%arg8 : memref<!tpu.dma_semaphore, #tpu.memory_space<semaphore_mem>>)
    %dma_wait3A_207 = arith.constant 3 : i32
    %dma_wait3A_208 = arith.constant 0 : i32
    %dma_wait3A_209 = arith.constant 0 : i32
    %dma_wait3A_210 = tpu.memref_slice %arg6[%dma_wait3A_207, %dma_wait3A_208, %dma_wait3A_209] : memref<4x128x128xf32, #tpu.memory_space<vmem>> -> memref<1x128x128xf32, #tpu.memory_space<vmem>>
    %dma_wait3A_211 = tpu.memref_squeeze %dma_wait3A_210 : memref<1x128x128xf32, #tpu.memory_space<vmem>> -> memref<128x128xf32, #tpu.memory_space<vmem>>
    %dma_wait3A_212 = arith.constant 0 : i32
    %dma_wait3A_213 = arith.constant 0 : i32
    %dma_wait3A_214 = tpu.memref_slice %arg2[%dma_wait3A_212, %dma_wait3A_213] : memref<100000x128xf32, #tpu.memory_space<hbm>> -> memref<128x128xf32, #tpu.memory_space<hbm>>
    %dma_wait3A_215 = arith.constant 0 : i32
    %dma_wait3A_216 = arith.constant 0 : i32
    %dma_wait3A_217 = tpu.memref_slice %arg6[%dma_wait3A_207, %dma_wait3A_215, %dma_wait3A_216] : memref<4x128x128xf32, #tpu.memory_space<vmem>> -> memref<1x128x128xf32, #tpu.memory_space<vmem>>
    %dma_wait3A_218 = tpu.memref_squeeze %dma_wait3A_217 : memref<1x128x128xf32, #tpu.memory_space<vmem>> -> memref<128x128xf32, #tpu.memory_space<vmem>>
    %dma_wait3A_219 = arith.constant 0 : i32
    %dma_wait3A_220 = arith.constant 0 : i32
    %dma_wait3A_221 = tpu.memref_slice %arg2[%dma_wait3A_219, %dma_wait3A_220] : memref<100000x128xf32, #tpu.memory_space<hbm>> -> memref<128x128xf32, #tpu.memory_space<hbm>>
    tpu.wait_dma2 semaphore(%arg10 : memref<!tpu.dma_semaphore, #tpu.memory_space<semaphore_mem>>) src(%dma_wait3A_221 : memref<128x128xf32, #tpu.memory_space<hbm>>) dst(%dma_wait3A_218 : memref<128x128xf32, #tpu.memory_space<vmem>>)
    %parallel_loop3A_222 = arith.constant 0 : i32
    %parallel_loop3A_223 = arith.constant 128 : i32
    %parallel_loop3A_224 = arith.constant 2 : i32
    scf.for %parallel_loop3A_501 = %parallel_loop3A_222 to %parallel_loop3A_223 step %parallel_loop3A_224  : i32 {
      %parallel_loop3A_502 = arith.constant 0 : i32
      %parallel_loop3A_503 = arith.addi %parallel_loop3A_501, %parallel_loop3A_502 : i32
      %parallel_loop3A_504 = arith.constant 3 : i32
      %parallel_loop3A_505 = arith.index_cast %parallel_loop3A_504 : i32 to index
      %parallel_loop3A_506 = arith.index_cast %parallel_loop3A_503 : i32 to index
      %parallel_loop3A_507 = arith.constant 0 : index
      %parallel_loop3A_508 = tpu.vector_load %arg6[%parallel_loop3A_505, %parallel_loop3A_506, %parallel_loop3A_507] {strides = array<i32>} : memref<4x128x128xf32, #tpu.memory_space<vmem>>, vector<1x1x16xf32>,
      %parallel_loop3A_509 = vector.shape_cast %parallel_loop3A_508 : vector<1x1x16xf32> to vector<16xf32>
      %parallel_loop3A_510 = arith.constant 11.3137083 : f32
      %parallel_loop3A_511 = vector.broadcast %parallel_loop3A_510 : f32 to vector<16xf32>
      %parallel_loop3A_512 = arith.mulf %parallel_loop3A_509, %parallel_loop3A_511 : vector<16xf32>
      %parallel_loop3A_513 = arith.constant 0 : i32
      %parallel_loop3A_514 = arith.addi %parallel_loop3A_501, %parallel_loop3A_513 : i32
      %parallel_loop3A_515 = arith.constant 3 : i32
      %parallel_loop3A_516 = arith.index_cast %parallel_loop3A_515 : i32 to index
      %parallel_loop3A_517 = arith.index_cast %parallel_loop3A_514 : i32 to index
      %parallel_loop3A_518 = arith.constant 0 : index
      %parallel_loop3A_519 = tpu.vector_load %arg6[%parallel_loop3A_516, %parallel_loop3A_517, %parallel_loop3A_518] {strides = array<i32>} : memref<4x128x128xf32, #tpu.memory_space<vmem>>, vector<1x1x16xf32>,
      %parallel_loop3A_520 = vector.shape_cast %parallel_loop3A_519 : vector<1x1x16xf32> to vector<16xf32>
      %parallel_loop3A_521 = vector.shape_cast %parallel_loop3A_512 : vector<16xf32> to vector<1x1x16xf32>
      tpu.vector_store %arg6[%parallel_loop3A_516, %parallel_loop3A_517, %parallel_loop3A_518], %parallel_loop3A_521 {strides = array<i32>} : memref<4x128x128xf32, #tpu.memory_space<vmem>>, vector<1x1x16xf32>,
      %parallel_loop3A_522 = arith.constant 0 : i32
      %parallel_loop3A_523 = arith.addi %parallel_loop3A_501, %parallel_loop3A_522 : i32
      %parallel_loop3A_524 = arith.constant 3 : i32
      %parallel_loop3A_525 = arith.index_cast %parallel_loop3A_524 : i32 to index
      %parallel_loop3A_526 = arith.index_cast %parallel_loop3A_523 : i32 to index
      %parallel_loop3A_527 = arith.constant 16 : index
      %parallel_loop3A_528 = tpu.vector_load %arg6[%parallel_loop3A_525, %parallel_loop3A_526, %parallel_loop3A_527] {strides = array<i32>} : memref<4x128x128xf32, #tpu.memory_space<vmem>>, vector<1x1x16xf32>,
      %parallel_loop3A_529 = vector.shape_cast %parallel_loop3A_528 : vector<1x1x16xf32> to vector<16xf32>
      %parallel_loop3A_530 = arith.constant 11.3137083 : f32
      %parallel_loop3A_531 = vector.broadcast %parallel_loop3A_530 : f32 to vector<16xf32>
      %parallel_loop3A_532 = arith.mulf %parallel_loop3A_529, %parallel_loop3A_531 : vector<16xf32>
      %parallel_loop3A_533 = arith.constant 0 : i32
      %parallel_loop3A_534 = arith.addi %parallel_loop3A_501, %parallel_loop3A_533 : i32
      %parallel_loop3A_535 = arith.constant 3 : i32
      %parallel_loop3A_536 = arith.index_cast %parallel_loop3A_535 : i32 to index
      %parallel_loop3A_537 = arith.index_cast %parallel_loop3A_534 : i32 to index
      %parallel_loop3A_538 = arith.constant 16 : index
      %parallel_loop3A_539 = tpu.vector_load %arg6[%parallel_loop3A_536, %parallel_loop3A_537, %parallel_loop3A_538] {strides = array<i32>} : memref<4x128x128xf32, #tpu.memory_space<vmem>>, vector<1x1x16xf32>,
      %parallel_loop3A_540 = vector.shape_cast %parallel_loop3A_539 : vector<1x1x16xf32> to vector<16xf32>
      %parallel_loop3A_541 = vector.shape_cast %parallel_loop3A_532 : vector<16xf32> to vector<1x1x16xf32>
      tpu.vector_store %arg6[%parallel_loop3A_536, %parallel_loop3A_537, %parallel_loop3A_538], %parallel_loop3A_541 {strides = array<i32>} : memref<4x128x128xf32, #tpu.memory_space<vmem>>, vector<1x1x16xf32>,
      %parallel_loop3A_542 = arith.constant 0 : i32
      %parallel_loop3A_543 = arith.addi %parallel_loop3A_501, %parallel_loop3A_542 : i32
      %parallel_loop3A_544 = arith.constant 3 : i32
      %parallel_loop3A_545 = arith.index_cast %parallel_loop3A_544 : i32 to index
      %parallel_loop3A_546 = arith.index_cast %parallel_loop3A_543 : i32 to index
      %parallel_loop3A_547 = arith.constant 32 : index
      %parallel_loop3A_548 = tpu.vector_load %arg6[%parallel_loop3A_545, %parallel_loop3A_546, %parallel_loop3A_547] {strides = array<i32>} : memref<4x128x128xf32, #tpu.memory_space<vmem>>, vector<1x1x16xf32>,
      %parallel_loop3A_549 = vector.shape_cast %parallel_loop3A_548 : vector<1x1x16xf32> to vector<16xf32>
      %parallel_loop3A_550 = arith.constant 11.3137083 : f32
      %parallel_loop3A_551 = vector.broadcast %parallel_loop3A_550 : f32 to vector<16xf32>
      %parallel_loop3A_552 = arith.mulf %parallel_loop3A_549, %parallel_loop3A_551 : vector<16xf32>
      %parallel_loop3A_553 = arith.constant 0 : i32
      %parallel_loop3A_554 = arith.addi %parallel_loop3A_501, %parallel_loop3A_553 : i32
      %parallel_loop3A_555 = arith.constant 3 : i32
      %parallel_loop3A_556 = arith.index_cast %parallel_loop3A_555 : i32 to index
      %parallel_loop3A_557 = arith.index_cast %parallel_loop3A_554 : i32 to index
      %parallel_loop3A_558 = arith.constant 32 : index
      %parallel_loop3A_559 = tpu.vector_load %arg6[%parallel_loop3A_556, %parallel_loop3A_557, %parallel_loop3A_558] {strides = array<i32>} : memref<4x128x128xf32, #tpu.memory_space<vmem>>, vector<1x1x16xf32>,
      %parallel_loop3A_560 = vector.shape_cast %parallel_loop3A_559 : vector<1x1x16xf32> to vector<16xf32>
      %parallel_loop3A_561 = vector.shape_cast %parallel_loop3A_552 : vector<16xf32> to vector<1x1x16xf32>
      tpu.vector_store %arg6[%parallel_loop3A_556, %parallel_loop3A_557, %parallel_loop3A_558], %parallel_loop3A_561 {strides = array<i32>} : memref<4x128x128xf32, #tpu.memory_space<vmem>>, vector<1x1x16xf32>,
      %parallel_loop3A_562 = arith.constant 0 : i32
      %parallel_loop3A_563 = arith.addi %parallel_loop3A_501, %parallel_loop3A_562 : i32
      %parallel_loop3A_564 = arith.constant 3 : i32
      %parallel_loop3A_565 = arith.index_cast %parallel_loop3A_564 : i32 to index
      %parallel_loop3A_566 = arith.index_cast %parallel_loop3A_563 : i32 to index
      %parallel_loop3A_567 = arith.constant 48 : index
      %parallel_loop3A_568 = tpu.vector_load %arg6[%parallel_loop3A_565, %parallel_loop3A_566, %parallel_loop3A_567] {strides = array<i32>} : memref<4x128x128xf32, #tpu.memory_space<vmem>>, vector<1x1x16xf32>,
      %parallel_loop3A_569 = vector.shape_cast %parallel_loop3A_568 : vector<1x1x16xf32> to vector<16xf32>
      %parallel_loop3A_570 = arith.constant 11.3137083 : f32
      %parallel_loop3A_571 = vector.broadcast %parallel_loop3A_570 : f32 to vector<16xf32>
      %parallel_loop3A_572 = arith.mulf %parallel_loop3A_569, %parallel_loop3A_571 : vector<16xf32>
      %parallel_loop3A_573 = arith.constant 0 : i32
      %parallel_loop3A_574 = arith.addi %parallel_loop3A_501, %parallel_loop3A_573 : i32
      %parallel_loop3A_575 = arith.constant 3 : i32
      %parallel_loop3A_576 = arith.index_cast %parallel_loop3A_575 : i32 to index
      %parallel_loop3A_577 = arith.index_cast %parallel_loop3A_574 : i32 to index
      %parallel_loop3A_578 = arith.constant 48 : index
      %parallel_loop3A_579 = tpu.vector_load %arg6[%parallel_loop3A_576, %parallel_loop3A_577, %parallel_loop3A_578] {strides = array<i32>} : memref<4x128x128xf32, #tpu.memory_space<vmem>>, vector<1x1x16xf32>,
      %parallel_loop3A_580 = vector.shape_cast %parallel_loop3A_579 : vector<1x1x16xf32> to vector<16xf32>
      %parallel_loop3A_581 = vector.shape_cast %parallel_loop3A_572 : vector<16xf32> to vector<1x1x16xf32>
      tpu.vector_store %arg6[%parallel_loop3A_576, %parallel_loop3A_577, %parallel_loop3A_578], %parallel_loop3A_581 {strides = array<i32>} : memref<4x128x128xf32, #tpu.memory_space<vmem>>, vector<1x1x16xf32>,
      %parallel_loop3A_582 = arith.constant 0 : i32
      %parallel_loop3A_583 = arith.addi %parallel_loop3A_501, %parallel_loop3A_582 : i32
      %parallel_loop3A_584 = arith.constant 3 : i32
      %parallel_loop3A_585 = arith.index_cast %parallel_loop3A_584 : i32 to index
      %parallel_loop3A_586 = arith.index_cast %parallel_loop3A_583 : i32 to index
      %parallel_loop3A_587 = arith.constant 64 : index
      %parallel_loop3A_588 = tpu.vector_load %arg6[%parallel_loop3A_585, %parallel_loop3A_586, %parallel_loop3A_587] {strides = array<i32>} : memref<4x128x128xf32, #tpu.memory_space<vmem>>, vector<1x1x16xf32>,
      %parallel_loop3A_589 = vector.shape_cast %parallel_loop3A_588 : vector<1x1x16xf32> to vector<16xf32>
      %parallel_loop3A_590 = arith.constant 11.3137083 : f32
      %parallel_loop3A_591 = vector.broadcast %parallel_loop3A_590 : f32 to vector<16xf32>
      %parallel_loop3A_592 = arith.mulf %parallel_loop3A_589, %parallel_loop3A_591 : vector<16xf32>
      %parallel_loop3A_593 = arith.constant 0 : i32
      %parallel_loop3A_594 = arith.addi %parallel_loop3A_501, %parallel_loop3A_593 : i32
      %parallel_loop3A_595 = arith.constant 3 : i32
      %parallel_loop3A_596 = arith.index_cast %parallel_loop3A_595 : i32 to index
      %parallel_loop3A_597 = arith.index_cast %parallel_loop3A_594 : i32 to index
      %parallel_loop3A_598 = arith.constant 64 : index
      %parallel_loop3A_599 = tpu.vector_load %arg6[%parallel_loop3A_596, %parallel_loop3A_597, %parallel_loop3A_598] {strides = array<i32>} : memref<4x128x128xf32, #tpu.memory_space<vmem>>, vector<1x1x16xf32>,
      %parallel_loop3A_600 = vector.shape_cast %parallel_loop3A_599 : vector<1x1x16xf32> to vector<16xf32>
      %parallel_loop3A_601 = vector.shape_cast %parallel_loop3A_592 : vector<16xf32> to vector<1x1x16xf32>
      tpu.vector_store %arg6[%parallel_loop3A_596, %parallel_loop3A_597, %parallel_loop3A_598], %parallel_loop3A_601 {strides = array<i32>} : memref<4x128x128xf32, #tpu.memory_space<vmem>>, vector<1x1x16xf32>,
      %parallel_loop3A_602 = arith.constant 0 : i32
      %parallel_loop3A_603 = arith.addi %parallel_loop3A_501, %parallel_loop3A_602 : i32
      %parallel_loop3A_604 = arith.constant 3 : i32
      %parallel_loop3A_605 = arith.index_cast %parallel_loop3A_604 : i32 to index
      %parallel_loop3A_606 = arith.index_cast %parallel_loop3A_603 : i32 to index
      %parallel_loop3A_607 = arith.constant 80 : index
      %parallel_loop3A_608 = tpu.vector_load %arg6[%parallel_loop3A_605, %parallel_loop3A_606, %parallel_loop3A_607] {strides = array<i32>} : memref<4x128x128xf32, #tpu.memory_space<vmem>>, vector<1x1x16xf32>,
      %parallel_loop3A_609 = vector.shape_cast %parallel_loop3A_608 : vector<1x1x16xf32> to vector<16xf32>
      %parallel_loop3A_610 = arith.constant 11.3137083 : f32
      %parallel_loop3A_611 = vector.broadcast %parallel_loop3A_610 : f32 to vector<16xf32>
      %parallel_loop3A_612 = arith.mulf %parallel_loop3A_609, %parallel_loop3A_611 : vector<16xf32>
      %parallel_loop3A_613 = arith.constant 0 : i32
      %parallel_loop3A_614 = arith.addi %parallel_loop3A_501, %parallel_loop3A_613 : i32
      %parallel_loop3A_615 = arith.constant 3 : i32
      %parallel_loop3A_616 = arith.index_cast %parallel_loop3A_615 : i32 to index
      %parallel_loop3A_617 = arith.index_cast %parallel_loop3A_614 : i32 to index
      %parallel_loop3A_618 = arith.constant 80 : index
      %parallel_loop3A_619 = tpu.vector_load %arg6[%parallel_loop3A_616, %parallel_loop3A_617, %parallel_loop3A_618] {strides = array<i32>} : memref<4x128x128xf32, #tpu.memory_space<vmem>>, vector<1x1x16xf32>,
      %parallel_loop3A_620 = vector.shape_cast %parallel_loop3A_619 : vector<1x1x16xf32> to vector<16xf32>
      %parallel_loop3A_621 = vector.shape_cast %parallel_loop3A_612 : vector<16xf32> to vector<1x1x16xf32>
      tpu.vector_store %arg6[%parallel_loop3A_616, %parallel_loop3A_617, %parallel_loop3A_618], %parallel_loop3A_621 {strides = array<i32>} : memref<4x128x128xf32, #tpu.memory_space<vmem>>, vector<1x1x16xf32>,
      %parallel_loop3A_622 = arith.constant 0 : i32
      %parallel_loop3A_623 = arith.addi %parallel_loop3A_501, %parallel_loop3A_622 : i32
      %parallel_loop3A_624 = arith.constant 3 : i32
      %parallel_loop3A_625 = arith.index_cast %parallel_loop3A_624 : i32 to index
      %parallel_loop3A_626 = arith.index_cast %parallel_loop3A_623 : i32 to index
      %parallel_loop3A_627 = arith.constant 96 : index
      %parallel_loop3A_628 = tpu.vector_load %arg6[%parallel_loop3A_625, %parallel_loop3A_626, %parallel_loop3A_627] {strides = array<i32>} : memref<4x128x128xf32, #tpu.memory_space<vmem>>, vector<1x1x16xf32>,
      %parallel_loop3A_629 = vector.shape_cast %parallel_loop3A_628 : vector<1x1x16xf32> to vector<16xf32>
      %parallel_loop3A_630 = arith.constant 11.3137083 : f32
      %parallel_loop3A_631 = vector.broadcast %parallel_loop3A_630 : f32 to vector<16xf32>
      %parallel_loop3A_632 = arith.mulf %parallel_loop3A_629, %parallel_loop3A_631 : vector<16xf32>
      %parallel_loop3A_633 = arith.constant 0 : i32
      %parallel_loop3A_634 = arith.addi %parallel_loop3A_501, %parallel_loop3A_633 : i32
      %parallel_loop3A_635 = arith.constant 3 : i32
      %parallel_loop3A_636 = arith.index_cast %parallel_loop3A_635 : i32 to index
      %parallel_loop3A_637 = arith.index_cast %parallel_loop3A_634 : i32 to index
      %parallel_loop3A_638 = arith.constant 96 : index
      %parallel_loop3A_639 = tpu.vector_load %arg6[%parallel_loop3A_636, %parallel_loop3A_637, %parallel_loop3A_638] {strides = array<i32>} : memref<4x128x128xf32, #tpu.memory_space<vmem>>, vector<1x1x16xf32>,
      %parallel_loop3A_640 = vector.shape_cast %parallel_loop3A_639 : vector<1x1x16xf32> to vector<16xf32>
      %parallel_loop3A_641 = vector.shape_cast %parallel_loop3A_632 : vector<16xf32> to vector<1x1x16xf32>
      tpu.vector_store %arg6[%parallel_loop3A_636, %parallel_loop3A_637, %parallel_loop3A_638], %parallel_loop3A_641 {strides = array<i32>} : memref<4x128x128xf32, #tpu.memory_space<vmem>>, vector<1x1x16xf32>,
      %parallel_loop3A_642 = arith.constant 0 : i32
      %parallel_loop3A_643 = arith.addi %parallel_loop3A_501, %parallel_loop3A_642 : i32
      %parallel_loop3A_644 = arith.constant 3 : i32
      %parallel_loop3A_645 = arith.index_cast %parallel_loop3A_644 : i32 to index
      %parallel_loop3A_646 = arith.index_cast %parallel_loop3A_643 : i32 to index
      %parallel_loop3A_647 = arith.constant 112 : index
      %parallel_loop3A_648 = tpu.vector_load %arg6[%parallel_loop3A_645, %parallel_loop3A_646, %parallel_loop3A_647] {strides = array<i32>} : memref<4x128x128xf32, #tpu.memory_space<vmem>>, vector<1x1x16xf32>,
      %parallel_loop3A_649 = vector.shape_cast %parallel_loop3A_648 : vector<1x1x16xf32> to vector<16xf32>
      %parallel_loop3A_650 = arith.constant 11.3137083 : f32
      %parallel_loop3A_651 = vector.broadcast %parallel_loop3A_650 : f32 to vector<16xf32>
      %parallel_loop3A_652 = arith.mulf %parallel_loop3A_649, %parallel_loop3A_651 : vector<16xf32>
      %parallel_loop3A_653 = arith.constant 0 : i32
      %parallel_loop3A_654 = arith.addi %parallel_loop3A_501, %parallel_loop3A_653 : i32
      %parallel_loop3A_655 = arith.constant 3 : i32
      %parallel_loop3A_656 = arith.index_cast %parallel_loop3A_655 : i32 to index
      %parallel_loop3A_657 = arith.index_cast %parallel_loop3A_654 : i32 to index
      %parallel_loop3A_658 = arith.constant 112 : index
      %parallel_loop3A_659 = tpu.vector_load %arg6[%parallel_loop3A_656, %parallel_loop3A_657, %parallel_loop3A_658] {strides = array<i32>} : memref<4x128x128xf32, #tpu.memory_space<vmem>>, vector<1x1x16xf32>,
      %parallel_loop3A_660 = vector.shape_cast %parallel_loop3A_659 : vector<1x1x16xf32> to vector<16xf32>
      %parallel_loop3A_661 = vector.shape_cast %parallel_loop3A_652 : vector<16xf32> to vector<1x1x16xf32>
      tpu.vector_store %arg6[%parallel_loop3A_656, %parallel_loop3A_657, %parallel_loop3A_658], %parallel_loop3A_661 {strides = array<i32>} : memref<4x128x128xf32, #tpu.memory_space<vmem>>, vector<1x1x16xf32>,
      %parallel_loop3A_662 = arith.constant 1 : i32
      %parallel_loop3A_663 = arith.addi %parallel_loop3A_501, %parallel_loop3A_662 : i32
      %parallel_loop3A_664 = arith.constant 3 : i32
      %parallel_loop3A_665 = arith.index_cast %parallel_loop3A_664 : i32 to index
      %parallel_loop3A_666 = arith.index_cast %parallel_loop3A_663 : i32 to index
      %parallel_loop3A_667 = arith.constant 0 : index
      %parallel_loop3A_668 = tpu.vector_load %arg6[%parallel_loop3A_665, %parallel_loop3A_666, %parallel_loop3A_667] {strides = array<i32>} : memref<4x128x128xf32, #tpu.memory_space<vmem>>, vector<1x1x16xf32>,
      %parallel_loop3A_669 = vector.shape_cast %parallel_loop3A_668 : vector<1x1x16xf32> to vector<16xf32>
      %parallel_loop3A_670 = arith.constant 11.3137083 : f32
      %parallel_loop3A_671 = vector.broadcast %parallel_loop3A_670 : f32 to vector<16xf32>
      %parallel_loop3A_672 = arith.mulf %parallel_loop3A_669, %parallel_loop3A_671 : vector<16xf32>
      %parallel_loop3A_673 = arith.constant 1 : i32
      %parallel_loop3A_674 = arith.addi %parallel_loop3A_501, %parallel_loop3A_673 : i32
      %parallel_loop3A_675 = arith.constant 3 : i32
      %parallel_loop3A_676 = arith.index_cast %parallel_loop3A_675 : i32 to index
      %parallel_loop3A_677 = arith.index_cast %parallel_loop3A_674 : i32 to index
      %parallel_loop3A_678 = arith.constant 0 : index
      %parallel_loop3A_679 = tpu.vector_load %arg6[%parallel_loop3A_676, %parallel_loop3A_677, %parallel_loop3A_678] {strides = array<i32>} : memref<4x128x128xf32, #tpu.memory_space<vmem>>, vector<1x1x16xf32>,
      %parallel_loop3A_680 = vector.shape_cast %parallel_loop3A_679 : vector<1x1x16xf32> to vector<16xf32>
      %parallel_loop3A_681 = vector.shape_cast %parallel_loop3A_672 : vector<16xf32> to vector<1x1x16xf32>
      tpu.vector_store %arg6[%parallel_loop3A_676, %parallel_loop3A_677, %parallel_loop3A_678], %parallel_loop3A_681 {strides = array<i32>} : memref<4x128x128xf32, #tpu.memory_space<vmem>>, vector<1x1x16xf32>,
      %parallel_loop3A_682 = arith.constant 1 : i32
      %parallel_loop3A_683 = arith.addi %parallel_loop3A_501, %parallel_loop3A_682 : i32
      %parallel_loop3A_684 = arith.constant 3 : i32
      %parallel_loop3A_685 = arith.index_cast %parallel_loop3A_684 : i32 to index
      %parallel_loop3A_686 = arith.index_cast %parallel_loop3A_683 : i32 to index
      %parallel_loop3A_687 = arith.constant 16 : index
      %parallel_loop3A_688 = tpu.vector_load %arg6[%parallel_loop3A_685, %parallel_loop3A_686, %parallel_loop3A_687] {strides = array<i32>} : memref<4x128x128xf32, #tpu.memory_space<vmem>>, vector<1x1x16xf32>,
      %parallel_loop3A_689 = vector.shape_cast %parallel_loop3A_688 : vector<1x1x16xf32> to vector<16xf32>
      %parallel_loop3A_690 = arith.constant 11.3137083 : f32
      %parallel_loop3A_691 = vector.broadcast %parallel_loop3A_690 : f32 to vector<16xf32>
      %parallel_loop3A_692 = arith.mulf %parallel_loop3A_689, %parallel_loop3A_691 : vector<16xf32>
      %parallel_loop3A_693 = arith.constant 1 : i32
      %parallel_loop3A_694 = arith.addi %parallel_loop3A_501, %parallel_loop3A_693 : i32
      %parallel_loop3A_695 = arith.constant 3 : i32
      %parallel_loop3A_696 = arith.index_cast %parallel_loop3A_695 : i32 to index
      %parallel_loop3A_697 = arith.index_cast %parallel_loop3A_694 : i32 to index
      %parallel_loop3A_698 = arith.constant 16 : index
      %parallel_loop3A_699 = tpu.vector_load %arg6[%parallel_loop3A_696, %parallel_loop3A_697, %parallel_loop3A_698] {strides = array<i32>} : memref<4x128x128xf32, #tpu.memory_space<vmem>>, vector<1x1x16xf32>,
      %parallel_loop3A_700 = vector.shape_cast %parallel_loop3A_699 : vector<1x1x16xf32> to vector<16xf32>
      %parallel_loop3A_701 = vector.shape_cast %parallel_loop3A_692 : vector<16xf32> to vector<1x1x16xf32>
      tpu.vector_store %arg6[%parallel_loop3A_696, %parallel_loop3A_697, %parallel_loop3A_698], %parallel_loop3A_701 {strides = array<i32>} : memref<4x128x128xf32, #tpu.memory_space<vmem>>, vector<1x1x16xf32>,
      %parallel_loop3A_702 = arith.constant 1 : i32
      %parallel_loop3A_703 = arith.addi %parallel_loop3A_501, %parallel_loop3A_702 : i32
      %parallel_loop3A_704 = arith.constant 3 : i32
      %parallel_loop3A_705 = arith.index_cast %parallel_loop3A_704 : i32 to index
      %parallel_loop3A_706 = arith.index_cast %parallel_loop3A_703 : i32 to index
      %parallel_loop3A_707 = arith.constant 32 : index
      %parallel_loop3A_708 = tpu.vector_load %arg6[%parallel_loop3A_705, %parallel_loop3A_706, %parallel_loop3A_707] {strides = array<i32>} : memref<4x128x128xf32, #tpu.memory_space<vmem>>, vector<1x1x16xf32>,
      %parallel_loop3A_709 = vector.shape_cast %parallel_loop3A_708 : vector<1x1x16xf32> to vector<16xf32>
      %parallel_loop3A_710 = arith.constant 11.3137083 : f32
      %parallel_loop3A_711 = vector.broadcast %parallel_loop3A_710 : f32 to vector<16xf32>
      %parallel_loop3A_712 = arith.mulf %parallel_loop3A_709, %parallel_loop3A_711 : vector<16xf32>
      %parallel_loop3A_713 = arith.constant 1 : i32
      %parallel_loop3A_714 = arith.addi %parallel_loop3A_501, %parallel_loop3A_713 : i32
      %parallel_loop3A_715 = arith.constant 3 : i32
      %parallel_loop3A_716 = arith.index_cast %parallel_loop3A_715 : i32 to index
      %parallel_loop3A_717 = arith.index_cast %parallel_loop3A_714 : i32 to index
      %parallel_loop3A_718 = arith.constant 32 : index
      %parallel_loop3A_719 = tpu.vector_load %arg6[%parallel_loop3A_716, %parallel_loop3A_717, %parallel_loop3A_718] {strides = array<i32>} : memref<4x128x128xf32, #tpu.memory_space<vmem>>, vector<1x1x16xf32>,
      %parallel_loop3A_720 = vector.shape_cast %parallel_loop3A_719 : vector<1x1x16xf32> to vector<16xf32>
      %parallel_loop3A_721 = vector.shape_cast %parallel_loop3A_712 : vector<16xf32> to vector<1x1x16xf32>
      tpu.vector_store %arg6[%parallel_loop3A_716, %parallel_loop3A_717, %parallel_loop3A_718], %parallel_loop3A_721 {strides = array<i32>} : memref<4x128x128xf32, #tpu.memory_space<vmem>>, vector<1x1x16xf32>,
      %parallel_loop3A_722 = arith.constant 1 : i32
      %parallel_loop3A_723 = arith.addi %parallel_loop3A_501, %parallel_loop3A_722 : i32
      %parallel_loop3A_724 = arith.constant 3 : i32
      %parallel_loop3A_725 = arith.index_cast %parallel_loop3A_724 : i32 to index
      %parallel_loop3A_726 = arith.index_cast %parallel_loop3A_723 : i32 to index
      %parallel_loop3A_727 = arith.constant 48 : index
      %parallel_loop3A_728 = tpu.vector_load %arg6[%parallel_loop3A_725, %parallel_loop3A_726, %parallel_loop3A_727] {strides = array<i32>} : memref<4x128x128xf32, #tpu.memory_space<vmem>>, vector<1x1x16xf32>,
      %parallel_loop3A_729 = vector.shape_cast %parallel_loop3A_728 : vector<1x1x16xf32> to vector<16xf32>
      %parallel_loop3A_730 = arith.constant 11.3137083 : f32
      %parallel_loop3A_731 = vector.broadcast %parallel_loop3A_730 : f32 to vector<16xf32>
      %parallel_loop3A_732 = arith.mulf %parallel_loop3A_729, %parallel_loop3A_731 : vector<16xf32>
      %parallel_loop3A_733 = arith.constant 1 : i32
      %parallel_loop3A_734 = arith.addi %parallel_loop3A_501, %parallel_loop3A_733 : i32
      %parallel_loop3A_735 = arith.constant 3 : i32
      %parallel_loop3A_736 = arith.index_cast %parallel_loop3A_735 : i32 to index
      %parallel_loop3A_737 = arith.index_cast %parallel_loop3A_734 : i32 to index
      %parallel_loop3A_738 = arith.constant 48 : index
      %parallel_loop3A_739 = tpu.vector_load %arg6[%parallel_loop3A_736, %parallel_loop3A_737, %parallel_loop3A_738] {strides = array<i32>} : memref<4x128x128xf32, #tpu.memory_space<vmem>>, vector<1x1x16xf32>,
      %parallel_loop3A_740 = vector.shape_cast %parallel_loop3A_739 : vector<1x1x16xf32> to vector<16xf32>
      %parallel_loop3A_741 = vector.shape_cast %parallel_loop3A_732 : vector<16xf32> to vector<1x1x16xf32>
      tpu.vector_store %arg6[%parallel_loop3A_736, %parallel_loop3A_737, %parallel_loop3A_738], %parallel_loop3A_741 {strides = array<i32>} : memref<4x128x128xf32, #tpu.memory_space<vmem>>, vector<1x1x16xf32>,
      %parallel_loop3A_742 = arith.constant 1 : i32
      %parallel_loop3A_743 = arith.addi %parallel_loop3A_501, %parallel_loop3A_742 : i32
      %parallel_loop3A_744 = arith.constant 3 : i32
      %parallel_loop3A_745 = arith.index_cast %parallel_loop3A_744 : i32 to index
      %parallel_loop3A_746 = arith.index_cast %parallel_loop3A_743 : i32 to index
      %parallel_loop3A_747 = arith.constant 64 : index
      %parallel_loop3A_748 = tpu.vector_load %arg6[%parallel_loop3A_745, %parallel_loop3A_746, %parallel_loop3A_747] {strides = array<i32>} : memref<4x128x128xf32, #tpu.memory_space<vmem>>, vector<1x1x16xf32>,
      %parallel_loop3A_749 = vector.shape_cast %parallel_loop3A_748 : vector<1x1x16xf32> to vector<16xf32>
      %parallel_loop3A_750 = arith.constant 11.3137083 : f32
      %parallel_loop3A_751 = vector.broadcast %parallel_loop3A_750 : f32 to vector<16xf32>
      %parallel_loop3A_752 = arith.mulf %parallel_loop3A_749, %parallel_loop3A_751 : vector<16xf32>
      %parallel_loop3A_753 = arith.constant 1 : i32
      %parallel_loop3A_754 = arith.addi %parallel_loop3A_501, %parallel_loop3A_753 : i32
      %parallel_loop3A_755 = arith.constant 3 : i32
      %parallel_loop3A_756 = arith.index_cast %parallel_loop3A_755 : i32 to index
      %parallel_loop3A_757 = arith.index_cast %parallel_loop3A_754 : i32 to index
      %parallel_loop3A_758 = arith.constant 64 : index
      %parallel_loop3A_759 = tpu.vector_load %arg6[%parallel_loop3A_756, %parallel_loop3A_757, %parallel_loop3A_758] {strides = array<i32>} : memref<4x128x128xf32, #tpu.memory_space<vmem>>, vector<1x1x16xf32>,
      %parallel_loop3A_760 = vector.shape_cast %parallel_loop3A_759 : vector<1x1x16xf32> to vector<16xf32>
      %parallel_loop3A_761 = vector.shape_cast %parallel_loop3A_752 : vector<16xf32> to vector<1x1x16xf32>
      tpu.vector_store %arg6[%parallel_loop3A_756, %parallel_loop3A_757, %parallel_loop3A_758], %parallel_loop3A_761 {strides = array<i32>} : memref<4x128x128xf32, #tpu.memory_space<vmem>>, vector<1x1x16xf32>,
      %parallel_loop3A_762 = arith.constant 1 : i32
      %parallel_loop3A_763 = arith.addi %parallel_loop3A_501, %parallel_loop3A_762 : i32
      %parallel_loop3A_764 = arith.constant 3 : i32
      %parallel_loop3A_765 = arith.index_cast %parallel_loop3A_764 : i32 to index
      %parallel_loop3A_766 = arith.index_cast %parallel_loop3A_763 : i32 to index
      %parallel_loop3A_767 = arith.constant 80 : index
      %parallel_loop3A_768 = tpu.vector_load %arg6[%parallel_loop3A_765, %parallel_loop3A_766, %parallel_loop3A_767] {strides = array<i32>} : memref<4x128x128xf32, #tpu.memory_space<vmem>>, vector<1x1x16xf32>,
      %parallel_loop3A_769 = vector.shape_cast %parallel_loop3A_768 : vector<1x1x16xf32> to vector<16xf32>
      %parallel_loop3A_770 = arith.constant 11.3137083 : f32
      %parallel_loop3A_771 = vector.broadcast %parallel_loop3A_770 : f32 to vector<16xf32>
      %parallel_loop3A_772 = arith.mulf %parallel_loop3A_769, %parallel_loop3A_771 : vector<16xf32>
      %parallel_loop3A_773 = arith.constant 1 : i32
      %parallel_loop3A_774 = arith.addi %parallel_loop3A_501, %parallel_loop3A_773 : i32
      %parallel_loop3A_775 = arith.constant 3 : i32
      %parallel_loop3A_776 = arith.index_cast %parallel_loop3A_775 : i32 to index
      %parallel_loop3A_777 = arith.index_cast %parallel_loop3A_774 : i32 to index
      %parallel_loop3A_778 = arith.constant 80 : index
      %parallel_loop3A_779 = tpu.vector_load %arg6[%parallel_loop3A_776, %parallel_loop3A_777, %parallel_loop3A_778] {strides = array<i32>} : memref<4x128x128xf32, #tpu.memory_space<vmem>>, vector<1x1x16xf32>,
      %parallel_loop3A_780 = vector.shape_cast %parallel_loop3A_779 : vector<1x1x16xf32> to vector<16xf32>
      %parallel_loop3A_781 = vector.shape_cast %parallel_loop3A_772 : vector<16xf32> to vector<1x1x16xf32>
      tpu.vector_store %arg6[%parallel_loop3A_776, %parallel_loop3A_777, %parallel_loop3A_778], %parallel_loop3A_781 {strides = array<i32>} : memref<4x128x128xf32, #tpu.memory_space<vmem>>, vector<1x1x16xf32>,
      %parallel_loop3A_782 = arith.constant 1 : i32
      %parallel_loop3A_783 = arith.addi %parallel_loop3A_501, %parallel_loop3A_782 : i32
      %parallel_loop3A_784 = arith.constant 3 : i32
      %parallel_loop3A_785 = arith.index_cast %parallel_loop3A_784 : i32 to index
      %parallel_loop3A_786 = arith.index_cast %parallel_loop3A_783 : i32 to index
      %parallel_loop3A_787 = arith.constant 96 : index
      %parallel_loop3A_788 = tpu.vector_load %arg6[%parallel_loop3A_785, %parallel_loop3A_786, %parallel_loop3A_787] {strides = array<i32>} : memref<4x128x128xf32, #tpu.memory_space<vmem>>, vector<1x1x16xf32>,
      %parallel_loop3A_789 = vector.shape_cast %parallel_loop3A_788 : vector<1x1x16xf32> to vector<16xf32>
      %parallel_loop3A_790 = arith.constant 11.3137083 : f32
      %parallel_loop3A_791 = vector.broadcast %parallel_loop3A_790 : f32 to vector<16xf32>
      %parallel_loop3A_792 = arith.mulf %parallel_loop3A_789, %parallel_loop3A_791 : vector<16xf32>
      %parallel_loop3A_793 = arith.constant 1 : i32
      %parallel_loop3A_794 = arith.addi %parallel_loop3A_501, %parallel_loop3A_793 : i32
      %parallel_loop3A_795 = arith.constant 3 : i32
      %parallel_loop3A_796 = arith.index_cast %parallel_loop3A_795 : i32 to index
      %parallel_loop3A_797 = arith.index_cast %parallel_loop3A_794 : i32 to index
      %parallel_loop3A_798 = arith.constant 96 : index
      %parallel_loop3A_799 = tpu.vector_load %arg6[%parallel_loop3A_796, %parallel_loop3A_797, %parallel_loop3A_798] {strides = array<i32>} : memref<4x128x128xf32, #tpu.memory_space<vmem>>, vector<1x1x16xf32>,
      %parallel_loop3A_800 = vector.shape_cast %parallel_loop3A_799 : vector<1x1x16xf32> to vector<16xf32>
      %parallel_loop3A_801 = vector.shape_cast %parallel_loop3A_792 : vector<16xf32> to vector<1x1x16xf32>
      tpu.vector_store %arg6[%parallel_loop3A_796, %parallel_loop3A_797, %parallel_loop3A_798], %parallel_loop3A_801 {strides = array<i32>} : memref<4x128x128xf32, #tpu.memory_space<vmem>>, vector<1x1x16xf32>,
      %parallel_loop3A_802 = arith.constant 1 : i32
      %parallel_loop3A_803 = arith.addi %parallel_loop3A_501, %parallel_loop3A_802 : i32
      %parallel_loop3A_804 = arith.constant 3 : i32
      %parallel_loop3A_805 = arith.index_cast %parallel_loop3A_804 : i32 to index
      %parallel_loop3A_806 = arith.index_cast %parallel_loop3A_803 : i32 to index
      %parallel_loop3A_807 = arith.constant 112 : index
      %parallel_loop3A_808 = tpu.vector_load %arg6[%parallel_loop3A_805, %parallel_loop3A_806, %parallel_loop3A_807] {strides = array<i32>} : memref<4x128x128xf32, #tpu.memory_space<vmem>>, vector<1x1x16xf32>,
      %parallel_loop3A_809 = vector.shape_cast %parallel_loop3A_808 : vector<1x1x16xf32> to vector<16xf32>
      %parallel_loop3A_810 = arith.constant 11.3137083 : f32
      %parallel_loop3A_811 = vector.broadcast %parallel_loop3A_810 : f32 to vector<16xf32>
      %parallel_loop3A_812 = arith.mulf %parallel_loop3A_809, %parallel_loop3A_811 : vector<16xf32>
      %parallel_loop3A_813 = arith.constant 1 : i32
      %parallel_loop3A_814 = arith.addi %parallel_loop3A_501, %parallel_loop3A_813 : i32
      %parallel_loop3A_815 = arith.constant 3 : i32
      %parallel_loop3A_816 = arith.index_cast %parallel_loop3A_815 : i32 to index
      %parallel_loop3A_817 = arith.index_cast %parallel_loop3A_814 : i32 to index
      %parallel_loop3A_818 = arith.constant 112 : index
      %parallel_loop3A_819 = tpu.vector_load %arg6[%parallel_loop3A_816, %parallel_loop3A_817, %parallel_loop3A_818] {strides = array<i32>} : memref<4x128x128xf32, #tpu.memory_space<vmem>>, vector<1x1x16xf32>,
      %parallel_loop3A_820 = vector.shape_cast %parallel_loop3A_819 : vector<1x1x16xf32> to vector<16xf32>
      %parallel_loop3A_821 = vector.shape_cast %parallel_loop3A_812 : vector<16xf32> to vector<1x1x16xf32>
      tpu.vector_store %arg6[%parallel_loop3A_816, %parallel_loop3A_817, %parallel_loop3A_818], %parallel_loop3A_821 {strides = array<i32>} : memref<4x128x128xf32, #tpu.memory_space<vmem>>, vector<1x1x16xf32>,
    } {sc.loop_unroll_factor = 1 : i64, sc.parallel_access}
    %add3A_225 = arith.constant 3 : i32
    %add3A_226 = arith.addi %mul3A_2, %add3A_225 : i32
    %mul3A_227 = arith.constant 128 : i32
    %mul3A_228 = arith.muli %add3A_226, %mul3A_227 : i32
    %dma_start3A_229 = arith.constant 3 : i32
    %dma_start3A_230 = arith.constant 0 : i32
    %dma_start3A_231 = arith.constant 0 : i32
    %dma_start3A_232 = tpu.memref_slice %arg6[%dma_start3A_229, %dma_start3A_230, %dma_start3A_231] : memref<4x128x128xf32, #tpu.memory_space<vmem>> -> memref<1x128x128xf32, #tpu.memory_space<vmem>>
    %dma_start3A_233 = tpu.memref_squeeze %dma_start3A_232 : memref<1x128x128xf32, #tpu.memory_space<vmem>> -> memref<128x128xf32, #tpu.memory_space<vmem>>
    %dma_start3A_234 = arith.constant 0 : i32
    %dma_start3A_235 = tpu.memref_slice %arg4[%mul3A_228, %dma_start3A_234] : memref<819200x128xf32, #tpu.memory_space<hbm>> -> memref<128x128xf32, #tpu.memory_space<hbm>>
    %dma_start3A_236 = arith.constant 0 : i32
    %dma_start3A_237 = tpu.memref_slice %arg4[%mul3A_228, %dma_start3A_236] : memref<819200x128xf32, #tpu.memory_space<hbm>> -> memref<128x128xf32, #tpu.memory_space<hbm>>
    %dma_start3A_238 = arith.constant 0 : i32
    %dma_start3A_239 = arith.constant 0 : i32
    %dma_start3A_240 = tpu.memref_slice %arg6[%dma_start3A_229, %dma_start3A_238, %dma_start3A_239] : memref<4x128x128xf32, #tpu.memory_space<vmem>> -> memref<1x128x128xf32, #tpu.memory_space<vmem>>
    %dma_start3A_241 = tpu.memref_squeeze %dma_start3A_240 : memref<1x128x128xf32, #tpu.memory_space<vmem>> -> memref<128x128xf32, #tpu.memory_space<vmem>>
    tpu.enqueue_dma source(%dma_start3A_241 : memref<128x128xf32, #tpu.memory_space<vmem>>) target(%dma_start3A_237 : memref<128x128xf32, #tpu.memory_space<hbm>>) target_semaphore(%arg14 : memref<!tpu.dma_semaphore, #tpu.memory_space<semaphore_mem>>)
    %scan3A = arith.constant 0 : i32
    %scan3A_242 = arith.constant 1 : i32
    %scan3A_243 = arith.constant 48 : i32
    %scan3A_244 = arith.addi %scan3A_242, %scan3A_243 : i32
    %scan3A_245 = arith.constant 1 : i32
    scf.for %scan3A_501 = %scan3A_242 to %scan3A_244 step %scan3A_245  : i32 {
      %mul3A_502 = arith.constant 4 : i32
      %mul3A_503 = arith.muli %mul3A_502, %scan3A_501 : i32
      %add3A_504 = arith.constant 2 : i32
      %add3A_505 = arith.addi %mul3A_503, %add3A_504 : i32
      %add3A_506 = arith.constant 0 : i32
      %add3A_507 = arith.addi %add3A_505, %add3A_506 : i32
      %mul3A_508 = arith.constant 4 : i32
      %mul3A_509 = arith.muli %mul3A_508, %scan3A_501 : i32
      %add3A_510 = arith.constant 0 : i32
      %add3A_511 = arith.addi %mul3A_509, %add3A_510 : i32
      %dma_wait3A_512 = arith.constant 2 : i32
      %dma_wait3A_513 = arith.constant 0 : i32
      %dma_wait3A_514 = arith.constant 0 : i32
      %dma_wait3A_515 = tpu.memref_slice %arg6[%dma_wait3A_512, %dma_wait3A_513, %dma_wait3A_514] : memref<4x128x128xf32, #tpu.memory_space<vmem>> -> memref<1x128x128xf32, #tpu.memory_space<vmem>>
      %dma_wait3A_516 = tpu.memref_squeeze %dma_wait3A_515 : memref<1x128x128xf32, #tpu.memory_space<vmem>> -> memref<128x128xf32, #tpu.memory_space<vmem>>
      %dma_wait3A_517 = arith.constant 0 : i32
      %dma_wait3A_518 = arith.constant 0 : i32
      %dma_wait3A_519 = tpu.memref_slice %arg4[%dma_wait3A_517, %dma_wait3A_518] : memref<819200x128xf32, #tpu.memory_space<hbm>> -> memref<128x128xf32, #tpu.memory_space<hbm>>
      %dma_wait3A_520 = arith.constant 0 : i32
      %dma_wait3A_521 = arith.constant 0 : i32
      %dma_wait3A_522 = tpu.memref_slice %arg4[%dma_wait3A_520, %dma_wait3A_521] : memref<819200x128xf32, #tpu.memory_space<hbm>> -> memref<128x128xf32, #tpu.memory_space<hbm>>
      %dma_wait3A_523 = arith.constant 0 : i32
      %dma_wait3A_524 = arith.constant 0 : i32
      %dma_wait3A_525 = tpu.memref_slice %arg6[%dma_wait3A_512, %dma_wait3A_523, %dma_wait3A_524] : memref<4x128x128xf32, #tpu.memory_space<vmem>> -> memref<1x128x128xf32, #tpu.memory_space<vmem>>
      %dma_wait3A_526 = tpu.memref_squeeze %dma_wait3A_525 : memref<1x128x128xf32, #tpu.memory_space<vmem>> -> memref<128x128xf32, #tpu.memory_space<vmem>>
      tpu.wait_dma2 semaphore(%arg13 : memref<!tpu.dma_semaphore, #tpu.memory_space<semaphore_mem>>) src(%dma_wait3A_526 : memref<128x128xf32, #tpu.memory_space<vmem>>) dst(%dma_wait3A_522 : memref<128x128xf32, #tpu.memory_space<hbm>>)
      %dma_start3A_527 = arith.constant 2 : i32
      %dma_start3A_528 = arith.constant 0 : i32
      %dma_start3A_529 = arith.constant 0 : i32
      %dma_start3A_530 = tpu.memref_slice %arg6[%dma_start3A_527, %dma_start3A_528, %dma_start3A_529] : memref<4x128x128xf32, #tpu.memory_space<vmem>> -> memref<1x128x128xf32, #tpu.memory_space<vmem>>
      %dma_start3A_531 = tpu.memref_squeeze %dma_start3A_530 : memref<1x128x128xf32, #tpu.memory_space<vmem>> -> memref<128x128xf32, #tpu.memory_space<vmem>>
      %dma_start3A_532 = arith.constant 0 : i32
      %dma_start3A_533 = tpu.memref_slice %arg5[%add3A_507, %dma_start3A_532] : memref<200x128xi32, #tpu.memory_space<vmem>> -> memref<1x128xi32, #tpu.memory_space<vmem>>
      %dma_start3A_534 = tpu.memref_squeeze %dma_start3A_533 : memref<1x128xi32, #tpu.memory_space<vmem>> -> memref<128xi32, #tpu.memory_space<vmem>>
      %dma_start3A_535 = arith.constant 0 : i32
      %dma_start3A_536 = arith.constant 0 : i32
      %dma_start3A_537 = tpu.memref_slice %arg2[%dma_start3A_535, %dma_start3A_536] : memref<100000x128xf32, #tpu.memory_space<hbm>> -> memref<100000x128xf32, #tpu.memory_space<hbm>>
      tpu.enqueue_indirect_dma source(%dma_start3A_537 : memref<100000x128xf32, #tpu.memory_space<hbm>>) target(%dma_start3A_531 : memref<128x128xf32, #tpu.memory_space<vmem>>) offsets(%dma_start3A_534 : memref<128xi32, #tpu.memory_space<vmem>>) semaphore(%arg9 : memref<!tpu.dma_semaphore, #tpu.memory_space<semaphore_mem>>)
      %dma_wait3A_538 = arith.constant 0 : i32
      %dma_wait3A_539 = arith.constant 0 : i32
      %dma_wait3A_540 = arith.constant 0 : i32
      %dma_wait3A_541 = tpu.memref_slice %arg6[%dma_wait3A_538, %dma_wait3A_539, %dma_wait3A_540] : memref<4x128x128xf32, #tpu.memory_space<vmem>> -> memref<1x128x128xf32, #tpu.memory_space<vmem>>
      %dma_wait3A_542 = tpu.memref_squeeze %dma_wait3A_541 : memref<1x128x128xf32, #tpu.memory_space<vmem>> -> memref<128x128xf32, #tpu.memory_space<vmem>>
      %dma_wait3A_543 = arith.constant 0 : i32
      %dma_wait3A_544 = arith.constant 0 : i32
      %dma_wait3A_545 = tpu.memref_slice %arg2[%dma_wait3A_543, %dma_wait3A_544] : memref<100000x128xf32, #tpu.memory_space<hbm>> -> memref<128x128xf32, #tpu.memory_space<hbm>>
      %dma_wait3A_546 = arith.constant 0 : i32
      %dma_wait3A_547 = arith.constant 0 : i32
      %dma_wait3A_548 = tpu.memref_slice %arg6[%dma_wait3A_538, %dma_wait3A_546, %dma_wait3A_547] : memref<4x128x128xf32, #tpu.memory_space<vmem>> -> memref<1x128x128xf32, #tpu.memory_space<vmem>>
      %dma_wait3A_549 = tpu.memref_squeeze %dma_wait3A_548 : memref<1x128x128xf32, #tpu.memory_space<vmem>> -> memref<128x128xf32, #tpu.memory_space<vmem>>
      %dma_wait3A_550 = arith.constant 0 : i32
      %dma_wait3A_551 = arith.constant 0 : i32
      %dma_wait3A_552 = tpu.memref_slice %arg2[%dma_wait3A_550, %dma_wait3A_551] : memref<100000x128xf32, #tpu.memory_space<hbm>> -> memref<128x128xf32, #tpu.memory_space<hbm>>
      tpu.wait_dma2 semaphore(%arg7 : memref<!tpu.dma_semaphore, #tpu.memory_space<semaphore_mem>>) src(%dma_wait3A_552 : memref<128x128xf32, #tpu.memory_space<hbm>>) dst(%dma_wait3A_549 : memref<128x128xf32, #tpu.memory_space<vmem>>)
      %parallel_loop3A_553 = arith.constant 0 : i32
      %parallel_loop3A_554 = arith.constant 128 : i32
      %parallel_loop3A_555 = arith.constant 2 : i32
      scf.for %parallel_loop3A_782 = %parallel_loop3A_553 to %parallel_loop3A_554 step %parallel_loop3A_555  : i32 {
        %parallel_loop3A_783 = arith.constant 0 : i32
        %parallel_loop3A_784 = arith.addi %parallel_loop3A_782, %parallel_loop3A_783 : i32
        %parallel_loop3A_785 = arith.constant 0 : i32
        %parallel_loop3A_786 = arith.index_cast %parallel_loop3A_785 : i32 to index
        %parallel_loop3A_787 = arith.index_cast %parallel_loop3A_784 : i32 to index
        %parallel_loop3A_788 = arith.constant 0 : index
        %parallel_loop3A_789 = tpu.vector_load %arg6[%parallel_loop3A_786, %parallel_loop3A_787, %parallel_loop3A_788] {strides = array<i32>} : memref<4x128x128xf32, #tpu.memory_space<vmem>>, vector<1x1x16xf32>,
        %parallel_loop3A_790 = vector.shape_cast %parallel_loop3A_789 : vector<1x1x16xf32> to vector<16xf32>
        %parallel_loop3A_791 = arith.constant 11.3137083 : f32
        %parallel_loop3A_792 = vector.broadcast %parallel_loop3A_791 : f32 to vector<16xf32>
        %parallel_loop3A_793 = arith.mulf %parallel_loop3A_790, %parallel_loop3A_792 : vector<16xf32>
        %parallel_loop3A_794 = arith.constant 0 : i32
        %parallel_loop3A_795 = arith.addi %parallel_loop3A_782, %parallel_loop3A_794 : i32
        %parallel_loop3A_796 = arith.constant 0 : i32
        %parallel_loop3A_797 = arith.index_cast %parallel_loop3A_796 : i32 to index
        %parallel_loop3A_798 = arith.index_cast %parallel_loop3A_795 : i32 to index
        %parallel_loop3A_799 = arith.constant 0 : index
        %parallel_loop3A_800 = tpu.vector_load %arg6[%parallel_loop3A_797, %parallel_loop3A_798, %parallel_loop3A_799] {strides = array<i32>} : memref<4x128x128xf32, #tpu.memory_space<vmem>>, vector<1x1x16xf32>,
        %parallel_loop3A_801 = vector.shape_cast %parallel_loop3A_800 : vector<1x1x16xf32> to vector<16xf32>
        %parallel_loop3A_802 = vector.shape_cast %parallel_loop3A_793 : vector<16xf32> to vector<1x1x16xf32>
        tpu.vector_store %arg6[%parallel_loop3A_797, %parallel_loop3A_798, %parallel_loop3A_799], %parallel_loop3A_802 {strides = array<i32>} : memref<4x128x128xf32, #tpu.memory_space<vmem>>, vector<1x1x16xf32>,
        %parallel_loop3A_803 = arith.constant 0 : i32
        %parallel_loop3A_804 = arith.addi %parallel_loop3A_782, %parallel_loop3A_803 : i32
        %parallel_loop3A_805 = arith.constant 0 : i32
        %parallel_loop3A_806 = arith.index_cast %parallel_loop3A_805 : i32 to index
        %parallel_loop3A_807 = arith.index_cast %parallel_loop3A_804 : i32 to index
        %parallel_loop3A_808 = arith.constant 16 : index
        %parallel_loop3A_809 = tpu.vector_load %arg6[%parallel_loop3A_806, %parallel_loop3A_807, %parallel_loop3A_808] {strides = array<i32>} : memref<4x128x128xf32, #tpu.memory_space<vmem>>, vector<1x1x16xf32>,
        %parallel_loop3A_810 = vector.shape_cast %parallel_loop3A_809 : vector<1x1x16xf32> to vector<16xf32>
        %parallel_loop3A_811 = arith.constant 11.3137083 : f32
        %parallel_loop3A_812 = vector.broadcast %parallel_loop3A_811 : f32 to vector<16xf32>
        %parallel_loop3A_813 = arith.mulf %parallel_loop3A_810, %parallel_loop3A_812 : vector<16xf32>
        %parallel_loop3A_814 = arith.constant 0 : i32
        %parallel_loop3A_815 = arith.addi %parallel_loop3A_782, %parallel_loop3A_814 : i32
        %parallel_loop3A_816 = arith.constant 0 : i32
        %parallel_loop3A_817 = arith.index_cast %parallel_loop3A_816 : i32 to index
        %parallel_loop3A_818 = arith.index_cast %parallel_loop3A_815 : i32 to index
        %parallel_loop3A_819 = arith.constant 16 : index
        %parallel_loop3A_820 = tpu.vector_load %arg6[%parallel_loop3A_817, %parallel_loop3A_818, %parallel_loop3A_819] {strides = array<i32>} : memref<4x128x128xf32, #tpu.memory_space<vmem>>, vector<1x1x16xf32>,
        %parallel_loop3A_821 = vector.shape_cast %parallel_loop3A_820 : vector<1x1x16xf32> to vector<16xf32>
        %parallel_loop3A_822 = vector.shape_cast %parallel_loop3A_813 : vector<16xf32> to vector<1x1x16xf32>
        tpu.vector_store %arg6[%parallel_loop3A_817, %parallel_loop3A_818, %parallel_loop3A_819], %parallel_loop3A_822 {strides = array<i32>} : memref<4x128x128xf32, #tpu.memory_space<vmem>>, vector<1x1x16xf32>,
        %parallel_loop3A_823 = arith.constant 0 : i32
        %parallel_loop3A_824 = arith.addi %parallel_loop3A_782, %parallel_loop3A_823 : i32
        %parallel_loop3A_825 = arith.constant 0 : i32
        %parallel_loop3A_826 = arith.index_cast %parallel_loop3A_825 : i32 to index
        %parallel_loop3A_827 = arith.index_cast %parallel_loop3A_824 : i32 to index
        %parallel_loop3A_828 = arith.constant 32 : index
        %parallel_loop3A_829 = tpu.vector_load %arg6[%parallel_loop3A_826, %parallel_loop3A_827, %parallel_loop3A_828] {strides = array<i32>} : memref<4x128x128xf32, #tpu.memory_space<vmem>>, vector<1x1x16xf32>,
        %parallel_loop3A_830 = vector.shape_cast %parallel_loop3A_829 : vector<1x1x16xf32> to vector<16xf32>
        %parallel_loop3A_831 = arith.constant 11.3137083 : f32
        %parallel_loop3A_832 = vector.broadcast %parallel_loop3A_831 : f32 to vector<16xf32>
        %parallel_loop3A_833 = arith.mulf %parallel_loop3A_830, %parallel_loop3A_832 : vector<16xf32>
        %parallel_loop3A_834 = arith.constant 0 : i32
        %parallel_loop3A_835 = arith.addi %parallel_loop3A_782, %parallel_loop3A_834 : i32
        %parallel_loop3A_836 = arith.constant 0 : i32
        %parallel_loop3A_837 = arith.index_cast %parallel_loop3A_836 : i32 to index
        %parallel_loop3A_838 = arith.index_cast %parallel_loop3A_835 : i32 to index
        %parallel_loop3A_839 = arith.constant 32 : index
        %parallel_loop3A_840 = tpu.vector_load %arg6[%parallel_loop3A_837, %parallel_loop3A_838, %parallel_loop3A_839] {strides = array<i32>} : memref<4x128x128xf32, #tpu.memory_space<vmem>>, vector<1x1x16xf32>,
        %parallel_loop3A_841 = vector.shape_cast %parallel_loop3A_840 : vector<1x1x16xf32> to vector<16xf32>
        %parallel_loop3A_842 = vector.shape_cast %parallel_loop3A_833 : vector<16xf32> to vector<1x1x16xf32>
        tpu.vector_store %arg6[%parallel_loop3A_837, %parallel_loop3A_838, %parallel_loop3A_839], %parallel_loop3A_842 {strides = array<i32>} : memref<4x128x128xf32, #tpu.memory_space<vmem>>, vector<1x1x16xf32>,
        %parallel_loop3A_843 = arith.constant 0 : i32
        %parallel_loop3A_844 = arith.addi %parallel_loop3A_782, %parallel_loop3A_843 : i32
        %parallel_loop3A_845 = arith.constant 0 : i32
        %parallel_loop3A_846 = arith.index_cast %parallel_loop3A_845 : i32 to index
        %parallel_loop3A_847 = arith.index_cast %parallel_loop3A_844 : i32 to index
        %parallel_loop3A_848 = arith.constant 48 : index
        %parallel_loop3A_849 = tpu.vector_load %arg6[%parallel_loop3A_846, %parallel_loop3A_847, %parallel_loop3A_848] {strides = array<i32>} : memref<4x128x128xf32, #tpu.memory_space<vmem>>, vector<1x1x16xf32>,
        %parallel_loop3A_850 = vector.shape_cast %parallel_loop3A_849 : vector<1x1x16xf32> to vector<16xf32>
        %parallel_loop3A_851 = arith.constant 11.3137083 : f32
        %parallel_loop3A_852 = vector.broadcast %parallel_loop3A_851 : f32 to vector<16xf32>
        %parallel_loop3A_853 = arith.mulf %parallel_loop3A_850, %parallel_loop3A_852 : vector<16xf32>
        %parallel_loop3A_854 = arith.constant 0 : i32
        %parallel_loop3A_855 = arith.addi %parallel_loop3A_782, %parallel_loop3A_854 : i32
        %parallel_loop3A_856 = arith.constant 0 : i32
        %parallel_loop3A_857 = arith.index_cast %parallel_loop3A_856 : i32 to index
        %parallel_loop3A_858 = arith.index_cast %parallel_loop3A_855 : i32 to index
        %parallel_loop3A_859 = arith.constant 48 : index
        %parallel_loop3A_860 = tpu.vector_load %arg6[%parallel_loop3A_857, %parallel_loop3A_858, %parallel_loop3A_859] {strides = array<i32>} : memref<4x128x128xf32, #tpu.memory_space<vmem>>, vector<1x1x16xf32>,
        %parallel_loop3A_861 = vector.shape_cast %parallel_loop3A_860 : vector<1x1x16xf32> to vector<16xf32>
        %parallel_loop3A_862 = vector.shape_cast %parallel_loop3A_853 : vector<16xf32> to vector<1x1x16xf32>
        tpu.vector_store %arg6[%parallel_loop3A_857, %parallel_loop3A_858, %parallel_loop3A_859], %parallel_loop3A_862 {strides = array<i32>} : memref<4x128x128xf32, #tpu.memory_space<vmem>>, vector<1x1x16xf32>,
        %parallel_loop3A_863 = arith.constant 0 : i32
        %parallel_loop3A_864 = arith.addi %parallel_loop3A_782, %parallel_loop3A_863 : i32
        %parallel_loop3A_865 = arith.constant 0 : i32
        %parallel_loop3A_866 = arith.index_cast %parallel_loop3A_865 : i32 to index
        %parallel_loop3A_867 = arith.index_cast %parallel_loop3A_864 : i32 to index
        %parallel_loop3A_868 = arith.constant 64 : index
        %parallel_loop3A_869 = tpu.vector_load %arg6[%parallel_loop3A_866, %parallel_loop3A_867, %parallel_loop3A_868] {strides = array<i32>} : memref<4x128x128xf32, #tpu.memory_space<vmem>>, vector<1x1x16xf32>,
        %parallel_loop3A_870 = vector.shape_cast %parallel_loop3A_869 : vector<1x1x16xf32> to vector<16xf32>
        %parallel_loop3A_871 = arith.constant 11.3137083 : f32
        %parallel_loop3A_872 = vector.broadcast %parallel_loop3A_871 : f32 to vector<16xf32>
        %parallel_loop3A_873 = arith.mulf %parallel_loop3A_870, %parallel_loop3A_872 : vector<16xf32>
        %parallel_loop3A_874 = arith.constant 0 : i32
        %parallel_loop3A_875 = arith.addi %parallel_loop3A_782, %parallel_loop3A_874 : i32
        %parallel_loop3A_876 = arith.constant 0 : i32
        %parallel_loop3A_877 = arith.index_cast %parallel_loop3A_876 : i32 to index
        %parallel_loop3A_878 = arith.index_cast %parallel_loop3A_875 : i32 to index
        %parallel_loop3A_879 = arith.constant 64 : index
        %parallel_loop3A_880 = tpu.vector_load %arg6[%parallel_loop3A_877, %parallel_loop3A_878, %parallel_loop3A_879] {strides = array<i32>} : memref<4x128x128xf32, #tpu.memory_space<vmem>>, vector<1x1x16xf32>,
        %parallel_loop3A_881 = vector.shape_cast %parallel_loop3A_880 : vector<1x1x16xf32> to vector<16xf32>
        %parallel_loop3A_882 = vector.shape_cast %parallel_loop3A_873 : vector<16xf32> to vector<1x1x16xf32>
        tpu.vector_store %arg6[%parallel_loop3A_877, %parallel_loop3A_878, %parallel_loop3A_879], %parallel_loop3A_882 {strides = array<i32>} : memref<4x128x128xf32, #tpu.memory_space<vmem>>, vector<1x1x16xf32>,
        %parallel_loop3A_883 = arith.constant 0 : i32
        %parallel_loop3A_884 = arith.addi %parallel_loop3A_782, %parallel_loop3A_883 : i32
        %parallel_loop3A_885 = arith.constant 0 : i32
        %parallel_loop3A_886 = arith.index_cast %parallel_loop3A_885 : i32 to index
        %parallel_loop3A_887 = arith.index_cast %parallel_loop3A_884 : i32 to index
        %parallel_loop3A_888 = arith.constant 80 : index
        %parallel_loop3A_889 = tpu.vector_load %arg6[%parallel_loop3A_886, %parallel_loop3A_887, %parallel_loop3A_888] {strides = array<i32>} : memref<4x128x128xf32, #tpu.memory_space<vmem>>, vector<1x1x16xf32>,
        %parallel_loop3A_890 = vector.shape_cast %parallel_loop3A_889 : vector<1x1x16xf32> to vector<16xf32>
        %parallel_loop3A_891 = arith.constant 11.3137083 : f32
        %parallel_loop3A_892 = vector.broadcast %parallel_loop3A_891 : f32 to vector<16xf32>
        %parallel_loop3A_893 = arith.mulf %parallel_loop3A_890, %parallel_loop3A_892 : vector<16xf32>
        %parallel_loop3A_894 = arith.constant 0 : i32
        %parallel_loop3A_895 = arith.addi %parallel_loop3A_782, %parallel_loop3A_894 : i32
        %parallel_loop3A_896 = arith.constant 0 : i32
        %parallel_loop3A_897 = arith.index_cast %parallel_loop3A_896 : i32 to index
        %parallel_loop3A_898 = arith.index_cast %parallel_loop3A_895 : i32 to index
        %parallel_loop3A_899 = arith.constant 80 : index
        %parallel_loop3A_900 = tpu.vector_load %arg6[%parallel_loop3A_897, %parallel_loop3A_898, %parallel_loop3A_899] {strides = array<i32>} : memref<4x128x128xf32, #tpu.memory_space<vmem>>, vector<1x1x16xf32>,
        %parallel_loop3A_901 = vector.shape_cast %parallel_loop3A_900 : vector<1x1x16xf32> to vector<16xf32>
        %parallel_loop3A_902 = vector.shape_cast %parallel_loop3A_893 : vector<16xf32> to vector<1x1x16xf32>
        tpu.vector_store %arg6[%parallel_loop3A_897, %parallel_loop3A_898, %parallel_loop3A_899], %parallel_loop3A_902 {strides = array<i32>} : memref<4x128x128xf32, #tpu.memory_space<vmem>>, vector<1x1x16xf32>,
        %parallel_loop3A_903 = arith.constant 0 : i32
        %parallel_loop3A_904 = arith.addi %parallel_loop3A_782, %parallel_loop3A_903 : i32
        %parallel_loop3A_905 = arith.constant 0 : i32
        %parallel_loop3A_906 = arith.index_cast %parallel_loop3A_905 : i32 to index
        %parallel_loop3A_907 = arith.index_cast %parallel_loop3A_904 : i32 to index
        %parallel_loop3A_908 = arith.constant 96 : index
        %parallel_loop3A_909 = tpu.vector_load %arg6[%parallel_loop3A_906, %parallel_loop3A_907, %parallel_loop3A_908] {strides = array<i32>} : memref<4x128x128xf32, #tpu.memory_space<vmem>>, vector<1x1x16xf32>,
        %parallel_loop3A_910 = vector.shape_cast %parallel_loop3A_909 : vector<1x1x16xf32> to vector<16xf32>
        %parallel_loop3A_911 = arith.constant 11.3137083 : f32
        %parallel_loop3A_912 = vector.broadcast %parallel_loop3A_911 : f32 to vector<16xf32>
        %parallel_loop3A_913 = arith.mulf %parallel_loop3A_910, %parallel_loop3A_912 : vector<16xf32>
        %parallel_loop3A_914 = arith.constant 0 : i32
        %parallel_loop3A_915 = arith.addi %parallel_loop3A_782, %parallel_loop3A_914 : i32
        %parallel_loop3A_916 = arith.constant 0 : i32
        %parallel_loop3A_917 = arith.index_cast %parallel_loop3A_916 : i32 to index
        %parallel_loop3A_918 = arith.index_cast %parallel_loop3A_915 : i32 to index
        %parallel_loop3A_919 = arith.constant 96 : index
        %parallel_loop3A_920 = tpu.vector_load %arg6[%parallel_loop3A_917, %parallel_loop3A_918, %parallel_loop3A_919] {strides = array<i32>} : memref<4x128x128xf32, #tpu.memory_space<vmem>>, vector<1x1x16xf32>,
        %parallel_loop3A_921 = vector.shape_cast %parallel_loop3A_920 : vector<1x1x16xf32> to vector<16xf32>
        %parallel_loop3A_922 = vector.shape_cast %parallel_loop3A_913 : vector<16xf32> to vector<1x1x16xf32>
        tpu.vector_store %arg6[%parallel_loop3A_917, %parallel_loop3A_918, %parallel_loop3A_919], %parallel_loop3A_922 {strides = array<i32>} : memref<4x128x128xf32, #tpu.memory_space<vmem>>, vector<1x1x16xf32>,
        %parallel_loop3A_923 = arith.constant 0 : i32
        %parallel_loop3A_924 = arith.addi %parallel_loop3A_782, %parallel_loop3A_923 : i32
        %parallel_loop3A_925 = arith.constant 0 : i32
        %parallel_loop3A_926 = arith.index_cast %parallel_loop3A_925 : i32 to index
        %parallel_loop3A_927 = arith.index_cast %parallel_loop3A_924 : i32 to index
        %parallel_loop3A_928 = arith.constant 112 : index
        %parallel_loop3A_929 = tpu.vector_load %arg6[%parallel_loop3A_926, %parallel_loop3A_927, %parallel_loop3A_928] {strides = array<i32>} : memref<4x128x128xf32, #tpu.memory_space<vmem>>, vector<1x1x16xf32>,
        %parallel_loop3A_930 = vector.shape_cast %parallel_loop3A_929 : vector<1x1x16xf32> to vector<16xf32>
        %parallel_loop3A_931 = arith.constant 11.3137083 : f32
        %parallel_loop3A_932 = vector.broadcast %parallel_loop3A_931 : f32 to vector<16xf32>
        %parallel_loop3A_933 = arith.mulf %parallel_loop3A_930, %parallel_loop3A_932 : vector<16xf32>
        %parallel_loop3A_934 = arith.constant 0 : i32
        %parallel_loop3A_935 = arith.addi %parallel_loop3A_782, %parallel_loop3A_934 : i32
        %parallel_loop3A_936 = arith.constant 0 : i32
        %parallel_loop3A_937 = arith.index_cast %parallel_loop3A_936 : i32 to index
        %parallel_loop3A_938 = arith.index_cast %parallel_loop3A_935 : i32 to index
        %parallel_loop3A_939 = arith.constant 112 : index
        %parallel_loop3A_940 = tpu.vector_load %arg6[%parallel_loop3A_937, %parallel_loop3A_938, %parallel_loop3A_939] {strides = array<i32>} : memref<4x128x128xf32, #tpu.memory_space<vmem>>, vector<1x1x16xf32>,
        %parallel_loop3A_941 = vector.shape_cast %parallel_loop3A_940 : vector<1x1x16xf32> to vector<16xf32>
        %parallel_loop3A_942 = vector.shape_cast %parallel_loop3A_933 : vector<16xf32> to vector<1x1x16xf32>
        tpu.vector_store %arg6[%parallel_loop3A_937, %parallel_loop3A_938, %parallel_loop3A_939], %parallel_loop3A_942 {strides = array<i32>} : memref<4x128x128xf32, #tpu.memory_space<vmem>>, vector<1x1x16xf32>,
        %parallel_loop3A_943 = arith.constant 1 : i32
        %parallel_loop3A_944 = arith.addi %parallel_loop3A_782, %parallel_loop3A_943 : i32
        %parallel_loop3A_945 = arith.constant 0 : i32
        %parallel_loop3A_946 = arith.index_cast %parallel_loop3A_945 : i32 to index
        %parallel_loop3A_947 = arith.index_cast %parallel_loop3A_944 : i32 to index
        %parallel_loop3A_948 = arith.constant 0 : index
        %parallel_loop3A_949 = tpu.vector_load %arg6[%parallel_loop3A_946, %parallel_loop3A_947, %parallel_loop3A_948] {strides = array<i32>} : memref<4x128x128xf32, #tpu.memory_space<vmem>>, vector<1x1x16xf32>,
        %parallel_loop3A_950 = vector.shape_cast %parallel_loop3A_949 : vector<1x1x16xf32> to vector<16xf32>
        %parallel_loop3A_951 = arith.constant 11.3137083 : f32
        %parallel_loop3A_952 = vector.broadcast %parallel_loop3A_951 : f32 to vector<16xf32>
        %parallel_loop3A_953 = arith.mulf %parallel_loop3A_950, %parallel_loop3A_952 : vector<16xf32>
        %parallel_loop3A_954 = arith.constant 1 : i32
        %parallel_loop3A_955 = arith.addi %parallel_loop3A_782, %parallel_loop3A_954 : i32
        %parallel_loop3A_956 = arith.constant 0 : i32
        %parallel_loop3A_957 = arith.index_cast %parallel_loop3A_956 : i32 to index
        %parallel_loop3A_958 = arith.index_cast %parallel_loop3A_955 : i32 to index
        %parallel_loop3A_959 = arith.constant 0 : index
        %parallel_loop3A_960 = tpu.vector_load %arg6[%parallel_loop3A_957, %parallel_loop3A_958, %parallel_loop3A_959] {strides = array<i32>} : memref<4x128x128xf32, #tpu.memory_space<vmem>>, vector<1x1x16xf32>,
        %parallel_loop3A_961 = vector.shape_cast %parallel_loop3A_960 : vector<1x1x16xf32> to vector<16xf32>
        %parallel_loop3A_962 = vector.shape_cast %parallel_loop3A_953 : vector<16xf32> to vector<1x1x16xf32>
        tpu.vector_store %arg6[%parallel_loop3A_957, %parallel_loop3A_958, %parallel_loop3A_959], %parallel_loop3A_962 {strides = array<i32>} : memref<4x128x128xf32, #tpu.memory_space<vmem>>, vector<1x1x16xf32>,
        %parallel_loop3A_963 = arith.constant 1 : i32
        %parallel_loop3A_964 = arith.addi %parallel_loop3A_782, %parallel_loop3A_963 : i32
        %parallel_loop3A_965 = arith.constant 0 : i32
        %parallel_loop3A_966 = arith.index_cast %parallel_loop3A_965 : i32 to index
        %parallel_loop3A_967 = arith.index_cast %parallel_loop3A_964 : i32 to index
        %parallel_loop3A_968 = arith.constant 16 : index
        %parallel_loop3A_969 = tpu.vector_load %arg6[%parallel_loop3A_966, %parallel_loop3A_967, %parallel_loop3A_968] {strides = array<i32>} : memref<4x128x128xf32, #tpu.memory_space<vmem>>, vector<1x1x16xf32>,
        %parallel_loop3A_970 = vector.shape_cast %parallel_loop3A_969 : vector<1x1x16xf32> to vector<16xf32>
        %parallel_loop3A_971 = arith.constant 11.3137083 : f32
        %parallel_loop3A_972 = vector.broadcast %parallel_loop3A_971 : f32 to vector<16xf32>
        %parallel_loop3A_973 = arith.mulf %parallel_loop3A_970, %parallel_loop3A_972 : vector<16xf32>
        %parallel_loop3A_974 = arith.constant 1 : i32
        %parallel_loop3A_975 = arith.addi %parallel_loop3A_782, %parallel_loop3A_974 : i32
        %parallel_loop3A_976 = arith.constant 0 : i32
        %parallel_loop3A_977 = arith.index_cast %parallel_loop3A_976 : i32 to index
        %parallel_loop3A_978 = arith.index_cast %parallel_loop3A_975 : i32 to index
        %parallel_loop3A_979 = arith.constant 16 : index
        %parallel_loop3A_980 = tpu.vector_load %arg6[%parallel_loop3A_977, %parallel_loop3A_978, %parallel_loop3A_979] {strides = array<i32>} : memref<4x128x128xf32, #tpu.memory_space<vmem>>, vector<1x1x16xf32>,
        %parallel_loop3A_981 = vector.shape_cast %parallel_loop3A_980 : vector<1x1x16xf32> to vector<16xf32>
        %parallel_loop3A_982 = vector.shape_cast %parallel_loop3A_973 : vector<16xf32> to vector<1x1x16xf32>
        tpu.vector_store %arg6[%parallel_loop3A_977, %parallel_loop3A_978, %parallel_loop3A_979], %parallel_loop3A_982 {strides = array<i32>} : memref<4x128x128xf32, #tpu.memory_space<vmem>>, vector<1x1x16xf32>,
        %parallel_loop3A_983 = arith.constant 1 : i32
        %parallel_loop3A_984 = arith.addi %parallel_loop3A_782, %parallel_loop3A_983 : i32
        %parallel_loop3A_985 = arith.constant 0 : i32
        %parallel_loop3A_986 = arith.index_cast %parallel_loop3A_985 : i32 to index
        %parallel_loop3A_987 = arith.index_cast %parallel_loop3A_984 : i32 to index
        %parallel_loop3A_988 = arith.constant 32 : index
        %parallel_loop3A_989 = tpu.vector_load %arg6[%parallel_loop3A_986, %parallel_loop3A_987, %parallel_loop3A_988] {strides = array<i32>} : memref<4x128x128xf32, #tpu.memory_space<vmem>>, vector<1x1x16xf32>,
        %parallel_loop3A_990 = vector.shape_cast %parallel_loop3A_989 : vector<1x1x16xf32> to vector<16xf32>
        %parallel_loop3A_991 = arith.constant 11.3137083 : f32
        %parallel_loop3A_992 = vector.broadcast %parallel_loop3A_991 : f32 to vector<16xf32>
        %parallel_loop3A_993 = arith.mulf %parallel_loop3A_990, %parallel_loop3A_992 : vector<16xf32>
        %parallel_loop3A_994 = arith.constant 1 : i32
        %parallel_loop3A_995 = arith.addi %parallel_loop3A_782, %parallel_loop3A_994 : i32
        %parallel_loop3A_996 = arith.constant 0 : i32
        %parallel_loop3A_997 = arith.index_cast %parallel_loop3A_996 : i32 to index
        %parallel_loop3A_998 = arith.index_cast %parallel_loop3A_995 : i32 to index
        %parallel_loop3A_999 = arith.constant 32 : index
        %parallel_loop3A_1000 = tpu.vector_load %arg6[%parallel_loop3A_997, %parallel_loop3A_998, %parallel_loop3A_999] {strides = array<i32>} : memref<4x128x128xf32, #tpu.memory_space<vmem>>, vector<1x1x16xf32>,
        %parallel_loop3A_1001 = vector.shape_cast %parallel_loop3A_1000 : vector<1x1x16xf32> to vector<16xf32>
        %parallel_loop3A_1002 = vector.shape_cast %parallel_loop3A_993 : vector<16xf32> to vector<1x1x16xf32>
        tpu.vector_store %arg6[%parallel_loop3A_997, %parallel_loop3A_998, %parallel_loop3A_999], %parallel_loop3A_1002 {strides = array<i32>} : memref<4x128x128xf32, #tpu.memory_space<vmem>>, vector<1x1x16xf32>,
        %parallel_loop3A_1003 = arith.constant 1 : i32
        %parallel_loop3A_1004 = arith.addi %parallel_loop3A_782, %parallel_loop3A_1003 : i32
        %parallel_loop3A_1005 = arith.constant 0 : i32
        %parallel_loop3A_1006 = arith.index_cast %parallel_loop3A_1005 : i32 to index
        %parallel_loop3A_1007 = arith.index_cast %parallel_loop3A_1004 : i32 to index
        %parallel_loop3A_1008 = arith.constant 48 : index
        %parallel_loop3A_1009 = tpu.vector_load %arg6[%parallel_loop3A_1006, %parallel_loop3A_1007, %parallel_loop3A_1008] {strides = array<i32>} : memref<4x128x128xf32, #tpu.memory_space<vmem>>, vector<1x1x16xf32>,
        %parallel_loop3A_1010 = vector.shape_cast %parallel_loop3A_1009 : vector<1x1x16xf32> to vector<16xf32>
        %parallel_loop3A_1011 = arith.constant 11.3137083 : f32
        %parallel_loop3A_1012 = vector.broadcast %parallel_loop3A_1011 : f32 to vector<16xf32>
        %parallel_loop3A_1013 = arith.mulf %parallel_loop3A_1010, %parallel_loop3A_1012 : vector<16xf32>
        %parallel_loop3A_1014 = arith.constant 1 : i32
        %parallel_loop3A_1015 = arith.addi %parallel_loop3A_782, %parallel_loop3A_1014 : i32
        %parallel_loop3A_1016 = arith.constant 0 : i32
        %parallel_loop3A_1017 = arith.index_cast %parallel_loop3A_1016 : i32 to index
        %parallel_loop3A_1018 = arith.index_cast %parallel_loop3A_1015 : i32 to index
        %parallel_loop3A_1019 = arith.constant 48 : index
        %parallel_loop3A_1020 = tpu.vector_load %arg6[%parallel_loop3A_1017, %parallel_loop3A_1018, %parallel_loop3A_1019] {strides = array<i32>} : memref<4x128x128xf32, #tpu.memory_space<vmem>>, vector<1x1x16xf32>,
        %parallel_loop3A_1021 = vector.shape_cast %parallel_loop3A_1020 : vector<1x1x16xf32> to vector<16xf32>
        %parallel_loop3A_1022 = vector.shape_cast %parallel_loop3A_1013 : vector<16xf32> to vector<1x1x16xf32>
        tpu.vector_store %arg6[%parallel_loop3A_1017, %parallel_loop3A_1018, %parallel_loop3A_1019], %parallel_loop3A_1022 {strides = array<i32>} : memref<4x128x128xf32, #tpu.memory_space<vmem>>, vector<1x1x16xf32>,
        %parallel_loop3A_1023 = arith.constant 1 : i32
        %parallel_loop3A_1024 = arith.addi %parallel_loop3A_782, %parallel_loop3A_1023 : i32
        %parallel_loop3A_1025 = arith.constant 0 : i32
        %parallel_loop3A_1026 = arith.index_cast %parallel_loop3A_1025 : i32 to index
        %parallel_loop3A_1027 = arith.index_cast %parallel_loop3A_1024 : i32 to index
        %parallel_loop3A_1028 = arith.constant 64 : index
        %parallel_loop3A_1029 = tpu.vector_load %arg6[%parallel_loop3A_1026, %parallel_loop3A_1027, %parallel_loop3A_1028] {strides = array<i32>} : memref<4x128x128xf32, #tpu.memory_space<vmem>>, vector<1x1x16xf32>,
        %parallel_loop3A_1030 = vector.shape_cast %parallel_loop3A_1029 : vector<1x1x16xf32> to vector<16xf32>
        %parallel_loop3A_1031 = arith.constant 11.3137083 : f32
        %parallel_loop3A_1032 = vector.broadcast %parallel_loop3A_1031 : f32 to vector<16xf32>
        %parallel_loop3A_1033 = arith.mulf %parallel_loop3A_1030, %parallel_loop3A_1032 : vector<16xf32>
        %parallel_loop3A_1034 = arith.constant 1 : i32
        %parallel_loop3A_1035 = arith.addi %parallel_loop3A_782, %parallel_loop3A_1034 : i32
        %parallel_loop3A_1036 = arith.constant 0 : i32
        %parallel_loop3A_1037 = arith.index_cast %parallel_loop3A_1036 : i32 to index
        %parallel_loop3A_1038 = arith.index_cast %parallel_loop3A_1035 : i32 to index
        %parallel_loop3A_1039 = arith.constant 64 : index
        %parallel_loop3A_1040 = tpu.vector_load %arg6[%parallel_loop3A_1037, %parallel_loop3A_1038, %parallel_loop3A_1039] {strides = array<i32>} : memref<4x128x128xf32, #tpu.memory_space<vmem>>, vector<1x1x16xf32>,
        %parallel_loop3A_1041 = vector.shape_cast %parallel_loop3A_1040 : vector<1x1x16xf32> to vector<16xf32>
        %parallel_loop3A_1042 = vector.shape_cast %parallel_loop3A_1033 : vector<16xf32> to vector<1x1x16xf32>
        tpu.vector_store %arg6[%parallel_loop3A_1037, %parallel_loop3A_1038, %parallel_loop3A_1039], %parallel_loop3A_1042 {strides = array<i32>} : memref<4x128x128xf32, #tpu.memory_space<vmem>>, vector<1x1x16xf32>,
        %parallel_loop3A_1043 = arith.constant 1 : i32
        %parallel_loop3A_1044 = arith.addi %parallel_loop3A_782, %parallel_loop3A_1043 : i32
        %parallel_loop3A_1045 = arith.constant 0 : i32
        %parallel_loop3A_1046 = arith.index_cast %parallel_loop3A_1045 : i32 to index
        %parallel_loop3A_1047 = arith.index_cast %parallel_loop3A_1044 : i32 to index
        %parallel_loop3A_1048 = arith.constant 80 : index
        %parallel_loop3A_1049 = tpu.vector_load %arg6[%parallel_loop3A_1046, %parallel_loop3A_1047, %parallel_loop3A_1048] {strides = array<i32>} : memref<4x128x128xf32, #tpu.memory_space<vmem>>, vector<1x1x16xf32>,
        %parallel_loop3A_1050 = vector.shape_cast %parallel_loop3A_1049 : vector<1x1x16xf32> to vector<16xf32>
        %parallel_loop3A_1051 = arith.constant 11.3137083 : f32
        %parallel_loop3A_1052 = vector.broadcast %parallel_loop3A_1051 : f32 to vector<16xf32>
        %parallel_loop3A_1053 = arith.mulf %parallel_loop3A_1050, %parallel_loop3A_1052 : vector<16xf32>
        %parallel_loop3A_1054 = arith.constant 1 : i32
        %parallel_loop3A_1055 = arith.addi %parallel_loop3A_782, %parallel_loop3A_1054 : i32
        %parallel_loop3A_1056 = arith.constant 0 : i32
        %parallel_loop3A_1057 = arith.index_cast %parallel_loop3A_1056 : i32 to index
        %parallel_loop3A_1058 = arith.index_cast %parallel_loop3A_1055 : i32 to index
        %parallel_loop3A_1059 = arith.constant 80 : index
        %parallel_loop3A_1060 = tpu.vector_load %arg6[%parallel_loop3A_1057, %parallel_loop3A_1058, %parallel_loop3A_1059] {strides = array<i32>} : memref<4x128x128xf32, #tpu.memory_space<vmem>>, vector<1x1x16xf32>,
        %parallel_loop3A_1061 = vector.shape_cast %parallel_loop3A_1060 : vector<1x1x16xf32> to vector<16xf32>
        %parallel_loop3A_1062 = vector.shape_cast %parallel_loop3A_1053 : vector<16xf32> to vector<1x1x16xf32>
        tpu.vector_store %arg6[%parallel_loop3A_1057, %parallel_loop3A_1058, %parallel_loop3A_1059], %parallel_loop3A_1062 {strides = array<i32>} : memref<4x128x128xf32, #tpu.memory_space<vmem>>, vector<1x1x16xf32>,
        %parallel_loop3A_1063 = arith.constant 1 : i32
        %parallel_loop3A_1064 = arith.addi %parallel_loop3A_782, %parallel_loop3A_1063 : i32
        %parallel_loop3A_1065 = arith.constant 0 : i32
        %parallel_loop3A_1066 = arith.index_cast %parallel_loop3A_1065 : i32 to index
        %parallel_loop3A_1067 = arith.index_cast %parallel_loop3A_1064 : i32 to index
        %parallel_loop3A_1068 = arith.constant 96 : index
        %parallel_loop3A_1069 = tpu.vector_load %arg6[%parallel_loop3A_1066, %parallel_loop3A_1067, %parallel_loop3A_1068] {strides = array<i32>} : memref<4x128x128xf32, #tpu.memory_space<vmem>>, vector<1x1x16xf32>,
        %parallel_loop3A_1070 = vector.shape_cast %parallel_loop3A_1069 : vector<1x1x16xf32> to vector<16xf32>
        %parallel_loop3A_1071 = arith.constant 11.3137083 : f32
        %parallel_loop3A_1072 = vector.broadcast %parallel_loop3A_1071 : f32 to vector<16xf32>
        %parallel_loop3A_1073 = arith.mulf %parallel_loop3A_1070, %parallel_loop3A_1072 : vector<16xf32>
        %parallel_loop3A_1074 = arith.constant 1 : i32
        %parallel_loop3A_1075 = arith.addi %parallel_loop3A_782, %parallel_loop3A_1074 : i32
        %parallel_loop3A_1076 = arith.constant 0 : i32
        %parallel_loop3A_1077 = arith.index_cast %parallel_loop3A_1076 : i32 to index
        %parallel_loop3A_1078 = arith.index_cast %parallel_loop3A_1075 : i32 to index
        %parallel_loop3A_1079 = arith.constant 96 : index
        %parallel_loop3A_1080 = tpu.vector_load %arg6[%parallel_loop3A_1077, %parallel_loop3A_1078, %parallel_loop3A_1079] {strides = array<i32>} : memref<4x128x128xf32, #tpu.memory_space<vmem>>, vector<1x1x16xf32>,
        %parallel_loop3A_1081 = vector.shape_cast %parallel_loop3A_1080 : vector<1x1x16xf32> to vector<16xf32>
        %parallel_loop3A_1082 = vector.shape_cast %parallel_loop3A_1073 : vector<16xf32> to vector<1x1x16xf32>
        tpu.vector_store %arg6[%parallel_loop3A_1077, %parallel_loop3A_1078, %parallel_loop3A_1079], %parallel_loop3A_1082 {strides = array<i32>} : memref<4x128x128xf32, #tpu.memory_space<vmem>>, vector<1x1x16xf32>,
        %parallel_loop3A_1083 = arith.constant 1 : i32
        %parallel_loop3A_1084 = arith.addi %parallel_loop3A_782, %parallel_loop3A_1083 : i32
        %parallel_loop3A_1085 = arith.constant 0 : i32
        %parallel_loop3A_1086 = arith.index_cast %parallel_loop3A_1085 : i32 to index
        %parallel_loop3A_1087 = arith.index_cast %parallel_loop3A_1084 : i32 to index
        %parallel_loop3A_1088 = arith.constant 112 : index
        %parallel_loop3A_1089 = tpu.vector_load %arg6[%parallel_loop3A_1086, %parallel_loop3A_1087, %parallel_loop3A_1088] {strides = array<i32>} : memref<4x128x128xf32, #tpu.memory_space<vmem>>, vector<1x1x16xf32>,
        %parallel_loop3A_1090 = vector.shape_cast %parallel_loop3A_1089 : vector<1x1x16xf32> to vector<16xf32>
        %parallel_loop3A_1091 = arith.constant 11.3137083 : f32
        %parallel_loop3A_1092 = vector.broadcast %parallel_loop3A_1091 : f32 to vector<16xf32>
        %parallel_loop3A_1093 = arith.mulf %parallel_loop3A_1090, %parallel_loop3A_1092 : vector<16xf32>
        %parallel_loop3A_1094 = arith.constant 1 : i32
        %parallel_loop3A_1095 = arith.addi %parallel_loop3A_782, %parallel_loop3A_1094 : i32
        %parallel_loop3A_1096 = arith.constant 0 : i32
        %parallel_loop3A_1097 = arith.index_cast %parallel_loop3A_1096 : i32 to index
        %parallel_loop3A_1098 = arith.index_cast %parallel_loop3A_1095 : i32 to index
        %parallel_loop3A_1099 = arith.constant 112 : index
        %parallel_loop3A_1100 = tpu.vector_load %arg6[%parallel_loop3A_1097, %parallel_loop3A_1098, %parallel_loop3A_1099] {strides = array<i32>} : memref<4x128x128xf32, #tpu.memory_space<vmem>>, vector<1x1x16xf32>,
        %parallel_loop3A_1101 = vector.shape_cast %parallel_loop3A_1100 : vector<1x1x16xf32> to vector<16xf32>
        %parallel_loop3A_1102 = vector.shape_cast %parallel_loop3A_1093 : vector<16xf32> to vector<1x1x16xf32>
        tpu.vector_store %arg6[%parallel_loop3A_1097, %parallel_loop3A_1098, %parallel_loop3A_1099], %parallel_loop3A_1102 {strides = array<i32>} : memref<4x128x128xf32, #tpu.memory_space<vmem>>, vector<1x1x16xf32>,
      } {sc.loop_unroll_factor = 1 : i64, sc.parallel_access}
      %add3A_556 = arith.addi %mul3A_2, %add3A_511 : i32
      %mul3A_557 = arith.constant 128 : i32
      %mul3A_558 = arith.muli %add3A_556, %mul3A_557 : i32
      %dma_start3A_559 = arith.constant 0 : i32
      %dma_start3A_560 = arith.constant 0 : i32
      %dma_start3A_561 = arith.constant 0 : i32
      %dma_start3A_562 = tpu.memref_slice %arg6[%dma_start3A_559, %dma_start3A_560, %dma_start3A_561] : memref<4x128x128xf32, #tpu.memory_space<vmem>> -> memref<1x128x128xf32, #tpu.memory_space<vmem>>
      %dma_start3A_563 = tpu.memref_squeeze %dma_start3A_562 : memref<1x128x128xf32, #tpu.memory_space<vmem>> -> memref<128x128xf32, #tpu.memory_space<vmem>>
      %dma_start3A_564 = arith.constant 0 : i32
      %dma_start3A_565 = tpu.memref_slice %arg4[%mul3A_558, %dma_start3A_564] : memref<819200x128xf32, #tpu.memory_space<hbm>> -> memref<128x128xf32, #tpu.memory_space<hbm>>
      %dma_start3A_566 = arith.constant 0 : i32
      %dma_start3A_567 = tpu.memref_slice %arg4[%mul3A_558, %dma_start3A_566] : memref<819200x128xf32, #tpu.memory_space<hbm>> -> memref<128x128xf32, #tpu.memory_space<hbm>>
      %dma_start3A_568 = arith.constant 0 : i32
      %dma_start3A_569 = arith.constant 0 : i32
      %dma_start3A_570 = tpu.memref_slice %arg6[%dma_start3A_559, %dma_start3A_568, %dma_start3A_569] : memref<4x128x128xf32, #tpu.memory_space<vmem>> -> memref<1x128x128xf32, #tpu.memory_space<vmem>>
      %dma_start3A_571 = tpu.memref_squeeze %dma_start3A_570 : memref<1x128x128xf32, #tpu.memory_space<vmem>> -> memref<128x128xf32, #tpu.memory_space<vmem>>
      tpu.enqueue_dma source(%dma_start3A_571 : memref<128x128xf32, #tpu.memory_space<vmem>>) target(%dma_start3A_567 : memref<128x128xf32, #tpu.memory_space<hbm>>) target_semaphore(%arg11 : memref<!tpu.dma_semaphore, #tpu.memory_space<semaphore_mem>>)
      %mul3A_572 = arith.constant 4 : i32
      %mul3A_573 = arith.muli %mul3A_572, %scan3A_501 : i32
      %add3A_574 = arith.constant 2 : i32
      %add3A_575 = arith.addi %mul3A_573, %add3A_574 : i32
      %add3A_576 = arith.constant 1 : i32
      %add3A_577 = arith.addi %add3A_575, %add3A_576 : i32
      %mul3A_578 = arith.constant 4 : i32
      %mul3A_579 = arith.muli %mul3A_578, %scan3A_501 : i32
      %add3A_580 = arith.constant 1 : i32
      %add3A_581 = arith.addi %mul3A_579, %add3A_580 : i32
      %dma_wait3A_582 = arith.constant 3 : i32
      %dma_wait3A_583 = arith.constant 0 : i32
      %dma_wait3A_584 = arith.constant 0 : i32
      %dma_wait3A_585 = tpu.memref_slice %arg6[%dma_wait3A_582, %dma_wait3A_583, %dma_wait3A_584] : memref<4x128x128xf32, #tpu.memory_space<vmem>> -> memref<1x128x128xf32, #tpu.memory_space<vmem>>
      %dma_wait3A_586 = tpu.memref_squeeze %dma_wait3A_585 : memref<1x128x128xf32, #tpu.memory_space<vmem>> -> memref<128x128xf32, #tpu.memory_space<vmem>>
      %dma_wait3A_587 = arith.constant 0 : i32
      %dma_wait3A_588 = arith.constant 0 : i32
      %dma_wait3A_589 = tpu.memref_slice %arg4[%dma_wait3A_587, %dma_wait3A_588] : memref<819200x128xf32, #tpu.memory_space<hbm>> -> memref<128x128xf32, #tpu.memory_space<hbm>>
      %dma_wait3A_590 = arith.constant 0 : i32
      %dma_wait3A_591 = arith.constant 0 : i32
      %dma_wait3A_592 = tpu.memref_slice %arg4[%dma_wait3A_590, %dma_wait3A_591] : memref<819200x128xf32, #tpu.memory_space<hbm>> -> memref<128x128xf32, #tpu.memory_space<hbm>>
      %dma_wait3A_593 = arith.constant 0 : i32
      %dma_wait3A_594 = arith.constant 0 : i32
      %dma_wait3A_595 = tpu.memref_slice %arg6[%dma_wait3A_582, %dma_wait3A_593, %dma_wait3A_594] : memref<4x128x128xf32, #tpu.memory_space<vmem>> -> memref<1x128x128xf32, #tpu.memory_space<vmem>>
      %dma_wait3A_596 = tpu.memref_squeeze %dma_wait3A_595 : memref<1x128x128xf32, #tpu.memory_space<vmem>> -> memref<128x128xf32, #tpu.memory_space<vmem>>
      tpu.wait_dma2 semaphore(%arg14 : memref<!tpu.dma_semaphore, #tpu.memory_space<semaphore_mem>>) src(%dma_wait3A_596 : memref<128x128xf32, #tpu.memory_space<vmem>>) dst(%dma_wait3A_592 : memref<128x128xf32, #tpu.memory_space<hbm>>)
      %dma_start3A_597 = arith.constant 3 : i32
      %dma_start3A_598 = arith.constant 0 : i32
      %dma_start3A_599 = arith.constant 0 : i32
      %dma_start3A_600 = tpu.memref_slice %arg6[%dma_start3A_597, %dma_start3A_598, %dma_start3A_599] : memref<4x128x128xf32, #tpu.memory_space<vmem>> -> memref<1x128x128xf32, #tpu.memory_space<vmem>>
      %dma_start3A_601 = tpu.memref_squeeze %dma_start3A_600 : memref<1x128x128xf32, #tpu.memory_space<vmem>> -> memref<128x128xf32, #tpu.memory_space<vmem>>
      %dma_start3A_602 = arith.constant 0 : i32
      %dma_start3A_603 = tpu.memref_slice %arg5[%add3A_577, %dma_start3A_602] : memref<200x128xi32, #tpu.memory_space<vmem>> -> memref<1x128xi32, #tpu.memory_space<vmem>>
      %dma_start3A_604 = tpu.memref_squeeze %dma_start3A_603 : memref<1x128xi32, #tpu.memory_space<vmem>> -> memref<128xi32, #tpu.memory_space<vmem>>
      %dma_start3A_605 = arith.constant 0 : i32
      %dma_start3A_606 = arith.constant 0 : i32
      %dma_start3A_607 = tpu.memref_slice %arg2[%dma_start3A_605, %dma_start3A_606] : memref<100000x128xf32, #tpu.memory_space<hbm>> -> memref<100000x128xf32, #tpu.memory_space<hbm>>
      tpu.enqueue_indirect_dma source(%dma_start3A_607 : memref<100000x128xf32, #tpu.memory_space<hbm>>) target(%dma_start3A_601 : memref<128x128xf32, #tpu.memory_space<vmem>>) offsets(%dma_start3A_604 : memref<128xi32, #tpu.memory_space<vmem>>) semaphore(%arg10 : memref<!tpu.dma_semaphore, #tpu.memory_space<semaphore_mem>>)
      %dma_wait3A_608 = arith.constant 1 : i32
      %dma_wait3A_609 = arith.constant 0 : i32
      %dma_wait3A_610 = arith.constant 0 : i32
      %dma_wait3A_611 = tpu.memref_slice %arg6[%dma_wait3A_608, %dma_wait3A_609, %dma_wait3A_610] : memref<4x128x128xf32, #tpu.memory_space<vmem>> -> memref<1x128x128xf32, #tpu.memory_space<vmem>>
      %dma_wait3A_612 = tpu.memref_squeeze %dma_wait3A_611 : memref<1x128x128xf32, #tpu.memory_space<vmem>> -> memref<128x128xf32, #tpu.memory_space<vmem>>
      %dma_wait3A_613 = arith.constant 0 : i32
      %dma_wait3A_614 = arith.constant 0 : i32
      %dma_wait3A_615 = tpu.memref_slice %arg2[%dma_wait3A_613, %dma_wait3A_614] : memref<100000x128xf32, #tpu.memory_space<hbm>> -> memref<128x128xf32, #tpu.memory_space<hbm>>
      %dma_wait3A_616 = arith.constant 0 : i32
      %dma_wait3A_617 = arith.constant 0 : i32
      %dma_wait3A_618 = tpu.memref_slice %arg6[%dma_wait3A_608, %dma_wait3A_616, %dma_wait3A_617] : memref<4x128x128xf32, #tpu.memory_space<vmem>> -> memref<1x128x128xf32, #tpu.memory_space<vmem>>
      %dma_wait3A_619 = tpu.memref_squeeze %dma_wait3A_618 : memref<1x128x128xf32, #tpu.memory_space<vmem>> -> memref<128x128xf32, #tpu.memory_space<vmem>>
      %dma_wait3A_620 = arith.constant 0 : i32
      %dma_wait3A_621 = arith.constant 0 : i32
      %dma_wait3A_622 = tpu.memref_slice %arg2[%dma_wait3A_620, %dma_wait3A_621] : memref<100000x128xf32, #tpu.memory_space<hbm>> -> memref<128x128xf32, #tpu.memory_space<hbm>>
      tpu.wait_dma2 semaphore(%arg8 : memref<!tpu.dma_semaphore, #tpu.memory_space<semaphore_mem>>) src(%dma_wait3A_622 : memref<128x128xf32, #tpu.memory_space<hbm>>) dst(%dma_wait3A_619 : memref<128x128xf32, #tpu.memory_space<vmem>>)
      %parallel_loop3A_623 = arith.constant 0 : i32
      %parallel_loop3A_624 = arith.constant 128 : i32
      %parallel_loop3A_625 = arith.constant 2 : i32
      scf.for %parallel_loop3A_782 = %parallel_loop3A_623 to %parallel_loop3A_624 step %parallel_loop3A_625  : i32 {
        %parallel_loop3A_783 = arith.constant 0 : i32
        %parallel_loop3A_784 = arith.addi %parallel_loop3A_782, %parallel_loop3A_783 : i32
        %parallel_loop3A_785 = arith.constant 1 : i32
        %parallel_loop3A_786 = arith.index_cast %parallel_loop3A_785 : i32 to index
        %parallel_loop3A_787 = arith.index_cast %parallel_loop3A_784 : i32 to index
        %parallel_loop3A_788 = arith.constant 0 : index
        %parallel_loop3A_789 = tpu.vector_load %arg6[%parallel_loop3A_786, %parallel_loop3A_787, %parallel_loop3A_788] {strides = array<i32>} : memref<4x128x128xf32, #tpu.memory_space<vmem>>, vector<1x1x16xf32>,
        %parallel_loop3A_790 = vector.shape_cast %parallel_loop3A_789 : vector<1x1x16xf32> to vector<16xf32>
        %parallel_loop3A_791 = arith.constant 11.3137083 : f32
        %parallel_loop3A_792 = vector.broadcast %parallel_loop3A_791 : f32 to vector<16xf32>
        %parallel_loop3A_793 = arith.mulf %parallel_loop3A_790, %parallel_loop3A_792 : vector<16xf32>
        %parallel_loop3A_794 = arith.constant 0 : i32
        %parallel_loop3A_795 = arith.addi %parallel_loop3A_782, %parallel_loop3A_794 : i32
        %parallel_loop3A_796 = arith.constant 1 : i32
        %parallel_loop3A_797 = arith.index_cast %parallel_loop3A_796 : i32 to index
        %parallel_loop3A_798 = arith.index_cast %parallel_loop3A_795 : i32 to index
        %parallel_loop3A_799 = arith.constant 0 : index
        %parallel_loop3A_800 = tpu.vector_load %arg6[%parallel_loop3A_797, %parallel_loop3A_798, %parallel_loop3A_799] {strides = array<i32>} : memref<4x128x128xf32, #tpu.memory_space<vmem>>, vector<1x1x16xf32>,
        %parallel_loop3A_801 = vector.shape_cast %parallel_loop3A_800 : vector<1x1x16xf32> to vector<16xf32>
        %parallel_loop3A_802 = vector.shape_cast %parallel_loop3A_793 : vector<16xf32> to vector<1x1x16xf32>
        tpu.vector_store %arg6[%parallel_loop3A_797, %parallel_loop3A_798, %parallel_loop3A_799], %parallel_loop3A_802 {strides = array<i32>} : memref<4x128x128xf32, #tpu.memory_space<vmem>>, vector<1x1x16xf32>,
        %parallel_loop3A_803 = arith.constant 0 : i32
        %parallel_loop3A_804 = arith.addi %parallel_loop3A_782, %parallel_loop3A_803 : i32
        %parallel_loop3A_805 = arith.constant 1 : i32
        %parallel_loop3A_806 = arith.index_cast %parallel_loop3A_805 : i32 to index
        %parallel_loop3A_807 = arith.index_cast %parallel_loop3A_804 : i32 to index
        %parallel_loop3A_808 = arith.constant 16 : index
        %parallel_loop3A_809 = tpu.vector_load %arg6[%parallel_loop3A_806, %parallel_loop3A_807, %parallel_loop3A_808] {strides = array<i32>} : memref<4x128x128xf32, #tpu.memory_space<vmem>>, vector<1x1x16xf32>,
        %parallel_loop3A_810 = vector.shape_cast %parallel_loop3A_809 : vector<1x1x16xf32> to vector<16xf32>
        %parallel_loop3A_811 = arith.constant 11.3137083 : f32
        %parallel_loop3A_812 = vector.broadcast %parallel_loop3A_811 : f32 to vector<16xf32>
        %parallel_loop3A_813 = arith.mulf %parallel_loop3A_810, %parallel_loop3A_812 : vector<16xf32>
        %parallel_loop3A_814 = arith.constant 0 : i32
        %parallel_loop3A_815 = arith.addi %parallel_loop3A_782, %parallel_loop3A_814 : i32
        %parallel_loop3A_816 = arith.constant 1 : i32
        %parallel_loop3A_817 = arith.index_cast %parallel_loop3A_816 : i32 to index
        %parallel_loop3A_818 = arith.index_cast %parallel_loop3A_815 : i32 to index
        %parallel_loop3A_819 = arith.constant 16 : index
        %parallel_loop3A_820 = tpu.vector_load %arg6[%parallel_loop3A_817, %parallel_loop3A_818, %parallel_loop3A_819] {strides = array<i32>} : memref<4x128x128xf32, #tpu.memory_space<vmem>>, vector<1x1x16xf32>,
        %parallel_loop3A_821 = vector.shape_cast %parallel_loop3A_820 : vector<1x1x16xf32> to vector<16xf32>
        %parallel_loop3A_822 = vector.shape_cast %parallel_loop3A_813 : vector<16xf32> to vector<1x1x16xf32>
        tpu.vector_store %arg6[%parallel_loop3A_817, %parallel_loop3A_818, %parallel_loop3A_819], %parallel_loop3A_822 {strides = array<i32>} : memref<4x128x128xf32, #tpu.memory_space<vmem>>, vector<1x1x16xf32>,
        %parallel_loop3A_823 = arith.constant 0 : i32
        %parallel_loop3A_824 = arith.addi %parallel_loop3A_782, %parallel_loop3A_823 : i32
        %parallel_loop3A_825 = arith.constant 1 : i32
        %parallel_loop3A_826 = arith.index_cast %parallel_loop3A_825 : i32 to index
        %parallel_loop3A_827 = arith.index_cast %parallel_loop3A_824 : i32 to index
        %parallel_loop3A_828 = arith.constant 32 : index
        %parallel_loop3A_829 = tpu.vector_load %arg6[%parallel_loop3A_826, %parallel_loop3A_827, %parallel_loop3A_828] {strides = array<i32>} : memref<4x128x128xf32, #tpu.memory_space<vmem>>, vector<1x1x16xf32>,
        %parallel_loop3A_830 = vector.shape_cast %parallel_loop3A_829 : vector<1x1x16xf32> to vector<16xf32>
        %parallel_loop3A_831 = arith.constant 11.3137083 : f32
        %parallel_loop3A_832 = vector.broadcast %parallel_loop3A_831 : f32 to vector<16xf32>
        %parallel_loop3A_833 = arith.mulf %parallel_loop3A_830, %parallel_loop3A_832 : vector<16xf32>
        %parallel_loop3A_834 = arith.constant 0 : i32
        %parallel_loop3A_835 = arith.addi %parallel_loop3A_782, %parallel_loop3A_834 : i32
        %parallel_loop3A_836 = arith.constant 1 : i32
        %parallel_loop3A_837 = arith.index_cast %parallel_loop3A_836 : i32 to index
        %parallel_loop3A_838 = arith.index_cast %parallel_loop3A_835 : i32 to index
        %parallel_loop3A_839 = arith.constant 32 : index
        %parallel_loop3A_840 = tpu.vector_load %arg6[%parallel_loop3A_837, %parallel_loop3A_838, %parallel_loop3A_839] {strides = array<i32>} : memref<4x128x128xf32, #tpu.memory_space<vmem>>, vector<1x1x16xf32>,
        %parallel_loop3A_841 = vector.shape_cast %parallel_loop3A_840 : vector<1x1x16xf32> to vector<16xf32>
        %parallel_loop3A_842 = vector.shape_cast %parallel_loop3A_833 : vector<16xf32> to vector<1x1x16xf32>
        tpu.vector_store %arg6[%parallel_loop3A_837, %parallel_loop3A_838, %parallel_loop3A_839], %parallel_loop3A_842 {strides = array<i32>} : memref<4x128x128xf32, #tpu.memory_space<vmem>>, vector<1x1x16xf32>,
        %parallel_loop3A_843 = arith.constant 0 : i32
        %parallel_loop3A_844 = arith.addi %parallel_loop3A_782, %parallel_loop3A_843 : i32
        %parallel_loop3A_845 = arith.constant 1 : i32
        %parallel_loop3A_846 = arith.index_cast %parallel_loop3A_845 : i32 to index
        %parallel_loop3A_847 = arith.index_cast %parallel_loop3A_844 : i32 to index
        %parallel_loop3A_848 = arith.constant 48 : index
        %parallel_loop3A_849 = tpu.vector_load %arg6[%parallel_loop3A_846, %parallel_loop3A_847, %parallel_loop3A_848] {strides = array<i32>} : memref<4x128x128xf32, #tpu.memory_space<vmem>>, vector<1x1x16xf32>,
        %parallel_loop3A_850 = vector.shape_cast %parallel_loop3A_849 : vector<1x1x16xf32> to vector<16xf32>
        %parallel_loop3A_851 = arith.constant 11.3137083 : f32
        %parallel_loop3A_852 = vector.broadcast %parallel_loop3A_851 : f32 to vector<16xf32>
        %parallel_loop3A_853 = arith.mulf %parallel_loop3A_850, %parallel_loop3A_852 : vector<16xf32>
        %parallel_loop3A_854 = arith.constant 0 : i32
        %parallel_loop3A_855 = arith.addi %parallel_loop3A_782, %parallel_loop3A_854 : i32
        %parallel_loop3A_856 = arith.constant 1 : i32
        %parallel_loop3A_857 = arith.index_cast %parallel_loop3A_856 : i32 to index
        %parallel_loop3A_858 = arith.index_cast %parallel_loop3A_855 : i32 to index
        %parallel_loop3A_859 = arith.constant 48 : index
        %parallel_loop3A_860 = tpu.vector_load %arg6[%parallel_loop3A_857, %parallel_loop3A_858, %parallel_loop3A_859] {strides = array<i32>} : memref<4x128x128xf32, #tpu.memory_space<vmem>>, vector<1x1x16xf32>,
        %parallel_loop3A_861 = vector.shape_cast %parallel_loop3A_860 : vector<1x1x16xf32> to vector<16xf32>
        %parallel_loop3A_862 = vector.shape_cast %parallel_loop3A_853 : vector<16xf32> to vector<1x1x16xf32>
        tpu.vector_store %arg6[%parallel_loop3A_857, %parallel_loop3A_858, %parallel_loop3A_859], %parallel_loop3A_862 {strides = array<i32>} : memref<4x128x128xf32, #tpu.memory_space<vmem>>, vector<1x1x16xf32>,
        %parallel_loop3A_863 = arith.constant 0 : i32
        %parallel_loop3A_864 = arith.addi %parallel_loop3A_782, %parallel_loop3A_863 : i32
        %parallel_loop3A_865 = arith.constant 1 : i32
        %parallel_loop3A_866 = arith.index_cast %parallel_loop3A_865 : i32 to index
        %parallel_loop3A_867 = arith.index_cast %parallel_loop3A_864 : i32 to index
        %parallel_loop3A_868 = arith.constant 64 : index
        %parallel_loop3A_869 = tpu.vector_load %arg6[%parallel_loop3A_866, %parallel_loop3A_867, %parallel_loop3A_868] {strides = array<i32>} : memref<4x128x128xf32, #tpu.memory_space<vmem>>, vector<1x1x16xf32>,
        %parallel_loop3A_870 = vector.shape_cast %parallel_loop3A_869 : vector<1x1x16xf32> to vector<16xf32>
        %parallel_loop3A_871 = arith.constant 11.3137083 : f32
        %parallel_loop3A_872 = vector.broadcast %parallel_loop3A_871 : f32 to vector<16xf32>
        %parallel_loop3A_873 = arith.mulf %parallel_loop3A_870, %parallel_loop3A_872 : vector<16xf32>
        %parallel_loop3A_874 = arith.constant 0 : i32
        %parallel_loop3A_875 = arith.addi %parallel_loop3A_782, %parallel_loop3A_874 : i32
        %parallel_loop3A_876 = arith.constant 1 : i32
        %parallel_loop3A_877 = arith.index_cast %parallel_loop3A_876 : i32 to index
        %parallel_loop3A_878 = arith.index_cast %parallel_loop3A_875 : i32 to index
        %parallel_loop3A_879 = arith.constant 64 : index
        %parallel_loop3A_880 = tpu.vector_load %arg6[%parallel_loop3A_877, %parallel_loop3A_878, %parallel_loop3A_879] {strides = array<i32>} : memref<4x128x128xf32, #tpu.memory_space<vmem>>, vector<1x1x16xf32>,
        %parallel_loop3A_881 = vector.shape_cast %parallel_loop3A_880 : vector<1x1x16xf32> to vector<16xf32>
        %parallel_loop3A_882 = vector.shape_cast %parallel_loop3A_873 : vector<16xf32> to vector<1x1x16xf32>
        tpu.vector_store %arg6[%parallel_loop3A_877, %parallel_loop3A_878, %parallel_loop3A_879], %parallel_loop3A_882 {strides = array<i32>} : memref<4x128x128xf32, #tpu.memory_space<vmem>>, vector<1x1x16xf32>,
        %parallel_loop3A_883 = arith.constant 0 : i32
        %parallel_loop3A_884 = arith.addi %parallel_loop3A_782, %parallel_loop3A_883 : i32
        %parallel_loop3A_885 = arith.constant 1 : i32
        %parallel_loop3A_886 = arith.index_cast %parallel_loop3A_885 : i32 to index
        %parallel_loop3A_887 = arith.index_cast %parallel_loop3A_884 : i32 to index
        %parallel_loop3A_888 = arith.constant 80 : index
        %parallel_loop3A_889 = tpu.vector_load %arg6[%parallel_loop3A_886, %parallel_loop3A_887, %parallel_loop3A_888] {strides = array<i32>} : memref<4x128x128xf32, #tpu.memory_space<vmem>>, vector<1x1x16xf32>,
        %parallel_loop3A_890 = vector.shape_cast %parallel_loop3A_889 : vector<1x1x16xf32> to vector<16xf32>
        %parallel_loop3A_891 = arith.constant 11.3137083 : f32
        %parallel_loop3A_892 = vector.broadcast %parallel_loop3A_891 : f32 to vector<16xf32>
        %parallel_loop3A_893 = arith.mulf %parallel_loop3A_890, %parallel_loop3A_892 : vector<16xf32>
        %parallel_loop3A_894 = arith.constant 0 : i32
        %parallel_loop3A_895 = arith.addi %parallel_loop3A_782, %parallel_loop3A_894 : i32
        %parallel_loop3A_896 = arith.constant 1 : i32
        %parallel_loop3A_897 = arith.index_cast %parallel_loop3A_896 : i32 to index
        %parallel_loop3A_898 = arith.index_cast %parallel_loop3A_895 : i32 to index
        %parallel_loop3A_899 = arith.constant 80 : index
        %parallel_loop3A_900 = tpu.vector_load %arg6[%parallel_loop3A_897, %parallel_loop3A_898, %parallel_loop3A_899] {strides = array<i32>} : memref<4x128x128xf32, #tpu.memory_space<vmem>>, vector<1x1x16xf32>,
        %parallel_loop3A_901 = vector.shape_cast %parallel_loop3A_900 : vector<1x1x16xf32> to vector<16xf32>
        %parallel_loop3A_902 = vector.shape_cast %parallel_loop3A_893 : vector<16xf32> to vector<1x1x16xf32>
        tpu.vector_store %arg6[%parallel_loop3A_897, %parallel_loop3A_898, %parallel_loop3A_899], %parallel_loop3A_902 {strides = array<i32>} : memref<4x128x128xf32, #tpu.memory_space<vmem>>, vector<1x1x16xf32>,
        %parallel_loop3A_903 = arith.constant 0 : i32
        %parallel_loop3A_904 = arith.addi %parallel_loop3A_782, %parallel_loop3A_903 : i32
        %parallel_loop3A_905 = arith.constant 1 : i32
        %parallel_loop3A_906 = arith.index_cast %parallel_loop3A_905 : i32 to index
        %parallel_loop3A_907 = arith.index_cast %parallel_loop3A_904 : i32 to index
        %parallel_loop3A_908 = arith.constant 96 : index
        %parallel_loop3A_909 = tpu.vector_load %arg6[%parallel_loop3A_906, %parallel_loop3A_907, %parallel_loop3A_908] {strides = array<i32>} : memref<4x128x128xf32, #tpu.memory_space<vmem>>, vector<1x1x16xf32>,
        %parallel_loop3A_910 = vector.shape_cast %parallel_loop3A_909 : vector<1x1x16xf32> to vector<16xf32>
        %parallel_loop3A_911 = arith.constant 11.3137083 : f32
        %parallel_loop3A_912 = vector.broadcast %parallel_loop3A_911 : f32 to vector<16xf32>
        %parallel_loop3A_913 = arith.mulf %parallel_loop3A_910, %parallel_loop3A_912 : vector<16xf32>
        %parallel_loop3A_914 = arith.constant 0 : i32
        %parallel_loop3A_915 = arith.addi %parallel_loop3A_782, %parallel_loop3A_914 : i32
        %parallel_loop3A_916 = arith.constant 1 : i32
        %parallel_loop3A_917 = arith.index_cast %parallel_loop3A_916 : i32 to index
        %parallel_loop3A_918 = arith.index_cast %parallel_loop3A_915 : i32 to index
        %parallel_loop3A_919 = arith.constant 96 : index
        %parallel_loop3A_920 = tpu.vector_load %arg6[%parallel_loop3A_917, %parallel_loop3A_918, %parallel_loop3A_919] {strides = array<i32>} : memref<4x128x128xf32, #tpu.memory_space<vmem>>, vector<1x1x16xf32>,
        %parallel_loop3A_921 = vector.shape_cast %parallel_loop3A_920 : vector<1x1x16xf32> to vector<16xf32>
        %parallel_loop3A_922 = vector.shape_cast %parallel_loop3A_913 : vector<16xf32> to vector<1x1x16xf32>
        tpu.vector_store %arg6[%parallel_loop3A_917, %parallel_loop3A_918, %parallel_loop3A_919], %parallel_loop3A_922 {strides = array<i32>} : memref<4x128x128xf32, #tpu.memory_space<vmem>>, vector<1x1x16xf32>,
        %parallel_loop3A_923 = arith.constant 0 : i32
        %parallel_loop3A_924 = arith.addi %parallel_loop3A_782, %parallel_loop3A_923 : i32
        %parallel_loop3A_925 = arith.constant 1 : i32
        %parallel_loop3A_926 = arith.index_cast %parallel_loop3A_925 : i32 to index
        %parallel_loop3A_927 = arith.index_cast %parallel_loop3A_924 : i32 to index
        %parallel_loop3A_928 = arith.constant 112 : index
        %parallel_loop3A_929 = tpu.vector_load %arg6[%parallel_loop3A_926, %parallel_loop3A_927, %parallel_loop3A_928] {strides = array<i32>} : memref<4x128x128xf32, #tpu.memory_space<vmem>>, vector<1x1x16xf32>,
        %parallel_loop3A_930 = vector.shape_cast %parallel_loop3A_929 : vector<1x1x16xf32> to vector<16xf32>
        %parallel_loop3A_931 = arith.constant 11.3137083 : f32
        %parallel_loop3A_932 = vector.broadcast %parallel_loop3A_931 : f32 to vector<16xf32>
        %parallel_loop3A_933 = arith.mulf %parallel_loop3A_930, %parallel_loop3A_932 : vector<16xf32>
        %parallel_loop3A_934 = arith.constant 0 : i32
        %parallel_loop3A_935 = arith.addi %parallel_loop3A_782, %parallel_loop3A_934 : i32
        %parallel_loop3A_936 = arith.constant 1 : i32
        %parallel_loop3A_937 = arith.index_cast %parallel_loop3A_936 : i32 to index
        %parallel_loop3A_938 = arith.index_cast %parallel_loop3A_935 : i32 to index
        %parallel_loop3A_939 = arith.constant 112 : index
        %parallel_loop3A_940 = tpu.vector_load %arg6[%parallel_loop3A_937, %parallel_loop3A_938, %parallel_loop3A_939] {strides = array<i32>} : memref<4x128x128xf32, #tpu.memory_space<vmem>>, vector<1x1x16xf32>,
        %parallel_loop3A_941 = vector.shape_cast %parallel_loop3A_940 : vector<1x1x16xf32> to vector<16xf32>
        %parallel_loop3A_942 = vector.shape_cast %parallel_loop3A_933 : vector<16xf32> to vector<1x1x16xf32>
        tpu.vector_store %arg6[%parallel_loop3A_937, %parallel_loop3A_938, %parallel_loop3A_939], %parallel_loop3A_942 {strides = array<i32>} : memref<4x128x128xf32, #tpu.memory_space<vmem>>, vector<1x1x16xf32>,
        %parallel_loop3A_943 = arith.constant 1 : i32
        %parallel_loop3A_944 = arith.addi %parallel_loop3A_782, %parallel_loop3A_943 : i32
        %parallel_loop3A_945 = arith.constant 1 : i32
        %parallel_loop3A_946 = arith.index_cast %parallel_loop3A_945 : i32 to index
        %parallel_loop3A_947 = arith.index_cast %parallel_loop3A_944 : i32 to index
        %parallel_loop3A_948 = arith.constant 0 : index
        %parallel_loop3A_949 = tpu.vector_load %arg6[%parallel_loop3A_946, %parallel_loop3A_947, %parallel_loop3A_948] {strides = array<i32>} : memref<4x128x128xf32, #tpu.memory_space<vmem>>, vector<1x1x16xf32>,
        %parallel_loop3A_950 = vector.shape_cast %parallel_loop3A_949 : vector<1x1x16xf32> to vector<16xf32>
        %parallel_loop3A_951 = arith.constant 11.3137083 : f32
        %parallel_loop3A_952 = vector.broadcast %parallel_loop3A_951 : f32 to vector<16xf32>
        %parallel_loop3A_953 = arith.mulf %parallel_loop3A_950, %parallel_loop3A_952 : vector<16xf32>
        %parallel_loop3A_954 = arith.constant 1 : i32
        %parallel_loop3A_955 = arith.addi %parallel_loop3A_782, %parallel_loop3A_954 : i32
        %parallel_loop3A_956 = arith.constant 1 : i32
        %parallel_loop3A_957 = arith.index_cast %parallel_loop3A_956 : i32 to index
        %parallel_loop3A_958 = arith.index_cast %parallel_loop3A_955 : i32 to index
        %parallel_loop3A_959 = arith.constant 0 : index
        %parallel_loop3A_960 = tpu.vector_load %arg6[%parallel_loop3A_957, %parallel_loop3A_958, %parallel_loop3A_959] {strides = array<i32>} : memref<4x128x128xf32, #tpu.memory_space<vmem>>, vector<1x1x16xf32>,
        %parallel_loop3A_961 = vector.shape_cast %parallel_loop3A_960 : vector<1x1x16xf32> to vector<16xf32>
        %parallel_loop3A_962 = vector.shape_cast %parallel_loop3A_953 : vector<16xf32> to vector<1x1x16xf32>
        tpu.vector_store %arg6[%parallel_loop3A_957, %parallel_loop3A_958, %parallel_loop3A_959], %parallel_loop3A_962 {strides = array<i32>} : memref<4x128x128xf32, #tpu.memory_space<vmem>>, vector<1x1x16xf32>,
        %parallel_loop3A_963 = arith.constant 1 : i32
        %parallel_loop3A_964 = arith.addi %parallel_loop3A_782, %parallel_loop3A_963 : i32
        %parallel_loop3A_965 = arith.constant 1 : i32
        %parallel_loop3A_966 = arith.index_cast %parallel_loop3A_965 : i32 to index
        %parallel_loop3A_967 = arith.index_cast %parallel_loop3A_964 : i32 to index
        %parallel_loop3A_968 = arith.constant 16 : index
        %parallel_loop3A_969 = tpu.vector_load %arg6[%parallel_loop3A_966, %parallel_loop3A_967, %parallel_loop3A_968] {strides = array<i32>} : memref<4x128x128xf32, #tpu.memory_space<vmem>>, vector<1x1x16xf32>,
        %parallel_loop3A_970 = vector.shape_cast %parallel_loop3A_969 : vector<1x1x16xf32> to vector<16xf32>
        %parallel_loop3A_971 = arith.constant 11.3137083 : f32
        %parallel_loop3A_972 = vector.broadcast %parallel_loop3A_971 : f32 to vector<16xf32>
        %parallel_loop3A_973 = arith.mulf %parallel_loop3A_970, %parallel_loop3A_972 : vector<16xf32>
        %parallel_loop3A_974 = arith.constant 1 : i32
        %parallel_loop3A_975 = arith.addi %parallel_loop3A_782, %parallel_loop3A_974 : i32
        %parallel_loop3A_976 = arith.constant 1 : i32
        %parallel_loop3A_977 = arith.index_cast %parallel_loop3A_976 : i32 to index
        %parallel_loop3A_978 = arith.index_cast %parallel_loop3A_975 : i32 to index
        %parallel_loop3A_979 = arith.constant 16 : index
        %parallel_loop3A_980 = tpu.vector_load %arg6[%parallel_loop3A_977, %parallel_loop3A_978, %parallel_loop3A_979] {strides = array<i32>} : memref<4x128x128xf32, #tpu.memory_space<vmem>>, vector<1x1x16xf32>,
        %parallel_loop3A_981 = vector.shape_cast %parallel_loop3A_980 : vector<1x1x16xf32> to vector<16xf32>
        %parallel_loop3A_982 = vector.shape_cast %parallel_loop3A_973 : vector<16xf32> to vector<1x1x16xf32>
        tpu.vector_store %arg6[%parallel_loop3A_977, %parallel_loop3A_978, %parallel_loop3A_979], %parallel_loop3A_982 {strides = array<i32>} : memref<4x128x128xf32, #tpu.memory_space<vmem>>, vector<1x1x16xf32>,
        %parallel_loop3A_983 = arith.constant 1 : i32
        %parallel_loop3A_984 = arith.addi %parallel_loop3A_782, %parallel_loop3A_983 : i32
        %parallel_loop3A_985 = arith.constant 1 : i32
        %parallel_loop3A_986 = arith.index_cast %parallel_loop3A_985 : i32 to index
        %parallel_loop3A_987 = arith.index_cast %parallel_loop3A_984 : i32 to index
        %parallel_loop3A_988 = arith.constant 32 : index
        %parallel_loop3A_989 = tpu.vector_load %arg6[%parallel_loop3A_986, %parallel_loop3A_987, %parallel_loop3A_988] {strides = array<i32>} : memref<4x128x128xf32, #tpu.memory_space<vmem>>, vector<1x1x16xf32>,
        %parallel_loop3A_990 = vector.shape_cast %parallel_loop3A_989 : vector<1x1x16xf32> to vector<16xf32>
        %parallel_loop3A_991 = arith.constant 11.3137083 : f32
        %parallel_loop3A_992 = vector.broadcast %parallel_loop3A_991 : f32 to vector<16xf32>
        %parallel_loop3A_993 = arith.mulf %parallel_loop3A_990, %parallel_loop3A_992 : vector<16xf32>
        %parallel_loop3A_994 = arith.constant 1 : i32
        %parallel_loop3A_995 = arith.addi %parallel_loop3A_782, %parallel_loop3A_994 : i32
        %parallel_loop3A_996 = arith.constant 1 : i32
        %parallel_loop3A_997 = arith.index_cast %parallel_loop3A_996 : i32 to index
        %parallel_loop3A_998 = arith.index_cast %parallel_loop3A_995 : i32 to index
        %parallel_loop3A_999 = arith.constant 32 : index
        %parallel_loop3A_1000 = tpu.vector_load %arg6[%parallel_loop3A_997, %parallel_loop3A_998, %parallel_loop3A_999] {strides = array<i32>} : memref<4x128x128xf32, #tpu.memory_space<vmem>>, vector<1x1x16xf32>,
        %parallel_loop3A_1001 = vector.shape_cast %parallel_loop3A_1000 : vector<1x1x16xf32> to vector<16xf32>
        %parallel_loop3A_1002 = vector.shape_cast %parallel_loop3A_993 : vector<16xf32> to vector<1x1x16xf32>
        tpu.vector_store %arg6[%parallel_loop3A_997, %parallel_loop3A_998, %parallel_loop3A_999], %parallel_loop3A_1002 {strides = array<i32>} : memref<4x128x128xf32, #tpu.memory_space<vmem>>, vector<1x1x16xf32>,
        %parallel_loop3A_1003 = arith.constant 1 : i32
        %parallel_loop3A_1004 = arith.addi %parallel_loop3A_782, %parallel_loop3A_1003 : i32
        %parallel_loop3A_1005 = arith.constant 1 : i32
        %parallel_loop3A_1006 = arith.index_cast %parallel_loop3A_1005 : i32 to index
        %parallel_loop3A_1007 = arith.index_cast %parallel_loop3A_1004 : i32 to index
        %parallel_loop3A_1008 = arith.constant 48 : index
        %parallel_loop3A_1009 = tpu.vector_load %arg6[%parallel_loop3A_1006, %parallel_loop3A_1007, %parallel_loop3A_1008] {strides = array<i32>} : memref<4x128x128xf32, #tpu.memory_space<vmem>>, vector<1x1x16xf32>,
        %parallel_loop3A_1010 = vector.shape_cast %parallel_loop3A_1009 : vector<1x1x16xf32> to vector<16xf32>
        %parallel_loop3A_1011 = arith.constant 11.3137083 : f32
        %parallel_loop3A_1012 = vector.broadcast %parallel_loop3A_1011 : f32 to vector<16xf32>
        %parallel_loop3A_1013 = arith.mulf %parallel_loop3A_1010, %parallel_loop3A_1012 : vector<16xf32>
        %parallel_loop3A_1014 = arith.constant 1 : i32
        %parallel_loop3A_1015 = arith.addi %parallel_loop3A_782, %parallel_loop3A_1014 : i32
        %parallel_loop3A_1016 = arith.constant 1 : i32
        %parallel_loop3A_1017 = arith.index_cast %parallel_loop3A_1016 : i32 to index
        %parallel_loop3A_1018 = arith.index_cast %parallel_loop3A_1015 : i32 to index
        %parallel_loop3A_1019 = arith.constant 48 : index
        %parallel_loop3A_1020 = tpu.vector_load %arg6[%parallel_loop3A_1017, %parallel_loop3A_1018, %parallel_loop3A_1019] {strides = array<i32>} : memref<4x128x128xf32, #tpu.memory_space<vmem>>, vector<1x1x16xf32>,
        %parallel_loop3A_1021 = vector.shape_cast %parallel_loop3A_1020 : vector<1x1x16xf32> to vector<16xf32>
        %parallel_loop3A_1022 = vector.shape_cast %parallel_loop3A_1013 : vector<16xf32> to vector<1x1x16xf32>
        tpu.vector_store %arg6[%parallel_loop3A_1017, %parallel_loop3A_1018, %parallel_loop3A_1019], %parallel_loop3A_1022 {strides = array<i32>} : memref<4x128x128xf32, #tpu.memory_space<vmem>>, vector<1x1x16xf32>,
        %parallel_loop3A_1023 = arith.constant 1 : i32
        %parallel_loop3A_1024 = arith.addi %parallel_loop3A_782, %parallel_loop3A_1023 : i32
        %parallel_loop3A_1025 = arith.constant 1 : i32
        %parallel_loop3A_1026 = arith.index_cast %parallel_loop3A_1025 : i32 to index
        %parallel_loop3A_1027 = arith.index_cast %parallel_loop3A_1024 : i32 to index
        %parallel_loop3A_1028 = arith.constant 64 : index
        %parallel_loop3A_1029 = tpu.vector_load %arg6[%parallel_loop3A_1026, %parallel_loop3A_1027, %parallel_loop3A_1028] {strides = array<i32>} : memref<4x128x128xf32, #tpu.memory_space<vmem>>, vector<1x1x16xf32>,
        %parallel_loop3A_1030 = vector.shape_cast %parallel_loop3A_1029 : vector<1x1x16xf32> to vector<16xf32>
        %parallel_loop3A_1031 = arith.constant 11.3137083 : f32
        %parallel_loop3A_1032 = vector.broadcast %parallel_loop3A_1031 : f32 to vector<16xf32>
        %parallel_loop3A_1033 = arith.mulf %parallel_loop3A_1030, %parallel_loop3A_1032 : vector<16xf32>
        %parallel_loop3A_1034 = arith.constant 1 : i32
        %parallel_loop3A_1035 = arith.addi %parallel_loop3A_782, %parallel_loop3A_1034 : i32
        %parallel_loop3A_1036 = arith.constant 1 : i32
        %parallel_loop3A_1037 = arith.index_cast %parallel_loop3A_1036 : i32 to index
        %parallel_loop3A_1038 = arith.index_cast %parallel_loop3A_1035 : i32 to index
        %parallel_loop3A_1039 = arith.constant 64 : index
        %parallel_loop3A_1040 = tpu.vector_load %arg6[%parallel_loop3A_1037, %parallel_loop3A_1038, %parallel_loop3A_1039] {strides = array<i32>} : memref<4x128x128xf32, #tpu.memory_space<vmem>>, vector<1x1x16xf32>,
        %parallel_loop3A_1041 = vector.shape_cast %parallel_loop3A_1040 : vector<1x1x16xf32> to vector<16xf32>
        %parallel_loop3A_1042 = vector.shape_cast %parallel_loop3A_1033 : vector<16xf32> to vector<1x1x16xf32>
        tpu.vector_store %arg6[%parallel_loop3A_1037, %parallel_loop3A_1038, %parallel_loop3A_1039], %parallel_loop3A_1042 {strides = array<i32>} : memref<4x128x128xf32, #tpu.memory_space<vmem>>, vector<1x1x16xf32>,
        %parallel_loop3A_1043 = arith.constant 1 : i32
        %parallel_loop3A_1044 = arith.addi %parallel_loop3A_782, %parallel_loop3A_1043 : i32
        %parallel_loop3A_1045 = arith.constant 1 : i32
        %parallel_loop3A_1046 = arith.index_cast %parallel_loop3A_1045 : i32 to index
        %parallel_loop3A_1047 = arith.index_cast %parallel_loop3A_1044 : i32 to index
        %parallel_loop3A_1048 = arith.constant 80 : index
        %parallel_loop3A_1049 = tpu.vector_load %arg6[%parallel_loop3A_1046, %parallel_loop3A_1047, %parallel_loop3A_1048] {strides = array<i32>} : memref<4x128x128xf32, #tpu.memory_space<vmem>>, vector<1x1x16xf32>,
        %parallel_loop3A_1050 = vector.shape_cast %parallel_loop3A_1049 : vector<1x1x16xf32> to vector<16xf32>
        %parallel_loop3A_1051 = arith.constant 11.3137083 : f32
        %parallel_loop3A_1052 = vector.broadcast %parallel_loop3A_1051 : f32 to vector<16xf32>
        %parallel_loop3A_1053 = arith.mulf %parallel_loop3A_1050, %parallel_loop3A_1052 : vector<16xf32>
        %parallel_loop3A_1054 = arith.constant 1 : i32
        %parallel_loop3A_1055 = arith.addi %parallel_loop3A_782, %parallel_loop3A_1054 : i32
        %parallel_loop3A_1056 = arith.constant 1 : i32
        %parallel_loop3A_1057 = arith.index_cast %parallel_loop3A_1056 : i32 to index
        %parallel_loop3A_1058 = arith.index_cast %parallel_loop3A_1055 : i32 to index
        %parallel_loop3A_1059 = arith.constant 80 : index
        %parallel_loop3A_1060 = tpu.vector_load %arg6[%parallel_loop3A_1057, %parallel_loop3A_1058, %parallel_loop3A_1059] {strides = array<i32>} : memref<4x128x128xf32, #tpu.memory_space<vmem>>, vector<1x1x16xf32>,
        %parallel_loop3A_1061 = vector.shape_cast %parallel_loop3A_1060 : vector<1x1x16xf32> to vector<16xf32>
        %parallel_loop3A_1062 = vector.shape_cast %parallel_loop3A_1053 : vector<16xf32> to vector<1x1x16xf32>
        tpu.vector_store %arg6[%parallel_loop3A_1057, %parallel_loop3A_1058, %parallel_loop3A_1059], %parallel_loop3A_1062 {strides = array<i32>} : memref<4x128x128xf32, #tpu.memory_space<vmem>>, vector<1x1x16xf32>,
        %parallel_loop3A_1063 = arith.constant 1 : i32
        %parallel_loop3A_1064 = arith.addi %parallel_loop3A_782, %parallel_loop3A_1063 : i32
        %parallel_loop3A_1065 = arith.constant 1 : i32
        %parallel_loop3A_1066 = arith.index_cast %parallel_loop3A_1065 : i32 to index
        %parallel_loop3A_1067 = arith.index_cast %parallel_loop3A_1064 : i32 to index
        %parallel_loop3A_1068 = arith.constant 96 : index
        %parallel_loop3A_1069 = tpu.vector_load %arg6[%parallel_loop3A_1066, %parallel_loop3A_1067, %parallel_loop3A_1068] {strides = array<i32>} : memref<4x128x128xf32, #tpu.memory_space<vmem>>, vector<1x1x16xf32>,
        %parallel_loop3A_1070 = vector.shape_cast %parallel_loop3A_1069 : vector<1x1x16xf32> to vector<16xf32>
        %parallel_loop3A_1071 = arith.constant 11.3137083 : f32
        %parallel_loop3A_1072 = vector.broadcast %parallel_loop3A_1071 : f32 to vector<16xf32>
        %parallel_loop3A_1073 = arith.mulf %parallel_loop3A_1070, %parallel_loop3A_1072 : vector<16xf32>
        %parallel_loop3A_1074 = arith.constant 1 : i32
        %parallel_loop3A_1075 = arith.addi %parallel_loop3A_782, %parallel_loop3A_1074 : i32
        %parallel_loop3A_1076 = arith.constant 1 : i32
        %parallel_loop3A_1077 = arith.index_cast %parallel_loop3A_1076 : i32 to index
        %parallel_loop3A_1078 = arith.index_cast %parallel_loop3A_1075 : i32 to index
        %parallel_loop3A_1079 = arith.constant 96 : index
        %parallel_loop3A_1080 = tpu.vector_load %arg6[%parallel_loop3A_1077, %parallel_loop3A_1078, %parallel_loop3A_1079] {strides = array<i32>} : memref<4x128x128xf32, #tpu.memory_space<vmem>>, vector<1x1x16xf32>,
        %parallel_loop3A_1081 = vector.shape_cast %parallel_loop3A_1080 : vector<1x1x16xf32> to vector<16xf32>
        %parallel_loop3A_1082 = vector.shape_cast %parallel_loop3A_1073 : vector<16xf32> to vector<1x1x16xf32>
        tpu.vector_store %arg6[%parallel_loop3A_1077, %parallel_loop3A_1078, %parallel_loop3A_1079], %parallel_loop3A_1082 {strides = array<i32>} : memref<4x128x128xf32, #tpu.memory_space<vmem>>, vector<1x1x16xf32>,
        %parallel_loop3A_1083 = arith.constant 1 : i32
        %parallel_loop3A_1084 = arith.addi %parallel_loop3A_782, %parallel_loop3A_1083 : i32
        %parallel_loop3A_1085 = arith.constant 1 : i32
        %parallel_loop3A_1086 = arith.index_cast %parallel_loop3A_1085 : i32 to index
        %parallel_loop3A_1087 = arith.index_cast %parallel_loop3A_1084 : i32 to index
        %parallel_loop3A_1088 = arith.constant 112 : index
        %parallel_loop3A_1089 = tpu.vector_load %arg6[%parallel_loop3A_1086, %parallel_loop3A_1087, %parallel_loop3A_1088] {strides = array<i32>} : memref<4x128x128xf32, #tpu.memory_space<vmem>>, vector<1x1x16xf32>,
        %parallel_loop3A_1090 = vector.shape_cast %parallel_loop3A_1089 : vector<1x1x16xf32> to vector<16xf32>
        %parallel_loop3A_1091 = arith.constant 11.3137083 : f32
        %parallel_loop3A_1092 = vector.broadcast %parallel_loop3A_1091 : f32 to vector<16xf32>
        %parallel_loop3A_1093 = arith.mulf %parallel_loop3A_1090, %parallel_loop3A_1092 : vector<16xf32>
        %parallel_loop3A_1094 = arith.constant 1 : i32
        %parallel_loop3A_1095 = arith.addi %parallel_loop3A_782, %parallel_loop3A_1094 : i32
        %parallel_loop3A_1096 = arith.constant 1 : i32
        %parallel_loop3A_1097 = arith.index_cast %parallel_loop3A_1096 : i32 to index
        %parallel_loop3A_1098 = arith.index_cast %parallel_loop3A_1095 : i32 to index
        %parallel_loop3A_1099 = arith.constant 112 : index
        %parallel_loop3A_1100 = tpu.vector_load %arg6[%parallel_loop3A_1097, %parallel_loop3A_1098, %parallel_loop3A_1099] {strides = array<i32>} : memref<4x128x128xf32, #tpu.memory_space<vmem>>, vector<1x1x16xf32>,
        %parallel_loop3A_1101 = vector.shape_cast %parallel_loop3A_1100 : vector<1x1x16xf32> to vector<16xf32>
        %parallel_loop3A_1102 = vector.shape_cast %parallel_loop3A_1093 : vector<16xf32> to vector<1x1x16xf32>
        tpu.vector_store %arg6[%parallel_loop3A_1097, %parallel_loop3A_1098, %parallel_loop3A_1099], %parallel_loop3A_1102 {strides = array<i32>} : memref<4x128x128xf32, #tpu.memory_space<vmem>>, vector<1x1x16xf32>,
      } {sc.loop_unroll_factor = 1 : i64, sc.parallel_access}
      %add3A_626 = arith.addi %mul3A_2, %add3A_581 : i32
      %mul3A_627 = arith.constant 128 : i32
      %mul3A_628 = arith.muli %add3A_626, %mul3A_627 : i32
      %dma_start3A_629 = arith.constant 1 : i32
      %dma_start3A_630 = arith.constant 0 : i32
      %dma_start3A_631 = arith.constant 0 : i32
      %dma_start3A_632 = tpu.memref_slice %arg6[%dma_start3A_629, %dma_start3A_630, %dma_start3A_631] : memref<4x128x128xf32, #tpu.memory_space<vmem>> -> memref<1x128x128xf32, #tpu.memory_space<vmem>>
      %dma_start3A_633 = tpu.memref_squeeze %dma_start3A_632 : memref<1x128x128xf32, #tpu.memory_space<vmem>> -> memref<128x128xf32, #tpu.memory_space<vmem>>
      %dma_start3A_634 = arith.constant 0 : i32
      %dma_start3A_635 = tpu.memref_slice %arg4[%mul3A_628, %dma_start3A_634] : memref<819200x128xf32, #tpu.memory_space<hbm>> -> memref<128x128xf32, #tpu.memory_space<hbm>>
      %dma_start3A_636 = arith.constant 0 : i32
      %dma_start3A_637 = tpu.memref_slice %arg4[%mul3A_628, %dma_start3A_636] : memref<819200x128xf32, #tpu.memory_space<hbm>> -> memref<128x128xf32, #tpu.memory_space<hbm>>
      %dma_start3A_638 = arith.constant 0 : i32
      %dma_start3A_639 = arith.constant 0 : i32
      %dma_start3A_640 = tpu.memref_slice %arg6[%dma_start3A_629, %dma_start3A_638, %dma_start3A_639] : memref<4x128x128xf32, #tpu.memory_space<vmem>> -> memref<1x128x128xf32, #tpu.memory_space<vmem>>
      %dma_start3A_641 = tpu.memref_squeeze %dma_start3A_640 : memref<1x128x128xf32, #tpu.memory_space<vmem>> -> memref<128x128xf32, #tpu.memory_space<vmem>>
      tpu.enqueue_dma source(%dma_start3A_641 : memref<128x128xf32, #tpu.memory_space<vmem>>) target(%dma_start3A_637 : memref<128x128xf32, #tpu.memory_space<hbm>>) target_semaphore(%arg12 : memref<!tpu.dma_semaphore, #tpu.memory_space<semaphore_mem>>)
      %mul3A_642 = arith.constant 4 : i32
      %mul3A_643 = arith.muli %mul3A_642, %scan3A_501 : i32
      %add3A_644 = arith.constant 2 : i32
      %add3A_645 = arith.addi %mul3A_643, %add3A_644 : i32
      %add3A_646 = arith.constant 2 : i32
      %add3A_647 = arith.addi %add3A_645, %add3A_646 : i32
      %mul3A_648 = arith.constant 4 : i32
      %mul3A_649 = arith.muli %mul3A_648, %scan3A_501 : i32
      %add3A_650 = arith.constant 2 : i32
      %add3A_651 = arith.addi %mul3A_649, %add3A_650 : i32
      %dma_wait3A_652 = arith.constant 0 : i32
      %dma_wait3A_653 = arith.constant 0 : i32
      %dma_wait3A_654 = arith.constant 0 : i32
      %dma_wait3A_655 = tpu.memref_slice %arg6[%dma_wait3A_652, %dma_wait3A_653, %dma_wait3A_654] : memref<4x128x128xf32, #tpu.memory_space<vmem>> -> memref<1x128x128xf32, #tpu.memory_space<vmem>>
      %dma_wait3A_656 = tpu.memref_squeeze %dma_wait3A_655 : memref<1x128x128xf32, #tpu.memory_space<vmem>> -> memref<128x128xf32, #tpu.memory_space<vmem>>
      %dma_wait3A_657 = arith.constant 0 : i32
      %dma_wait3A_658 = arith.constant 0 : i32
      %dma_wait3A_659 = tpu.memref_slice %arg4[%dma_wait3A_657, %dma_wait3A_658] : memref<819200x128xf32, #tpu.memory_space<hbm>> -> memref<128x128xf32, #tpu.memory_space<hbm>>
      %dma_wait3A_660 = arith.constant 0 : i32
      %dma_wait3A_661 = arith.constant 0 : i32
      %dma_wait3A_662 = tpu.memref_slice %arg4[%dma_wait3A_660, %dma_wait3A_661] : memref<819200x128xf32, #tpu.memory_space<hbm>> -> memref<128x128xf32, #tpu.memory_space<hbm>>
      %dma_wait3A_663 = arith.constant 0 : i32
      %dma_wait3A_664 = arith.constant 0 : i32
      %dma_wait3A_665 = tpu.memref_slice %arg6[%dma_wait3A_652, %dma_wait3A_663, %dma_wait3A_664] : memref<4x128x128xf32, #tpu.memory_space<vmem>> -> memref<1x128x128xf32, #tpu.memory_space<vmem>>
      %dma_wait3A_666 = tpu.memref_squeeze %dma_wait3A_665 : memref<1x128x128xf32, #tpu.memory_space<vmem>> -> memref<128x128xf32, #tpu.memory_space<vmem>>
      tpu.wait_dma2 semaphore(%arg11 : memref<!tpu.dma_semaphore, #tpu.memory_space<semaphore_mem>>) src(%dma_wait3A_666 : memref<128x128xf32, #tpu.memory_space<vmem>>) dst(%dma_wait3A_662 : memref<128x128xf32, #tpu.memory_space<hbm>>)
      %dma_start3A_667 = arith.constant 0 : i32
      %dma_start3A_668 = arith.constant 0 : i32
      %dma_start3A_669 = arith.constant 0 : i32
      %dma_start3A_670 = tpu.memref_slice %arg6[%dma_start3A_667, %dma_start3A_668, %dma_start3A_669] : memref<4x128x128xf32, #tpu.memory_space<vmem>> -> memref<1x128x128xf32, #tpu.memory_space<vmem>>
      %dma_start3A_671 = tpu.memref_squeeze %dma_start3A_670 : memref<1x128x128xf32, #tpu.memory_space<vmem>> -> memref<128x128xf32, #tpu.memory_space<vmem>>
      %dma_start3A_672 = arith.constant 0 : i32
      %dma_start3A_673 = tpu.memref_slice %arg5[%add3A_647, %dma_start3A_672] : memref<200x128xi32, #tpu.memory_space<vmem>> -> memref<1x128xi32, #tpu.memory_space<vmem>>
      %dma_start3A_674 = tpu.memref_squeeze %dma_start3A_673 : memref<1x128xi32, #tpu.memory_space<vmem>> -> memref<128xi32, #tpu.memory_space<vmem>>
      %dma_start3A_675 = arith.constant 0 : i32
      %dma_start3A_676 = arith.constant 0 : i32
      %dma_start3A_677 = tpu.memref_slice %arg2[%dma_start3A_675, %dma_start3A_676] : memref<100000x128xf32, #tpu.memory_space<hbm>> -> memref<100000x128xf32, #tpu.memory_space<hbm>>
      tpu.enqueue_indirect_dma source(%dma_start3A_677 : memref<100000x128xf32, #tpu.memory_space<hbm>>) target(%dma_start3A_671 : memref<128x128xf32, #tpu.memory_space<vmem>>) offsets(%dma_start3A_674 : memref<128xi32, #tpu.memory_space<vmem>>) semaphore(%arg7 : memref<!tpu.dma_semaphore, #tpu.memory_space<semaphore_mem>>)
      %dma_wait3A_678 = arith.constant 2 : i32
      %dma_wait3A_679 = arith.constant 0 : i32
      %dma_wait3A_680 = arith.constant 0 : i32
      %dma_wait3A_681 = tpu.memref_slice %arg6[%dma_wait3A_678, %dma_wait3A_679, %dma_wait3A_680] : memref<4x128x128xf32, #tpu.memory_space<vmem>> -> memref<1x128x128xf32, #tpu.memory_space<vmem>>
      %dma_wait3A_682 = tpu.memref_squeeze %dma_wait3A_681 : memref<1x128x128xf32, #tpu.memory_space<vmem>> -> memref<128x128xf32, #tpu.memory_space<vmem>>
      %dma_wait3A_683 = arith.constant 0 : i32
      %dma_wait3A_684 = arith.constant 0 : i32
      %dma_wait3A_685 = tpu.memref_slice %arg2[%dma_wait3A_683, %dma_wait3A_684] : memref<100000x128xf32, #tpu.memory_space<hbm>> -> memref<128x128xf32, #tpu.memory_space<hbm>>
      %dma_wait3A_686 = arith.constant 0 : i32
      %dma_wait3A_687 = arith.constant 0 : i32
      %dma_wait3A_688 = tpu.memref_slice %arg6[%dma_wait3A_678, %dma_wait3A_686, %dma_wait3A_687] : memref<4x128x128xf32, #tpu.memory_space<vmem>> -> memref<1x128x128xf32, #tpu.memory_space<vmem>>
      %dma_wait3A_689 = tpu.memref_squeeze %dma_wait3A_688 : memref<1x128x128xf32, #tpu.memory_space<vmem>> -> memref<128x128xf32, #tpu.memory_space<vmem>>
      %dma_wait3A_690 = arith.constant 0 : i32
      %dma_wait3A_691 = arith.constant 0 : i32
      %dma_wait3A_692 = tpu.memref_slice %arg2[%dma_wait3A_690, %dma_wait3A_691] : memref<100000x128xf32, #tpu.memory_space<hbm>> -> memref<128x128xf32, #tpu.memory_space<hbm>>
      tpu.wait_dma2 semaphore(%arg9 : memref<!tpu.dma_semaphore, #tpu.memory_space<semaphore_mem>>) src(%dma_wait3A_692 : memref<128x128xf32, #tpu.memory_space<hbm>>) dst(%dma_wait3A_689 : memref<128x128xf32, #tpu.memory_space<vmem>>)
      %parallel_loop3A_693 = arith.constant 0 : i32
      %parallel_loop3A_694 = arith.constant 128 : i32
      %parallel_loop3A_695 = arith.constant 2 : i32
      scf.for %parallel_loop3A_782 = %parallel_loop3A_693 to %parallel_loop3A_694 step %parallel_loop3A_695  : i32 {
        %parallel_loop3A_783 = arith.constant 0 : i32
        %parallel_loop3A_784 = arith.addi %parallel_loop3A_782, %parallel_loop3A_783 : i32
        %parallel_loop3A_785 = arith.constant 2 : i32
        %parallel_loop3A_786 = arith.index_cast %parallel_loop3A_785 : i32 to index
        %parallel_loop3A_787 = arith.index_cast %parallel_loop3A_784 : i32 to index
        %parallel_loop3A_788 = arith.constant 0 : index
        %parallel_loop3A_789 = tpu.vector_load %arg6[%parallel_loop3A_786, %parallel_loop3A_787, %parallel_loop3A_788] {strides = array<i32>} : memref<4x128x128xf32, #tpu.memory_space<vmem>>, vector<1x1x16xf32>,
        %parallel_loop3A_790 = vector.shape_cast %parallel_loop3A_789 : vector<1x1x16xf32> to vector<16xf32>
        %parallel_loop3A_791 = arith.constant 11.3137083 : f32
        %parallel_loop3A_792 = vector.broadcast %parallel_loop3A_791 : f32 to vector<16xf32>
        %parallel_loop3A_793 = arith.mulf %parallel_loop3A_790, %parallel_loop3A_792 : vector<16xf32>
        %parallel_loop3A_794 = arith.constant 0 : i32
        %parallel_loop3A_795 = arith.addi %parallel_loop3A_782, %parallel_loop3A_794 : i32
        %parallel_loop3A_796 = arith.constant 2 : i32
        %parallel_loop3A_797 = arith.index_cast %parallel_loop3A_796 : i32 to index
        %parallel_loop3A_798 = arith.index_cast %parallel_loop3A_795 : i32 to index
        %parallel_loop3A_799 = arith.constant 0 : index
        %parallel_loop3A_800 = tpu.vector_load %arg6[%parallel_loop3A_797, %parallel_loop3A_798, %parallel_loop3A_799] {strides = array<i32>} : memref<4x128x128xf32, #tpu.memory_space<vmem>>, vector<1x1x16xf32>,
        %parallel_loop3A_801 = vector.shape_cast %parallel_loop3A_800 : vector<1x1x16xf32> to vector<16xf32>
        %parallel_loop3A_802 = vector.shape_cast %parallel_loop3A_793 : vector<16xf32> to vector<1x1x16xf32>
        tpu.vector_store %arg6[%parallel_loop3A_797, %parallel_loop3A_798, %parallel_loop3A_799], %parallel_loop3A_802 {strides = array<i32>} : memref<4x128x128xf32, #tpu.memory_space<vmem>>, vector<1x1x16xf32>,
        %parallel_loop3A_803 = arith.constant 0 : i32
        %parallel_loop3A_804 = arith.addi %parallel_loop3A_782, %parallel_loop3A_803 : i32
        %parallel_loop3A_805 = arith.constant 2 : i32
        %parallel_loop3A_806 = arith.index_cast %parallel_loop3A_805 : i32 to index
        %parallel_loop3A_807 = arith.index_cast %parallel_loop3A_804 : i32 to index
        %parallel_loop3A_808 = arith.constant 16 : index
        %parallel_loop3A_809 = tpu.vector_load %arg6[%parallel_loop3A_806, %parallel_loop3A_807, %parallel_loop3A_808] {strides = array<i32>} : memref<4x128x128xf32, #tpu.memory_space<vmem>>, vector<1x1x16xf32>,
        %parallel_loop3A_810 = vector.shape_cast %parallel_loop3A_809 : vector<1x1x16xf32> to vector<16xf32>
        %parallel_loop3A_811 = arith.constant 11.3137083 : f32
        %parallel_loop3A_812 = vector.broadcast %parallel_loop3A_811 : f32 to vector<16xf32>
        %parallel_loop3A_813 = arith.mulf %parallel_loop3A_810, %parallel_loop3A_812 : vector<16xf32>
        %parallel_loop3A_814 = arith.constant 0 : i32
        %parallel_loop3A_815 = arith.addi %parallel_loop3A_782, %parallel_loop3A_814 : i32
        %parallel_loop3A_816 = arith.constant 2 : i32
        %parallel_loop3A_817 = arith.index_cast %parallel_loop3A_816 : i32 to index
        %parallel_loop3A_818 = arith.index_cast %parallel_loop3A_815 : i32 to index
        %parallel_loop3A_819 = arith.constant 16 : index
        %parallel_loop3A_820 = tpu.vector_load %arg6[%parallel_loop3A_817, %parallel_loop3A_818, %parallel_loop3A_819] {strides = array<i32>} : memref<4x128x128xf32, #tpu.memory_space<vmem>>, vector<1x1x16xf32>,
        %parallel_loop3A_821 = vector.shape_cast %parallel_loop3A_820 : vector<1x1x16xf32> to vector<16xf32>
        %parallel_loop3A_822 = vector.shape_cast %parallel_loop3A_813 : vector<16xf32> to vector<1x1x16xf32>
        tpu.vector_store %arg6[%parallel_loop3A_817, %parallel_loop3A_818, %parallel_loop3A_819], %parallel_loop3A_822 {strides = array<i32>} : memref<4x128x128xf32, #tpu.memory_space<vmem>>, vector<1x1x16xf32>,
        %parallel_loop3A_823 = arith.constant 0 : i32
        %parallel_loop3A_824 = arith.addi %parallel_loop3A_782, %parallel_loop3A_823 : i32
        %parallel_loop3A_825 = arith.constant 2 : i32
        %parallel_loop3A_826 = arith.index_cast %parallel_loop3A_825 : i32 to index
        %parallel_loop3A_827 = arith.index_cast %parallel_loop3A_824 : i32 to index
        %parallel_loop3A_828 = arith.constant 32 : index
        %parallel_loop3A_829 = tpu.vector_load %arg6[%parallel_loop3A_826, %parallel_loop3A_827, %parallel_loop3A_828] {strides = array<i32>} : memref<4x128x128xf32, #tpu.memory_space<vmem>>, vector<1x1x16xf32>,
        %parallel_loop3A_830 = vector.shape_cast %parallel_loop3A_829 : vector<1x1x16xf32> to vector<16xf32>
        %parallel_loop3A_831 = arith.constant 11.3137083 : f32
        %parallel_loop3A_832 = vector.broadcast %parallel_loop3A_831 : f32 to vector<16xf32>
        %parallel_loop3A_833 = arith.mulf %parallel_loop3A_830, %parallel_loop3A_832 : vector<16xf32>
        %parallel_loop3A_834 = arith.constant 0 : i32
        %parallel_loop3A_835 = arith.addi %parallel_loop3A_782, %parallel_loop3A_834 : i32
        %parallel_loop3A_836 = arith.constant 2 : i32
        %parallel_loop3A_837 = arith.index_cast %parallel_loop3A_836 : i32 to index
        %parallel_loop3A_838 = arith.index_cast %parallel_loop3A_835 : i32 to index
        %parallel_loop3A_839 = arith.constant 32 : index
        %parallel_loop3A_840 = tpu.vector_load %arg6[%parallel_loop3A_837, %parallel_loop3A_838, %parallel_loop3A_839] {strides = array<i32>} : memref<4x128x128xf32, #tpu.memory_space<vmem>>, vector<1x1x16xf32>,
        %parallel_loop3A_841 = vector.shape_cast %parallel_loop3A_840 : vector<1x1x16xf32> to vector<16xf32>
        %parallel_loop3A_842 = vector.shape_cast %parallel_loop3A_833 : vector<16xf32> to vector<1x1x16xf32>
        tpu.vector_store %arg6[%parallel_loop3A_837, %parallel_loop3A_838, %parallel_loop3A_839], %parallel_loop3A_842 {strides = array<i32>} : memref<4x128x128xf32, #tpu.memory_space<vmem>>, vector<1x1x16xf32>,
        %parallel_loop3A_843 = arith.constant 0 : i32
        %parallel_loop3A_844 = arith.addi %parallel_loop3A_782, %parallel_loop3A_843 : i32
        %parallel_loop3A_845 = arith.constant 2 : i32
        %parallel_loop3A_846 = arith.index_cast %parallel_loop3A_845 : i32 to index
        %parallel_loop3A_847 = arith.index_cast %parallel_loop3A_844 : i32 to index
        %parallel_loop3A_848 = arith.constant 48 : index
        %parallel_loop3A_849 = tpu.vector_load %arg6[%parallel_loop3A_846, %parallel_loop3A_847, %parallel_loop3A_848] {strides = array<i32>} : memref<4x128x128xf32, #tpu.memory_space<vmem>>, vector<1x1x16xf32>,
        %parallel_loop3A_850 = vector.shape_cast %parallel_loop3A_849 : vector<1x1x16xf32> to vector<16xf32>
        %parallel_loop3A_851 = arith.constant 11.3137083 : f32
        %parallel_loop3A_852 = vector.broadcast %parallel_loop3A_851 : f32 to vector<16xf32>
        %parallel_loop3A_853 = arith.mulf %parallel_loop3A_850, %parallel_loop3A_852 : vector<16xf32>
        %parallel_loop3A_854 = arith.constant 0 : i32
        %parallel_loop3A_855 = arith.addi %parallel_loop3A_782, %parallel_loop3A_854 : i32
        %parallel_loop3A_856 = arith.constant 2 : i32
        %parallel_loop3A_857 = arith.index_cast %parallel_loop3A_856 : i32 to index
        %parallel_loop3A_858 = arith.index_cast %parallel_loop3A_855 : i32 to index
        %parallel_loop3A_859 = arith.constant 48 : index
        %parallel_loop3A_860 = tpu.vector_load %arg6[%parallel_loop3A_857, %parallel_loop3A_858, %parallel_loop3A_859] {strides = array<i32>} : memref<4x128x128xf32, #tpu.memory_space<vmem>>, vector<1x1x16xf32>,
        %parallel_loop3A_861 = vector.shape_cast %parallel_loop3A_860 : vector<1x1x16xf32> to vector<16xf32>
        %parallel_loop3A_862 = vector.shape_cast %parallel_loop3A_853 : vector<16xf32> to vector<1x1x16xf32>
        tpu.vector_store %arg6[%parallel_loop3A_857, %parallel_loop3A_858, %parallel_loop3A_859], %parallel_loop3A_862 {strides = array<i32>} : memref<4x128x128xf32, #tpu.memory_space<vmem>>, vector<1x1x16xf32>,
        %parallel_loop3A_863 = arith.constant 0 : i32
        %parallel_loop3A_864 = arith.addi %parallel_loop3A_782, %parallel_loop3A_863 : i32
        %parallel_loop3A_865 = arith.constant 2 : i32
        %parallel_loop3A_866 = arith.index_cast %parallel_loop3A_865 : i32 to index
        %parallel_loop3A_867 = arith.index_cast %parallel_loop3A_864 : i32 to index
        %parallel_loop3A_868 = arith.constant 64 : index
        %parallel_loop3A_869 = tpu.vector_load %arg6[%parallel_loop3A_866, %parallel_loop3A_867, %parallel_loop3A_868] {strides = array<i32>} : memref<4x128x128xf32, #tpu.memory_space<vmem>>, vector<1x1x16xf32>,
        %parallel_loop3A_870 = vector.shape_cast %parallel_loop3A_869 : vector<1x1x16xf32> to vector<16xf32>
        %parallel_loop3A_871 = arith.constant 11.3137083 : f32
        %parallel_loop3A_872 = vector.broadcast %parallel_loop3A_871 : f32 to vector<16xf32>
        %parallel_loop3A_873 = arith.mulf %parallel_loop3A_870, %parallel_loop3A_872 : vector<16xf32>
        %parallel_loop3A_874 = arith.constant 0 : i32
        %parallel_loop3A_875 = arith.addi %parallel_loop3A_782, %parallel_loop3A_874 : i32
        %parallel_loop3A_876 = arith.constant 2 : i32
        %parallel_loop3A_877 = arith.index_cast %parallel_loop3A_876 : i32 to index
        %parallel_loop3A_878 = arith.index_cast %parallel_loop3A_875 : i32 to index
        %parallel_loop3A_879 = arith.constant 64 : index
        %parallel_loop3A_880 = tpu.vector_load %arg6[%parallel_loop3A_877, %parallel_loop3A_878, %parallel_loop3A_879] {strides = array<i32>} : memref<4x128x128xf32, #tpu.memory_space<vmem>>, vector<1x1x16xf32>,
        %parallel_loop3A_881 = vector.shape_cast %parallel_loop3A_880 : vector<1x1x16xf32> to vector<16xf32>
        %parallel_loop3A_882 = vector.shape_cast %parallel_loop3A_873 : vector<16xf32> to vector<1x1x16xf32>
        tpu.vector_store %arg6[%parallel_loop3A_877, %parallel_loop3A_878, %parallel_loop3A_879], %parallel_loop3A_882 {strides = array<i32>} : memref<4x128x128xf32, #tpu.memory_space<vmem>>, vector<1x1x16xf32>,
        %parallel_loop3A_883 = arith.constant 0 : i32
        %parallel_loop3A_884 = arith.addi %parallel_loop3A_782, %parallel_loop3A_883 : i32
        %parallel_loop3A_885 = arith.constant 2 : i32
        %parallel_loop3A_886 = arith.index_cast %parallel_loop3A_885 : i32 to index
        %parallel_loop3A_887 = arith.index_cast %parallel_loop3A_884 : i32 to index
        %parallel_loop3A_888 = arith.constant 80 : index
        %parallel_loop3A_889 = tpu.vector_load %arg6[%parallel_loop3A_886, %parallel_loop3A_887, %parallel_loop3A_888] {strides = array<i32>} : memref<4x128x128xf32, #tpu.memory_space<vmem>>, vector<1x1x16xf32>,
        %parallel_loop3A_890 = vector.shape_cast %parallel_loop3A_889 : vector<1x1x16xf32> to vector<16xf32>
        %parallel_loop3A_891 = arith.constant 11.3137083 : f32
        %parallel_loop3A_892 = vector.broadcast %parallel_loop3A_891 : f32 to vector<16xf32>
        %parallel_loop3A_893 = arith.mulf %parallel_loop3A_890, %parallel_loop3A_892 : vector<16xf32>
        %parallel_loop3A_894 = arith.constant 0 : i32
        %parallel_loop3A_895 = arith.addi %parallel_loop3A_782, %parallel_loop3A_894 : i32
        %parallel_loop3A_896 = arith.constant 2 : i32
        %parallel_loop3A_897 = arith.index_cast %parallel_loop3A_896 : i32 to index
        %parallel_loop3A_898 = arith.index_cast %parallel_loop3A_895 : i32 to index
        %parallel_loop3A_899 = arith.constant 80 : index
        %parallel_loop3A_900 = tpu.vector_load %arg6[%parallel_loop3A_897, %parallel_loop3A_898, %parallel_loop3A_899] {strides = array<i32>} : memref<4x128x128xf32, #tpu.memory_space<vmem>>, vector<1x1x16xf32>,
        %parallel_loop3A_901 = vector.shape_cast %parallel_loop3A_900 : vector<1x1x16xf32> to vector<16xf32>
        %parallel_loop3A_902 = vector.shape_cast %parallel_loop3A_893 : vector<16xf32> to vector<1x1x16xf32>
        tpu.vector_store %arg6[%parallel_loop3A_897, %parallel_loop3A_898, %parallel_loop3A_899], %parallel_loop3A_902 {strides = array<i32>} : memref<4x128x128xf32, #tpu.memory_space<vmem>>, vector<1x1x16xf32>,
        %parallel_loop3A_903 = arith.constant 0 : i32
        %parallel_loop3A_904 = arith.addi %parallel_loop3A_782, %parallel_loop3A_903 : i32
        %parallel_loop3A_905 = arith.constant 2 : i32
        %parallel_loop3A_906 = arith.index_cast %parallel_loop3A_905 : i32 to index
        %parallel_loop3A_907 = arith.index_cast %parallel_loop3A_904 : i32 to index
        %parallel_loop3A_908 = arith.constant 96 : index
        %parallel_loop3A_909 = tpu.vector_load %arg6[%parallel_loop3A_906, %parallel_loop3A_907, %parallel_loop3A_908] {strides = array<i32>} : memref<4x128x128xf32, #tpu.memory_space<vmem>>, vector<1x1x16xf32>,
        %parallel_loop3A_910 = vector.shape_cast %parallel_loop3A_909 : vector<1x1x16xf32> to vector<16xf32>
        %parallel_loop3A_911 = arith.constant 11.3137083 : f32
        %parallel_loop3A_912 = vector.broadcast %parallel_loop3A_911 : f32 to vector<16xf32>
        %parallel_loop3A_913 = arith.mulf %parallel_loop3A_910, %parallel_loop3A_912 : vector<16xf32>
        %parallel_loop3A_914 = arith.constant 0 : i32
        %parallel_loop3A_915 = arith.addi %parallel_loop3A_782, %parallel_loop3A_914 : i32
        %parallel_loop3A_916 = arith.constant 2 : i32
        %parallel_loop3A_917 = arith.index_cast %parallel_loop3A_916 : i32 to index
        %parallel_loop3A_918 = arith.index_cast %parallel_loop3A_915 : i32 to index
        %parallel_loop3A_919 = arith.constant 96 : index
        %parallel_loop3A_920 = tpu.vector_load %arg6[%parallel_loop3A_917, %parallel_loop3A_918, %parallel_loop3A_919] {strides = array<i32>} : memref<4x128x128xf32, #tpu.memory_space<vmem>>, vector<1x1x16xf32>,
        %parallel_loop3A_921 = vector.shape_cast %parallel_loop3A_920 : vector<1x1x16xf32> to vector<16xf32>
        %parallel_loop3A_922 = vector.shape_cast %parallel_loop3A_913 : vector<16xf32> to vector<1x1x16xf32>
        tpu.vector_store %arg6[%parallel_loop3A_917, %parallel_loop3A_918, %parallel_loop3A_919], %parallel_loop3A_922 {strides = array<i32>} : memref<4x128x128xf32, #tpu.memory_space<vmem>>, vector<1x1x16xf32>,
        %parallel_loop3A_923 = arith.constant 0 : i32
        %parallel_loop3A_924 = arith.addi %parallel_loop3A_782, %parallel_loop3A_923 : i32
        %parallel_loop3A_925 = arith.constant 2 : i32
        %parallel_loop3A_926 = arith.index_cast %parallel_loop3A_925 : i32 to index
        %parallel_loop3A_927 = arith.index_cast %parallel_loop3A_924 : i32 to index
        %parallel_loop3A_928 = arith.constant 112 : index
        %parallel_loop3A_929 = tpu.vector_load %arg6[%parallel_loop3A_926, %parallel_loop3A_927, %parallel_loop3A_928] {strides = array<i32>} : memref<4x128x128xf32, #tpu.memory_space<vmem>>, vector<1x1x16xf32>,
        %parallel_loop3A_930 = vector.shape_cast %parallel_loop3A_929 : vector<1x1x16xf32> to vector<16xf32>
        %parallel_loop3A_931 = arith.constant 11.3137083 : f32
        %parallel_loop3A_932 = vector.broadcast %parallel_loop3A_931 : f32 to vector<16xf32>
        %parallel_loop3A_933 = arith.mulf %parallel_loop3A_930, %parallel_loop3A_932 : vector<16xf32>
        %parallel_loop3A_934 = arith.constant 0 : i32
        %parallel_loop3A_935 = arith.addi %parallel_loop3A_782, %parallel_loop3A_934 : i32
        %parallel_loop3A_936 = arith.constant 2 : i32
        %parallel_loop3A_937 = arith.index_cast %parallel_loop3A_936 : i32 to index
        %parallel_loop3A_938 = arith.index_cast %parallel_loop3A_935 : i32 to index
        %parallel_loop3A_939 = arith.constant 112 : index
        %parallel_loop3A_940 = tpu.vector_load %arg6[%parallel_loop3A_937, %parallel_loop3A_938, %parallel_loop3A_939] {strides = array<i32>} : memref<4x128x128xf32, #tpu.memory_space<vmem>>, vector<1x1x16xf32>,
        %parallel_loop3A_941 = vector.shape_cast %parallel_loop3A_940 : vector<1x1x16xf32> to vector<16xf32>
        %parallel_loop3A_942 = vector.shape_cast %parallel_loop3A_933 : vector<16xf32> to vector<1x1x16xf32>
        tpu.vector_store %arg6[%parallel_loop3A_937, %parallel_loop3A_938, %parallel_loop3A_939], %parallel_loop3A_942 {strides = array<i32>} : memref<4x128x128xf32, #tpu.memory_space<vmem>>, vector<1x1x16xf32>,
        %parallel_loop3A_943 = arith.constant 1 : i32
        %parallel_loop3A_944 = arith.addi %parallel_loop3A_782, %parallel_loop3A_943 : i32
        %parallel_loop3A_945 = arith.constant 2 : i32
        %parallel_loop3A_946 = arith.index_cast %parallel_loop3A_945 : i32 to index
        %parallel_loop3A_947 = arith.index_cast %parallel_loop3A_944 : i32 to index
        %parallel_loop3A_948 = arith.constant 0 : index
        %parallel_loop3A_949 = tpu.vector_load %arg6[%parallel_loop3A_946, %parallel_loop3A_947, %parallel_loop3A_948] {strides = array<i32>} : memref<4x128x128xf32, #tpu.memory_space<vmem>>, vector<1x1x16xf32>,
        %parallel_loop3A_950 = vector.shape_cast %parallel_loop3A_949 : vector<1x1x16xf32> to vector<16xf32>
        %parallel_loop3A_951 = arith.constant 11.3137083 : f32
        %parallel_loop3A_952 = vector.broadcast %parallel_loop3A_951 : f32 to vector<16xf32>
        %parallel_loop3A_953 = arith.mulf %parallel_loop3A_950, %parallel_loop3A_952 : vector<16xf32>
        %parallel_loop3A_954 = arith.constant 1 : i32
        %parallel_loop3A_955 = arith.addi %parallel_loop3A_782, %parallel_loop3A_954 : i32
        %parallel_loop3A_956 = arith.constant 2 : i32
        %parallel_loop3A_957 = arith.index_cast %parallel_loop3A_956 : i32 to index
        %parallel_loop3A_958 = arith.index_cast %parallel_loop3A_955 : i32 to index
        %parallel_loop3A_959 = arith.constant 0 : index
        %parallel_loop3A_960 = tpu.vector_load %arg6[%parallel_loop3A_957, %parallel_loop3A_958, %parallel_loop3A_959] {strides = array<i32>} : memref<4x128x128xf32, #tpu.memory_space<vmem>>, vector<1x1x16xf32>,
        %parallel_loop3A_961 = vector.shape_cast %parallel_loop3A_960 : vector<1x1x16xf32> to vector<16xf32>
        %parallel_loop3A_962 = vector.shape_cast %parallel_loop3A_953 : vector<16xf32> to vector<1x1x16xf32>
        tpu.vector_store %arg6[%parallel_loop3A_957, %parallel_loop3A_958, %parallel_loop3A_959], %parallel_loop3A_962 {strides = array<i32>} : memref<4x128x128xf32, #tpu.memory_space<vmem>>, vector<1x1x16xf32>,
        %parallel_loop3A_963 = arith.constant 1 : i32
        %parallel_loop3A_964 = arith.addi %parallel_loop3A_782, %parallel_loop3A_963 : i32
        %parallel_loop3A_965 = arith.constant 2 : i32
        %parallel_loop3A_966 = arith.index_cast %parallel_loop3A_965 : i32 to index
        %parallel_loop3A_967 = arith.index_cast %parallel_loop3A_964 : i32 to index
        %parallel_loop3A_968 = arith.constant 16 : index
        %parallel_loop3A_969 = tpu.vector_load %arg6[%parallel_loop3A_966, %parallel_loop3A_967, %parallel_loop3A_968] {strides = array<i32>} : memref<4x128x128xf32, #tpu.memory_space<vmem>>, vector<1x1x16xf32>,
        %parallel_loop3A_970 = vector.shape_cast %parallel_loop3A_969 : vector<1x1x16xf32> to vector<16xf32>
        %parallel_loop3A_971 = arith.constant 11.3137083 : f32
        %parallel_loop3A_972 = vector.broadcast %parallel_loop3A_971 : f32 to vector<16xf32>
        %parallel_loop3A_973 = arith.mulf %parallel_loop3A_970, %parallel_loop3A_972 : vector<16xf32>
        %parallel_loop3A_974 = arith.constant 1 : i32
        %parallel_loop3A_975 = arith.addi %parallel_loop3A_782, %parallel_loop3A_974 : i32
        %parallel_loop3A_976 = arith.constant 2 : i32
        %parallel_loop3A_977 = arith.index_cast %parallel_loop3A_976 : i32 to index
        %parallel_loop3A_978 = arith.index_cast %parallel_loop3A_975 : i32 to index
        %parallel_loop3A_979 = arith.constant 16 : index
        %parallel_loop3A_980 = tpu.vector_load %arg6[%parallel_loop3A_977, %parallel_loop3A_978, %parallel_loop3A_979] {strides = array<i32>} : memref<4x128x128xf32, #tpu.memory_space<vmem>>, vector<1x1x16xf32>,
        %parallel_loop3A_981 = vector.shape_cast %parallel_loop3A_980 : vector<1x1x16xf32> to vector<16xf32>
        %parallel_loop3A_982 = vector.shape_cast %parallel_loop3A_973 : vector<16xf32> to vector<1x1x16xf32>
        tpu.vector_store %arg6[%parallel_loop3A_977, %parallel_loop3A_978, %parallel_loop3A_979], %parallel_loop3A_982 {strides = array<i32>} : memref<4x128x128xf32, #tpu.memory_space<vmem>>, vector<1x1x16xf32>,
        %parallel_loop3A_983 = arith.constant 1 : i32
        %parallel_loop3A_984 = arith.addi %parallel_loop3A_782, %parallel_loop3A_983 : i32
        %parallel_loop3A_985 = arith.constant 2 : i32
        %parallel_loop3A_986 = arith.index_cast %parallel_loop3A_985 : i32 to index
        %parallel_loop3A_987 = arith.index_cast %parallel_loop3A_984 : i32 to index
        %parallel_loop3A_988 = arith.constant 32 : index
        %parallel_loop3A_989 = tpu.vector_load %arg6[%parallel_loop3A_986, %parallel_loop3A_987, %parallel_loop3A_988] {strides = array<i32>} : memref<4x128x128xf32, #tpu.memory_space<vmem>>, vector<1x1x16xf32>,
        %parallel_loop3A_990 = vector.shape_cast %parallel_loop3A_989 : vector<1x1x16xf32> to vector<16xf32>
        %parallel_loop3A_991 = arith.constant 11.3137083 : f32
        %parallel_loop3A_992 = vector.broadcast %parallel_loop3A_991 : f32 to vector<16xf32>
        %parallel_loop3A_993 = arith.mulf %parallel_loop3A_990, %parallel_loop3A_992 : vector<16xf32>
        %parallel_loop3A_994 = arith.constant 1 : i32
        %parallel_loop3A_995 = arith.addi %parallel_loop3A_782, %parallel_loop3A_994 : i32
        %parallel_loop3A_996 = arith.constant 2 : i32
        %parallel_loop3A_997 = arith.index_cast %parallel_loop3A_996 : i32 to index
        %parallel_loop3A_998 = arith.index_cast %parallel_loop3A_995 : i32 to index
        %parallel_loop3A_999 = arith.constant 32 : index
        %parallel_loop3A_1000 = tpu.vector_load %arg6[%parallel_loop3A_997, %parallel_loop3A_998, %parallel_loop3A_999] {strides = array<i32>} : memref<4x128x128xf32, #tpu.memory_space<vmem>>, vector<1x1x16xf32>,
        %parallel_loop3A_1001 = vector.shape_cast %parallel_loop3A_1000 : vector<1x1x16xf32> to vector<16xf32>
        %parallel_loop3A_1002 = vector.shape_cast %parallel_loop3A_993 : vector<16xf32> to vector<1x1x16xf32>
        tpu.vector_store %arg6[%parallel_loop3A_997, %parallel_loop3A_998, %parallel_loop3A_999], %parallel_loop3A_1002 {strides = array<i32>} : memref<4x128x128xf32, #tpu.memory_space<vmem>>, vector<1x1x16xf32>,
        %parallel_loop3A_1003 = arith.constant 1 : i32
        %parallel_loop3A_1004 = arith.addi %parallel_loop3A_782, %parallel_loop3A_1003 : i32
        %parallel_loop3A_1005 = arith.constant 2 : i32
        %parallel_loop3A_1006 = arith.index_cast %parallel_loop3A_1005 : i32 to index
        %parallel_loop3A_1007 = arith.index_cast %parallel_loop3A_1004 : i32 to index
        %parallel_loop3A_1008 = arith.constant 48 : index
        %parallel_loop3A_1009 = tpu.vector_load %arg6[%parallel_loop3A_1006, %parallel_loop3A_1007, %parallel_loop3A_1008] {strides = array<i32>} : memref<4x128x128xf32, #tpu.memory_space<vmem>>, vector<1x1x16xf32>,
        %parallel_loop3A_1010 = vector.shape_cast %parallel_loop3A_1009 : vector<1x1x16xf32> to vector<16xf32>
        %parallel_loop3A_1011 = arith.constant 11.3137083 : f32
        %parallel_loop3A_1012 = vector.broadcast %parallel_loop3A_1011 : f32 to vector<16xf32>
        %parallel_loop3A_1013 = arith.mulf %parallel_loop3A_1010, %parallel_loop3A_1012 : vector<16xf32>
        %parallel_loop3A_1014 = arith.constant 1 : i32
        %parallel_loop3A_1015 = arith.addi %parallel_loop3A_782, %parallel_loop3A_1014 : i32
        %parallel_loop3A_1016 = arith.constant 2 : i32
        %parallel_loop3A_1017 = arith.index_cast %parallel_loop3A_1016 : i32 to index
        %parallel_loop3A_1018 = arith.index_cast %parallel_loop3A_1015 : i32 to index
        %parallel_loop3A_1019 = arith.constant 48 : index
        %parallel_loop3A_1020 = tpu.vector_load %arg6[%parallel_loop3A_1017, %parallel_loop3A_1018, %parallel_loop3A_1019] {strides = array<i32>} : memref<4x128x128xf32, #tpu.memory_space<vmem>>, vector<1x1x16xf32>,
        %parallel_loop3A_1021 = vector.shape_cast %parallel_loop3A_1020 : vector<1x1x16xf32> to vector<16xf32>
        %parallel_loop3A_1022 = vector.shape_cast %parallel_loop3A_1013 : vector<16xf32> to vector<1x1x16xf32>
        tpu.vector_store %arg6[%parallel_loop3A_1017, %parallel_loop3A_1018, %parallel_loop3A_1019], %parallel_loop3A_1022 {strides = array<i32>} : memref<4x128x128xf32, #tpu.memory_space<vmem>>, vector<1x1x16xf32>,
        %parallel_loop3A_1023 = arith.constant 1 : i32
        %parallel_loop3A_1024 = arith.addi %parallel_loop3A_782, %parallel_loop3A_1023 : i32
        %parallel_loop3A_1025 = arith.constant 2 : i32
        %parallel_loop3A_1026 = arith.index_cast %parallel_loop3A_1025 : i32 to index
        %parallel_loop3A_1027 = arith.index_cast %parallel_loop3A_1024 : i32 to index
        %parallel_loop3A_1028 = arith.constant 64 : index
        %parallel_loop3A_1029 = tpu.vector_load %arg6[%parallel_loop3A_1026, %parallel_loop3A_1027, %parallel_loop3A_1028] {strides = array<i32>} : memref<4x128x128xf32, #tpu.memory_space<vmem>>, vector<1x1x16xf32>,
        %parallel_loop3A_1030 = vector.shape_cast %parallel_loop3A_1029 : vector<1x1x16xf32> to vector<16xf32>
        %parallel_loop3A_1031 = arith.constant 11.3137083 : f32
        %parallel_loop3A_1032 = vector.broadcast %parallel_loop3A_1031 : f32 to vector<16xf32>
        %parallel_loop3A_1033 = arith.mulf %parallel_loop3A_1030, %parallel_loop3A_1032 : vector<16xf32>
        %parallel_loop3A_1034 = arith.constant 1 : i32
        %parallel_loop3A_1035 = arith.addi %parallel_loop3A_782, %parallel_loop3A_1034 : i32
        %parallel_loop3A_1036 = arith.constant 2 : i32
        %parallel_loop3A_1037 = arith.index_cast %parallel_loop3A_1036 : i32 to index
        %parallel_loop3A_1038 = arith.index_cast %parallel_loop3A_1035 : i32 to index
        %parallel_loop3A_1039 = arith.constant 64 : index
        %parallel_loop3A_1040 = tpu.vector_load %arg6[%parallel_loop3A_1037, %parallel_loop3A_1038, %parallel_loop3A_1039] {strides = array<i32>} : memref<4x128x128xf32, #tpu.memory_space<vmem>>, vector<1x1x16xf32>,
        %parallel_loop3A_1041 = vector.shape_cast %parallel_loop3A_1040 : vector<1x1x16xf32> to vector<16xf32>
        %parallel_loop3A_1042 = vector.shape_cast %parallel_loop3A_1033 : vector<16xf32> to vector<1x1x16xf32>
        tpu.vector_store %arg6[%parallel_loop3A_1037, %parallel_loop3A_1038, %parallel_loop3A_1039], %parallel_loop3A_1042 {strides = array<i32>} : memref<4x128x128xf32, #tpu.memory_space<vmem>>, vector<1x1x16xf32>,
        %parallel_loop3A_1043 = arith.constant 1 : i32
        %parallel_loop3A_1044 = arith.addi %parallel_loop3A_782, %parallel_loop3A_1043 : i32
        %parallel_loop3A_1045 = arith.constant 2 : i32
        %parallel_loop3A_1046 = arith.index_cast %parallel_loop3A_1045 : i32 to index
        %parallel_loop3A_1047 = arith.index_cast %parallel_loop3A_1044 : i32 to index
        %parallel_loop3A_1048 = arith.constant 80 : index
        %parallel_loop3A_1049 = tpu.vector_load %arg6[%parallel_loop3A_1046, %parallel_loop3A_1047, %parallel_loop3A_1048] {strides = array<i32>} : memref<4x128x128xf32, #tpu.memory_space<vmem>>, vector<1x1x16xf32>,
        %parallel_loop3A_1050 = vector.shape_cast %parallel_loop3A_1049 : vector<1x1x16xf32> to vector<16xf32>
        %parallel_loop3A_1051 = arith.constant 11.3137083 : f32
        %parallel_loop3A_1052 = vector.broadcast %parallel_loop3A_1051 : f32 to vector<16xf32>
        %parallel_loop3A_1053 = arith.mulf %parallel_loop3A_1050, %parallel_loop3A_1052 : vector<16xf32>
        %parallel_loop3A_1054 = arith.constant 1 : i32
        %parallel_loop3A_1055 = arith.addi %parallel_loop3A_782, %parallel_loop3A_1054 : i32
        %parallel_loop3A_1056 = arith.constant 2 : i32
        %parallel_loop3A_1057 = arith.index_cast %parallel_loop3A_1056 : i32 to index
        %parallel_loop3A_1058 = arith.index_cast %parallel_loop3A_1055 : i32 to index
        %parallel_loop3A_1059 = arith.constant 80 : index
        %parallel_loop3A_1060 = tpu.vector_load %arg6[%parallel_loop3A_1057, %parallel_loop3A_1058, %parallel_loop3A_1059] {strides = array<i32>} : memref<4x128x128xf32, #tpu.memory_space<vmem>>, vector<1x1x16xf32>,
        %parallel_loop3A_1061 = vector.shape_cast %parallel_loop3A_1060 : vector<1x1x16xf32> to vector<16xf32>
        %parallel_loop3A_1062 = vector.shape_cast %parallel_loop3A_1053 : vector<16xf32> to vector<1x1x16xf32>
        tpu.vector_store %arg6[%parallel_loop3A_1057, %parallel_loop3A_1058, %parallel_loop3A_1059], %parallel_loop3A_1062 {strides = array<i32>} : memref<4x128x128xf32, #tpu.memory_space<vmem>>, vector<1x1x16xf32>,
        %parallel_loop3A_1063 = arith.constant 1 : i32
        %parallel_loop3A_1064 = arith.addi %parallel_loop3A_782, %parallel_loop3A_1063 : i32
        %parallel_loop3A_1065 = arith.constant 2 : i32
        %parallel_loop3A_1066 = arith.index_cast %parallel_loop3A_1065 : i32 to index
        %parallel_loop3A_1067 = arith.index_cast %parallel_loop3A_1064 : i32 to index
        %parallel_loop3A_1068 = arith.constant 96 : index
        %parallel_loop3A_1069 = tpu.vector_load %arg6[%parallel_loop3A_1066, %parallel_loop3A_1067, %parallel_loop3A_1068] {strides = array<i32>} : memref<4x128x128xf32, #tpu.memory_space<vmem>>, vector<1x1x16xf32>,
        %parallel_loop3A_1070 = vector.shape_cast %parallel_loop3A_1069 : vector<1x1x16xf32> to vector<16xf32>
        %parallel_loop3A_1071 = arith.constant 11.3137083 : f32
        %parallel_loop3A_1072 = vector.broadcast %parallel_loop3A_1071 : f32 to vector<16xf32>
        %parallel_loop3A_1073 = arith.mulf %parallel_loop3A_1070, %parallel_loop3A_1072 : vector<16xf32>
        %parallel_loop3A_1074 = arith.constant 1 : i32
        %parallel_loop3A_1075 = arith.addi %parallel_loop3A_782, %parallel_loop3A_1074 : i32
        %parallel_loop3A_1076 = arith.constant 2 : i32
        %parallel_loop3A_1077 = arith.index_cast %parallel_loop3A_1076 : i32 to index
        %parallel_loop3A_1078 = arith.index_cast %parallel_loop3A_1075 : i32 to index
        %parallel_loop3A_1079 = arith.constant 96 : index
        %parallel_loop3A_1080 = tpu.vector_load %arg6[%parallel_loop3A_1077, %parallel_loop3A_1078, %parallel_loop3A_1079] {strides = array<i32>} : memref<4x128x128xf32, #tpu.memory_space<vmem>>, vector<1x1x16xf32>,
        %parallel_loop3A_1081 = vector.shape_cast %parallel_loop3A_1080 : vector<1x1x16xf32> to vector<16xf32>
        %parallel_loop3A_1082 = vector.shape_cast %parallel_loop3A_1073 : vector<16xf32> to vector<1x1x16xf32>
        tpu.vector_store %arg6[%parallel_loop3A_1077, %parallel_loop3A_1078, %parallel_loop3A_1079], %parallel_loop3A_1082 {strides = array<i32>} : memref<4x128x128xf32, #tpu.memory_space<vmem>>, vector<1x1x16xf32>,
        %parallel_loop3A_1083 = arith.constant 1 : i32
        %parallel_loop3A_1084 = arith.addi %parallel_loop3A_782, %parallel_loop3A_1083 : i32
        %parallel_loop3A_1085 = arith.constant 2 : i32
        %parallel_loop3A_1086 = arith.index_cast %parallel_loop3A_1085 : i32 to index
        %parallel_loop3A_1087 = arith.index_cast %parallel_loop3A_1084 : i32 to index
        %parallel_loop3A_1088 = arith.constant 112 : index
        %parallel_loop3A_1089 = tpu.vector_load %arg6[%parallel_loop3A_1086, %parallel_loop3A_1087, %parallel_loop3A_1088] {strides = array<i32>} : memref<4x128x128xf32, #tpu.memory_space<vmem>>, vector<1x1x16xf32>,
        %parallel_loop3A_1090 = vector.shape_cast %parallel_loop3A_1089 : vector<1x1x16xf32> to vector<16xf32>
        %parallel_loop3A_1091 = arith.constant 11.3137083 : f32
        %parallel_loop3A_1092 = vector.broadcast %parallel_loop3A_1091 : f32 to vector<16xf32>
        %parallel_loop3A_1093 = arith.mulf %parallel_loop3A_1090, %parallel_loop3A_1092 : vector<16xf32>
        %parallel_loop3A_1094 = arith.constant 1 : i32
        %parallel_loop3A_1095 = arith.addi %parallel_loop3A_782, %parallel_loop3A_1094 : i32
        %parallel_loop3A_1096 = arith.constant 2 : i32
        %parallel_loop3A_1097 = arith.index_cast %parallel_loop3A_1096 : i32 to index
        %parallel_loop3A_1098 = arith.index_cast %parallel_loop3A_1095 : i32 to index
        %parallel_loop3A_1099 = arith.constant 112 : index
        %parallel_loop3A_1100 = tpu.vector_load %arg6[%parallel_loop3A_1097, %parallel_loop3A_1098, %parallel_loop3A_1099] {strides = array<i32>} : memref<4x128x128xf32, #tpu.memory_space<vmem>>, vector<1x1x16xf32>,
        %parallel_loop3A_1101 = vector.shape_cast %parallel_loop3A_1100 : vector<1x1x16xf32> to vector<16xf32>
        %parallel_loop3A_1102 = vector.shape_cast %parallel_loop3A_1093 : vector<16xf32> to vector<1x1x16xf32>
        tpu.vector_store %arg6[%parallel_loop3A_1097, %parallel_loop3A_1098, %parallel_loop3A_1099], %parallel_loop3A_1102 {strides = array<i32>} : memref<4x128x128xf32, #tpu.memory_space<vmem>>, vector<1x1x16xf32>,
      } {sc.loop_unroll_factor = 1 : i64, sc.parallel_access}
      %add3A_696 = arith.addi %mul3A_2, %add3A_651 : i32
      %mul3A_697 = arith.constant 128 : i32
      %mul3A_698 = arith.muli %add3A_696, %mul3A_697 : i32
      %dma_start3A_699 = arith.constant 2 : i32
      %dma_start3A_700 = arith.constant 0 : i32
      %dma_start3A_701 = arith.constant 0 : i32
      %dma_start3A_702 = tpu.memref_slice %arg6[%dma_start3A_699, %dma_start3A_700, %dma_start3A_701] : memref<4x128x128xf32, #tpu.memory_space<vmem>> -> memref<1x128x128xf32, #tpu.memory_space<vmem>>
      %dma_start3A_703 = tpu.memref_squeeze %dma_start3A_702 : memref<1x128x128xf32, #tpu.memory_space<vmem>> -> memref<128x128xf32, #tpu.memory_space<vmem>>
      %dma_start3A_704 = arith.constant 0 : i32
      %dma_start3A_705 = tpu.memref_slice %arg4[%mul3A_698, %dma_start3A_704] : memref<819200x128xf32, #tpu.memory_space<hbm>> -> memref<128x128xf32, #tpu.memory_space<hbm>>
      %dma_start3A_706 = arith.constant 0 : i32
      %dma_start3A_707 = tpu.memref_slice %arg4[%mul3A_698, %dma_start3A_706] : memref<819200x128xf32, #tpu.memory_space<hbm>> -> memref<128x128xf32, #tpu.memory_space<hbm>>
      %dma_start3A_708 = arith.constant 0 : i32
      %dma_start3A_709 = arith.constant 0 : i32
      %dma_start3A_710 = tpu.memref_slice %arg6[%dma_start3A_699, %dma_start3A_708, %dma_start3A_709] : memref<4x128x128xf32, #tpu.memory_space<vmem>> -> memref<1x128x128xf32, #tpu.memory_space<vmem>>
      %dma_start3A_711 = tpu.memref_squeeze %dma_start3A_710 : memref<1x128x128xf32, #tpu.memory_space<vmem>> -> memref<128x128xf32, #tpu.memory_space<vmem>>
      tpu.enqueue_dma source(%dma_start3A_711 : memref<128x128xf32, #tpu.memory_space<vmem>>) target(%dma_start3A_707 : memref<128x128xf32, #tpu.memory_space<hbm>>) target_semaphore(%arg13 : memref<!tpu.dma_semaphore, #tpu.memory_space<semaphore_mem>>)
      %mul3A_712 = arith.constant 4 : i32
      %mul3A_713 = arith.muli %mul3A_712, %scan3A_501 : i32
      %add3A_714 = arith.constant 2 : i32
      %add3A_715 = arith.addi %mul3A_713, %add3A_714 : i32
      %add3A_716 = arith.constant 3 : i32
      %add3A_717 = arith.addi %add3A_715, %add3A_716 : i32
      %mul3A_718 = arith.constant 4 : i32
      %mul3A_719 = arith.muli %mul3A_718, %scan3A_501 : i32
      %add3A_720 = arith.constant 3 : i32
      %add3A_721 = arith.addi %mul3A_719, %add3A_720 : i32
      %dma_wait3A_722 = arith.constant 1 : i32
      %dma_wait3A_723 = arith.constant 0 : i32
      %dma_wait3A_724 = arith.constant 0 : i32
      %dma_wait3A_725 = tpu.memref_slice %arg6[%dma_wait3A_722, %dma_wait3A_723, %dma_wait3A_724] : memref<4x128x128xf32, #tpu.memory_space<vmem>> -> memref<1x128x128xf32, #tpu.memory_space<vmem>>
      %dma_wait3A_726 = tpu.memref_squeeze %dma_wait3A_725 : memref<1x128x128xf32, #tpu.memory_space<vmem>> -> memref<128x128xf32, #tpu.memory_space<vmem>>
      %dma_wait3A_727 = arith.constant 0 : i32
      %dma_wait3A_728 = arith.constant 0 : i32
      %dma_wait3A_729 = tpu.memref_slice %arg4[%dma_wait3A_727, %dma_wait3A_728] : memref<819200x128xf32, #tpu.memory_space<hbm>> -> memref<128x128xf32, #tpu.memory_space<hbm>>
      %dma_wait3A_730 = arith.constant 0 : i32
      %dma_wait3A_731 = arith.constant 0 : i32
      %dma_wait3A_732 = tpu.memref_slice %arg4[%dma_wait3A_730, %dma_wait3A_731] : memref<819200x128xf32, #tpu.memory_space<hbm>> -> memref<128x128xf32, #tpu.memory_space<hbm>>
      %dma_wait3A_733 = arith.constant 0 : i32
      %dma_wait3A_734 = arith.constant 0 : i32
      %dma_wait3A_735 = tpu.memref_slice %arg6[%dma_wait3A_722, %dma_wait3A_733, %dma_wait3A_734] : memref<4x128x128xf32, #tpu.memory_space<vmem>> -> memref<1x128x128xf32, #tpu.memory_space<vmem>>
      %dma_wait3A_736 = tpu.memref_squeeze %dma_wait3A_735 : memref<1x128x128xf32, #tpu.memory_space<vmem>> -> memref<128x128xf32, #tpu.memory_space<vmem>>
      tpu.wait_dma2 semaphore(%arg12 : memref<!tpu.dma_semaphore, #tpu.memory_space<semaphore_mem>>) src(%dma_wait3A_736 : memref<128x128xf32, #tpu.memory_space<vmem>>) dst(%dma_wait3A_732 : memref<128x128xf32, #tpu.memory_space<hbm>>)
      %dma_start3A_737 = arith.constant 1 : i32
      %dma_start3A_738 = arith.constant 0 : i32
      %dma_start3A_739 = arith.constant 0 : i32
      %dma_start3A_740 = tpu.memref_slice %arg6[%dma_start3A_737, %dma_start3A_738, %dma_start3A_739] : memref<4x128x128xf32, #tpu.memory_space<vmem>> -> memref<1x128x128xf32, #tpu.memory_space<vmem>>
      %dma_start3A_741 = tpu.memref_squeeze %dma_start3A_740 : memref<1x128x128xf32, #tpu.memory_space<vmem>> -> memref<128x128xf32, #tpu.memory_space<vmem>>
      %dma_start3A_742 = arith.constant 0 : i32
      %dma_start3A_743 = tpu.memref_slice %arg5[%add3A_717, %dma_start3A_742] : memref<200x128xi32, #tpu.memory_space<vmem>> -> memref<1x128xi32, #tpu.memory_space<vmem>>
      %dma_start3A_744 = tpu.memref_squeeze %dma_start3A_743 : memref<1x128xi32, #tpu.memory_space<vmem>> -> memref<128xi32, #tpu.memory_space<vmem>>
      %dma_start3A_745 = arith.constant 0 : i32
      %dma_start3A_746 = arith.constant 0 : i32
      %dma_start3A_747 = tpu.memref_slice %arg2[%dma_start3A_745, %dma_start3A_746] : memref<100000x128xf32, #tpu.memory_space<hbm>> -> memref<100000x128xf32, #tpu.memory_space<hbm>>
      tpu.enqueue_indirect_dma source(%dma_start3A_747 : memref<100000x128xf32, #tpu.memory_space<hbm>>) target(%dma_start3A_741 : memref<128x128xf32, #tpu.memory_space<vmem>>) offsets(%dma_start3A_744 : memref<128xi32, #tpu.memory_space<vmem>>) semaphore(%arg8 : memref<!tpu.dma_semaphore, #tpu.memory_space<semaphore_mem>>)
      %dma_wait3A_748 = arith.constant 3 : i32
      %dma_wait3A_749 = arith.constant 0 : i32
      %dma_wait3A_750 = arith.constant 0 : i32
      %dma_wait3A_751 = tpu.memref_slice %arg6[%dma_wait3A_748, %dma_wait3A_749, %dma_wait3A_750] : memref<4x128x128xf32, #tpu.memory_space<vmem>> -> memref<1x128x128xf32, #tpu.memory_space<vmem>>
      %dma_wait3A_752 = tpu.memref_squeeze %dma_wait3A_751 : memref<1x128x128xf32, #tpu.memory_space<vmem>> -> memref<128x128xf32, #tpu.memory_space<vmem>>
      %dma_wait3A_753 = arith.constant 0 : i32
      %dma_wait3A_754 = arith.constant 0 : i32
      %dma_wait3A_755 = tpu.memref_slice %arg2[%dma_wait3A_753, %dma_wait3A_754] : memref<100000x128xf32, #tpu.memory_space<hbm>> -> memref<128x128xf32, #tpu.memory_space<hbm>>
      %dma_wait3A_756 = arith.constant 0 : i32
      %dma_wait3A_757 = arith.constant 0 : i32
      %dma_wait3A_758 = tpu.memref_slice %arg6[%dma_wait3A_748, %dma_wait3A_756, %dma_wait3A_757] : memref<4x128x128xf32, #tpu.memory_space<vmem>> -> memref<1x128x128xf32, #tpu.memory_space<vmem>>
      %dma_wait3A_759 = tpu.memref_squeeze %dma_wait3A_758 : memref<1x128x128xf32, #tpu.memory_space<vmem>> -> memref<128x128xf32, #tpu.memory_space<vmem>>
      %dma_wait3A_760 = arith.constant 0 : i32
      %dma_wait3A_761 = arith.constant 0 : i32
      %dma_wait3A_762 = tpu.memref_slice %arg2[%dma_wait3A_760, %dma_wait3A_761] : memref<100000x128xf32, #tpu.memory_space<hbm>> -> memref<128x128xf32, #tpu.memory_space<hbm>>
      tpu.wait_dma2 semaphore(%arg10 : memref<!tpu.dma_semaphore, #tpu.memory_space<semaphore_mem>>) src(%dma_wait3A_762 : memref<128x128xf32, #tpu.memory_space<hbm>>) dst(%dma_wait3A_759 : memref<128x128xf32, #tpu.memory_space<vmem>>)
      %parallel_loop3A_763 = arith.constant 0 : i32
      %parallel_loop3A_764 = arith.constant 128 : i32
      %parallel_loop3A_765 = arith.constant 2 : i32
      scf.for %parallel_loop3A_782 = %parallel_loop3A_763 to %parallel_loop3A_764 step %parallel_loop3A_765  : i32 {
        %parallel_loop3A_783 = arith.constant 0 : i32
        %parallel_loop3A_784 = arith.addi %parallel_loop3A_782, %parallel_loop3A_783 : i32
        %parallel_loop3A_785 = arith.constant 3 : i32
        %parallel_loop3A_786 = arith.index_cast %parallel_loop3A_785 : i32 to index
        %parallel_loop3A_787 = arith.index_cast %parallel_loop3A_784 : i32 to index
        %parallel_loop3A_788 = arith.constant 0 : index
        %parallel_loop3A_789 = tpu.vector_load %arg6[%parallel_loop3A_786, %parallel_loop3A_787, %parallel_loop3A_788] {strides = array<i32>} : memref<4x128x128xf32, #tpu.memory_space<vmem>>, vector<1x1x16xf32>,
        %parallel_loop3A_790 = vector.shape_cast %parallel_loop3A_789 : vector<1x1x16xf32> to vector<16xf32>
        %parallel_loop3A_791 = arith.constant 11.3137083 : f32
        %parallel_loop3A_792 = vector.broadcast %parallel_loop3A_791 : f32 to vector<16xf32>
        %parallel_loop3A_793 = arith.mulf %parallel_loop3A_790, %parallel_loop3A_792 : vector<16xf32>
        %parallel_loop3A_794 = arith.constant 0 : i32
        %parallel_loop3A_795 = arith.addi %parallel_loop3A_782, %parallel_loop3A_794 : i32
        %parallel_loop3A_796 = arith.constant 3 : i32
        %parallel_loop3A_797 = arith.index_cast %parallel_loop3A_796 : i32 to index
        %parallel_loop3A_798 = arith.index_cast %parallel_loop3A_795 : i32 to index
        %parallel_loop3A_799 = arith.constant 0 : index
        %parallel_loop3A_800 = tpu.vector_load %arg6[%parallel_loop3A_797, %parallel_loop3A_798, %parallel_loop3A_799] {strides = array<i32>} : memref<4x128x128xf32, #tpu.memory_space<vmem>>, vector<1x1x16xf32>,
        %parallel_loop3A_801 = vector.shape_cast %parallel_loop3A_800 : vector<1x1x16xf32> to vector<16xf32>
        %parallel_loop3A_802 = vector.shape_cast %parallel_loop3A_793 : vector<16xf32> to vector<1x1x16xf32>
        tpu.vector_store %arg6[%parallel_loop3A_797, %parallel_loop3A_798, %parallel_loop3A_799], %parallel_loop3A_802 {strides = array<i32>} : memref<4x128x128xf32, #tpu.memory_space<vmem>>, vector<1x1x16xf32>,
        %parallel_loop3A_803 = arith.constant 0 : i32
        %parallel_loop3A_804 = arith.addi %parallel_loop3A_782, %parallel_loop3A_803 : i32
        %parallel_loop3A_805 = arith.constant 3 : i32
        %parallel_loop3A_806 = arith.index_cast %parallel_loop3A_805 : i32 to index
        %parallel_loop3A_807 = arith.index_cast %parallel_loop3A_804 : i32 to index
        %parallel_loop3A_808 = arith.constant 16 : index
        %parallel_loop3A_809 = tpu.vector_load %arg6[%parallel_loop3A_806, %parallel_loop3A_807, %parallel_loop3A_808] {strides = array<i32>} : memref<4x128x128xf32, #tpu.memory_space<vmem>>, vector<1x1x16xf32>,
        %parallel_loop3A_810 = vector.shape_cast %parallel_loop3A_809 : vector<1x1x16xf32> to vector<16xf32>
        %parallel_loop3A_811 = arith.constant 11.3137083 : f32
        %parallel_loop3A_812 = vector.broadcast %parallel_loop3A_811 : f32 to vector<16xf32>
        %parallel_loop3A_813 = arith.mulf %parallel_loop3A_810, %parallel_loop3A_812 : vector<16xf32>
        %parallel_loop3A_814 = arith.constant 0 : i32
        %parallel_loop3A_815 = arith.addi %parallel_loop3A_782, %parallel_loop3A_814 : i32
        %parallel_loop3A_816 = arith.constant 3 : i32
        %parallel_loop3A_817 = arith.index_cast %parallel_loop3A_816 : i32 to index
        %parallel_loop3A_818 = arith.index_cast %parallel_loop3A_815 : i32 to index
        %parallel_loop3A_819 = arith.constant 16 : index
        %parallel_loop3A_820 = tpu.vector_load %arg6[%parallel_loop3A_817, %parallel_loop3A_818, %parallel_loop3A_819] {strides = array<i32>} : memref<4x128x128xf32, #tpu.memory_space<vmem>>, vector<1x1x16xf32>,
        %parallel_loop3A_821 = vector.shape_cast %parallel_loop3A_820 : vector<1x1x16xf32> to vector<16xf32>
        %parallel_loop3A_822 = vector.shape_cast %parallel_loop3A_813 : vector<16xf32> to vector<1x1x16xf32>
        tpu.vector_store %arg6[%parallel_loop3A_817, %parallel_loop3A_818, %parallel_loop3A_819], %parallel_loop3A_822 {strides = array<i32>} : memref<4x128x128xf32, #tpu.memory_space<vmem>>, vector<1x1x16xf32>,
        %parallel_loop3A_823 = arith.constant 0 : i32
        %parallel_loop3A_824 = arith.addi %parallel_loop3A_782, %parallel_loop3A_823 : i32
        %parallel_loop3A_825 = arith.constant 3 : i32
        %parallel_loop3A_826 = arith.index_cast %parallel_loop3A_825 : i32 to index
        %parallel_loop3A_827 = arith.index_cast %parallel_loop3A_824 : i32 to index
        %parallel_loop3A_828 = arith.constant 32 : index
        %parallel_loop3A_829 = tpu.vector_load %arg6[%parallel_loop3A_826, %parallel_loop3A_827, %parallel_loop3A_828] {strides = array<i32>} : memref<4x128x128xf32, #tpu.memory_space<vmem>>, vector<1x1x16xf32>,
        %parallel_loop3A_830 = vector.shape_cast %parallel_loop3A_829 : vector<1x1x16xf32> to vector<16xf32>
        %parallel_loop3A_831 = arith.constant 11.3137083 : f32
        %parallel_loop3A_832 = vector.broadcast %parallel_loop3A_831 : f32 to vector<16xf32>
        %parallel_loop3A_833 = arith.mulf %parallel_loop3A_830, %parallel_loop3A_832 : vector<16xf32>
        %parallel_loop3A_834 = arith.constant 0 : i32
        %parallel_loop3A_835 = arith.addi %parallel_loop3A_782, %parallel_loop3A_834 : i32
        %parallel_loop3A_836 = arith.constant 3 : i32
        %parallel_loop3A_837 = arith.index_cast %parallel_loop3A_836 : i32 to index
        %parallel_loop3A_838 = arith.index_cast %parallel_loop3A_835 : i32 to index
        %parallel_loop3A_839 = arith.constant 32 : index
        %parallel_loop3A_840 = tpu.vector_load %arg6[%parallel_loop3A_837, %parallel_loop3A_838, %parallel_loop3A_839] {strides = array<i32>} : memref<4x128x128xf32, #tpu.memory_space<vmem>>, vector<1x1x16xf32>,
        %parallel_loop3A_841 = vector.shape_cast %parallel_loop3A_840 : vector<1x1x16xf32> to vector<16xf32>
        %parallel_loop3A_842 = vector.shape_cast %parallel_loop3A_833 : vector<16xf32> to vector<1x1x16xf32>
        tpu.vector_store %arg6[%parallel_loop3A_837, %parallel_loop3A_838, %parallel_loop3A_839], %parallel_loop3A_842 {strides = array<i32>} : memref<4x128x128xf32, #tpu.memory_space<vmem>>, vector<1x1x16xf32>,
        %parallel_loop3A_843 = arith.constant 0 : i32
        %parallel_loop3A_844 = arith.addi %parallel_loop3A_782, %parallel_loop3A_843 : i32
        %parallel_loop3A_845 = arith.constant 3 : i32
        %parallel_loop3A_846 = arith.index_cast %parallel_loop3A_845 : i32 to index
        %parallel_loop3A_847 = arith.index_cast %parallel_loop3A_844 : i32 to index
        %parallel_loop3A_848 = arith.constant 48 : index
        %parallel_loop3A_849 = tpu.vector_load %arg6[%parallel_loop3A_846, %parallel_loop3A_847, %parallel_loop3A_848] {strides = array<i32>} : memref<4x128x128xf32, #tpu.memory_space<vmem>>, vector<1x1x16xf32>,
        %parallel_loop3A_850 = vector.shape_cast %parallel_loop3A_849 : vector<1x1x16xf32> to vector<16xf32>
        %parallel_loop3A_851 = arith.constant 11.3137083 : f32
        %parallel_loop3A_852 = vector.broadcast %parallel_loop3A_851 : f32 to vector<16xf32>
        %parallel_loop3A_853 = arith.mulf %parallel_loop3A_850, %parallel_loop3A_852 : vector<16xf32>
        %parallel_loop3A_854 = arith.constant 0 : i32
        %parallel_loop3A_855 = arith.addi %parallel_loop3A_782, %parallel_loop3A_854 : i32
        %parallel_loop3A_856 = arith.constant 3 : i32
        %parallel_loop3A_857 = arith.index_cast %parallel_loop3A_856 : i32 to index
        %parallel_loop3A_858 = arith.index_cast %parallel_loop3A_855 : i32 to index
        %parallel_loop3A_859 = arith.constant 48 : index
        %parallel_loop3A_860 = tpu.vector_load %arg6[%parallel_loop3A_857, %parallel_loop3A_858, %parallel_loop3A_859] {strides = array<i32>} : memref<4x128x128xf32, #tpu.memory_space<vmem>>, vector<1x1x16xf32>,
        %parallel_loop3A_861 = vector.shape_cast %parallel_loop3A_860 : vector<1x1x16xf32> to vector<16xf32>
        %parallel_loop3A_862 = vector.shape_cast %parallel_loop3A_853 : vector<16xf32> to vector<1x1x16xf32>
        tpu.vector_store %arg6[%parallel_loop3A_857, %parallel_loop3A_858, %parallel_loop3A_859], %parallel_loop3A_862 {strides = array<i32>} : memref<4x128x128xf32, #tpu.memory_space<vmem>>, vector<1x1x16xf32>,
        %parallel_loop3A_863 = arith.constant 0 : i32
        %parallel_loop3A_864 = arith.addi %parallel_loop3A_782, %parallel_loop3A_863 : i32
        %parallel_loop3A_865 = arith.constant 3 : i32
        %parallel_loop3A_866 = arith.index_cast %parallel_loop3A_865 : i32 to index
        %parallel_loop3A_867 = arith.index_cast %parallel_loop3A_864 : i32 to index
        %parallel_loop3A_868 = arith.constant 64 : index
        %parallel_loop3A_869 = tpu.vector_load %arg6[%parallel_loop3A_866, %parallel_loop3A_867, %parallel_loop3A_868] {strides = array<i32>} : memref<4x128x128xf32, #tpu.memory_space<vmem>>, vector<1x1x16xf32>,
        %parallel_loop3A_870 = vector.shape_cast %parallel_loop3A_869 : vector<1x1x16xf32> to vector<16xf32>
        %parallel_loop3A_871 = arith.constant 11.3137083 : f32
        %parallel_loop3A_872 = vector.broadcast %parallel_loop3A_871 : f32 to vector<16xf32>
        %parallel_loop3A_873 = arith.mulf %parallel_loop3A_870, %parallel_loop3A_872 : vector<16xf32>
        %parallel_loop3A_874 = arith.constant 0 : i32
        %parallel_loop3A_875 = arith.addi %parallel_loop3A_782, %parallel_loop3A_874 : i32
        %parallel_loop3A_876 = arith.constant 3 : i32
        %parallel_loop3A_877 = arith.index_cast %parallel_loop3A_876 : i32 to index
        %parallel_loop3A_878 = arith.index_cast %parallel_loop3A_875 : i32 to index
        %parallel_loop3A_879 = arith.constant 64 : index
        %parallel_loop3A_880 = tpu.vector_load %arg6[%parallel_loop3A_877, %parallel_loop3A_878, %parallel_loop3A_879] {strides = array<i32>} : memref<4x128x128xf32, #tpu.memory_space<vmem>>, vector<1x1x16xf32>,
        %parallel_loop3A_881 = vector.shape_cast %parallel_loop3A_880 : vector<1x1x16xf32> to vector<16xf32>
        %parallel_loop3A_882 = vector.shape_cast %parallel_loop3A_873 : vector<16xf32> to vector<1x1x16xf32>
        tpu.vector_store %arg6[%parallel_loop3A_877, %parallel_loop3A_878, %parallel_loop3A_879], %parallel_loop3A_882 {strides = array<i32>} : memref<4x128x128xf32, #tpu.memory_space<vmem>>, vector<1x1x16xf32>,
        %parallel_loop3A_883 = arith.constant 0 : i32
        %parallel_loop3A_884 = arith.addi %parallel_loop3A_782, %parallel_loop3A_883 : i32
        %parallel_loop3A_885 = arith.constant 3 : i32
        %parallel_loop3A_886 = arith.index_cast %parallel_loop3A_885 : i32 to index
        %parallel_loop3A_887 = arith.index_cast %parallel_loop3A_884 : i32 to index
        %parallel_loop3A_888 = arith.constant 80 : index
        %parallel_loop3A_889 = tpu.vector_load %arg6[%parallel_loop3A_886, %parallel_loop3A_887, %parallel_loop3A_888] {strides = array<i32>} : memref<4x128x128xf32, #tpu.memory_space<vmem>>, vector<1x1x16xf32>,
        %parallel_loop3A_890 = vector.shape_cast %parallel_loop3A_889 : vector<1x1x16xf32> to vector<16xf32>
        %parallel_loop3A_891 = arith.constant 11.3137083 : f32
        %parallel_loop3A_892 = vector.broadcast %parallel_loop3A_891 : f32 to vector<16xf32>
        %parallel_loop3A_893 = arith.mulf %parallel_loop3A_890, %parallel_loop3A_892 : vector<16xf32>
        %parallel_loop3A_894 = arith.constant 0 : i32
        %parallel_loop3A_895 = arith.addi %parallel_loop3A_782, %parallel_loop3A_894 : i32
        %parallel_loop3A_896 = arith.constant 3 : i32
        %parallel_loop3A_897 = arith.index_cast %parallel_loop3A_896 : i32 to index
        %parallel_loop3A_898 = arith.index_cast %parallel_loop3A_895 : i32 to index
        %parallel_loop3A_899 = arith.constant 80 : index
        %parallel_loop3A_900 = tpu.vector_load %arg6[%parallel_loop3A_897, %parallel_loop3A_898, %parallel_loop3A_899] {strides = array<i32>} : memref<4x128x128xf32, #tpu.memory_space<vmem>>, vector<1x1x16xf32>,
        %parallel_loop3A_901 = vector.shape_cast %parallel_loop3A_900 : vector<1x1x16xf32> to vector<16xf32>
        %parallel_loop3A_902 = vector.shape_cast %parallel_loop3A_893 : vector<16xf32> to vector<1x1x16xf32>
        tpu.vector_store %arg6[%parallel_loop3A_897, %parallel_loop3A_898, %parallel_loop3A_899], %parallel_loop3A_902 {strides = array<i32>} : memref<4x128x128xf32, #tpu.memory_space<vmem>>, vector<1x1x16xf32>,
        %parallel_loop3A_903 = arith.constant 0 : i32
        %parallel_loop3A_904 = arith.addi %parallel_loop3A_782, %parallel_loop3A_903 : i32
        %parallel_loop3A_905 = arith.constant 3 : i32
        %parallel_loop3A_906 = arith.index_cast %parallel_loop3A_905 : i32 to index
        %parallel_loop3A_907 = arith.index_cast %parallel_loop3A_904 : i32 to index
        %parallel_loop3A_908 = arith.constant 96 : index
        %parallel_loop3A_909 = tpu.vector_load %arg6[%parallel_loop3A_906, %parallel_loop3A_907, %parallel_loop3A_908] {strides = array<i32>} : memref<4x128x128xf32, #tpu.memory_space<vmem>>, vector<1x1x16xf32>,
        %parallel_loop3A_910 = vector.shape_cast %parallel_loop3A_909 : vector<1x1x16xf32> to vector<16xf32>
        %parallel_loop3A_911 = arith.constant 11.3137083 : f32
        %parallel_loop3A_912 = vector.broadcast %parallel_loop3A_911 : f32 to vector<16xf32>
        %parallel_loop3A_913 = arith.mulf %parallel_loop3A_910, %parallel_loop3A_912 : vector<16xf32>
        %parallel_loop3A_914 = arith.constant 0 : i32
        %parallel_loop3A_915 = arith.addi %parallel_loop3A_782, %parallel_loop3A_914 : i32
        %parallel_loop3A_916 = arith.constant 3 : i32
        %parallel_loop3A_917 = arith.index_cast %parallel_loop3A_916 : i32 to index
        %parallel_loop3A_918 = arith.index_cast %parallel_loop3A_915 : i32 to index
        %parallel_loop3A_919 = arith.constant 96 : index
        %parallel_loop3A_920 = tpu.vector_load %arg6[%parallel_loop3A_917, %parallel_loop3A_918, %parallel_loop3A_919] {strides = array<i32>} : memref<4x128x128xf32, #tpu.memory_space<vmem>>, vector<1x1x16xf32>,
        %parallel_loop3A_921 = vector.shape_cast %parallel_loop3A_920 : vector<1x1x16xf32> to vector<16xf32>
        %parallel_loop3A_922 = vector.shape_cast %parallel_loop3A_913 : vector<16xf32> to vector<1x1x16xf32>
        tpu.vector_store %arg6[%parallel_loop3A_917, %parallel_loop3A_918, %parallel_loop3A_919], %parallel_loop3A_922 {strides = array<i32>} : memref<4x128x128xf32, #tpu.memory_space<vmem>>, vector<1x1x16xf32>,
        %parallel_loop3A_923 = arith.constant 0 : i32
        %parallel_loop3A_924 = arith.addi %parallel_loop3A_782, %parallel_loop3A_923 : i32
        %parallel_loop3A_925 = arith.constant 3 : i32
        %parallel_loop3A_926 = arith.index_cast %parallel_loop3A_925 : i32 to index
        %parallel_loop3A_927 = arith.index_cast %parallel_loop3A_924 : i32 to index
        %parallel_loop3A_928 = arith.constant 112 : index
        %parallel_loop3A_929 = tpu.vector_load %arg6[%parallel_loop3A_926, %parallel_loop3A_927, %parallel_loop3A_928] {strides = array<i32>} : memref<4x128x128xf32, #tpu.memory_space<vmem>>, vector<1x1x16xf32>,
        %parallel_loop3A_930 = vector.shape_cast %parallel_loop3A_929 : vector<1x1x16xf32> to vector<16xf32>
        %parallel_loop3A_931 = arith.constant 11.3137083 : f32
        %parallel_loop3A_932 = vector.broadcast %parallel_loop3A_931 : f32 to vector<16xf32>
        %parallel_loop3A_933 = arith.mulf %parallel_loop3A_930, %parallel_loop3A_932 : vector<16xf32>
        %parallel_loop3A_934 = arith.constant 0 : i32
        %parallel_loop3A_935 = arith.addi %parallel_loop3A_782, %parallel_loop3A_934 : i32
        %parallel_loop3A_936 = arith.constant 3 : i32
        %parallel_loop3A_937 = arith.index_cast %parallel_loop3A_936 : i32 to index
        %parallel_loop3A_938 = arith.index_cast %parallel_loop3A_935 : i32 to index
        %parallel_loop3A_939 = arith.constant 112 : index
        %parallel_loop3A_940 = tpu.vector_load %arg6[%parallel_loop3A_937, %parallel_loop3A_938, %parallel_loop3A_939] {strides = array<i32>} : memref<4x128x128xf32, #tpu.memory_space<vmem>>, vector<1x1x16xf32>,
        %parallel_loop3A_941 = vector.shape_cast %parallel_loop3A_940 : vector<1x1x16xf32> to vector<16xf32>
        %parallel_loop3A_942 = vector.shape_cast %parallel_loop3A_933 : vector<16xf32> to vector<1x1x16xf32>
        tpu.vector_store %arg6[%parallel_loop3A_937, %parallel_loop3A_938, %parallel_loop3A_939], %parallel_loop3A_942 {strides = array<i32>} : memref<4x128x128xf32, #tpu.memory_space<vmem>>, vector<1x1x16xf32>,
        %parallel_loop3A_943 = arith.constant 1 : i32
        %parallel_loop3A_944 = arith.addi %parallel_loop3A_782, %parallel_loop3A_943 : i32
        %parallel_loop3A_945 = arith.constant 3 : i32
        %parallel_loop3A_946 = arith.index_cast %parallel_loop3A_945 : i32 to index
        %parallel_loop3A_947 = arith.index_cast %parallel_loop3A_944 : i32 to index
        %parallel_loop3A_948 = arith.constant 0 : index
        %parallel_loop3A_949 = tpu.vector_load %arg6[%parallel_loop3A_946, %parallel_loop3A_947, %parallel_loop3A_948] {strides = array<i32>} : memref<4x128x128xf32, #tpu.memory_space<vmem>>, vector<1x1x16xf32>,
        %parallel_loop3A_950 = vector.shape_cast %parallel_loop3A_949 : vector<1x1x16xf32> to vector<16xf32>
        %parallel_loop3A_951 = arith.constant 11.3137083 : f32
        %parallel_loop3A_952 = vector.broadcast %parallel_loop3A_951 : f32 to vector<16xf32>
        %parallel_loop3A_953 = arith.mulf %parallel_loop3A_950, %parallel_loop3A_952 : vector<16xf32>
        %parallel_loop3A_954 = arith.constant 1 : i32
        %parallel_loop3A_955 = arith.addi %parallel_loop3A_782, %parallel_loop3A_954 : i32
        %parallel_loop3A_956 = arith.constant 3 : i32
        %parallel_loop3A_957 = arith.index_cast %parallel_loop3A_956 : i32 to index
        %parallel_loop3A_958 = arith.index_cast %parallel_loop3A_955 : i32 to index
        %parallel_loop3A_959 = arith.constant 0 : index
        %parallel_loop3A_960 = tpu.vector_load %arg6[%parallel_loop3A_957, %parallel_loop3A_958, %parallel_loop3A_959] {strides = array<i32>} : memref<4x128x128xf32, #tpu.memory_space<vmem>>, vector<1x1x16xf32>,
        %parallel_loop3A_961 = vector.shape_cast %parallel_loop3A_960 : vector<1x1x16xf32> to vector<16xf32>
        %parallel_loop3A_962 = vector.shape_cast %parallel_loop3A_953 : vector<16xf32> to vector<1x1x16xf32>
        tpu.vector_store %arg6[%parallel_loop3A_957, %parallel_loop3A_958, %parallel_loop3A_959], %parallel_loop3A_962 {strides = array<i32>} : memref<4x128x128xf32, #tpu.memory_space<vmem>>, vector<1x1x16xf32>,
        %parallel_loop3A_963 = arith.constant 1 : i32
        %parallel_loop3A_964 = arith.addi %parallel_loop3A_782, %parallel_loop3A_963 : i32
        %parallel_loop3A_965 = arith.constant 3 : i32
        %parallel_loop3A_966 = arith.index_cast %parallel_loop3A_965 : i32 to index
        %parallel_loop3A_967 = arith.index_cast %parallel_loop3A_964 : i32 to index
        %parallel_loop3A_968 = arith.constant 16 : index
        %parallel_loop3A_969 = tpu.vector_load %arg6[%parallel_loop3A_966, %parallel_loop3A_967, %parallel_loop3A_968] {strides = array<i32>} : memref<4x128x128xf32, #tpu.memory_space<vmem>>, vector<1x1x16xf32>,
        %parallel_loop3A_970 = vector.shape_cast %parallel_loop3A_969 : vector<1x1x16xf32> to vector<16xf32>
        %parallel_loop3A_971 = arith.constant 11.3137083 : f32
        %parallel_loop3A_972 = vector.broadcast %parallel_loop3A_971 : f32 to vector<16xf32>
        %parallel_loop3A_973 = arith.mulf %parallel_loop3A_970, %parallel_loop3A_972 : vector<16xf32>
        %parallel_loop3A_974 = arith.constant 1 : i32
        %parallel_loop3A_975 = arith.addi %parallel_loop3A_782, %parallel_loop3A_974 : i32
        %parallel_loop3A_976 = arith.constant 3 : i32
        %parallel_loop3A_977 = arith.index_cast %parallel_loop3A_976 : i32 to index
        %parallel_loop3A_978 = arith.index_cast %parallel_loop3A_975 : i32 to index
        %parallel_loop3A_979 = arith.constant 16 : index
        %parallel_loop3A_980 = tpu.vector_load %arg6[%parallel_loop3A_977, %parallel_loop3A_978, %parallel_loop3A_979] {strides = array<i32>} : memref<4x128x128xf32, #tpu.memory_space<vmem>>, vector<1x1x16xf32>,
        %parallel_loop3A_981 = vector.shape_cast %parallel_loop3A_980 : vector<1x1x16xf32> to vector<16xf32>
        %parallel_loop3A_982 = vector.shape_cast %parallel_loop3A_973 : vector<16xf32> to vector<1x1x16xf32>
        tpu.vector_store %arg6[%parallel_loop3A_977, %parallel_loop3A_978, %parallel_loop3A_979], %parallel_loop3A_982 {strides = array<i32>} : memref<4x128x128xf32, #tpu.memory_space<vmem>>, vector<1x1x16xf32>,
        %parallel_loop3A_983 = arith.constant 1 : i32
        %parallel_loop3A_984 = arith.addi %parallel_loop3A_782, %parallel_loop3A_983 : i32
        %parallel_loop3A_985 = arith.constant 3 : i32
        %parallel_loop3A_986 = arith.index_cast %parallel_loop3A_985 : i32 to index
        %parallel_loop3A_987 = arith.index_cast %parallel_loop3A_984 : i32 to index
        %parallel_loop3A_988 = arith.constant 32 : index
        %parallel_loop3A_989 = tpu.vector_load %arg6[%parallel_loop3A_986, %parallel_loop3A_987, %parallel_loop3A_988] {strides = array<i32>} : memref<4x128x128xf32, #tpu.memory_space<vmem>>, vector<1x1x16xf32>,
        %parallel_loop3A_990 = vector.shape_cast %parallel_loop3A_989 : vector<1x1x16xf32> to vector<16xf32>
        %parallel_loop3A_991 = arith.constant 11.3137083 : f32
        %parallel_loop3A_992 = vector.broadcast %parallel_loop3A_991 : f32 to vector<16xf32>
        %parallel_loop3A_993 = arith.mulf %parallel_loop3A_990, %parallel_loop3A_992 : vector<16xf32>
        %parallel_loop3A_994 = arith.constant 1 : i32
        %parallel_loop3A_995 = arith.addi %parallel_loop3A_782, %parallel_loop3A_994 : i32
        %parallel_loop3A_996 = arith.constant 3 : i32
        %parallel_loop3A_997 = arith.index_cast %parallel_loop3A_996 : i32 to index
        %parallel_loop3A_998 = arith.index_cast %parallel_loop3A_995 : i32 to index
        %parallel_loop3A_999 = arith.constant 32 : index
        %parallel_loop3A_1000 = tpu.vector_load %arg6[%parallel_loop3A_997, %parallel_loop3A_998, %parallel_loop3A_999] {strides = array<i32>} : memref<4x128x128xf32, #tpu.memory_space<vmem>>, vector<1x1x16xf32>,
        %parallel_loop3A_1001 = vector.shape_cast %parallel_loop3A_1000 : vector<1x1x16xf32> to vector<16xf32>
        %parallel_loop3A_1002 = vector.shape_cast %parallel_loop3A_993 : vector<16xf32> to vector<1x1x16xf32>
        tpu.vector_store %arg6[%parallel_loop3A_997, %parallel_loop3A_998, %parallel_loop3A_999], %parallel_loop3A_1002 {strides = array<i32>} : memref<4x128x128xf32, #tpu.memory_space<vmem>>, vector<1x1x16xf32>,
        %parallel_loop3A_1003 = arith.constant 1 : i32
        %parallel_loop3A_1004 = arith.addi %parallel_loop3A_782, %parallel_loop3A_1003 : i32
        %parallel_loop3A_1005 = arith.constant 3 : i32
        %parallel_loop3A_1006 = arith.index_cast %parallel_loop3A_1005 : i32 to index
        %parallel_loop3A_1007 = arith.index_cast %parallel_loop3A_1004 : i32 to index
        %parallel_loop3A_1008 = arith.constant 48 : index
        %parallel_loop3A_1009 = tpu.vector_load %arg6[%parallel_loop3A_1006, %parallel_loop3A_1007, %parallel_loop3A_1008] {strides = array<i32>} : memref<4x128x128xf32, #tpu.memory_space<vmem>>, vector<1x1x16xf32>,
        %parallel_loop3A_1010 = vector.shape_cast %parallel_loop3A_1009 : vector<1x1x16xf32> to vector<16xf32>
        %parallel_loop3A_1011 = arith.constant 11.3137083 : f32
        %parallel_loop3A_1012 = vector.broadcast %parallel_loop3A_1011 : f32 to vector<16xf32>
        %parallel_loop3A_1013 = arith.mulf %parallel_loop3A_1010, %parallel_loop3A_1012 : vector<16xf32>
        %parallel_loop3A_1014 = arith.constant 1 : i32
        %parallel_loop3A_1015 = arith.addi %parallel_loop3A_782, %parallel_loop3A_1014 : i32
        %parallel_loop3A_1016 = arith.constant 3 : i32
        %parallel_loop3A_1017 = arith.index_cast %parallel_loop3A_1016 : i32 to index
        %parallel_loop3A_1018 = arith.index_cast %parallel_loop3A_1015 : i32 to index
        %parallel_loop3A_1019 = arith.constant 48 : index
        %parallel_loop3A_1020 = tpu.vector_load %arg6[%parallel_loop3A_1017, %parallel_loop3A_1018, %parallel_loop3A_1019] {strides = array<i32>} : memref<4x128x128xf32, #tpu.memory_space<vmem>>, vector<1x1x16xf32>,
        %parallel_loop3A_1021 = vector.shape_cast %parallel_loop3A_1020 : vector<1x1x16xf32> to vector<16xf32>
        %parallel_loop3A_1022 = vector.shape_cast %parallel_loop3A_1013 : vector<16xf32> to vector<1x1x16xf32>
        tpu.vector_store %arg6[%parallel_loop3A_1017, %parallel_loop3A_1018, %parallel_loop3A_1019], %parallel_loop3A_1022 {strides = array<i32>} : memref<4x128x128xf32, #tpu.memory_space<vmem>>, vector<1x1x16xf32>,
        %parallel_loop3A_1023 = arith.constant 1 : i32
        %parallel_loop3A_1024 = arith.addi %parallel_loop3A_782, %parallel_loop3A_1023 : i32
        %parallel_loop3A_1025 = arith.constant 3 : i32
        %parallel_loop3A_1026 = arith.index_cast %parallel_loop3A_1025 : i32 to index
        %parallel_loop3A_1027 = arith.index_cast %parallel_loop3A_1024 : i32 to index
        %parallel_loop3A_1028 = arith.constant 64 : index
        %parallel_loop3A_1029 = tpu.vector_load %arg6[%parallel_loop3A_1026, %parallel_loop3A_1027, %parallel_loop3A_1028] {strides = array<i32>} : memref<4x128x128xf32, #tpu.memory_space<vmem>>, vector<1x1x16xf32>,
        %parallel_loop3A_1030 = vector.shape_cast %parallel_loop3A_1029 : vector<1x1x16xf32> to vector<16xf32>
        %parallel_loop3A_1031 = arith.constant 11.3137083 : f32
        %parallel_loop3A_1032 = vector.broadcast %parallel_loop3A_1031 : f32 to vector<16xf32>
        %parallel_loop3A_1033 = arith.mulf %parallel_loop3A_1030, %parallel_loop3A_1032 : vector<16xf32>
        %parallel_loop3A_1034 = arith.constant 1 : i32
        %parallel_loop3A_1035 = arith.addi %parallel_loop3A_782, %parallel_loop3A_1034 : i32
        %parallel_loop3A_1036 = arith.constant 3 : i32
        %parallel_loop3A_1037 = arith.index_cast %parallel_loop3A_1036 : i32 to index
        %parallel_loop3A_1038 = arith.index_cast %parallel_loop3A_1035 : i32 to index
        %parallel_loop3A_1039 = arith.constant 64 : index
        %parallel_loop3A_1040 = tpu.vector_load %arg6[%parallel_loop3A_1037, %parallel_loop3A_1038, %parallel_loop3A_1039] {strides = array<i32>} : memref<4x128x128xf32, #tpu.memory_space<vmem>>, vector<1x1x16xf32>,
        %parallel_loop3A_1041 = vector.shape_cast %parallel_loop3A_1040 : vector<1x1x16xf32> to vector<16xf32>
        %parallel_loop3A_1042 = vector.shape_cast %parallel_loop3A_1033 : vector<16xf32> to vector<1x1x16xf32>
        tpu.vector_store %arg6[%parallel_loop3A_1037, %parallel_loop3A_1038, %parallel_loop3A_1039], %parallel_loop3A_1042 {strides = array<i32>} : memref<4x128x128xf32, #tpu.memory_space<vmem>>, vector<1x1x16xf32>,
        %parallel_loop3A_1043 = arith.constant 1 : i32
        %parallel_loop3A_1044 = arith.addi %parallel_loop3A_782, %parallel_loop3A_1043 : i32
        %parallel_loop3A_1045 = arith.constant 3 : i32
        %parallel_loop3A_1046 = arith.index_cast %parallel_loop3A_1045 : i32 to index
        %parallel_loop3A_1047 = arith.index_cast %parallel_loop3A_1044 : i32 to index
        %parallel_loop3A_1048 = arith.constant 80 : index
        %parallel_loop3A_1049 = tpu.vector_load %arg6[%parallel_loop3A_1046, %parallel_loop3A_1047, %parallel_loop3A_1048] {strides = array<i32>} : memref<4x128x128xf32, #tpu.memory_space<vmem>>, vector<1x1x16xf32>,
        %parallel_loop3A_1050 = vector.shape_cast %parallel_loop3A_1049 : vector<1x1x16xf32> to vector<16xf32>
        %parallel_loop3A_1051 = arith.constant 11.3137083 : f32
        %parallel_loop3A_1052 = vector.broadcast %parallel_loop3A_1051 : f32 to vector<16xf32>
        %parallel_loop3A_1053 = arith.mulf %parallel_loop3A_1050, %parallel_loop3A_1052 : vector<16xf32>
        %parallel_loop3A_1054 = arith.constant 1 : i32
        %parallel_loop3A_1055 = arith.addi %parallel_loop3A_782, %parallel_loop3A_1054 : i32
        %parallel_loop3A_1056 = arith.constant 3 : i32
        %parallel_loop3A_1057 = arith.index_cast %parallel_loop3A_1056 : i32 to index
        %parallel_loop3A_1058 = arith.index_cast %parallel_loop3A_1055 : i32 to index
        %parallel_loop3A_1059 = arith.constant 80 : index
        %parallel_loop3A_1060 = tpu.vector_load %arg6[%parallel_loop3A_1057, %parallel_loop3A_1058, %parallel_loop3A_1059] {strides = array<i32>} : memref<4x128x128xf32, #tpu.memory_space<vmem>>, vector<1x1x16xf32>,
        %parallel_loop3A_1061 = vector.shape_cast %parallel_loop3A_1060 : vector<1x1x16xf32> to vector<16xf32>
        %parallel_loop3A_1062 = vector.shape_cast %parallel_loop3A_1053 : vector<16xf32> to vector<1x1x16xf32>
        tpu.vector_store %arg6[%parallel_loop3A_1057, %parallel_loop3A_1058, %parallel_loop3A_1059], %parallel_loop3A_1062 {strides = array<i32>} : memref<4x128x128xf32, #tpu.memory_space<vmem>>, vector<1x1x16xf32>,
        %parallel_loop3A_1063 = arith.constant 1 : i32
        %parallel_loop3A_1064 = arith.addi %parallel_loop3A_782, %parallel_loop3A_1063 : i32
        %parallel_loop3A_1065 = arith.constant 3 : i32
        %parallel_loop3A_1066 = arith.index_cast %parallel_loop3A_1065 : i32 to index
        %parallel_loop3A_1067 = arith.index_cast %parallel_loop3A_1064 : i32 to index
        %parallel_loop3A_1068 = arith.constant 96 : index
        %parallel_loop3A_1069 = tpu.vector_load %arg6[%parallel_loop3A_1066, %parallel_loop3A_1067, %parallel_loop3A_1068] {strides = array<i32>} : memref<4x128x128xf32, #tpu.memory_space<vmem>>, vector<1x1x16xf32>,
        %parallel_loop3A_1070 = vector.shape_cast %parallel_loop3A_1069 : vector<1x1x16xf32> to vector<16xf32>
        %parallel_loop3A_1071 = arith.constant 11.3137083 : f32
        %parallel_loop3A_1072 = vector.broadcast %parallel_loop3A_1071 : f32 to vector<16xf32>
        %parallel_loop3A_1073 = arith.mulf %parallel_loop3A_1070, %parallel_loop3A_1072 : vector<16xf32>
        %parallel_loop3A_1074 = arith.constant 1 : i32
        %parallel_loop3A_1075 = arith.addi %parallel_loop3A_782, %parallel_loop3A_1074 : i32
        %parallel_loop3A_1076 = arith.constant 3 : i32
        %parallel_loop3A_1077 = arith.index_cast %parallel_loop3A_1076 : i32 to index
        %parallel_loop3A_1078 = arith.index_cast %parallel_loop3A_1075 : i32 to index
        %parallel_loop3A_1079 = arith.constant 96 : index
        %parallel_loop3A_1080 = tpu.vector_load %arg6[%parallel_loop3A_1077, %parallel_loop3A_1078, %parallel_loop3A_1079] {strides = array<i32>} : memref<4x128x128xf32, #tpu.memory_space<vmem>>, vector<1x1x16xf32>,
        %parallel_loop3A_1081 = vector.shape_cast %parallel_loop3A_1080 : vector<1x1x16xf32> to vector<16xf32>
        %parallel_loop3A_1082 = vector.shape_cast %parallel_loop3A_1073 : vector<16xf32> to vector<1x1x16xf32>
        tpu.vector_store %arg6[%parallel_loop3A_1077, %parallel_loop3A_1078, %parallel_loop3A_1079], %parallel_loop3A_1082 {strides = array<i32>} : memref<4x128x128xf32, #tpu.memory_space<vmem>>, vector<1x1x16xf32>,
        %parallel_loop3A_1083 = arith.constant 1 : i32
        %parallel_loop3A_1084 = arith.addi %parallel_loop3A_782, %parallel_loop3A_1083 : i32
        %parallel_loop3A_1085 = arith.constant 3 : i32
        %parallel_loop3A_1086 = arith.index_cast %parallel_loop3A_1085 : i32 to index
        %parallel_loop3A_1087 = arith.index_cast %parallel_loop3A_1084 : i32 to index
        %parallel_loop3A_1088 = arith.constant 112 : index
        %parallel_loop3A_1089 = tpu.vector_load %arg6[%parallel_loop3A_1086, %parallel_loop3A_1087, %parallel_loop3A_1088] {strides = array<i32>} : memref<4x128x128xf32, #tpu.memory_space<vmem>>, vector<1x1x16xf32>,
        %parallel_loop3A_1090 = vector.shape_cast %parallel_loop3A_1089 : vector<1x1x16xf32> to vector<16xf32>
        %parallel_loop3A_1091 = arith.constant 11.3137083 : f32
        %parallel_loop3A_1092 = vector.broadcast %parallel_loop3A_1091 : f32 to vector<16xf32>
        %parallel_loop3A_1093 = arith.mulf %parallel_loop3A_1090, %parallel_loop3A_1092 : vector<16xf32>
        %parallel_loop3A_1094 = arith.constant 1 : i32
        %parallel_loop3A_1095 = arith.addi %parallel_loop3A_782, %parallel_loop3A_1094 : i32
        %parallel_loop3A_1096 = arith.constant 3 : i32
        %parallel_loop3A_1097 = arith.index_cast %parallel_loop3A_1096 : i32 to index
        %parallel_loop3A_1098 = arith.index_cast %parallel_loop3A_1095 : i32 to index
        %parallel_loop3A_1099 = arith.constant 112 : index
        %parallel_loop3A_1100 = tpu.vector_load %arg6[%parallel_loop3A_1097, %parallel_loop3A_1098, %parallel_loop3A_1099] {strides = array<i32>} : memref<4x128x128xf32, #tpu.memory_space<vmem>>, vector<1x1x16xf32>,
        %parallel_loop3A_1101 = vector.shape_cast %parallel_loop3A_1100 : vector<1x1x16xf32> to vector<16xf32>
        %parallel_loop3A_1102 = vector.shape_cast %parallel_loop3A_1093 : vector<16xf32> to vector<1x1x16xf32>
        tpu.vector_store %arg6[%parallel_loop3A_1097, %parallel_loop3A_1098, %parallel_loop3A_1099], %parallel_loop3A_1102 {strides = array<i32>} : memref<4x128x128xf32, #tpu.memory_space<vmem>>, vector<1x1x16xf32>,
      } {sc.loop_unroll_factor = 1 : i64, sc.parallel_access}
      %add3A_766 = arith.addi %mul3A_2, %add3A_721 : i32
      %mul3A_767 = arith.constant 128 : i32
      %mul3A_768 = arith.muli %add3A_766, %mul3A_767 : i32
      %dma_start3A_769 = arith.constant 3 : i32
      %dma_start3A_770 = arith.constant 0 : i32
      %dma_start3A_771 = arith.constant 0 : i32
      %dma_start3A_772 = tpu.memref_slice %arg6[%dma_start3A_769, %dma_start3A_770, %dma_start3A_771] : memref<4x128x128xf32, #tpu.memory_space<vmem>> -> memref<1x128x128xf32, #tpu.memory_space<vmem>>
      %dma_start3A_773 = tpu.memref_squeeze %dma_start3A_772 : memref<1x128x128xf32, #tpu.memory_space<vmem>> -> memref<128x128xf32, #tpu.memory_space<vmem>>
      %dma_start3A_774 = arith.constant 0 : i32
      %dma_start3A_775 = tpu.memref_slice %arg4[%mul3A_768, %dma_start3A_774] : memref<819200x128xf32, #tpu.memory_space<hbm>> -> memref<128x128xf32, #tpu.memory_space<hbm>>
      %dma_start3A_776 = arith.constant 0 : i32
      %dma_start3A_777 = tpu.memref_slice %arg4[%mul3A_768, %dma_start3A_776] : memref<819200x128xf32, #tpu.memory_space<hbm>> -> memref<128x128xf32, #tpu.memory_space<hbm>>
      %dma_start3A_778 = arith.constant 0 : i32
      %dma_start3A_779 = arith.constant 0 : i32
      %dma_start3A_780 = tpu.memref_slice %arg6[%dma_start3A_769, %dma_start3A_778, %dma_start3A_779] : memref<4x128x128xf32, #tpu.memory_space<vmem>> -> memref<1x128x128xf32, #tpu.memory_space<vmem>>
      %dma_start3A_781 = tpu.memref_squeeze %dma_start3A_780 : memref<1x128x128xf32, #tpu.memory_space<vmem>> -> memref<128x128xf32, #tpu.memory_space<vmem>>
      tpu.enqueue_dma source(%dma_start3A_781 : memref<128x128xf32, #tpu.memory_space<vmem>>) target(%dma_start3A_777 : memref<128x128xf32, #tpu.memory_space<hbm>>) target_semaphore(%arg14 : memref<!tpu.dma_semaphore, #tpu.memory_space<semaphore_mem>>)
    }
    %scan3A_246 = arith.constant 48 : i32
    %dma_wait3A_247 = arith.constant 2 : i32
    %dma_wait3A_248 = arith.constant 0 : i32
    %dma_wait3A_249 = arith.constant 0 : i32
    %dma_wait3A_250 = tpu.memref_slice %arg6[%dma_wait3A_247, %dma_wait3A_248, %dma_wait3A_249] : memref<4x128x128xf32, #tpu.memory_space<vmem>> -> memref<1x128x128xf32, #tpu.memory_space<vmem>>
    %dma_wait3A_251 = tpu.memref_squeeze %dma_wait3A_250 : memref<1x128x128xf32, #tpu.memory_space<vmem>> -> memref<128x128xf32, #tpu.memory_space<vmem>>
    %dma_wait3A_252 = arith.constant 0 : i32
    %dma_wait3A_253 = arith.constant 0 : i32
    %dma_wait3A_254 = tpu.memref_slice %arg4[%dma_wait3A_252, %dma_wait3A_253] : memref<819200x128xf32, #tpu.memory_space<hbm>> -> memref<128x128xf32, #tpu.memory_space<hbm>>
    %dma_wait3A_255 = arith.constant 0 : i32
    %dma_wait3A_256 = arith.constant 0 : i32
    %dma_wait3A_257 = tpu.memref_slice %arg4[%dma_wait3A_255, %dma_wait3A_256] : memref<819200x128xf32, #tpu.memory_space<hbm>> -> memref<128x128xf32, #tpu.memory_space<hbm>>
    %dma_wait3A_258 = arith.constant 0 : i32
    %dma_wait3A_259 = arith.constant 0 : i32
    %dma_wait3A_260 = tpu.memref_slice %arg6[%dma_wait3A_247, %dma_wait3A_258, %dma_wait3A_259] : memref<4x128x128xf32, #tpu.memory_space<vmem>> -> memref<1x128x128xf32, #tpu.memory_space<vmem>>
    %dma_wait3A_261 = tpu.memref_squeeze %dma_wait3A_260 : memref<1x128x128xf32, #tpu.memory_space<vmem>> -> memref<128x128xf32, #tpu.memory_space<vmem>>
    tpu.wait_dma2 semaphore(%arg13 : memref<!tpu.dma_semaphore, #tpu.memory_space<semaphore_mem>>) src(%dma_wait3A_261 : memref<128x128xf32, #tpu.memory_space<vmem>>) dst(%dma_wait3A_257 : memref<128x128xf32, #tpu.memory_space<hbm>>)
    %dma_start3A_262 = arith.constant 198 : i32
    %dma_start3A_263 = arith.constant 2 : i32
    %dma_start3A_264 = arith.constant 0 : i32
    %dma_start3A_265 = arith.constant 0 : i32
    %dma_start3A_266 = tpu.memref_slice %arg6[%dma_start3A_263, %dma_start3A_264, %dma_start3A_265] : memref<4x128x128xf32, #tpu.memory_space<vmem>> -> memref<1x128x128xf32, #tpu.memory_space<vmem>>
    %dma_start3A_267 = tpu.memref_squeeze %dma_start3A_266 : memref<1x128x128xf32, #tpu.memory_space<vmem>> -> memref<128x128xf32, #tpu.memory_space<vmem>>
    %dma_start3A_268 = arith.constant 0 : i32
    %dma_start3A_269 = tpu.memref_slice %arg5[%dma_start3A_262, %dma_start3A_268] : memref<200x128xi32, #tpu.memory_space<vmem>> -> memref<1x128xi32, #tpu.memory_space<vmem>>
    %dma_start3A_270 = tpu.memref_squeeze %dma_start3A_269 : memref<1x128xi32, #tpu.memory_space<vmem>> -> memref<128xi32, #tpu.memory_space<vmem>>
    %dma_start3A_271 = arith.constant 0 : i32
    %dma_start3A_272 = arith.constant 0 : i32
    %dma_start3A_273 = tpu.memref_slice %arg2[%dma_start3A_271, %dma_start3A_272] : memref<100000x128xf32, #tpu.memory_space<hbm>> -> memref<100000x128xf32, #tpu.memory_space<hbm>>
    tpu.enqueue_indirect_dma source(%dma_start3A_273 : memref<100000x128xf32, #tpu.memory_space<hbm>>) target(%dma_start3A_267 : memref<128x128xf32, #tpu.memory_space<vmem>>) offsets(%dma_start3A_270 : memref<128xi32, #tpu.memory_space<vmem>>) semaphore(%arg9 : memref<!tpu.dma_semaphore, #tpu.memory_space<semaphore_mem>>)
    %dma_wait3A_274 = arith.constant 3 : i32
    %dma_wait3A_275 = arith.constant 0 : i32
    %dma_wait3A_276 = arith.constant 0 : i32
    %dma_wait3A_277 = tpu.memref_slice %arg6[%dma_wait3A_274, %dma_wait3A_275, %dma_wait3A_276] : memref<4x128x128xf32, #tpu.memory_space<vmem>> -> memref<1x128x128xf32, #tpu.memory_space<vmem>>
    %dma_wait3A_278 = tpu.memref_squeeze %dma_wait3A_277 : memref<1x128x128xf32, #tpu.memory_space<vmem>> -> memref<128x128xf32, #tpu.memory_space<vmem>>
    %dma_wait3A_279 = arith.constant 0 : i32
    %dma_wait3A_280 = arith.constant 0 : i32
    %dma_wait3A_281 = tpu.memref_slice %arg4[%dma_wait3A_279, %dma_wait3A_280] : memref<819200x128xf32, #tpu.memory_space<hbm>> -> memref<128x128xf32, #tpu.memory_space<hbm>>
    %dma_wait3A_282 = arith.constant 0 : i32
    %dma_wait3A_283 = arith.constant 0 : i32
    %dma_wait3A_284 = tpu.memref_slice %arg4[%dma_wait3A_282, %dma_wait3A_283] : memref<819200x128xf32, #tpu.memory_space<hbm>> -> memref<128x128xf32, #tpu.memory_space<hbm>>
    %dma_wait3A_285 = arith.constant 0 : i32
    %dma_wait3A_286 = arith.constant 0 : i32
    %dma_wait3A_287 = tpu.memref_slice %arg6[%dma_wait3A_274, %dma_wait3A_285, %dma_wait3A_286] : memref<4x128x128xf32, #tpu.memory_space<vmem>> -> memref<1x128x128xf32, #tpu.memory_space<vmem>>
    %dma_wait3A_288 = tpu.memref_squeeze %dma_wait3A_287 : memref<1x128x128xf32, #tpu.memory_space<vmem>> -> memref<128x128xf32, #tpu.memory_space<vmem>>
    tpu.wait_dma2 semaphore(%arg14 : memref<!tpu.dma_semaphore, #tpu.memory_space<semaphore_mem>>) src(%dma_wait3A_288 : memref<128x128xf32, #tpu.memory_space<vmem>>) dst(%dma_wait3A_284 : memref<128x128xf32, #tpu.memory_space<hbm>>)
    %dma_start3A_289 = arith.constant 199 : i32
    %dma_start3A_290 = arith.constant 3 : i32
    %dma_start3A_291 = arith.constant 0 : i32
    %dma_start3A_292 = arith.constant 0 : i32
    %dma_start3A_293 = tpu.memref_slice %arg6[%dma_start3A_290, %dma_start3A_291, %dma_start3A_292] : memref<4x128x128xf32, #tpu.memory_space<vmem>> -> memref<1x128x128xf32, #tpu.memory_space<vmem>>
    %dma_start3A_294 = tpu.memref_squeeze %dma_start3A_293 : memref<1x128x128xf32, #tpu.memory_space<vmem>> -> memref<128x128xf32, #tpu.memory_space<vmem>>
    %dma_start3A_295 = arith.constant 0 : i32
    %dma_start3A_296 = tpu.memref_slice %arg5[%dma_start3A_289, %dma_start3A_295] : memref<200x128xi32, #tpu.memory_space<vmem>> -> memref<1x128xi32, #tpu.memory_space<vmem>>
    %dma_start3A_297 = tpu.memref_squeeze %dma_start3A_296 : memref<1x128xi32, #tpu.memory_space<vmem>> -> memref<128xi32, #tpu.memory_space<vmem>>
    %dma_start3A_298 = arith.constant 0 : i32
    %dma_start3A_299 = arith.constant 0 : i32
    %dma_start3A_300 = tpu.memref_slice %arg2[%dma_start3A_298, %dma_start3A_299] : memref<100000x128xf32, #tpu.memory_space<hbm>> -> memref<100000x128xf32, #tpu.memory_space<hbm>>
    tpu.enqueue_indirect_dma source(%dma_start3A_300 : memref<100000x128xf32, #tpu.memory_space<hbm>>) target(%dma_start3A_294 : memref<128x128xf32, #tpu.memory_space<vmem>>) offsets(%dma_start3A_297 : memref<128xi32, #tpu.memory_space<vmem>>) semaphore(%arg10 : memref<!tpu.dma_semaphore, #tpu.memory_space<semaphore_mem>>)
    %dma_wait3A_301 = arith.constant 0 : i32
    %dma_wait3A_302 = arith.constant 0 : i32
    %dma_wait3A_303 = arith.constant 0 : i32
    %dma_wait3A_304 = tpu.memref_slice %arg6[%dma_wait3A_301, %dma_wait3A_302, %dma_wait3A_303] : memref<4x128x128xf32, #tpu.memory_space<vmem>> -> memref<1x128x128xf32, #tpu.memory_space<vmem>>
    %dma_wait3A_305 = tpu.memref_squeeze %dma_wait3A_304 : memref<1x128x128xf32, #tpu.memory_space<vmem>> -> memref<128x128xf32, #tpu.memory_space<vmem>>
    %dma_wait3A_306 = arith.constant 0 : i32
    %dma_wait3A_307 = arith.constant 0 : i32
    %dma_wait3A_308 = tpu.memref_slice %arg2[%dma_wait3A_306, %dma_wait3A_307] : memref<100000x128xf32, #tpu.memory_space<hbm>> -> memref<128x128xf32, #tpu.memory_space<hbm>>
    %dma_wait3A_309 = arith.constant 0 : i32
    %dma_wait3A_310 = arith.constant 0 : i32
    %dma_wait3A_311 = tpu.memref_slice %arg6[%dma_wait3A_301, %dma_wait3A_309, %dma_wait3A_310] : memref<4x128x128xf32, #tpu.memory_space<vmem>> -> memref<1x128x128xf32, #tpu.memory_space<vmem>>
    %dma_wait3A_312 = tpu.memref_squeeze %dma_wait3A_311 : memref<1x128x128xf32, #tpu.memory_space<vmem>> -> memref<128x128xf32, #tpu.memory_space<vmem>>
    %dma_wait3A_313 = arith.constant 0 : i32
    %dma_wait3A_314 = arith.constant 0 : i32
    %dma_wait3A_315 = tpu.memref_slice %arg2[%dma_wait3A_313, %dma_wait3A_314] : memref<100000x128xf32, #tpu.memory_space<hbm>> -> memref<128x128xf32, #tpu.memory_space<hbm>>
    tpu.wait_dma2 semaphore(%arg7 : memref<!tpu.dma_semaphore, #tpu.memory_space<semaphore_mem>>) src(%dma_wait3A_315 : memref<128x128xf32, #tpu.memory_space<hbm>>) dst(%dma_wait3A_312 : memref<128x128xf32, #tpu.memory_space<vmem>>)
    %parallel_loop3A_316 = arith.constant 0 : i32
    %parallel_loop3A_317 = arith.constant 128 : i32
    %parallel_loop3A_318 = arith.constant 2 : i32
    scf.for %parallel_loop3A_501 = %parallel_loop3A_316 to %parallel_loop3A_317 step %parallel_loop3A_318  : i32 {
      %parallel_loop3A_502 = arith.constant 0 : i32
      %parallel_loop3A_503 = arith.addi %parallel_loop3A_501, %parallel_loop3A_502 : i32
      %parallel_loop3A_504 = arith.constant 0 : i32
      %parallel_loop3A_505 = arith.index_cast %parallel_loop3A_504 : i32 to index
      %parallel_loop3A_506 = arith.index_cast %parallel_loop3A_503 : i32 to index
      %parallel_loop3A_507 = arith.constant 0 : index
      %parallel_loop3A_508 = tpu.vector_load %arg6[%parallel_loop3A_505, %parallel_loop3A_506, %parallel_loop3A_507] {strides = array<i32>} : memref<4x128x128xf32, #tpu.memory_space<vmem>>, vector<1x1x16xf32>,
      %parallel_loop3A_509 = vector.shape_cast %parallel_loop3A_508 : vector<1x1x16xf32> to vector<16xf32>
      %parallel_loop3A_510 = arith.constant 11.3137083 : f32
      %parallel_loop3A_511 = vector.broadcast %parallel_loop3A_510 : f32 to vector<16xf32>
      %parallel_loop3A_512 = arith.mulf %parallel_loop3A_509, %parallel_loop3A_511 : vector<16xf32>
      %parallel_loop3A_513 = arith.constant 0 : i32
      %parallel_loop3A_514 = arith.addi %parallel_loop3A_501, %parallel_loop3A_513 : i32
      %parallel_loop3A_515 = arith.constant 0 : i32
      %parallel_loop3A_516 = arith.index_cast %parallel_loop3A_515 : i32 to index
      %parallel_loop3A_517 = arith.index_cast %parallel_loop3A_514 : i32 to index
      %parallel_loop3A_518 = arith.constant 0 : index
      %parallel_loop3A_519 = tpu.vector_load %arg6[%parallel_loop3A_516, %parallel_loop3A_517, %parallel_loop3A_518] {strides = array<i32>} : memref<4x128x128xf32, #tpu.memory_space<vmem>>, vector<1x1x16xf32>,
      %parallel_loop3A_520 = vector.shape_cast %parallel_loop3A_519 : vector<1x1x16xf32> to vector<16xf32>
      %parallel_loop3A_521 = vector.shape_cast %parallel_loop3A_512 : vector<16xf32> to vector<1x1x16xf32>
      tpu.vector_store %arg6[%parallel_loop3A_516, %parallel_loop3A_517, %parallel_loop3A_518], %parallel_loop3A_521 {strides = array<i32>} : memref<4x128x128xf32, #tpu.memory_space<vmem>>, vector<1x1x16xf32>,
      %parallel_loop3A_522 = arith.constant 0 : i32
      %parallel_loop3A_523 = arith.addi %parallel_loop3A_501, %parallel_loop3A_522 : i32
      %parallel_loop3A_524 = arith.constant 0 : i32
      %parallel_loop3A_525 = arith.index_cast %parallel_loop3A_524 : i32 to index
      %parallel_loop3A_526 = arith.index_cast %parallel_loop3A_523 : i32 to index
      %parallel_loop3A_527 = arith.constant 16 : index
      %parallel_loop3A_528 = tpu.vector_load %arg6[%parallel_loop3A_525, %parallel_loop3A_526, %parallel_loop3A_527] {strides = array<i32>} : memref<4x128x128xf32, #tpu.memory_space<vmem>>, vector<1x1x16xf32>,
      %parallel_loop3A_529 = vector.shape_cast %parallel_loop3A_528 : vector<1x1x16xf32> to vector<16xf32>
      %parallel_loop3A_530 = arith.constant 11.3137083 : f32
      %parallel_loop3A_531 = vector.broadcast %parallel_loop3A_530 : f32 to vector<16xf32>
      %parallel_loop3A_532 = arith.mulf %parallel_loop3A_529, %parallel_loop3A_531 : vector<16xf32>
      %parallel_loop3A_533 = arith.constant 0 : i32
      %parallel_loop3A_534 = arith.addi %parallel_loop3A_501, %parallel_loop3A_533 : i32
      %parallel_loop3A_535 = arith.constant 0 : i32
      %parallel_loop3A_536 = arith.index_cast %parallel_loop3A_535 : i32 to index
      %parallel_loop3A_537 = arith.index_cast %parallel_loop3A_534 : i32 to index
      %parallel_loop3A_538 = arith.constant 16 : index
      %parallel_loop3A_539 = tpu.vector_load %arg6[%parallel_loop3A_536, %parallel_loop3A_537, %parallel_loop3A_538] {strides = array<i32>} : memref<4x128x128xf32, #tpu.memory_space<vmem>>, vector<1x1x16xf32>,
      %parallel_loop3A_540 = vector.shape_cast %parallel_loop3A_539 : vector<1x1x16xf32> to vector<16xf32>
      %parallel_loop3A_541 = vector.shape_cast %parallel_loop3A_532 : vector<16xf32> to vector<1x1x16xf32>
      tpu.vector_store %arg6[%parallel_loop3A_536, %parallel_loop3A_537, %parallel_loop3A_538], %parallel_loop3A_541 {strides = array<i32>} : memref<4x128x128xf32, #tpu.memory_space<vmem>>, vector<1x1x16xf32>,
      %parallel_loop3A_542 = arith.constant 0 : i32
      %parallel_loop3A_543 = arith.addi %parallel_loop3A_501, %parallel_loop3A_542 : i32
      %parallel_loop3A_544 = arith.constant 0 : i32
      %parallel_loop3A_545 = arith.index_cast %parallel_loop3A_544 : i32 to index
      %parallel_loop3A_546 = arith.index_cast %parallel_loop3A_543 : i32 to index
      %parallel_loop3A_547 = arith.constant 32 : index
      %parallel_loop3A_548 = tpu.vector_load %arg6[%parallel_loop3A_545, %parallel_loop3A_546, %parallel_loop3A_547] {strides = array<i32>} : memref<4x128x128xf32, #tpu.memory_space<vmem>>, vector<1x1x16xf32>,
      %parallel_loop3A_549 = vector.shape_cast %parallel_loop3A_548 : vector<1x1x16xf32> to vector<16xf32>
      %parallel_loop3A_550 = arith.constant 11.3137083 : f32
      %parallel_loop3A_551 = vector.broadcast %parallel_loop3A_550 : f32 to vector<16xf32>
      %parallel_loop3A_552 = arith.mulf %parallel_loop3A_549, %parallel_loop3A_551 : vector<16xf32>
      %parallel_loop3A_553 = arith.constant 0 : i32
      %parallel_loop3A_554 = arith.addi %parallel_loop3A_501, %parallel_loop3A_553 : i32
      %parallel_loop3A_555 = arith.constant 0 : i32
      %parallel_loop3A_556 = arith.index_cast %parallel_loop3A_555 : i32 to index
      %parallel_loop3A_557 = arith.index_cast %parallel_loop3A_554 : i32 to index
      %parallel_loop3A_558 = arith.constant 32 : index
      %parallel_loop3A_559 = tpu.vector_load %arg6[%parallel_loop3A_556, %parallel_loop3A_557, %parallel_loop3A_558] {strides = array<i32>} : memref<4x128x128xf32, #tpu.memory_space<vmem>>, vector<1x1x16xf32>,
      %parallel_loop3A_560 = vector.shape_cast %parallel_loop3A_559 : vector<1x1x16xf32> to vector<16xf32>
      %parallel_loop3A_561 = vector.shape_cast %parallel_loop3A_552 : vector<16xf32> to vector<1x1x16xf32>
      tpu.vector_store %arg6[%parallel_loop3A_556, %parallel_loop3A_557, %parallel_loop3A_558], %parallel_loop3A_561 {strides = array<i32>} : memref<4x128x128xf32, #tpu.memory_space<vmem>>, vector<1x1x16xf32>,
      %parallel_loop3A_562 = arith.constant 0 : i32
      %parallel_loop3A_563 = arith.addi %parallel_loop3A_501, %parallel_loop3A_562 : i32
      %parallel_loop3A_564 = arith.constant 0 : i32
      %parallel_loop3A_565 = arith.index_cast %parallel_loop3A_564 : i32 to index
      %parallel_loop3A_566 = arith.index_cast %parallel_loop3A_563 : i32 to index
      %parallel_loop3A_567 = arith.constant 48 : index
      %parallel_loop3A_568 = tpu.vector_load %arg6[%parallel_loop3A_565, %parallel_loop3A_566, %parallel_loop3A_567] {strides = array<i32>} : memref<4x128x128xf32, #tpu.memory_space<vmem>>, vector<1x1x16xf32>,
      %parallel_loop3A_569 = vector.shape_cast %parallel_loop3A_568 : vector<1x1x16xf32> to vector<16xf32>
      %parallel_loop3A_570 = arith.constant 11.3137083 : f32
      %parallel_loop3A_571 = vector.broadcast %parallel_loop3A_570 : f32 to vector<16xf32>
      %parallel_loop3A_572 = arith.mulf %parallel_loop3A_569, %parallel_loop3A_571 : vector<16xf32>
      %parallel_loop3A_573 = arith.constant 0 : i32
      %parallel_loop3A_574 = arith.addi %parallel_loop3A_501, %parallel_loop3A_573 : i32
      %parallel_loop3A_575 = arith.constant 0 : i32
      %parallel_loop3A_576 = arith.index_cast %parallel_loop3A_575 : i32 to index
      %parallel_loop3A_577 = arith.index_cast %parallel_loop3A_574 : i32 to index
      %parallel_loop3A_578 = arith.constant 48 : index
      %parallel_loop3A_579 = tpu.vector_load %arg6[%parallel_loop3A_576, %parallel_loop3A_577, %parallel_loop3A_578] {strides = array<i32>} : memref<4x128x128xf32, #tpu.memory_space<vmem>>, vector<1x1x16xf32>,
      %parallel_loop3A_580 = vector.shape_cast %parallel_loop3A_579 : vector<1x1x16xf32> to vector<16xf32>
      %parallel_loop3A_581 = vector.shape_cast %parallel_loop3A_572 : vector<16xf32> to vector<1x1x16xf32>
      tpu.vector_store %arg6[%parallel_loop3A_576, %parallel_loop3A_577, %parallel_loop3A_578], %parallel_loop3A_581 {strides = array<i32>} : memref<4x128x128xf32, #tpu.memory_space<vmem>>, vector<1x1x16xf32>,
      %parallel_loop3A_582 = arith.constant 0 : i32
      %parallel_loop3A_583 = arith.addi %parallel_loop3A_501, %parallel_loop3A_582 : i32
      %parallel_loop3A_584 = arith.constant 0 : i32
      %parallel_loop3A_585 = arith.index_cast %parallel_loop3A_584 : i32 to index
      %parallel_loop3A_586 = arith.index_cast %parallel_loop3A_583 : i32 to index
      %parallel_loop3A_587 = arith.constant 64 : index
      %parallel_loop3A_588 = tpu.vector_load %arg6[%parallel_loop3A_585, %parallel_loop3A_586, %parallel_loop3A_587] {strides = array<i32>} : memref<4x128x128xf32, #tpu.memory_space<vmem>>, vector<1x1x16xf32>,
      %parallel_loop3A_589 = vector.shape_cast %parallel_loop3A_588 : vector<1x1x16xf32> to vector<16xf32>
      %parallel_loop3A_590 = arith.constant 11.3137083 : f32
      %parallel_loop3A_591 = vector.broadcast %parallel_loop3A_590 : f32 to vector<16xf32>
      %parallel_loop3A_592 = arith.mulf %parallel_loop3A_589, %parallel_loop3A_591 : vector<16xf32>
      %parallel_loop3A_593 = arith.constant 0 : i32
      %parallel_loop3A_594 = arith.addi %parallel_loop3A_501, %parallel_loop3A_593 : i32
      %parallel_loop3A_595 = arith.constant 0 : i32
      %parallel_loop3A_596 = arith.index_cast %parallel_loop3A_595 : i32 to index
      %parallel_loop3A_597 = arith.index_cast %parallel_loop3A_594 : i32 to index
      %parallel_loop3A_598 = arith.constant 64 : index
      %parallel_loop3A_599 = tpu.vector_load %arg6[%parallel_loop3A_596, %parallel_loop3A_597, %parallel_loop3A_598] {strides = array<i32>} : memref<4x128x128xf32, #tpu.memory_space<vmem>>, vector<1x1x16xf32>,
      %parallel_loop3A_600 = vector.shape_cast %parallel_loop3A_599 : vector<1x1x16xf32> to vector<16xf32>
      %parallel_loop3A_601 = vector.shape_cast %parallel_loop3A_592 : vector<16xf32> to vector<1x1x16xf32>
      tpu.vector_store %arg6[%parallel_loop3A_596, %parallel_loop3A_597, %parallel_loop3A_598], %parallel_loop3A_601 {strides = array<i32>} : memref<4x128x128xf32, #tpu.memory_space<vmem>>, vector<1x1x16xf32>,
      %parallel_loop3A_602 = arith.constant 0 : i32
      %parallel_loop3A_603 = arith.addi %parallel_loop3A_501, %parallel_loop3A_602 : i32
      %parallel_loop3A_604 = arith.constant 0 : i32
      %parallel_loop3A_605 = arith.index_cast %parallel_loop3A_604 : i32 to index
      %parallel_loop3A_606 = arith.index_cast %parallel_loop3A_603 : i32 to index
      %parallel_loop3A_607 = arith.constant 80 : index
      %parallel_loop3A_608 = tpu.vector_load %arg6[%parallel_loop3A_605, %parallel_loop3A_606, %parallel_loop3A_607] {strides = array<i32>} : memref<4x128x128xf32, #tpu.memory_space<vmem>>, vector<1x1x16xf32>,
      %parallel_loop3A_609 = vector.shape_cast %parallel_loop3A_608 : vector<1x1x16xf32> to vector<16xf32>
      %parallel_loop3A_610 = arith.constant 11.3137083 : f32
      %parallel_loop3A_611 = vector.broadcast %parallel_loop3A_610 : f32 to vector<16xf32>
      %parallel_loop3A_612 = arith.mulf %parallel_loop3A_609, %parallel_loop3A_611 : vector<16xf32>
      %parallel_loop3A_613 = arith.constant 0 : i32
      %parallel_loop3A_614 = arith.addi %parallel_loop3A_501, %parallel_loop3A_613 : i32
      %parallel_loop3A_615 = arith.constant 0 : i32
      %parallel_loop3A_616 = arith.index_cast %parallel_loop3A_615 : i32 to index
      %parallel_loop3A_617 = arith.index_cast %parallel_loop3A_614 : i32 to index
      %parallel_loop3A_618 = arith.constant 80 : index
      %parallel_loop3A_619 = tpu.vector_load %arg6[%parallel_loop3A_616, %parallel_loop3A_617, %parallel_loop3A_618] {strides = array<i32>} : memref<4x128x128xf32, #tpu.memory_space<vmem>>, vector<1x1x16xf32>,
      %parallel_loop3A_620 = vector.shape_cast %parallel_loop3A_619 : vector<1x1x16xf32> to vector<16xf32>
      %parallel_loop3A_621 = vector.shape_cast %parallel_loop3A_612 : vector<16xf32> to vector<1x1x16xf32>
      tpu.vector_store %arg6[%parallel_loop3A_616, %parallel_loop3A_617, %parallel_loop3A_618], %parallel_loop3A_621 {strides = array<i32>} : memref<4x128x128xf32, #tpu.memory_space<vmem>>, vector<1x1x16xf32>,
      %parallel_loop3A_622 = arith.constant 0 : i32
      %parallel_loop3A_623 = arith.addi %parallel_loop3A_501, %parallel_loop3A_622 : i32
      %parallel_loop3A_624 = arith.constant 0 : i32
      %parallel_loop3A_625 = arith.index_cast %parallel_loop3A_624 : i32 to index
      %parallel_loop3A_626 = arith.index_cast %parallel_loop3A_623 : i32 to index
      %parallel_loop3A_627 = arith.constant 96 : index
      %parallel_loop3A_628 = tpu.vector_load %arg6[%parallel_loop3A_625, %parallel_loop3A_626, %parallel_loop3A_627] {strides = array<i32>} : memref<4x128x128xf32, #tpu.memory_space<vmem>>, vector<1x1x16xf32>,
      %parallel_loop3A_629 = vector.shape_cast %parallel_loop3A_628 : vector<1x1x16xf32> to vector<16xf32>
      %parallel_loop3A_630 = arith.constant 11.3137083 : f32
      %parallel_loop3A_631 = vector.broadcast %parallel_loop3A_630 : f32 to vector<16xf32>
      %parallel_loop3A_632 = arith.mulf %parallel_loop3A_629, %parallel_loop3A_631 : vector<16xf32>
      %parallel_loop3A_633 = arith.constant 0 : i32
      %parallel_loop3A_634 = arith.addi %parallel_loop3A_501, %parallel_loop3A_633 : i32
      %parallel_loop3A_635 = arith.constant 0 : i32
      %parallel_loop3A_636 = arith.index_cast %parallel_loop3A_635 : i32 to index
      %parallel_loop3A_637 = arith.index_cast %parallel_loop3A_634 : i32 to index
      %parallel_loop3A_638 = arith.constant 96 : index
      %parallel_loop3A_639 = tpu.vector_load %arg6[%parallel_loop3A_636, %parallel_loop3A_637, %parallel_loop3A_638] {strides = array<i32>} : memref<4x128x128xf32, #tpu.memory_space<vmem>>, vector<1x1x16xf32>,
      %parallel_loop3A_640 = vector.shape_cast %parallel_loop3A_639 : vector<1x1x16xf32> to vector<16xf32>
      %parallel_loop3A_641 = vector.shape_cast %parallel_loop3A_632 : vector<16xf32> to vector<1x1x16xf32>
      tpu.vector_store %arg6[%parallel_loop3A_636, %parallel_loop3A_637, %parallel_loop3A_638], %parallel_loop3A_641 {strides = array<i32>} : memref<4x128x128xf32, #tpu.memory_space<vmem>>, vector<1x1x16xf32>,
      %parallel_loop3A_642 = arith.constant 0 : i32
      %parallel_loop3A_643 = arith.addi %parallel_loop3A_501, %parallel_loop3A_642 : i32
      %parallel_loop3A_644 = arith.constant 0 : i32
      %parallel_loop3A_645 = arith.index_cast %parallel_loop3A_644 : i32 to index
      %parallel_loop3A_646 = arith.index_cast %parallel_loop3A_643 : i32 to index
      %parallel_loop3A_647 = arith.constant 112 : index
      %parallel_loop3A_648 = tpu.vector_load %arg6[%parallel_loop3A_645, %parallel_loop3A_646, %parallel_loop3A_647] {strides = array<i32>} : memref<4x128x128xf32, #tpu.memory_space<vmem>>, vector<1x1x16xf32>,
      %parallel_loop3A_649 = vector.shape_cast %parallel_loop3A_648 : vector<1x1x16xf32> to vector<16xf32>
      %parallel_loop3A_650 = arith.constant 11.3137083 : f32
      %parallel_loop3A_651 = vector.broadcast %parallel_loop3A_650 : f32 to vector<16xf32>
      %parallel_loop3A_652 = arith.mulf %parallel_loop3A_649, %parallel_loop3A_651 : vector<16xf32>
      %parallel_loop3A_653 = arith.constant 0 : i32
      %parallel_loop3A_654 = arith.addi %parallel_loop3A_501, %parallel_loop3A_653 : i32
      %parallel_loop3A_655 = arith.constant 0 : i32
      %parallel_loop3A_656 = arith.index_cast %parallel_loop3A_655 : i32 to index
      %parallel_loop3A_657 = arith.index_cast %parallel_loop3A_654 : i32 to index
      %parallel_loop3A_658 = arith.constant 112 : index
      %parallel_loop3A_659 = tpu.vector_load %arg6[%parallel_loop3A_656, %parallel_loop3A_657, %parallel_loop3A_658] {strides = array<i32>} : memref<4x128x128xf32, #tpu.memory_space<vmem>>, vector<1x1x16xf32>,
      %parallel_loop3A_660 = vector.shape_cast %parallel_loop3A_659 : vector<1x1x16xf32> to vector<16xf32>
      %parallel_loop3A_661 = vector.shape_cast %parallel_loop3A_652 : vector<16xf32> to vector<1x1x16xf32>
      tpu.vector_store %arg6[%parallel_loop3A_656, %parallel_loop3A_657, %parallel_loop3A_658], %parallel_loop3A_661 {strides = array<i32>} : memref<4x128x128xf32, #tpu.memory_space<vmem>>, vector<1x1x16xf32>,
      %parallel_loop3A_662 = arith.constant 1 : i32
      %parallel_loop3A_663 = arith.addi %parallel_loop3A_501, %parallel_loop3A_662 : i32
      %parallel_loop3A_664 = arith.constant 0 : i32
      %parallel_loop3A_665 = arith.index_cast %parallel_loop3A_664 : i32 to index
      %parallel_loop3A_666 = arith.index_cast %parallel_loop3A_663 : i32 to index
      %parallel_loop3A_667 = arith.constant 0 : index
      %parallel_loop3A_668 = tpu.vector_load %arg6[%parallel_loop3A_665, %parallel_loop3A_666, %parallel_loop3A_667] {strides = array<i32>} : memref<4x128x128xf32, #tpu.memory_space<vmem>>, vector<1x1x16xf32>,
      %parallel_loop3A_669 = vector.shape_cast %parallel_loop3A_668 : vector<1x1x16xf32> to vector<16xf32>
      %parallel_loop3A_670 = arith.constant 11.3137083 : f32
      %parallel_loop3A_671 = vector.broadcast %parallel_loop3A_670 : f32 to vector<16xf32>
      %parallel_loop3A_672 = arith.mulf %parallel_loop3A_669, %parallel_loop3A_671 : vector<16xf32>
      %parallel_loop3A_673 = arith.constant 1 : i32
      %parallel_loop3A_674 = arith.addi %parallel_loop3A_501, %parallel_loop3A_673 : i32
      %parallel_loop3A_675 = arith.constant 0 : i32
      %parallel_loop3A_676 = arith.index_cast %parallel_loop3A_675 : i32 to index
      %parallel_loop3A_677 = arith.index_cast %parallel_loop3A_674 : i32 to index
      %parallel_loop3A_678 = arith.constant 0 : index
      %parallel_loop3A_679 = tpu.vector_load %arg6[%parallel_loop3A_676, %parallel_loop3A_677, %parallel_loop3A_678] {strides = array<i32>} : memref<4x128x128xf32, #tpu.memory_space<vmem>>, vector<1x1x16xf32>,
      %parallel_loop3A_680 = vector.shape_cast %parallel_loop3A_679 : vector<1x1x16xf32> to vector<16xf32>
      %parallel_loop3A_681 = vector.shape_cast %parallel_loop3A_672 : vector<16xf32> to vector<1x1x16xf32>
      tpu.vector_store %arg6[%parallel_loop3A_676, %parallel_loop3A_677, %parallel_loop3A_678], %parallel_loop3A_681 {strides = array<i32>} : memref<4x128x128xf32, #tpu.memory_space<vmem>>, vector<1x1x16xf32>,
      %parallel_loop3A_682 = arith.constant 1 : i32
      %parallel_loop3A_683 = arith.addi %parallel_loop3A_501, %parallel_loop3A_682 : i32
      %parallel_loop3A_684 = arith.constant 0 : i32
      %parallel_loop3A_685 = arith.index_cast %parallel_loop3A_684 : i32 to index
      %parallel_loop3A_686 = arith.index_cast %parallel_loop3A_683 : i32 to index
      %parallel_loop3A_687 = arith.constant 16 : index
      %parallel_loop3A_688 = tpu.vector_load %arg6[%parallel_loop3A_685, %parallel_loop3A_686, %parallel_loop3A_687] {strides = array<i32>} : memref<4x128x128xf32, #tpu.memory_space<vmem>>, vector<1x1x16xf32>,
      %parallel_loop3A_689 = vector.shape_cast %parallel_loop3A_688 : vector<1x1x16xf32> to vector<16xf32>
      %parallel_loop3A_690 = arith.constant 11.3137083 : f32
      %parallel_loop3A_691 = vector.broadcast %parallel_loop3A_690 : f32 to vector<16xf32>
      %parallel_loop3A_692 = arith.mulf %parallel_loop3A_689, %parallel_loop3A_691 : vector<16xf32>
      %parallel_loop3A_693 = arith.constant 1 : i32
      %parallel_loop3A_694 = arith.addi %parallel_loop3A_501, %parallel_loop3A_693 : i32
      %parallel_loop3A_695 = arith.constant 0 : i32
      %parallel_loop3A_696 = arith.index_cast %parallel_loop3A_695 : i32 to index
      %parallel_loop3A_697 = arith.index_cast %parallel_loop3A_694 : i32 to index
      %parallel_loop3A_698 = arith.constant 16 : index
      %parallel_loop3A_699 = tpu.vector_load %arg6[%parallel_loop3A_696, %parallel_loop3A_697, %parallel_loop3A_698] {strides = array<i32>} : memref<4x128x128xf32, #tpu.memory_space<vmem>>, vector<1x1x16xf32>,
      %parallel_loop3A_700 = vector.shape_cast %parallel_loop3A_699 : vector<1x1x16xf32> to vector<16xf32>
      %parallel_loop3A_701 = vector.shape_cast %parallel_loop3A_692 : vector<16xf32> to vector<1x1x16xf32>
      tpu.vector_store %arg6[%parallel_loop3A_696, %parallel_loop3A_697, %parallel_loop3A_698], %parallel_loop3A_701 {strides = array<i32>} : memref<4x128x128xf32, #tpu.memory_space<vmem>>, vector<1x1x16xf32>,
      %parallel_loop3A_702 = arith.constant 1 : i32
      %parallel_loop3A_703 = arith.addi %parallel_loop3A_501, %parallel_loop3A_702 : i32
      %parallel_loop3A_704 = arith.constant 0 : i32
      %parallel_loop3A_705 = arith.index_cast %parallel_loop3A_704 : i32 to index
      %parallel_loop3A_706 = arith.index_cast %parallel_loop3A_703 : i32 to index
      %parallel_loop3A_707 = arith.constant 32 : index
      %parallel_loop3A_708 = tpu.vector_load %arg6[%parallel_loop3A_705, %parallel_loop3A_706, %parallel_loop3A_707] {strides = array<i32>} : memref<4x128x128xf32, #tpu.memory_space<vmem>>, vector<1x1x16xf32>,
      %parallel_loop3A_709 = vector.shape_cast %parallel_loop3A_708 : vector<1x1x16xf32> to vector<16xf32>
      %parallel_loop3A_710 = arith.constant 11.3137083 : f32
      %parallel_loop3A_711 = vector.broadcast %parallel_loop3A_710 : f32 to vector<16xf32>
      %parallel_loop3A_712 = arith.mulf %parallel_loop3A_709, %parallel_loop3A_711 : vector<16xf32>
      %parallel_loop3A_713 = arith.constant 1 : i32
      %parallel_loop3A_714 = arith.addi %parallel_loop3A_501, %parallel_loop3A_713 : i32
      %parallel_loop3A_715 = arith.constant 0 : i32
      %parallel_loop3A_716 = arith.index_cast %parallel_loop3A_715 : i32 to index
      %parallel_loop3A_717 = arith.index_cast %parallel_loop3A_714 : i32 to index
      %parallel_loop3A_718 = arith.constant 32 : index
      %parallel_loop3A_719 = tpu.vector_load %arg6[%parallel_loop3A_716, %parallel_loop3A_717, %parallel_loop3A_718] {strides = array<i32>} : memref<4x128x128xf32, #tpu.memory_space<vmem>>, vector<1x1x16xf32>,
      %parallel_loop3A_720 = vector.shape_cast %parallel_loop3A_719 : vector<1x1x16xf32> to vector<16xf32>
      %parallel_loop3A_721 = vector.shape_cast %parallel_loop3A_712 : vector<16xf32> to vector<1x1x16xf32>
      tpu.vector_store %arg6[%parallel_loop3A_716, %parallel_loop3A_717, %parallel_loop3A_718], %parallel_loop3A_721 {strides = array<i32>} : memref<4x128x128xf32, #tpu.memory_space<vmem>>, vector<1x1x16xf32>,
      %parallel_loop3A_722 = arith.constant 1 : i32
      %parallel_loop3A_723 = arith.addi %parallel_loop3A_501, %parallel_loop3A_722 : i32
      %parallel_loop3A_724 = arith.constant 0 : i32
      %parallel_loop3A_725 = arith.index_cast %parallel_loop3A_724 : i32 to index
      %parallel_loop3A_726 = arith.index_cast %parallel_loop3A_723 : i32 to index
      %parallel_loop3A_727 = arith.constant 48 : index
      %parallel_loop3A_728 = tpu.vector_load %arg6[%parallel_loop3A_725, %parallel_loop3A_726, %parallel_loop3A_727] {strides = array<i32>} : memref<4x128x128xf32, #tpu.memory_space<vmem>>, vector<1x1x16xf32>,
      %parallel_loop3A_729 = vector.shape_cast %parallel_loop3A_728 : vector<1x1x16xf32> to vector<16xf32>
      %parallel_loop3A_730 = arith.constant 11.3137083 : f32
      %parallel_loop3A_731 = vector.broadcast %parallel_loop3A_730 : f32 to vector<16xf32>
      %parallel_loop3A_732 = arith.mulf %parallel_loop3A_729, %parallel_loop3A_731 : vector<16xf32>
      %parallel_loop3A_733 = arith.constant 1 : i32
      %parallel_loop3A_734 = arith.addi %parallel_loop3A_501, %parallel_loop3A_733 : i32
      %parallel_loop3A_735 = arith.constant 0 : i32
      %parallel_loop3A_736 = arith.index_cast %parallel_loop3A_735 : i32 to index
      %parallel_loop3A_737 = arith.index_cast %parallel_loop3A_734 : i32 to index
      %parallel_loop3A_738 = arith.constant 48 : index
      %parallel_loop3A_739 = tpu.vector_load %arg6[%parallel_loop3A_736, %parallel_loop3A_737, %parallel_loop3A_738] {strides = array<i32>} : memref<4x128x128xf32, #tpu.memory_space<vmem>>, vector<1x1x16xf32>,
      %parallel_loop3A_740 = vector.shape_cast %parallel_loop3A_739 : vector<1x1x16xf32> to vector<16xf32>
      %parallel_loop3A_741 = vector.shape_cast %parallel_loop3A_732 : vector<16xf32> to vector<1x1x16xf32>
      tpu.vector_store %arg6[%parallel_loop3A_736, %parallel_loop3A_737, %parallel_loop3A_738], %parallel_loop3A_741 {strides = array<i32>} : memref<4x128x128xf32, #tpu.memory_space<vmem>>, vector<1x1x16xf32>,
      %parallel_loop3A_742 = arith.constant 1 : i32
      %parallel_loop3A_743 = arith.addi %parallel_loop3A_501, %parallel_loop3A_742 : i32
      %parallel_loop3A_744 = arith.constant 0 : i32
      %parallel_loop3A_745 = arith.index_cast %parallel_loop3A_744 : i32 to index
      %parallel_loop3A_746 = arith.index_cast %parallel_loop3A_743 : i32 to index
      %parallel_loop3A_747 = arith.constant 64 : index
      %parallel_loop3A_748 = tpu.vector_load %arg6[%parallel_loop3A_745, %parallel_loop3A_746, %parallel_loop3A_747] {strides = array<i32>} : memref<4x128x128xf32, #tpu.memory_space<vmem>>, vector<1x1x16xf32>,
      %parallel_loop3A_749 = vector.shape_cast %parallel_loop3A_748 : vector<1x1x16xf32> to vector<16xf32>
      %parallel_loop3A_750 = arith.constant 11.3137083 : f32
      %parallel_loop3A_751 = vector.broadcast %parallel_loop3A_750 : f32 to vector<16xf32>
      %parallel_loop3A_752 = arith.mulf %parallel_loop3A_749, %parallel_loop3A_751 : vector<16xf32>
      %parallel_loop3A_753 = arith.constant 1 : i32
      %parallel_loop3A_754 = arith.addi %parallel_loop3A_501, %parallel_loop3A_753 : i32
      %parallel_loop3A_755 = arith.constant 0 : i32
      %parallel_loop3A_756 = arith.index_cast %parallel_loop3A_755 : i32 to index
      %parallel_loop3A_757 = arith.index_cast %parallel_loop3A_754 : i32 to index
      %parallel_loop3A_758 = arith.constant 64 : index
      %parallel_loop3A_759 = tpu.vector_load %arg6[%parallel_loop3A_756, %parallel_loop3A_757, %parallel_loop3A_758] {strides = array<i32>} : memref<4x128x128xf32, #tpu.memory_space<vmem>>, vector<1x1x16xf32>,
      %parallel_loop3A_760 = vector.shape_cast %parallel_loop3A_759 : vector<1x1x16xf32> to vector<16xf32>
      %parallel_loop3A_761 = vector.shape_cast %parallel_loop3A_752 : vector<16xf32> to vector<1x1x16xf32>
      tpu.vector_store %arg6[%parallel_loop3A_756, %parallel_loop3A_757, %parallel_loop3A_758], %parallel_loop3A_761 {strides = array<i32>} : memref<4x128x128xf32, #tpu.memory_space<vmem>>, vector<1x1x16xf32>,
      %parallel_loop3A_762 = arith.constant 1 : i32
      %parallel_loop3A_763 = arith.addi %parallel_loop3A_501, %parallel_loop3A_762 : i32
      %parallel_loop3A_764 = arith.constant 0 : i32
      %parallel_loop3A_765 = arith.index_cast %parallel_loop3A_764 : i32 to index
      %parallel_loop3A_766 = arith.index_cast %parallel_loop3A_763 : i32 to index
      %parallel_loop3A_767 = arith.constant 80 : index
      %parallel_loop3A_768 = tpu.vector_load %arg6[%parallel_loop3A_765, %parallel_loop3A_766, %parallel_loop3A_767] {strides = array<i32>} : memref<4x128x128xf32, #tpu.memory_space<vmem>>, vector<1x1x16xf32>,
      %parallel_loop3A_769 = vector.shape_cast %parallel_loop3A_768 : vector<1x1x16xf32> to vector<16xf32>
      %parallel_loop3A_770 = arith.constant 11.3137083 : f32
      %parallel_loop3A_771 = vector.broadcast %parallel_loop3A_770 : f32 to vector<16xf32>
      %parallel_loop3A_772 = arith.mulf %parallel_loop3A_769, %parallel_loop3A_771 : vector<16xf32>
      %parallel_loop3A_773 = arith.constant 1 : i32
      %parallel_loop3A_774 = arith.addi %parallel_loop3A_501, %parallel_loop3A_773 : i32
      %parallel_loop3A_775 = arith.constant 0 : i32
      %parallel_loop3A_776 = arith.index_cast %parallel_loop3A_775 : i32 to index
      %parallel_loop3A_777 = arith.index_cast %parallel_loop3A_774 : i32 to index
      %parallel_loop3A_778 = arith.constant 80 : index
      %parallel_loop3A_779 = tpu.vector_load %arg6[%parallel_loop3A_776, %parallel_loop3A_777, %parallel_loop3A_778] {strides = array<i32>} : memref<4x128x128xf32, #tpu.memory_space<vmem>>, vector<1x1x16xf32>,
      %parallel_loop3A_780 = vector.shape_cast %parallel_loop3A_779 : vector<1x1x16xf32> to vector<16xf32>
      %parallel_loop3A_781 = vector.shape_cast %parallel_loop3A_772 : vector<16xf32> to vector<1x1x16xf32>
      tpu.vector_store %arg6[%parallel_loop3A_776, %parallel_loop3A_777, %parallel_loop3A_778], %parallel_loop3A_781 {strides = array<i32>} : memref<4x128x128xf32, #tpu.memory_space<vmem>>, vector<1x1x16xf32>,
      %parallel_loop3A_782 = arith.constant 1 : i32
      %parallel_loop3A_783 = arith.addi %parallel_loop3A_501, %parallel_loop3A_782 : i32
      %parallel_loop3A_784 = arith.constant 0 : i32
      %parallel_loop3A_785 = arith.index_cast %parallel_loop3A_784 : i32 to index
      %parallel_loop3A_786 = arith.index_cast %parallel_loop3A_783 : i32 to index
      %parallel_loop3A_787 = arith.constant 96 : index
      %parallel_loop3A_788 = tpu.vector_load %arg6[%parallel_loop3A_785, %parallel_loop3A_786, %parallel_loop3A_787] {strides = array<i32>} : memref<4x128x128xf32, #tpu.memory_space<vmem>>, vector<1x1x16xf32>,
      %parallel_loop3A_789 = vector.shape_cast %parallel_loop3A_788 : vector<1x1x16xf32> to vector<16xf32>
      %parallel_loop3A_790 = arith.constant 11.3137083 : f32
      %parallel_loop3A_791 = vector.broadcast %parallel_loop3A_790 : f32 to vector<16xf32>
      %parallel_loop3A_792 = arith.mulf %parallel_loop3A_789, %parallel_loop3A_791 : vector<16xf32>
      %parallel_loop3A_793 = arith.constant 1 : i32
      %parallel_loop3A_794 = arith.addi %parallel_loop3A_501, %parallel_loop3A_793 : i32
      %parallel_loop3A_795 = arith.constant 0 : i32
      %parallel_loop3A_796 = arith.index_cast %parallel_loop3A_795 : i32 to index
      %parallel_loop3A_797 = arith.index_cast %parallel_loop3A_794 : i32 to index
      %parallel_loop3A_798 = arith.constant 96 : index
      %parallel_loop3A_799 = tpu.vector_load %arg6[%parallel_loop3A_796, %parallel_loop3A_797, %parallel_loop3A_798] {strides = array<i32>} : memref<4x128x128xf32, #tpu.memory_space<vmem>>, vector<1x1x16xf32>,
      %parallel_loop3A_800 = vector.shape_cast %parallel_loop3A_799 : vector<1x1x16xf32> to vector<16xf32>
      %parallel_loop3A_801 = vector.shape_cast %parallel_loop3A_792 : vector<16xf32> to vector<1x1x16xf32>
      tpu.vector_store %arg6[%parallel_loop3A_796, %parallel_loop3A_797, %parallel_loop3A_798], %parallel_loop3A_801 {strides = array<i32>} : memref<4x128x128xf32, #tpu.memory_space<vmem>>, vector<1x1x16xf32>,
      %parallel_loop3A_802 = arith.constant 1 : i32
      %parallel_loop3A_803 = arith.addi %parallel_loop3A_501, %parallel_loop3A_802 : i32
      %parallel_loop3A_804 = arith.constant 0 : i32
      %parallel_loop3A_805 = arith.index_cast %parallel_loop3A_804 : i32 to index
      %parallel_loop3A_806 = arith.index_cast %parallel_loop3A_803 : i32 to index
      %parallel_loop3A_807 = arith.constant 112 : index
      %parallel_loop3A_808 = tpu.vector_load %arg6[%parallel_loop3A_805, %parallel_loop3A_806, %parallel_loop3A_807] {strides = array<i32>} : memref<4x128x128xf32, #tpu.memory_space<vmem>>, vector<1x1x16xf32>,
      %parallel_loop3A_809 = vector.shape_cast %parallel_loop3A_808 : vector<1x1x16xf32> to vector<16xf32>
      %parallel_loop3A_810 = arith.constant 11.3137083 : f32
      %parallel_loop3A_811 = vector.broadcast %parallel_loop3A_810 : f32 to vector<16xf32>
      %parallel_loop3A_812 = arith.mulf %parallel_loop3A_809, %parallel_loop3A_811 : vector<16xf32>
      %parallel_loop3A_813 = arith.constant 1 : i32
      %parallel_loop3A_814 = arith.addi %parallel_loop3A_501, %parallel_loop3A_813 : i32
      %parallel_loop3A_815 = arith.constant 0 : i32
      %parallel_loop3A_816 = arith.index_cast %parallel_loop3A_815 : i32 to index
      %parallel_loop3A_817 = arith.index_cast %parallel_loop3A_814 : i32 to index
      %parallel_loop3A_818 = arith.constant 112 : index
      %parallel_loop3A_819 = tpu.vector_load %arg6[%parallel_loop3A_816, %parallel_loop3A_817, %parallel_loop3A_818] {strides = array<i32>} : memref<4x128x128xf32, #tpu.memory_space<vmem>>, vector<1x1x16xf32>,
      %parallel_loop3A_820 = vector.shape_cast %parallel_loop3A_819 : vector<1x1x16xf32> to vector<16xf32>
      %parallel_loop3A_821 = vector.shape_cast %parallel_loop3A_812 : vector<16xf32> to vector<1x1x16xf32>
      tpu.vector_store %arg6[%parallel_loop3A_816, %parallel_loop3A_817, %parallel_loop3A_818], %parallel_loop3A_821 {strides = array<i32>} : memref<4x128x128xf32, #tpu.memory_space<vmem>>, vector<1x1x16xf32>,
    } {sc.loop_unroll_factor = 1 : i64, sc.parallel_access}
    %add3A_319 = arith.constant 196 : i32
    %add3A_320 = arith.addi %mul3A_2, %add3A_319 : i32
    %mul3A_321 = arith.constant 128 : i32
    %mul3A_322 = arith.muli %add3A_320, %mul3A_321 : i32
    %dma_start3A_323 = arith.constant 0 : i32
    %dma_start3A_324 = arith.constant 0 : i32
    %dma_start3A_325 = arith.constant 0 : i32
    %dma_start3A_326 = tpu.memref_slice %arg6[%dma_start3A_323, %dma_start3A_324, %dma_start3A_325] : memref<4x128x128xf32, #tpu.memory_space<vmem>> -> memref<1x128x128xf32, #tpu.memory_space<vmem>>
    %dma_start3A_327 = tpu.memref_squeeze %dma_start3A_326 : memref<1x128x128xf32, #tpu.memory_space<vmem>> -> memref<128x128xf32, #tpu.memory_space<vmem>>
    %dma_start3A_328 = arith.constant 0 : i32
    %dma_start3A_329 = tpu.memref_slice %arg4[%mul3A_322, %dma_start3A_328] : memref<819200x128xf32, #tpu.memory_space<hbm>> -> memref<128x128xf32, #tpu.memory_space<hbm>>
    %dma_start3A_330 = arith.constant 0 : i32
    %dma_start3A_331 = tpu.memref_slice %arg4[%mul3A_322, %dma_start3A_330] : memref<819200x128xf32, #tpu.memory_space<hbm>> -> memref<128x128xf32, #tpu.memory_space<hbm>>
    %dma_start3A_332 = arith.constant 0 : i32
    %dma_start3A_333 = arith.constant 0 : i32
    %dma_start3A_334 = tpu.memref_slice %arg6[%dma_start3A_323, %dma_start3A_332, %dma_start3A_333] : memref<4x128x128xf32, #tpu.memory_space<vmem>> -> memref<1x128x128xf32, #tpu.memory_space<vmem>>
    %dma_start3A_335 = tpu.memref_squeeze %dma_start3A_334 : memref<1x128x128xf32, #tpu.memory_space<vmem>> -> memref<128x128xf32, #tpu.memory_space<vmem>>
    tpu.enqueue_dma source(%dma_start3A_335 : memref<128x128xf32, #tpu.memory_space<vmem>>) target(%dma_start3A_331 : memref<128x128xf32, #tpu.memory_space<hbm>>) target_semaphore(%arg11 : memref<!tpu.dma_semaphore, #tpu.memory_space<semaphore_mem>>)
    %dma_wait3A_336 = arith.constant 1 : i32
    %dma_wait3A_337 = arith.constant 0 : i32
    %dma_wait3A_338 = arith.constant 0 : i32
    %dma_wait3A_339 = tpu.memref_slice %arg6[%dma_wait3A_336, %dma_wait3A_337, %dma_wait3A_338] : memref<4x128x128xf32, #tpu.memory_space<vmem>> -> memref<1x128x128xf32, #tpu.memory_space<vmem>>
    %dma_wait3A_340 = tpu.memref_squeeze %dma_wait3A_339 : memref<1x128x128xf32, #tpu.memory_space<vmem>> -> memref<128x128xf32, #tpu.memory_space<vmem>>
    %dma_wait3A_341 = arith.constant 0 : i32
    %dma_wait3A_342 = arith.constant 0 : i32
    %dma_wait3A_343 = tpu.memref_slice %arg2[%dma_wait3A_341, %dma_wait3A_342] : memref<100000x128xf32, #tpu.memory_space<hbm>> -> memref<128x128xf32, #tpu.memory_space<hbm>>
    %dma_wait3A_344 = arith.constant 0 : i32
    %dma_wait3A_345 = arith.constant 0 : i32
    %dma_wait3A_346 = tpu.memref_slice %arg6[%dma_wait3A_336, %dma_wait3A_344, %dma_wait3A_345] : memref<4x128x128xf32, #tpu.memory_space<vmem>> -> memref<1x128x128xf32, #tpu.memory_space<vmem>>
    %dma_wait3A_347 = tpu.memref_squeeze %dma_wait3A_346 : memref<1x128x128xf32, #tpu.memory_space<vmem>> -> memref<128x128xf32, #tpu.memory_space<vmem>>
    %dma_wait3A_348 = arith.constant 0 : i32
    %dma_wait3A_349 = arith.constant 0 : i32
    %dma_wait3A_350 = tpu.memref_slice %arg2[%dma_wait3A_348, %dma_wait3A_349] : memref<100000x128xf32, #tpu.memory_space<hbm>> -> memref<128x128xf32, #tpu.memory_space<hbm>>
    tpu.wait_dma2 semaphore(%arg8 : memref<!tpu.dma_semaphore, #tpu.memory_space<semaphore_mem>>) src(%dma_wait3A_350 : memref<128x128xf32, #tpu.memory_space<hbm>>) dst(%dma_wait3A_347 : memref<128x128xf32, #tpu.memory_space<vmem>>)
    %parallel_loop3A_351 = arith.constant 0 : i32
    %parallel_loop3A_352 = arith.constant 128 : i32
    %parallel_loop3A_353 = arith.constant 2 : i32
    scf.for %parallel_loop3A_501 = %parallel_loop3A_351 to %parallel_loop3A_352 step %parallel_loop3A_353  : i32 {
      %parallel_loop3A_502 = arith.constant 0 : i32
      %parallel_loop3A_503 = arith.addi %parallel_loop3A_501, %parallel_loop3A_502 : i32
      %parallel_loop3A_504 = arith.constant 1 : i32
      %parallel_loop3A_505 = arith.index_cast %parallel_loop3A_504 : i32 to index
      %parallel_loop3A_506 = arith.index_cast %parallel_loop3A_503 : i32 to index
      %parallel_loop3A_507 = arith.constant 0 : index
      %parallel_loop3A_508 = tpu.vector_load %arg6[%parallel_loop3A_505, %parallel_loop3A_506, %parallel_loop3A_507] {strides = array<i32>} : memref<4x128x128xf32, #tpu.memory_space<vmem>>, vector<1x1x16xf32>,
      %parallel_loop3A_509 = vector.shape_cast %parallel_loop3A_508 : vector<1x1x16xf32> to vector<16xf32>
      %parallel_loop3A_510 = arith.constant 11.3137083 : f32
      %parallel_loop3A_511 = vector.broadcast %parallel_loop3A_510 : f32 to vector<16xf32>
      %parallel_loop3A_512 = arith.mulf %parallel_loop3A_509, %parallel_loop3A_511 : vector<16xf32>
      %parallel_loop3A_513 = arith.constant 0 : i32
      %parallel_loop3A_514 = arith.addi %parallel_loop3A_501, %parallel_loop3A_513 : i32
      %parallel_loop3A_515 = arith.constant 1 : i32
      %parallel_loop3A_516 = arith.index_cast %parallel_loop3A_515 : i32 to index
      %parallel_loop3A_517 = arith.index_cast %parallel_loop3A_514 : i32 to index
      %parallel_loop3A_518 = arith.constant 0 : index
      %parallel_loop3A_519 = tpu.vector_load %arg6[%parallel_loop3A_516, %parallel_loop3A_517, %parallel_loop3A_518] {strides = array<i32>} : memref<4x128x128xf32, #tpu.memory_space<vmem>>, vector<1x1x16xf32>,
      %parallel_loop3A_520 = vector.shape_cast %parallel_loop3A_519 : vector<1x1x16xf32> to vector<16xf32>
      %parallel_loop3A_521 = vector.shape_cast %parallel_loop3A_512 : vector<16xf32> to vector<1x1x16xf32>
      tpu.vector_store %arg6[%parallel_loop3A_516, %parallel_loop3A_517, %parallel_loop3A_518], %parallel_loop3A_521 {strides = array<i32>} : memref<4x128x128xf32, #tpu.memory_space<vmem>>, vector<1x1x16xf32>,
      %parallel_loop3A_522 = arith.constant 0 : i32
      %parallel_loop3A_523 = arith.addi %parallel_loop3A_501, %parallel_loop3A_522 : i32
      %parallel_loop3A_524 = arith.constant 1 : i32
      %parallel_loop3A_525 = arith.index_cast %parallel_loop3A_524 : i32 to index
      %parallel_loop3A_526 = arith.index_cast %parallel_loop3A_523 : i32 to index
      %parallel_loop3A_527 = arith.constant 16 : index
      %parallel_loop3A_528 = tpu.vector_load %arg6[%parallel_loop3A_525, %parallel_loop3A_526, %parallel_loop3A_527] {strides = array<i32>} : memref<4x128x128xf32, #tpu.memory_space<vmem>>, vector<1x1x16xf32>,
      %parallel_loop3A_529 = vector.shape_cast %parallel_loop3A_528 : vector<1x1x16xf32> to vector<16xf32>
      %parallel_loop3A_530 = arith.constant 11.3137083 : f32
      %parallel_loop3A_531 = vector.broadcast %parallel_loop3A_530 : f32 to vector<16xf32>
      %parallel_loop3A_532 = arith.mulf %parallel_loop3A_529, %parallel_loop3A_531 : vector<16xf32>
      %parallel_loop3A_533 = arith.constant 0 : i32
      %parallel_loop3A_534 = arith.addi %parallel_loop3A_501, %parallel_loop3A_533 : i32
      %parallel_loop3A_535 = arith.constant 1 : i32
      %parallel_loop3A_536 = arith.index_cast %parallel_loop3A_535 : i32 to index
      %parallel_loop3A_537 = arith.index_cast %parallel_loop3A_534 : i32 to index
      %parallel_loop3A_538 = arith.constant 16 : index
      %parallel_loop3A_539 = tpu.vector_load %arg6[%parallel_loop3A_536, %parallel_loop3A_537, %parallel_loop3A_538] {strides = array<i32>} : memref<4x128x128xf32, #tpu.memory_space<vmem>>, vector<1x1x16xf32>,
      %parallel_loop3A_540 = vector.shape_cast %parallel_loop3A_539 : vector<1x1x16xf32> to vector<16xf32>
      %parallel_loop3A_541 = vector.shape_cast %parallel_loop3A_532 : vector<16xf32> to vector<1x1x16xf32>
      tpu.vector_store %arg6[%parallel_loop3A_536, %parallel_loop3A_537, %parallel_loop3A_538], %parallel_loop3A_541 {strides = array<i32>} : memref<4x128x128xf32, #tpu.memory_space<vmem>>, vector<1x1x16xf32>,
      %parallel_loop3A_542 = arith.constant 0 : i32
      %parallel_loop3A_543 = arith.addi %parallel_loop3A_501, %parallel_loop3A_542 : i32
      %parallel_loop3A_544 = arith.constant 1 : i32
      %parallel_loop3A_545 = arith.index_cast %parallel_loop3A_544 : i32 to index
      %parallel_loop3A_546 = arith.index_cast %parallel_loop3A_543 : i32 to index
      %parallel_loop3A_547 = arith.constant 32 : index
      %parallel_loop3A_548 = tpu.vector_load %arg6[%parallel_loop3A_545, %parallel_loop3A_546, %parallel_loop3A_547] {strides = array<i32>} : memref<4x128x128xf32, #tpu.memory_space<vmem>>, vector<1x1x16xf32>,
      %parallel_loop3A_549 = vector.shape_cast %parallel_loop3A_548 : vector<1x1x16xf32> to vector<16xf32>
      %parallel_loop3A_550 = arith.constant 11.3137083 : f32
      %parallel_loop3A_551 = vector.broadcast %parallel_loop3A_550 : f32 to vector<16xf32>
      %parallel_loop3A_552 = arith.mulf %parallel_loop3A_549, %parallel_loop3A_551 : vector<16xf32>
      %parallel_loop3A_553 = arith.constant 0 : i32
      %parallel_loop3A_554 = arith.addi %parallel_loop3A_501, %parallel_loop3A_553 : i32
      %parallel_loop3A_555 = arith.constant 1 : i32
      %parallel_loop3A_556 = arith.index_cast %parallel_loop3A_555 : i32 to index
      %parallel_loop3A_557 = arith.index_cast %parallel_loop3A_554 : i32 to index
      %parallel_loop3A_558 = arith.constant 32 : index
      %parallel_loop3A_559 = tpu.vector_load %arg6[%parallel_loop3A_556, %parallel_loop3A_557, %parallel_loop3A_558] {strides = array<i32>} : memref<4x128x128xf32, #tpu.memory_space<vmem>>, vector<1x1x16xf32>,
      %parallel_loop3A_560 = vector.shape_cast %parallel_loop3A_559 : vector<1x1x16xf32> to vector<16xf32>
      %parallel_loop3A_561 = vector.shape_cast %parallel_loop3A_552 : vector<16xf32> to vector<1x1x16xf32>
      tpu.vector_store %arg6[%parallel_loop3A_556, %parallel_loop3A_557, %parallel_loop3A_558], %parallel_loop3A_561 {strides = array<i32>} : memref<4x128x128xf32, #tpu.memory_space<vmem>>, vector<1x1x16xf32>,
      %parallel_loop3A_562 = arith.constant 0 : i32
      %parallel_loop3A_563 = arith.addi %parallel_loop3A_501, %parallel_loop3A_562 : i32
      %parallel_loop3A_564 = arith.constant 1 : i32
      %parallel_loop3A_565 = arith.index_cast %parallel_loop3A_564 : i32 to index
      %parallel_loop3A_566 = arith.index_cast %parallel_loop3A_563 : i32 to index
      %parallel_loop3A_567 = arith.constant 48 : index
      %parallel_loop3A_568 = tpu.vector_load %arg6[%parallel_loop3A_565, %parallel_loop3A_566, %parallel_loop3A_567] {strides = array<i32>} : memref<4x128x128xf32, #tpu.memory_space<vmem>>, vector<1x1x16xf32>,
      %parallel_loop3A_569 = vector.shape_cast %parallel_loop3A_568 : vector<1x1x16xf32> to vector<16xf32>
      %parallel_loop3A_570 = arith.constant 11.3137083 : f32
      %parallel_loop3A_571 = vector.broadcast %parallel_loop3A_570 : f32 to vector<16xf32>
      %parallel_loop3A_572 = arith.mulf %parallel_loop3A_569, %parallel_loop3A_571 : vector<16xf32>
      %parallel_loop3A_573 = arith.constant 0 : i32
      %parallel_loop3A_574 = arith.addi %parallel_loop3A_501, %parallel_loop3A_573 : i32
      %parallel_loop3A_575 = arith.constant 1 : i32
      %parallel_loop3A_576 = arith.index_cast %parallel_loop3A_575 : i32 to index
      %parallel_loop3A_577 = arith.index_cast %parallel_loop3A_574 : i32 to index
      %parallel_loop3A_578 = arith.constant 48 : index
      %parallel_loop3A_579 = tpu.vector_load %arg6[%parallel_loop3A_576, %parallel_loop3A_577, %parallel_loop3A_578] {strides = array<i32>} : memref<4x128x128xf32, #tpu.memory_space<vmem>>, vector<1x1x16xf32>,
      %parallel_loop3A_580 = vector.shape_cast %parallel_loop3A_579 : vector<1x1x16xf32> to vector<16xf32>
      %parallel_loop3A_581 = vector.shape_cast %parallel_loop3A_572 : vector<16xf32> to vector<1x1x16xf32>
      tpu.vector_store %arg6[%parallel_loop3A_576, %parallel_loop3A_577, %parallel_loop3A_578], %parallel_loop3A_581 {strides = array<i32>} : memref<4x128x128xf32, #tpu.memory_space<vmem>>, vector<1x1x16xf32>,
      %parallel_loop3A_582 = arith.constant 0 : i32
      %parallel_loop3A_583 = arith.addi %parallel_loop3A_501, %parallel_loop3A_582 : i32
      %parallel_loop3A_584 = arith.constant 1 : i32
      %parallel_loop3A_585 = arith.index_cast %parallel_loop3A_584 : i32 to index
      %parallel_loop3A_586 = arith.index_cast %parallel_loop3A_583 : i32 to index
      %parallel_loop3A_587 = arith.constant 64 : index
      %parallel_loop3A_588 = tpu.vector_load %arg6[%parallel_loop3A_585, %parallel_loop3A_586, %parallel_loop3A_587] {strides = array<i32>} : memref<4x128x128xf32, #tpu.memory_space<vmem>>, vector<1x1x16xf32>,
      %parallel_loop3A_589 = vector.shape_cast %parallel_loop3A_588 : vector<1x1x16xf32> to vector<16xf32>
      %parallel_loop3A_590 = arith.constant 11.3137083 : f32
      %parallel_loop3A_591 = vector.broadcast %parallel_loop3A_590 : f32 to vector<16xf32>
      %parallel_loop3A_592 = arith.mulf %parallel_loop3A_589, %parallel_loop3A_591 : vector<16xf32>
      %parallel_loop3A_593 = arith.constant 0 : i32
      %parallel_loop3A_594 = arith.addi %parallel_loop3A_501, %parallel_loop3A_593 : i32
      %parallel_loop3A_595 = arith.constant 1 : i32
      %parallel_loop3A_596 = arith.index_cast %parallel_loop3A_595 : i32 to index
      %parallel_loop3A_597 = arith.index_cast %parallel_loop3A_594 : i32 to index
      %parallel_loop3A_598 = arith.constant 64 : index
      %parallel_loop3A_599 = tpu.vector_load %arg6[%parallel_loop3A_596, %parallel_loop3A_597, %parallel_loop3A_598] {strides = array<i32>} : memref<4x128x128xf32, #tpu.memory_space<vmem>>, vector<1x1x16xf32>,
      %parallel_loop3A_600 = vector.shape_cast %parallel_loop3A_599 : vector<1x1x16xf32> to vector<16xf32>
      %parallel_loop3A_601 = vector.shape_cast %parallel_loop3A_592 : vector<16xf32> to vector<1x1x16xf32>
      tpu.vector_store %arg6[%parallel_loop3A_596, %parallel_loop3A_597, %parallel_loop3A_598], %parallel_loop3A_601 {strides = array<i32>} : memref<4x128x128xf32, #tpu.memory_space<vmem>>, vector<1x1x16xf32>,
      %parallel_loop3A_602 = arith.constant 0 : i32
      %parallel_loop3A_603 = arith.addi %parallel_loop3A_501, %parallel_loop3A_602 : i32
      %parallel_loop3A_604 = arith.constant 1 : i32
      %parallel_loop3A_605 = arith.index_cast %parallel_loop3A_604 : i32 to index
      %parallel_loop3A_606 = arith.index_cast %parallel_loop3A_603 : i32 to index
      %parallel_loop3A_607 = arith.constant 80 : index
      %parallel_loop3A_608 = tpu.vector_load %arg6[%parallel_loop3A_605, %parallel_loop3A_606, %parallel_loop3A_607] {strides = array<i32>} : memref<4x128x128xf32, #tpu.memory_space<vmem>>, vector<1x1x16xf32>,
      %parallel_loop3A_609 = vector.shape_cast %parallel_loop3A_608 : vector<1x1x16xf32> to vector<16xf32>
      %parallel_loop3A_610 = arith.constant 11.3137083 : f32
      %parallel_loop3A_611 = vector.broadcast %parallel_loop3A_610 : f32 to vector<16xf32>
      %parallel_loop3A_612 = arith.mulf %parallel_loop3A_609, %parallel_loop3A_611 : vector<16xf32>
      %parallel_loop3A_613 = arith.constant 0 : i32
      %parallel_loop3A_614 = arith.addi %parallel_loop3A_501, %parallel_loop3A_613 : i32
      %parallel_loop3A_615 = arith.constant 1 : i32
      %parallel_loop3A_616 = arith.index_cast %parallel_loop3A_615 : i32 to index
      %parallel_loop3A_617 = arith.index_cast %parallel_loop3A_614 : i32 to index
      %parallel_loop3A_618 = arith.constant 80 : index
      %parallel_loop3A_619 = tpu.vector_load %arg6[%parallel_loop3A_616, %parallel_loop3A_617, %parallel_loop3A_618] {strides = array<i32>} : memref<4x128x128xf32, #tpu.memory_space<vmem>>, vector<1x1x16xf32>,
      %parallel_loop3A_620 = vector.shape_cast %parallel_loop3A_619 : vector<1x1x16xf32> to vector<16xf32>
      %parallel_loop3A_621 = vector.shape_cast %parallel_loop3A_612 : vector<16xf32> to vector<1x1x16xf32>
      tpu.vector_store %arg6[%parallel_loop3A_616, %parallel_loop3A_617, %parallel_loop3A_618], %parallel_loop3A_621 {strides = array<i32>} : memref<4x128x128xf32, #tpu.memory_space<vmem>>, vector<1x1x16xf32>,
      %parallel_loop3A_622 = arith.constant 0 : i32
      %parallel_loop3A_623 = arith.addi %parallel_loop3A_501, %parallel_loop3A_622 : i32
      %parallel_loop3A_624 = arith.constant 1 : i32
      %parallel_loop3A_625 = arith.index_cast %parallel_loop3A_624 : i32 to index
      %parallel_loop3A_626 = arith.index_cast %parallel_loop3A_623 : i32 to index
      %parallel_loop3A_627 = arith.constant 96 : index
      %parallel_loop3A_628 = tpu.vector_load %arg6[%parallel_loop3A_625, %parallel_loop3A_626, %parallel_loop3A_627] {strides = array<i32>} : memref<4x128x128xf32, #tpu.memory_space<vmem>>, vector<1x1x16xf32>,
      %parallel_loop3A_629 = vector.shape_cast %parallel_loop3A_628 : vector<1x1x16xf32> to vector<16xf32>
      %parallel_loop3A_630 = arith.constant 11.3137083 : f32
      %parallel_loop3A_631 = vector.broadcast %parallel_loop3A_630 : f32 to vector<16xf32>
      %parallel_loop3A_632 = arith.mulf %parallel_loop3A_629, %parallel_loop3A_631 : vector<16xf32>
      %parallel_loop3A_633 = arith.constant 0 : i32
      %parallel_loop3A_634 = arith.addi %parallel_loop3A_501, %parallel_loop3A_633 : i32
      %parallel_loop3A_635 = arith.constant 1 : i32
      %parallel_loop3A_636 = arith.index_cast %parallel_loop3A_635 : i32 to index
      %parallel_loop3A_637 = arith.index_cast %parallel_loop3A_634 : i32 to index
      %parallel_loop3A_638 = arith.constant 96 : index
      %parallel_loop3A_639 = tpu.vector_load %arg6[%parallel_loop3A_636, %parallel_loop3A_637, %parallel_loop3A_638] {strides = array<i32>} : memref<4x128x128xf32, #tpu.memory_space<vmem>>, vector<1x1x16xf32>,
      %parallel_loop3A_640 = vector.shape_cast %parallel_loop3A_639 : vector<1x1x16xf32> to vector<16xf32>
      %parallel_loop3A_641 = vector.shape_cast %parallel_loop3A_632 : vector<16xf32> to vector<1x1x16xf32>
      tpu.vector_store %arg6[%parallel_loop3A_636, %parallel_loop3A_637, %parallel_loop3A_638], %parallel_loop3A_641 {strides = array<i32>} : memref<4x128x128xf32, #tpu.memory_space<vmem>>, vector<1x1x16xf32>,
      %parallel_loop3A_642 = arith.constant 0 : i32
      %parallel_loop3A_643 = arith.addi %parallel_loop3A_501, %parallel_loop3A_642 : i32
      %parallel_loop3A_644 = arith.constant 1 : i32
      %parallel_loop3A_645 = arith.index_cast %parallel_loop3A_644 : i32 to index
      %parallel_loop3A_646 = arith.index_cast %parallel_loop3A_643 : i32 to index
      %parallel_loop3A_647 = arith.constant 112 : index
      %parallel_loop3A_648 = tpu.vector_load %arg6[%parallel_loop3A_645, %parallel_loop3A_646, %parallel_loop3A_647] {strides = array<i32>} : memref<4x128x128xf32, #tpu.memory_space<vmem>>, vector<1x1x16xf32>,
      %parallel_loop3A_649 = vector.shape_cast %parallel_loop3A_648 : vector<1x1x16xf32> to vector<16xf32>
      %parallel_loop3A_650 = arith.constant 11.3137083 : f32
      %parallel_loop3A_651 = vector.broadcast %parallel_loop3A_650 : f32 to vector<16xf32>
      %parallel_loop3A_652 = arith.mulf %parallel_loop3A_649, %parallel_loop3A_651 : vector<16xf32>
      %parallel_loop3A_653 = arith.constant 0 : i32
      %parallel_loop3A_654 = arith.addi %parallel_loop3A_501, %parallel_loop3A_653 : i32
      %parallel_loop3A_655 = arith.constant 1 : i32
      %parallel_loop3A_656 = arith.index_cast %parallel_loop3A_655 : i32 to index
      %parallel_loop3A_657 = arith.index_cast %parallel_loop3A_654 : i32 to index
      %parallel_loop3A_658 = arith.constant 112 : index
      %parallel_loop3A_659 = tpu.vector_load %arg6[%parallel_loop3A_656, %parallel_loop3A_657, %parallel_loop3A_658] {strides = array<i32>} : memref<4x128x128xf32, #tpu.memory_space<vmem>>, vector<1x1x16xf32>,
      %parallel_loop3A_660 = vector.shape_cast %parallel_loop3A_659 : vector<1x1x16xf32> to vector<16xf32>
      %parallel_loop3A_661 = vector.shape_cast %parallel_loop3A_652 : vector<16xf32> to vector<1x1x16xf32>
      tpu.vector_store %arg6[%parallel_loop3A_656, %parallel_loop3A_657, %parallel_loop3A_658], %parallel_loop3A_661 {strides = array<i32>} : memref<4x128x128xf32, #tpu.memory_space<vmem>>, vector<1x1x16xf32>,
      %parallel_loop3A_662 = arith.constant 1 : i32
      %parallel_loop3A_663 = arith.addi %parallel_loop3A_501, %parallel_loop3A_662 : i32
      %parallel_loop3A_664 = arith.constant 1 : i32
      %parallel_loop3A_665 = arith.index_cast %parallel_loop3A_664 : i32 to index
      %parallel_loop3A_666 = arith.index_cast %parallel_loop3A_663 : i32 to index
      %parallel_loop3A_667 = arith.constant 0 : index
      %parallel_loop3A_668 = tpu.vector_load %arg6[%parallel_loop3A_665, %parallel_loop3A_666, %parallel_loop3A_667] {strides = array<i32>} : memref<4x128x128xf32, #tpu.memory_space<vmem>>, vector<1x1x16xf32>,
      %parallel_loop3A_669 = vector.shape_cast %parallel_loop3A_668 : vector<1x1x16xf32> to vector<16xf32>
      %parallel_loop3A_670 = arith.constant 11.3137083 : f32
      %parallel_loop3A_671 = vector.broadcast %parallel_loop3A_670 : f32 to vector<16xf32>
      %parallel_loop3A_672 = arith.mulf %parallel_loop3A_669, %parallel_loop3A_671 : vector<16xf32>
      %parallel_loop3A_673 = arith.constant 1 : i32
      %parallel_loop3A_674 = arith.addi %parallel_loop3A_501, %parallel_loop3A_673 : i32
      %parallel_loop3A_675 = arith.constant 1 : i32
      %parallel_loop3A_676 = arith.index_cast %parallel_loop3A_675 : i32 to index
      %parallel_loop3A_677 = arith.index_cast %parallel_loop3A_674 : i32 to index
      %parallel_loop3A_678 = arith.constant 0 : index
      %parallel_loop3A_679 = tpu.vector_load %arg6[%parallel_loop3A_676, %parallel_loop3A_677, %parallel_loop3A_678] {strides = array<i32>} : memref<4x128x128xf32, #tpu.memory_space<vmem>>, vector<1x1x16xf32>,
      %parallel_loop3A_680 = vector.shape_cast %parallel_loop3A_679 : vector<1x1x16xf32> to vector<16xf32>
      %parallel_loop3A_681 = vector.shape_cast %parallel_loop3A_672 : vector<16xf32> to vector<1x1x16xf32>
      tpu.vector_store %arg6[%parallel_loop3A_676, %parallel_loop3A_677, %parallel_loop3A_678], %parallel_loop3A_681 {strides = array<i32>} : memref<4x128x128xf32, #tpu.memory_space<vmem>>, vector<1x1x16xf32>,
      %parallel_loop3A_682 = arith.constant 1 : i32
      %parallel_loop3A_683 = arith.addi %parallel_loop3A_501, %parallel_loop3A_682 : i32
      %parallel_loop3A_684 = arith.constant 1 : i32
      %parallel_loop3A_685 = arith.index_cast %parallel_loop3A_684 : i32 to index
      %parallel_loop3A_686 = arith.index_cast %parallel_loop3A_683 : i32 to index
      %parallel_loop3A_687 = arith.constant 16 : index
      %parallel_loop3A_688 = tpu.vector_load %arg6[%parallel_loop3A_685, %parallel_loop3A_686, %parallel_loop3A_687] {strides = array<i32>} : memref<4x128x128xf32, #tpu.memory_space<vmem>>, vector<1x1x16xf32>,
      %parallel_loop3A_689 = vector.shape_cast %parallel_loop3A_688 : vector<1x1x16xf32> to vector<16xf32>
      %parallel_loop3A_690 = arith.constant 11.3137083 : f32
      %parallel_loop3A_691 = vector.broadcast %parallel_loop3A_690 : f32 to vector<16xf32>
      %parallel_loop3A_692 = arith.mulf %parallel_loop3A_689, %parallel_loop3A_691 : vector<16xf32>
      %parallel_loop3A_693 = arith.constant 1 : i32
      %parallel_loop3A_694 = arith.addi %parallel_loop3A_501, %parallel_loop3A_693 : i32
      %parallel_loop3A_695 = arith.constant 1 : i32
      %parallel_loop3A_696 = arith.index_cast %parallel_loop3A_695 : i32 to index
      %parallel_loop3A_697 = arith.index_cast %parallel_loop3A_694 : i32 to index
      %parallel_loop3A_698 = arith.constant 16 : index
      %parallel_loop3A_699 = tpu.vector_load %arg6[%parallel_loop3A_696, %parallel_loop3A_697, %parallel_loop3A_698] {strides = array<i32>} : memref<4x128x128xf32, #tpu.memory_space<vmem>>, vector<1x1x16xf32>,
      %parallel_loop3A_700 = vector.shape_cast %parallel_loop3A_699 : vector<1x1x16xf32> to vector<16xf32>
      %parallel_loop3A_701 = vector.shape_cast %parallel_loop3A_692 : vector<16xf32> to vector<1x1x16xf32>
      tpu.vector_store %arg6[%parallel_loop3A_696, %parallel_loop3A_697, %parallel_loop3A_698], %parallel_loop3A_701 {strides = array<i32>} : memref<4x128x128xf32, #tpu.memory_space<vmem>>, vector<1x1x16xf32>,
      %parallel_loop3A_702 = arith.constant 1 : i32
      %parallel_loop3A_703 = arith.addi %parallel_loop3A_501, %parallel_loop3A_702 : i32
      %parallel_loop3A_704 = arith.constant 1 : i32
      %parallel_loop3A_705 = arith.index_cast %parallel_loop3A_704 : i32 to index
      %parallel_loop3A_706 = arith.index_cast %parallel_loop3A_703 : i32 to index
      %parallel_loop3A_707 = arith.constant 32 : index
      %parallel_loop3A_708 = tpu.vector_load %arg6[%parallel_loop3A_705, %parallel_loop3A_706, %parallel_loop3A_707] {strides = array<i32>} : memref<4x128x128xf32, #tpu.memory_space<vmem>>, vector<1x1x16xf32>,
      %parallel_loop3A_709 = vector.shape_cast %parallel_loop3A_708 : vector<1x1x16xf32> to vector<16xf32>
      %parallel_loop3A_710 = arith.constant 11.3137083 : f32
      %parallel_loop3A_711 = vector.broadcast %parallel_loop3A_710 : f32 to vector<16xf32>
      %parallel_loop3A_712 = arith.mulf %parallel_loop3A_709, %parallel_loop3A_711 : vector<16xf32>
      %parallel_loop3A_713 = arith.constant 1 : i32
      %parallel_loop3A_714 = arith.addi %parallel_loop3A_501, %parallel_loop3A_713 : i32
      %parallel_loop3A_715 = arith.constant 1 : i32
      %parallel_loop3A_716 = arith.index_cast %parallel_loop3A_715 : i32 to index
      %parallel_loop3A_717 = arith.index_cast %parallel_loop3A_714 : i32 to index
      %parallel_loop3A_718 = arith.constant 32 : index
      %parallel_loop3A_719 = tpu.vector_load %arg6[%parallel_loop3A_716, %parallel_loop3A_717, %parallel_loop3A_718] {strides = array<i32>} : memref<4x128x128xf32, #tpu.memory_space<vmem>>, vector<1x1x16xf32>,
      %parallel_loop3A_720 = vector.shape_cast %parallel_loop3A_719 : vector<1x1x16xf32> to vector<16xf32>
      %parallel_loop3A_721 = vector.shape_cast %parallel_loop3A_712 : vector<16xf32> to vector<1x1x16xf32>
      tpu.vector_store %arg6[%parallel_loop3A_716, %parallel_loop3A_717, %parallel_loop3A_718], %parallel_loop3A_721 {strides = array<i32>} : memref<4x128x128xf32, #tpu.memory_space<vmem>>, vector<1x1x16xf32>,
      %parallel_loop3A_722 = arith.constant 1 : i32
      %parallel_loop3A_723 = arith.addi %parallel_loop3A_501, %parallel_loop3A_722 : i32
      %parallel_loop3A_724 = arith.constant 1 : i32
      %parallel_loop3A_725 = arith.index_cast %parallel_loop3A_724 : i32 to index
      %parallel_loop3A_726 = arith.index_cast %parallel_loop3A_723 : i32 to index
      %parallel_loop3A_727 = arith.constant 48 : index
      %parallel_loop3A_728 = tpu.vector_load %arg6[%parallel_loop3A_725, %parallel_loop3A_726, %parallel_loop3A_727] {strides = array<i32>} : memref<4x128x128xf32, #tpu.memory_space<vmem>>, vector<1x1x16xf32>,
      %parallel_loop3A_729 = vector.shape_cast %parallel_loop3A_728 : vector<1x1x16xf32> to vector<16xf32>
      %parallel_loop3A_730 = arith.constant 11.3137083 : f32
      %parallel_loop3A_731 = vector.broadcast %parallel_loop3A_730 : f32 to vector<16xf32>
      %parallel_loop3A_732 = arith.mulf %parallel_loop3A_729, %parallel_loop3A_731 : vector<16xf32>
      %parallel_loop3A_733 = arith.constant 1 : i32
      %parallel_loop3A_734 = arith.addi %parallel_loop3A_501, %parallel_loop3A_733 : i32
      %parallel_loop3A_735 = arith.constant 1 : i32
      %parallel_loop3A_736 = arith.index_cast %parallel_loop3A_735 : i32 to index
      %parallel_loop3A_737 = arith.index_cast %parallel_loop3A_734 : i32 to index
      %parallel_loop3A_738 = arith.constant 48 : index
      %parallel_loop3A_739 = tpu.vector_load %arg6[%parallel_loop3A_736, %parallel_loop3A_737, %parallel_loop3A_738] {strides = array<i32>} : memref<4x128x128xf32, #tpu.memory_space<vmem>>, vector<1x1x16xf32>,
      %parallel_loop3A_740 = vector.shape_cast %parallel_loop3A_739 : vector<1x1x16xf32> to vector<16xf32>
      %parallel_loop3A_741 = vector.shape_cast %parallel_loop3A_732 : vector<16xf32> to vector<1x1x16xf32>
      tpu.vector_store %arg6[%parallel_loop3A_736, %parallel_loop3A_737, %parallel_loop3A_738], %parallel_loop3A_741 {strides = array<i32>} : memref<4x128x128xf32, #tpu.memory_space<vmem>>, vector<1x1x16xf32>,
      %parallel_loop3A_742 = arith.constant 1 : i32
      %parallel_loop3A_743 = arith.addi %parallel_loop3A_501, %parallel_loop3A_742 : i32
      %parallel_loop3A_744 = arith.constant 1 : i32
      %parallel_loop3A_745 = arith.index_cast %parallel_loop3A_744 : i32 to index
      %parallel_loop3A_746 = arith.index_cast %parallel_loop3A_743 : i32 to index
      %parallel_loop3A_747 = arith.constant 64 : index
      %parallel_loop3A_748 = tpu.vector_load %arg6[%parallel_loop3A_745, %parallel_loop3A_746, %parallel_loop3A_747] {strides = array<i32>} : memref<4x128x128xf32, #tpu.memory_space<vmem>>, vector<1x1x16xf32>,
      %parallel_loop3A_749 = vector.shape_cast %parallel_loop3A_748 : vector<1x1x16xf32> to vector<16xf32>
      %parallel_loop3A_750 = arith.constant 11.3137083 : f32
      %parallel_loop3A_751 = vector.broadcast %parallel_loop3A_750 : f32 to vector<16xf32>
      %parallel_loop3A_752 = arith.mulf %parallel_loop3A_749, %parallel_loop3A_751 : vector<16xf32>
      %parallel_loop3A_753 = arith.constant 1 : i32
      %parallel_loop3A_754 = arith.addi %parallel_loop3A_501, %parallel_loop3A_753 : i32
      %parallel_loop3A_755 = arith.constant 1 : i32
      %parallel_loop3A_756 = arith.index_cast %parallel_loop3A_755 : i32 to index
      %parallel_loop3A_757 = arith.index_cast %parallel_loop3A_754 : i32 to index
      %parallel_loop3A_758 = arith.constant 64 : index
      %parallel_loop3A_759 = tpu.vector_load %arg6[%parallel_loop3A_756, %parallel_loop3A_757, %parallel_loop3A_758] {strides = array<i32>} : memref<4x128x128xf32, #tpu.memory_space<vmem>>, vector<1x1x16xf32>,
      %parallel_loop3A_760 = vector.shape_cast %parallel_loop3A_759 : vector<1x1x16xf32> to vector<16xf32>
      %parallel_loop3A_761 = vector.shape_cast %parallel_loop3A_752 : vector<16xf32> to vector<1x1x16xf32>
      tpu.vector_store %arg6[%parallel_loop3A_756, %parallel_loop3A_757, %parallel_loop3A_758], %parallel_loop3A_761 {strides = array<i32>} : memref<4x128x128xf32, #tpu.memory_space<vmem>>, vector<1x1x16xf32>,
      %parallel_loop3A_762 = arith.constant 1 : i32
      %parallel_loop3A_763 = arith.addi %parallel_loop3A_501, %parallel_loop3A_762 : i32
      %parallel_loop3A_764 = arith.constant 1 : i32
      %parallel_loop3A_765 = arith.index_cast %parallel_loop3A_764 : i32 to index
      %parallel_loop3A_766 = arith.index_cast %parallel_loop3A_763 : i32 to index
      %parallel_loop3A_767 = arith.constant 80 : index
      %parallel_loop3A_768 = tpu.vector_load %arg6[%parallel_loop3A_765, %parallel_loop3A_766, %parallel_loop3A_767] {strides = array<i32>} : memref<4x128x128xf32, #tpu.memory_space<vmem>>, vector<1x1x16xf32>,
      %parallel_loop3A_769 = vector.shape_cast %parallel_loop3A_768 : vector<1x1x16xf32> to vector<16xf32>
      %parallel_loop3A_770 = arith.constant 11.3137083 : f32
      %parallel_loop3A_771 = vector.broadcast %parallel_loop3A_770 : f32 to vector<16xf32>
      %parallel_loop3A_772 = arith.mulf %parallel_loop3A_769, %parallel_loop3A_771 : vector<16xf32>
      %parallel_loop3A_773 = arith.constant 1 : i32
      %parallel_loop3A_774 = arith.addi %parallel_loop3A_501, %parallel_loop3A_773 : i32
      %parallel_loop3A_775 = arith.constant 1 : i32
      %parallel_loop3A_776 = arith.index_cast %parallel_loop3A_775 : i32 to index
      %parallel_loop3A_777 = arith.index_cast %parallel_loop3A_774 : i32 to index
      %parallel_loop3A_778 = arith.constant 80 : index
      %parallel_loop3A_779 = tpu.vector_load %arg6[%parallel_loop3A_776, %parallel_loop3A_777, %parallel_loop3A_778] {strides = array<i32>} : memref<4x128x128xf32, #tpu.memory_space<vmem>>, vector<1x1x16xf32>,
      %parallel_loop3A_780 = vector.shape_cast %parallel_loop3A_779 : vector<1x1x16xf32> to vector<16xf32>
      %parallel_loop3A_781 = vector.shape_cast %parallel_loop3A_772 : vector<16xf32> to vector<1x1x16xf32>
      tpu.vector_store %arg6[%parallel_loop3A_776, %parallel_loop3A_777, %parallel_loop3A_778], %parallel_loop3A_781 {strides = array<i32>} : memref<4x128x128xf32, #tpu.memory_space<vmem>>, vector<1x1x16xf32>,
      %parallel_loop3A_782 = arith.constant 1 : i32
      %parallel_loop3A_783 = arith.addi %parallel_loop3A_501, %parallel_loop3A_782 : i32
      %parallel_loop3A_784 = arith.constant 1 : i32
      %parallel_loop3A_785 = arith.index_cast %parallel_loop3A_784 : i32 to index
      %parallel_loop3A_786 = arith.index_cast %parallel_loop3A_783 : i32 to index
      %parallel_loop3A_787 = arith.constant 96 : index
      %parallel_loop3A_788 = tpu.vector_load %arg6[%parallel_loop3A_785, %parallel_loop3A_786, %parallel_loop3A_787] {strides = array<i32>} : memref<4x128x128xf32, #tpu.memory_space<vmem>>, vector<1x1x16xf32>,
      %parallel_loop3A_789 = vector.shape_cast %parallel_loop3A_788 : vector<1x1x16xf32> to vector<16xf32>
      %parallel_loop3A_790 = arith.constant 11.3137083 : f32
      %parallel_loop3A_791 = vector.broadcast %parallel_loop3A_790 : f32 to vector<16xf32>
      %parallel_loop3A_792 = arith.mulf %parallel_loop3A_789, %parallel_loop3A_791 : vector<16xf32>
      %parallel_loop3A_793 = arith.constant 1 : i32
      %parallel_loop3A_794 = arith.addi %parallel_loop3A_501, %parallel_loop3A_793 : i32
      %parallel_loop3A_795 = arith.constant 1 : i32
      %parallel_loop3A_796 = arith.index_cast %parallel_loop3A_795 : i32 to index
      %parallel_loop3A_797 = arith.index_cast %parallel_loop3A_794 : i32 to index
      %parallel_loop3A_798 = arith.constant 96 : index
      %parallel_loop3A_799 = tpu.vector_load %arg6[%parallel_loop3A_796, %parallel_loop3A_797, %parallel_loop3A_798] {strides = array<i32>} : memref<4x128x128xf32, #tpu.memory_space<vmem>>, vector<1x1x16xf32>,
      %parallel_loop3A_800 = vector.shape_cast %parallel_loop3A_799 : vector<1x1x16xf32> to vector<16xf32>
      %parallel_loop3A_801 = vector.shape_cast %parallel_loop3A_792 : vector<16xf32> to vector<1x1x16xf32>
      tpu.vector_store %arg6[%parallel_loop3A_796, %parallel_loop3A_797, %parallel_loop3A_798], %parallel_loop3A_801 {strides = array<i32>} : memref<4x128x128xf32, #tpu.memory_space<vmem>>, vector<1x1x16xf32>,
      %parallel_loop3A_802 = arith.constant 1 : i32
      %parallel_loop3A_803 = arith.addi %parallel_loop3A_501, %parallel_loop3A_802 : i32
      %parallel_loop3A_804 = arith.constant 1 : i32
      %parallel_loop3A_805 = arith.index_cast %parallel_loop3A_804 : i32 to index
      %parallel_loop3A_806 = arith.index_cast %parallel_loop3A_803 : i32 to index
      %parallel_loop3A_807 = arith.constant 112 : index
      %parallel_loop3A_808 = tpu.vector_load %arg6[%parallel_loop3A_805, %parallel_loop3A_806, %parallel_loop3A_807] {strides = array<i32>} : memref<4x128x128xf32, #tpu.memory_space<vmem>>, vector<1x1x16xf32>,
      %parallel_loop3A_809 = vector.shape_cast %parallel_loop3A_808 : vector<1x1x16xf32> to vector<16xf32>
      %parallel_loop3A_810 = arith.constant 11.3137083 : f32
      %parallel_loop3A_811 = vector.broadcast %parallel_loop3A_810 : f32 to vector<16xf32>
      %parallel_loop3A_812 = arith.mulf %parallel_loop3A_809, %parallel_loop3A_811 : vector<16xf32>
      %parallel_loop3A_813 = arith.constant 1 : i32
      %parallel_loop3A_814 = arith.addi %parallel_loop3A_501, %parallel_loop3A_813 : i32
      %parallel_loop3A_815 = arith.constant 1 : i32
      %parallel_loop3A_816 = arith.index_cast %parallel_loop3A_815 : i32 to index
      %parallel_loop3A_817 = arith.index_cast %parallel_loop3A_814 : i32 to index
      %parallel_loop3A_818 = arith.constant 112 : index
      %parallel_loop3A_819 = tpu.vector_load %arg6[%parallel_loop3A_816, %parallel_loop3A_817, %parallel_loop3A_818] {strides = array<i32>} : memref<4x128x128xf32, #tpu.memory_space<vmem>>, vector<1x1x16xf32>,
      %parallel_loop3A_820 = vector.shape_cast %parallel_loop3A_819 : vector<1x1x16xf32> to vector<16xf32>
      %parallel_loop3A_821 = vector.shape_cast %parallel_loop3A_812 : vector<16xf32> to vector<1x1x16xf32>
      tpu.vector_store %arg6[%parallel_loop3A_816, %parallel_loop3A_817, %parallel_loop3A_818], %parallel_loop3A_821 {strides = array<i32>} : memref<4x128x128xf32, #tpu.memory_space<vmem>>, vector<1x1x16xf32>,
    } {sc.loop_unroll_factor = 1 : i64, sc.parallel_access}
    %add3A_354 = arith.constant 197 : i32
    %add3A_355 = arith.addi %mul3A_2, %add3A_354 : i32
    %mul3A_356 = arith.constant 128 : i32
    %mul3A_357 = arith.muli %add3A_355, %mul3A_356 : i32
    %dma_start3A_358 = arith.constant 1 : i32
    %dma_start3A_359 = arith.constant 0 : i32
    %dma_start3A_360 = arith.constant 0 : i32
    %dma_start3A_361 = tpu.memref_slice %arg6[%dma_start3A_358, %dma_start3A_359, %dma_start3A_360] : memref<4x128x128xf32, #tpu.memory_space<vmem>> -> memref<1x128x128xf32, #tpu.memory_space<vmem>>
    %dma_start3A_362 = tpu.memref_squeeze %dma_start3A_361 : memref<1x128x128xf32, #tpu.memory_space<vmem>> -> memref<128x128xf32, #tpu.memory_space<vmem>>
    %dma_start3A_363 = arith.constant 0 : i32
    %dma_start3A_364 = tpu.memref_slice %arg4[%mul3A_357, %dma_start3A_363] : memref<819200x128xf32, #tpu.memory_space<hbm>> -> memref<128x128xf32, #tpu.memory_space<hbm>>
    %dma_start3A_365 = arith.constant 0 : i32
    %dma_start3A_366 = tpu.memref_slice %arg4[%mul3A_357, %dma_start3A_365] : memref<819200x128xf32, #tpu.memory_space<hbm>> -> memref<128x128xf32, #tpu.memory_space<hbm>>
    %dma_start3A_367 = arith.constant 0 : i32
    %dma_start3A_368 = arith.constant 0 : i32
    %dma_start3A_369 = tpu.memref_slice %arg6[%dma_start3A_358, %dma_start3A_367, %dma_start3A_368] : memref<4x128x128xf32, #tpu.memory_space<vmem>> -> memref<1x128x128xf32, #tpu.memory_space<vmem>>
    %dma_start3A_370 = tpu.memref_squeeze %dma_start3A_369 : memref<1x128x128xf32, #tpu.memory_space<vmem>> -> memref<128x128xf32, #tpu.memory_space<vmem>>
    tpu.enqueue_dma source(%dma_start3A_370 : memref<128x128xf32, #tpu.memory_space<vmem>>) target(%dma_start3A_366 : memref<128x128xf32, #tpu.memory_space<hbm>>) target_semaphore(%arg12 : memref<!tpu.dma_semaphore, #tpu.memory_space<semaphore_mem>>)
    %dma_wait3A_371 = arith.constant 2 : i32
    %dma_wait3A_372 = arith.constant 0 : i32
    %dma_wait3A_373 = arith.constant 0 : i32
    %dma_wait3A_374 = tpu.memref_slice %arg6[%dma_wait3A_371, %dma_wait3A_372, %dma_wait3A_373] : memref<4x128x128xf32, #tpu.memory_space<vmem>> -> memref<1x128x128xf32, #tpu.memory_space<vmem>>
    %dma_wait3A_375 = tpu.memref_squeeze %dma_wait3A_374 : memref<1x128x128xf32, #tpu.memory_space<vmem>> -> memref<128x128xf32, #tpu.memory_space<vmem>>
    %dma_wait3A_376 = arith.constant 0 : i32
    %dma_wait3A_377 = arith.constant 0 : i32
    %dma_wait3A_378 = tpu.memref_slice %arg2[%dma_wait3A_376, %dma_wait3A_377] : memref<100000x128xf32, #tpu.memory_space<hbm>> -> memref<128x128xf32, #tpu.memory_space<hbm>>
    %dma_wait3A_379 = arith.constant 0 : i32
    %dma_wait3A_380 = arith.constant 0 : i32
    %dma_wait3A_381 = tpu.memref_slice %arg6[%dma_wait3A_371, %dma_wait3A_379, %dma_wait3A_380] : memref<4x128x128xf32, #tpu.memory_space<vmem>> -> memref<1x128x128xf32, #tpu.memory_space<vmem>>
    %dma_wait3A_382 = tpu.memref_squeeze %dma_wait3A_381 : memref<1x128x128xf32, #tpu.memory_space<vmem>> -> memref<128x128xf32, #tpu.memory_space<vmem>>
    %dma_wait3A_383 = arith.constant 0 : i32
    %dma_wait3A_384 = arith.constant 0 : i32
    %dma_wait3A_385 = tpu.memref_slice %arg2[%dma_wait3A_383, %dma_wait3A_384] : memref<100000x128xf32, #tpu.memory_space<hbm>> -> memref<128x128xf32, #tpu.memory_space<hbm>>
    tpu.wait_dma2 semaphore(%arg9 : memref<!tpu.dma_semaphore, #tpu.memory_space<semaphore_mem>>) src(%dma_wait3A_385 : memref<128x128xf32, #tpu.memory_space<hbm>>) dst(%dma_wait3A_382 : memref<128x128xf32, #tpu.memory_space<vmem>>)
    %parallel_loop3A_386 = arith.constant 0 : i32
    %parallel_loop3A_387 = arith.constant 128 : i32
    %parallel_loop3A_388 = arith.constant 2 : i32
    scf.for %parallel_loop3A_501 = %parallel_loop3A_386 to %parallel_loop3A_387 step %parallel_loop3A_388  : i32 {
      %parallel_loop3A_502 = arith.constant 0 : i32
      %parallel_loop3A_503 = arith.addi %parallel_loop3A_501, %parallel_loop3A_502 : i32
      %parallel_loop3A_504 = arith.constant 2 : i32
      %parallel_loop3A_505 = arith.index_cast %parallel_loop3A_504 : i32 to index
      %parallel_loop3A_506 = arith.index_cast %parallel_loop3A_503 : i32 to index
      %parallel_loop3A_507 = arith.constant 0 : index
      %parallel_loop3A_508 = tpu.vector_load %arg6[%parallel_loop3A_505, %parallel_loop3A_506, %parallel_loop3A_507] {strides = array<i32>} : memref<4x128x128xf32, #tpu.memory_space<vmem>>, vector<1x1x16xf32>,
      %parallel_loop3A_509 = vector.shape_cast %parallel_loop3A_508 : vector<1x1x16xf32> to vector<16xf32>
      %parallel_loop3A_510 = arith.constant 11.3137083 : f32
      %parallel_loop3A_511 = vector.broadcast %parallel_loop3A_510 : f32 to vector<16xf32>
      %parallel_loop3A_512 = arith.mulf %parallel_loop3A_509, %parallel_loop3A_511 : vector<16xf32>
      %parallel_loop3A_513 = arith.constant 0 : i32
      %parallel_loop3A_514 = arith.addi %parallel_loop3A_501, %parallel_loop3A_513 : i32
      %parallel_loop3A_515 = arith.constant 2 : i32
      %parallel_loop3A_516 = arith.index_cast %parallel_loop3A_515 : i32 to index
      %parallel_loop3A_517 = arith.index_cast %parallel_loop3A_514 : i32 to index
      %parallel_loop3A_518 = arith.constant 0 : index
      %parallel_loop3A_519 = tpu.vector_load %arg6[%parallel_loop3A_516, %parallel_loop3A_517, %parallel_loop3A_518] {strides = array<i32>} : memref<4x128x128xf32, #tpu.memory_space<vmem>>, vector<1x1x16xf32>,
      %parallel_loop3A_520 = vector.shape_cast %parallel_loop3A_519 : vector<1x1x16xf32> to vector<16xf32>
      %parallel_loop3A_521 = vector.shape_cast %parallel_loop3A_512 : vector<16xf32> to vector<1x1x16xf32>
      tpu.vector_store %arg6[%parallel_loop3A_516, %parallel_loop3A_517, %parallel_loop3A_518], %parallel_loop3A_521 {strides = array<i32>} : memref<4x128x128xf32, #tpu.memory_space<vmem>>, vector<1x1x16xf32>,
      %parallel_loop3A_522 = arith.constant 0 : i32
      %parallel_loop3A_523 = arith.addi %parallel_loop3A_501, %parallel_loop3A_522 : i32
      %parallel_loop3A_524 = arith.constant 2 : i32
      %parallel_loop3A_525 = arith.index_cast %parallel_loop3A_524 : i32 to index
      %parallel_loop3A_526 = arith.index_cast %parallel_loop3A_523 : i32 to index
      %parallel_loop3A_527 = arith.constant 16 : index
      %parallel_loop3A_528 = tpu.vector_load %arg6[%parallel_loop3A_525, %parallel_loop3A_526, %parallel_loop3A_527] {strides = array<i32>} : memref<4x128x128xf32, #tpu.memory_space<vmem>>, vector<1x1x16xf32>,
      %parallel_loop3A_529 = vector.shape_cast %parallel_loop3A_528 : vector<1x1x16xf32> to vector<16xf32>
      %parallel_loop3A_530 = arith.constant 11.3137083 : f32
      %parallel_loop3A_531 = vector.broadcast %parallel_loop3A_530 : f32 to vector<16xf32>
      %parallel_loop3A_532 = arith.mulf %parallel_loop3A_529, %parallel_loop3A_531 : vector<16xf32>
      %parallel_loop3A_533 = arith.constant 0 : i32
      %parallel_loop3A_534 = arith.addi %parallel_loop3A_501, %parallel_loop3A_533 : i32
      %parallel_loop3A_535 = arith.constant 2 : i32
      %parallel_loop3A_536 = arith.index_cast %parallel_loop3A_535 : i32 to index
      %parallel_loop3A_537 = arith.index_cast %parallel_loop3A_534 : i32 to index
      %parallel_loop3A_538 = arith.constant 16 : index
      %parallel_loop3A_539 = tpu.vector_load %arg6[%parallel_loop3A_536, %parallel_loop3A_537, %parallel_loop3A_538] {strides = array<i32>} : memref<4x128x128xf32, #tpu.memory_space<vmem>>, vector<1x1x16xf32>,
      %parallel_loop3A_540 = vector.shape_cast %parallel_loop3A_539 : vector<1x1x16xf32> to vector<16xf32>
      %parallel_loop3A_541 = vector.shape_cast %parallel_loop3A_532 : vector<16xf32> to vector<1x1x16xf32>
      tpu.vector_store %arg6[%parallel_loop3A_536, %parallel_loop3A_537, %parallel_loop3A_538], %parallel_loop3A_541 {strides = array<i32>} : memref<4x128x128xf32, #tpu.memory_space<vmem>>, vector<1x1x16xf32>,
      %parallel_loop3A_542 = arith.constant 0 : i32
      %parallel_loop3A_543 = arith.addi %parallel_loop3A_501, %parallel_loop3A_542 : i32
      %parallel_loop3A_544 = arith.constant 2 : i32
      %parallel_loop3A_545 = arith.index_cast %parallel_loop3A_544 : i32 to index
      %parallel_loop3A_546 = arith.index_cast %parallel_loop3A_543 : i32 to index
      %parallel_loop3A_547 = arith.constant 32 : index
      %parallel_loop3A_548 = tpu.vector_load %arg6[%parallel_loop3A_545, %parallel_loop3A_546, %parallel_loop3A_547] {strides = array<i32>} : memref<4x128x128xf32, #tpu.memory_space<vmem>>, vector<1x1x16xf32>,
      %parallel_loop3A_549 = vector.shape_cast %parallel_loop3A_548 : vector<1x1x16xf32> to vector<16xf32>
      %parallel_loop3A_550 = arith.constant 11.3137083 : f32
      %parallel_loop3A_551 = vector.broadcast %parallel_loop3A_550 : f32 to vector<16xf32>
      %parallel_loop3A_552 = arith.mulf %parallel_loop3A_549, %parallel_loop3A_551 : vector<16xf32>
      %parallel_loop3A_553 = arith.constant 0 : i32
      %parallel_loop3A_554 = arith.addi %parallel_loop3A_501, %parallel_loop3A_553 : i32
      %parallel_loop3A_555 = arith.constant 2 : i32
      %parallel_loop3A_556 = arith.index_cast %parallel_loop3A_555 : i32 to index
      %parallel_loop3A_557 = arith.index_cast %parallel_loop3A_554 : i32 to index
      %parallel_loop3A_558 = arith.constant 32 : index
      %parallel_loop3A_559 = tpu.vector_load %arg6[%parallel_loop3A_556, %parallel_loop3A_557, %parallel_loop3A_558] {strides = array<i32>} : memref<4x128x128xf32, #tpu.memory_space<vmem>>, vector<1x1x16xf32>,
      %parallel_loop3A_560 = vector.shape_cast %parallel_loop3A_559 : vector<1x1x16xf32> to vector<16xf32>
      %parallel_loop3A_561 = vector.shape_cast %parallel_loop3A_552 : vector<16xf32> to vector<1x1x16xf32>
      tpu.vector_store %arg6[%parallel_loop3A_556, %parallel_loop3A_557, %parallel_loop3A_558], %parallel_loop3A_561 {strides = array<i32>} : memref<4x128x128xf32, #tpu.memory_space<vmem>>, vector<1x1x16xf32>,
      %parallel_loop3A_562 = arith.constant 0 : i32
      %parallel_loop3A_563 = arith.addi %parallel_loop3A_501, %parallel_loop3A_562 : i32
      %parallel_loop3A_564 = arith.constant 2 : i32
      %parallel_loop3A_565 = arith.index_cast %parallel_loop3A_564 : i32 to index
      %parallel_loop3A_566 = arith.index_cast %parallel_loop3A_563 : i32 to index
      %parallel_loop3A_567 = arith.constant 48 : index
      %parallel_loop3A_568 = tpu.vector_load %arg6[%parallel_loop3A_565, %parallel_loop3A_566, %parallel_loop3A_567] {strides = array<i32>} : memref<4x128x128xf32, #tpu.memory_space<vmem>>, vector<1x1x16xf32>,
      %parallel_loop3A_569 = vector.shape_cast %parallel_loop3A_568 : vector<1x1x16xf32> to vector<16xf32>
      %parallel_loop3A_570 = arith.constant 11.3137083 : f32
      %parallel_loop3A_571 = vector.broadcast %parallel_loop3A_570 : f32 to vector<16xf32>
      %parallel_loop3A_572 = arith.mulf %parallel_loop3A_569, %parallel_loop3A_571 : vector<16xf32>
      %parallel_loop3A_573 = arith.constant 0 : i32
      %parallel_loop3A_574 = arith.addi %parallel_loop3A_501, %parallel_loop3A_573 : i32
      %parallel_loop3A_575 = arith.constant 2 : i32
      %parallel_loop3A_576 = arith.index_cast %parallel_loop3A_575 : i32 to index
      %parallel_loop3A_577 = arith.index_cast %parallel_loop3A_574 : i32 to index
      %parallel_loop3A_578 = arith.constant 48 : index
      %parallel_loop3A_579 = tpu.vector_load %arg6[%parallel_loop3A_576, %parallel_loop3A_577, %parallel_loop3A_578] {strides = array<i32>} : memref<4x128x128xf32, #tpu.memory_space<vmem>>, vector<1x1x16xf32>,
      %parallel_loop3A_580 = vector.shape_cast %parallel_loop3A_579 : vector<1x1x16xf32> to vector<16xf32>
      %parallel_loop3A_581 = vector.shape_cast %parallel_loop3A_572 : vector<16xf32> to vector<1x1x16xf32>
      tpu.vector_store %arg6[%parallel_loop3A_576, %parallel_loop3A_577, %parallel_loop3A_578], %parallel_loop3A_581 {strides = array<i32>} : memref<4x128x128xf32, #tpu.memory_space<vmem>>, vector<1x1x16xf32>,
      %parallel_loop3A_582 = arith.constant 0 : i32
      %parallel_loop3A_583 = arith.addi %parallel_loop3A_501, %parallel_loop3A_582 : i32
      %parallel_loop3A_584 = arith.constant 2 : i32
      %parallel_loop3A_585 = arith.index_cast %parallel_loop3A_584 : i32 to index
      %parallel_loop3A_586 = arith.index_cast %parallel_loop3A_583 : i32 to index
      %parallel_loop3A_587 = arith.constant 64 : index
      %parallel_loop3A_588 = tpu.vector_load %arg6[%parallel_loop3A_585, %parallel_loop3A_586, %parallel_loop3A_587] {strides = array<i32>} : memref<4x128x128xf32, #tpu.memory_space<vmem>>, vector<1x1x16xf32>,
      %parallel_loop3A_589 = vector.shape_cast %parallel_loop3A_588 : vector<1x1x16xf32> to vector<16xf32>
      %parallel_loop3A_590 = arith.constant 11.3137083 : f32
      %parallel_loop3A_591 = vector.broadcast %parallel_loop3A_590 : f32 to vector<16xf32>
      %parallel_loop3A_592 = arith.mulf %parallel_loop3A_589, %parallel_loop3A_591 : vector<16xf32>
      %parallel_loop3A_593 = arith.constant 0 : i32
      %parallel_loop3A_594 = arith.addi %parallel_loop3A_501, %parallel_loop3A_593 : i32
      %parallel_loop3A_595 = arith.constant 2 : i32
      %parallel_loop3A_596 = arith.index_cast %parallel_loop3A_595 : i32 to index
      %parallel_loop3A_597 = arith.index_cast %parallel_loop3A_594 : i32 to index
      %parallel_loop3A_598 = arith.constant 64 : index
      %parallel_loop3A_599 = tpu.vector_load %arg6[%parallel_loop3A_596, %parallel_loop3A_597, %parallel_loop3A_598] {strides = array<i32>} : memref<4x128x128xf32, #tpu.memory_space<vmem>>, vector<1x1x16xf32>,
      %parallel_loop3A_600 = vector.shape_cast %parallel_loop3A_599 : vector<1x1x16xf32> to vector<16xf32>
      %parallel_loop3A_601 = vector.shape_cast %parallel_loop3A_592 : vector<16xf32> to vector<1x1x16xf32>
      tpu.vector_store %arg6[%parallel_loop3A_596, %parallel_loop3A_597, %parallel_loop3A_598], %parallel_loop3A_601 {strides = array<i32>} : memref<4x128x128xf32, #tpu.memory_space<vmem>>, vector<1x1x16xf32>,
      %parallel_loop3A_602 = arith.constant 0 : i32
      %parallel_loop3A_603 = arith.addi %parallel_loop3A_501, %parallel_loop3A_602 : i32
      %parallel_loop3A_604 = arith.constant 2 : i32
      %parallel_loop3A_605 = arith.index_cast %parallel_loop3A_604 : i32 to index
      %parallel_loop3A_606 = arith.index_cast %parallel_loop3A_603 : i32 to index
      %parallel_loop3A_607 = arith.constant 80 : index
      %parallel_loop3A_608 = tpu.vector_load %arg6[%parallel_loop3A_605, %parallel_loop3A_606, %parallel_loop3A_607] {strides = array<i32>} : memref<4x128x128xf32, #tpu.memory_space<vmem>>, vector<1x1x16xf32>,
      %parallel_loop3A_609 = vector.shape_cast %parallel_loop3A_608 : vector<1x1x16xf32> to vector<16xf32>
      %parallel_loop3A_610 = arith.constant 11.3137083 : f32
      %parallel_loop3A_611 = vector.broadcast %parallel_loop3A_610 : f32 to vector<16xf32>
      %parallel_loop3A_612 = arith.mulf %parallel_loop3A_609, %parallel_loop3A_611 : vector<16xf32>
      %parallel_loop3A_613 = arith.constant 0 : i32
      %parallel_loop3A_614 = arith.addi %parallel_loop3A_501, %parallel_loop3A_613 : i32
      %parallel_loop3A_615 = arith.constant 2 : i32
      %parallel_loop3A_616 = arith.index_cast %parallel_loop3A_615 : i32 to index
      %parallel_loop3A_617 = arith.index_cast %parallel_loop3A_614 : i32 to index
      %parallel_loop3A_618 = arith.constant 80 : index
      %parallel_loop3A_619 = tpu.vector_load %arg6[%parallel_loop3A_616, %parallel_loop3A_617, %parallel_loop3A_618] {strides = array<i32>} : memref<4x128x128xf32, #tpu.memory_space<vmem>>, vector<1x1x16xf32>,
      %parallel_loop3A_620 = vector.shape_cast %parallel_loop3A_619 : vector<1x1x16xf32> to vector<16xf32>
      %parallel_loop3A_621 = vector.shape_cast %parallel_loop3A_612 : vector<16xf32> to vector<1x1x16xf32>
      tpu.vector_store %arg6[%parallel_loop3A_616, %parallel_loop3A_617, %parallel_loop3A_618], %parallel_loop3A_621 {strides = array<i32>} : memref<4x128x128xf32, #tpu.memory_space<vmem>>, vector<1x1x16xf32>,
      %parallel_loop3A_622 = arith.constant 0 : i32
      %parallel_loop3A_623 = arith.addi %parallel_loop3A_501, %parallel_loop3A_622 : i32
      %parallel_loop3A_624 = arith.constant 2 : i32
      %parallel_loop3A_625 = arith.index_cast %parallel_loop3A_624 : i32 to index
      %parallel_loop3A_626 = arith.index_cast %parallel_loop3A_623 : i32 to index
      %parallel_loop3A_627 = arith.constant 96 : index
      %parallel_loop3A_628 = tpu.vector_load %arg6[%parallel_loop3A_625, %parallel_loop3A_626, %parallel_loop3A_627] {strides = array<i32>} : memref<4x128x128xf32, #tpu.memory_space<vmem>>, vector<1x1x16xf32>,
      %parallel_loop3A_629 = vector.shape_cast %parallel_loop3A_628 : vector<1x1x16xf32> to vector<16xf32>
      %parallel_loop3A_630 = arith.constant 11.3137083 : f32
      %parallel_loop3A_631 = vector.broadcast %parallel_loop3A_630 : f32 to vector<16xf32>
      %parallel_loop3A_632 = arith.mulf %parallel_loop3A_629, %parallel_loop3A_631 : vector<16xf32>
      %parallel_loop3A_633 = arith.constant 0 : i32
      %parallel_loop3A_634 = arith.addi %parallel_loop3A_501, %parallel_loop3A_633 : i32
      %parallel_loop3A_635 = arith.constant 2 : i32
      %parallel_loop3A_636 = arith.index_cast %parallel_loop3A_635 : i32 to index
      %parallel_loop3A_637 = arith.index_cast %parallel_loop3A_634 : i32 to index
      %parallel_loop3A_638 = arith.constant 96 : index
      %parallel_loop3A_639 = tpu.vector_load %arg6[%parallel_loop3A_636, %parallel_loop3A_637, %parallel_loop3A_638] {strides = array<i32>} : memref<4x128x128xf32, #tpu.memory_space<vmem>>, vector<1x1x16xf32>,
      %parallel_loop3A_640 = vector.shape_cast %parallel_loop3A_639 : vector<1x1x16xf32> to vector<16xf32>
      %parallel_loop3A_641 = vector.shape_cast %parallel_loop3A_632 : vector<16xf32> to vector<1x1x16xf32>
      tpu.vector_store %arg6[%parallel_loop3A_636, %parallel_loop3A_637, %parallel_loop3A_638], %parallel_loop3A_641 {strides = array<i32>} : memref<4x128x128xf32, #tpu.memory_space<vmem>>, vector<1x1x16xf32>,
      %parallel_loop3A_642 = arith.constant 0 : i32
      %parallel_loop3A_643 = arith.addi %parallel_loop3A_501, %parallel_loop3A_642 : i32
      %parallel_loop3A_644 = arith.constant 2 : i32
      %parallel_loop3A_645 = arith.index_cast %parallel_loop3A_644 : i32 to index
      %parallel_loop3A_646 = arith.index_cast %parallel_loop3A_643 : i32 to index
      %parallel_loop3A_647 = arith.constant 112 : index
      %parallel_loop3A_648 = tpu.vector_load %arg6[%parallel_loop3A_645, %parallel_loop3A_646, %parallel_loop3A_647] {strides = array<i32>} : memref<4x128x128xf32, #tpu.memory_space<vmem>>, vector<1x1x16xf32>,
      %parallel_loop3A_649 = vector.shape_cast %parallel_loop3A_648 : vector<1x1x16xf32> to vector<16xf32>
      %parallel_loop3A_650 = arith.constant 11.3137083 : f32
      %parallel_loop3A_651 = vector.broadcast %parallel_loop3A_650 : f32 to vector<16xf32>
      %parallel_loop3A_652 = arith.mulf %parallel_loop3A_649, %parallel_loop3A_651 : vector<16xf32>
      %parallel_loop3A_653 = arith.constant 0 : i32
      %parallel_loop3A_654 = arith.addi %parallel_loop3A_501, %parallel_loop3A_653 : i32
      %parallel_loop3A_655 = arith.constant 2 : i32
      %parallel_loop3A_656 = arith.index_cast %parallel_loop3A_655 : i32 to index
      %parallel_loop3A_657 = arith.index_cast %parallel_loop3A_654 : i32 to index
      %parallel_loop3A_658 = arith.constant 112 : index
      %parallel_loop3A_659 = tpu.vector_load %arg6[%parallel_loop3A_656, %parallel_loop3A_657, %parallel_loop3A_658] {strides = array<i32>} : memref<4x128x128xf32, #tpu.memory_space<vmem>>, vector<1x1x16xf32>,
      %parallel_loop3A_660 = vector.shape_cast %parallel_loop3A_659 : vector<1x1x16xf32> to vector<16xf32>
      %parallel_loop3A_661 = vector.shape_cast %parallel_loop3A_652 : vector<16xf32> to vector<1x1x16xf32>
      tpu.vector_store %arg6[%parallel_loop3A_656, %parallel_loop3A_657, %parallel_loop3A_658], %parallel_loop3A_661 {strides = array<i32>} : memref<4x128x128xf32, #tpu.memory_space<vmem>>, vector<1x1x16xf32>,
      %parallel_loop3A_662 = arith.constant 1 : i32
      %parallel_loop3A_663 = arith.addi %parallel_loop3A_501, %parallel_loop3A_662 : i32
      %parallel_loop3A_664 = arith.constant 2 : i32
      %parallel_loop3A_665 = arith.index_cast %parallel_loop3A_664 : i32 to index
      %parallel_loop3A_666 = arith.index_cast %parallel_loop3A_663 : i32 to index
      %parallel_loop3A_667 = arith.constant 0 : index
      %parallel_loop3A_668 = tpu.vector_load %arg6[%parallel_loop3A_665, %parallel_loop3A_666, %parallel_loop3A_667] {strides = array<i32>} : memref<4x128x128xf32, #tpu.memory_space<vmem>>, vector<1x1x16xf32>,
      %parallel_loop3A_669 = vector.shape_cast %parallel_loop3A_668 : vector<1x1x16xf32> to vector<16xf32>
      %parallel_loop3A_670 = arith.constant 11.3137083 : f32
      %parallel_loop3A_671 = vector.broadcast %parallel_loop3A_670 : f32 to vector<16xf32>
      %parallel_loop3A_672 = arith.mulf %parallel_loop3A_669, %parallel_loop3A_671 : vector<16xf32>
      %parallel_loop3A_673 = arith.constant 1 : i32
      %parallel_loop3A_674 = arith.addi %parallel_loop3A_501, %parallel_loop3A_673 : i32
      %parallel_loop3A_675 = arith.constant 2 : i32
      %parallel_loop3A_676 = arith.index_cast %parallel_loop3A_675 : i32 to index
      %parallel_loop3A_677 = arith.index_cast %parallel_loop3A_674 : i32 to index
      %parallel_loop3A_678 = arith.constant 0 : index
      %parallel_loop3A_679 = tpu.vector_load %arg6[%parallel_loop3A_676, %parallel_loop3A_677, %parallel_loop3A_678] {strides = array<i32>} : memref<4x128x128xf32, #tpu.memory_space<vmem>>, vector<1x1x16xf32>,
      %parallel_loop3A_680 = vector.shape_cast %parallel_loop3A_679 : vector<1x1x16xf32> to vector<16xf32>
      %parallel_loop3A_681 = vector.shape_cast %parallel_loop3A_672 : vector<16xf32> to vector<1x1x16xf32>
      tpu.vector_store %arg6[%parallel_loop3A_676, %parallel_loop3A_677, %parallel_loop3A_678], %parallel_loop3A_681 {strides = array<i32>} : memref<4x128x128xf32, #tpu.memory_space<vmem>>, vector<1x1x16xf32>,
      %parallel_loop3A_682 = arith.constant 1 : i32
      %parallel_loop3A_683 = arith.addi %parallel_loop3A_501, %parallel_loop3A_682 : i32
      %parallel_loop3A_684 = arith.constant 2 : i32
      %parallel_loop3A_685 = arith.index_cast %parallel_loop3A_684 : i32 to index
      %parallel_loop3A_686 = arith.index_cast %parallel_loop3A_683 : i32 to index
      %parallel_loop3A_687 = arith.constant 16 : index
      %parallel_loop3A_688 = tpu.vector_load %arg6[%parallel_loop3A_685, %parallel_loop3A_686, %parallel_loop3A_687] {strides = array<i32>} : memref<4x128x128xf32, #tpu.memory_space<vmem>>, vector<1x1x16xf32>,
      %parallel_loop3A_689 = vector.shape_cast %parallel_loop3A_688 : vector<1x1x16xf32> to vector<16xf32>
      %parallel_loop3A_690 = arith.constant 11.3137083 : f32
      %parallel_loop3A_691 = vector.broadcast %parallel_loop3A_690 : f32 to vector<16xf32>
      %parallel_loop3A_692 = arith.mulf %parallel_loop3A_689, %parallel_loop3A_691 : vector<16xf32>
      %parallel_loop3A_693 = arith.constant 1 : i32
      %parallel_loop3A_694 = arith.addi %parallel_loop3A_501, %parallel_loop3A_693 : i32
      %parallel_loop3A_695 = arith.constant 2 : i32
      %parallel_loop3A_696 = arith.index_cast %parallel_loop3A_695 : i32 to index
      %parallel_loop3A_697 = arith.index_cast %parallel_loop3A_694 : i32 to index
      %parallel_loop3A_698 = arith.constant 16 : index
      %parallel_loop3A_699 = tpu.vector_load %arg6[%parallel_loop3A_696, %parallel_loop3A_697, %parallel_loop3A_698] {strides = array<i32>} : memref<4x128x128xf32, #tpu.memory_space<vmem>>, vector<1x1x16xf32>,
      %parallel_loop3A_700 = vector.shape_cast %parallel_loop3A_699 : vector<1x1x16xf32> to vector<16xf32>
      %parallel_loop3A_701 = vector.shape_cast %parallel_loop3A_692 : vector<16xf32> to vector<1x1x16xf32>
      tpu.vector_store %arg6[%parallel_loop3A_696, %parallel_loop3A_697, %parallel_loop3A_698], %parallel_loop3A_701 {strides = array<i32>} : memref<4x128x128xf32, #tpu.memory_space<vmem>>, vector<1x1x16xf32>,
      %parallel_loop3A_702 = arith.constant 1 : i32
      %parallel_loop3A_703 = arith.addi %parallel_loop3A_501, %parallel_loop3A_702 : i32
      %parallel_loop3A_704 = arith.constant 2 : i32
      %parallel_loop3A_705 = arith.index_cast %parallel_loop3A_704 : i32 to index
      %parallel_loop3A_706 = arith.index_cast %parallel_loop3A_703 : i32 to index
      %parallel_loop3A_707 = arith.constant 32 : index
      %parallel_loop3A_708 = tpu.vector_load %arg6[%parallel_loop3A_705, %parallel_loop3A_706, %parallel_loop3A_707] {strides = array<i32>} : memref<4x128x128xf32, #tpu.memory_space<vmem>>, vector<1x1x16xf32>,
      %parallel_loop3A_709 = vector.shape_cast %parallel_loop3A_708 : vector<1x1x16xf32> to vector<16xf32>
      %parallel_loop3A_710 = arith.constant 11.3137083 : f32
      %parallel_loop3A_711 = vector.broadcast %parallel_loop3A_710 : f32 to vector<16xf32>
      %parallel_loop3A_712 = arith.mulf %parallel_loop3A_709, %parallel_loop3A_711 : vector<16xf32>
      %parallel_loop3A_713 = arith.constant 1 : i32
      %parallel_loop3A_714 = arith.addi %parallel_loop3A_501, %parallel_loop3A_713 : i32
      %parallel_loop3A_715 = arith.constant 2 : i32
      %parallel_loop3A_716 = arith.index_cast %parallel_loop3A_715 : i32 to index
      %parallel_loop3A_717 = arith.index_cast %parallel_loop3A_714 : i32 to index
      %parallel_loop3A_718 = arith.constant 32 : index
      %parallel_loop3A_719 = tpu.vector_load %arg6[%parallel_loop3A_716, %parallel_loop3A_717, %parallel_loop3A_718] {strides = array<i32>} : memref<4x128x128xf32, #tpu.memory_space<vmem>>, vector<1x1x16xf32>,
      %parallel_loop3A_720 = vector.shape_cast %parallel_loop3A_719 : vector<1x1x16xf32> to vector<16xf32>
      %parallel_loop3A_721 = vector.shape_cast %parallel_loop3A_712 : vector<16xf32> to vector<1x1x16xf32>
      tpu.vector_store %arg6[%parallel_loop3A_716, %parallel_loop3A_717, %parallel_loop3A_718], %parallel_loop3A_721 {strides = array<i32>} : memref<4x128x128xf32, #tpu.memory_space<vmem>>, vector<1x1x16xf32>,
      %parallel_loop3A_722 = arith.constant 1 : i32
      %parallel_loop3A_723 = arith.addi %parallel_loop3A_501, %parallel_loop3A_722 : i32
      %parallel_loop3A_724 = arith.constant 2 : i32
      %parallel_loop3A_725 = arith.index_cast %parallel_loop3A_724 : i32 to index
      %parallel_loop3A_726 = arith.index_cast %parallel_loop3A_723 : i32 to index
      %parallel_loop3A_727 = arith.constant 48 : index
      %parallel_loop3A_728 = tpu.vector_load %arg6[%parallel_loop3A_725, %parallel_loop3A_726, %parallel_loop3A_727] {strides = array<i32>} : memref<4x128x128xf32, #tpu.memory_space<vmem>>, vector<1x1x16xf32>,
      %parallel_loop3A_729 = vector.shape_cast %parallel_loop3A_728 : vector<1x1x16xf32> to vector<16xf32>
      %parallel_loop3A_730 = arith.constant 11.3137083 : f32
      %parallel_loop3A_731 = vector.broadcast %parallel_loop3A_730 : f32 to vector<16xf32>
      %parallel_loop3A_732 = arith.mulf %parallel_loop3A_729, %parallel_loop3A_731 : vector<16xf32>
      %parallel_loop3A_733 = arith.constant 1 : i32
      %parallel_loop3A_734 = arith.addi %parallel_loop3A_501, %parallel_loop3A_733 : i32
      %parallel_loop3A_735 = arith.constant 2 : i32
      %parallel_loop3A_736 = arith.index_cast %parallel_loop3A_735 : i32 to index
      %parallel_loop3A_737 = arith.index_cast %parallel_loop3A_734 : i32 to index
      %parallel_loop3A_738 = arith.constant 48 : index
      %parallel_loop3A_739 = tpu.vector_load %arg6[%parallel_loop3A_736, %parallel_loop3A_737, %parallel_loop3A_738] {strides = array<i32>} : memref<4x128x128xf32, #tpu.memory_space<vmem>>, vector<1x1x16xf32>,
      %parallel_loop3A_740 = vector.shape_cast %parallel_loop3A_739 : vector<1x1x16xf32> to vector<16xf32>
      %parallel_loop3A_741 = vector.shape_cast %parallel_loop3A_732 : vector<16xf32> to vector<1x1x16xf32>
      tpu.vector_store %arg6[%parallel_loop3A_736, %parallel_loop3A_737, %parallel_loop3A_738], %parallel_loop3A_741 {strides = array<i32>} : memref<4x128x128xf32, #tpu.memory_space<vmem>>, vector<1x1x16xf32>,
      %parallel_loop3A_742 = arith.constant 1 : i32
      %parallel_loop3A_743 = arith.addi %parallel_loop3A_501, %parallel_loop3A_742 : i32
      %parallel_loop3A_744 = arith.constant 2 : i32
      %parallel_loop3A_745 = arith.index_cast %parallel_loop3A_744 : i32 to index
      %parallel_loop3A_746 = arith.index_cast %parallel_loop3A_743 : i32 to index
      %parallel_loop3A_747 = arith.constant 64 : index
      %parallel_loop3A_748 = tpu.vector_load %arg6[%parallel_loop3A_745, %parallel_loop3A_746, %parallel_loop3A_747] {strides = array<i32>} : memref<4x128x128xf32, #tpu.memory_space<vmem>>, vector<1x1x16xf32>,
      %parallel_loop3A_749 = vector.shape_cast %parallel_loop3A_748 : vector<1x1x16xf32> to vector<16xf32>
      %parallel_loop3A_750 = arith.constant 11.3137083 : f32
      %parallel_loop3A_751 = vector.broadcast %parallel_loop3A_750 : f32 to vector<16xf32>
      %parallel_loop3A_752 = arith.mulf %parallel_loop3A_749, %parallel_loop3A_751 : vector<16xf32>
      %parallel_loop3A_753 = arith.constant 1 : i32
      %parallel_loop3A_754 = arith.addi %parallel_loop3A_501, %parallel_loop3A_753 : i32
      %parallel_loop3A_755 = arith.constant 2 : i32
      %parallel_loop3A_756 = arith.index_cast %parallel_loop3A_755 : i32 to index
      %parallel_loop3A_757 = arith.index_cast %parallel_loop3A_754 : i32 to index
      %parallel_loop3A_758 = arith.constant 64 : index
      %parallel_loop3A_759 = tpu.vector_load %arg6[%parallel_loop3A_756, %parallel_loop3A_757, %parallel_loop3A_758] {strides = array<i32>} : memref<4x128x128xf32, #tpu.memory_space<vmem>>, vector<1x1x16xf32>,
      %parallel_loop3A_760 = vector.shape_cast %parallel_loop3A_759 : vector<1x1x16xf32> to vector<16xf32>
      %parallel_loop3A_761 = vector.shape_cast %parallel_loop3A_752 : vector<16xf32> to vector<1x1x16xf32>
      tpu.vector_store %arg6[%parallel_loop3A_756, %parallel_loop3A_757, %parallel_loop3A_758], %parallel_loop3A_761 {strides = array<i32>} : memref<4x128x128xf32, #tpu.memory_space<vmem>>, vector<1x1x16xf32>,
      %parallel_loop3A_762 = arith.constant 1 : i32
      %parallel_loop3A_763 = arith.addi %parallel_loop3A_501, %parallel_loop3A_762 : i32
      %parallel_loop3A_764 = arith.constant 2 : i32
      %parallel_loop3A_765 = arith.index_cast %parallel_loop3A_764 : i32 to index
      %parallel_loop3A_766 = arith.index_cast %parallel_loop3A_763 : i32 to index
      %parallel_loop3A_767 = arith.constant 80 : index
      %parallel_loop3A_768 = tpu.vector_load %arg6[%parallel_loop3A_765, %parallel_loop3A_766, %parallel_loop3A_767] {strides = array<i32>} : memref<4x128x128xf32, #tpu.memory_space<vmem>>, vector<1x1x16xf32>,
      %parallel_loop3A_769 = vector.shape_cast %parallel_loop3A_768 : vector<1x1x16xf32> to vector<16xf32>
      %parallel_loop3A_770 = arith.constant 11.3137083 : f32
      %parallel_loop3A_771 = vector.broadcast %parallel_loop3A_770 : f32 to vector<16xf32>
      %parallel_loop3A_772 = arith.mulf %parallel_loop3A_769, %parallel_loop3A_771 : vector<16xf32>
      %parallel_loop3A_773 = arith.constant 1 : i32
      %parallel_loop3A_774 = arith.addi %parallel_loop3A_501, %parallel_loop3A_773 : i32
      %parallel_loop3A_775 = arith.constant 2 : i32
      %parallel_loop3A_776 = arith.index_cast %parallel_loop3A_775 : i32 to index
      %parallel_loop3A_777 = arith.index_cast %parallel_loop3A_774 : i32 to index
      %parallel_loop3A_778 = arith.constant 80 : index
      %parallel_loop3A_779 = tpu.vector_load %arg6[%parallel_loop3A_776, %parallel_loop3A_777, %parallel_loop3A_778] {strides = array<i32>} : memref<4x128x128xf32, #tpu.memory_space<vmem>>, vector<1x1x16xf32>,
      %parallel_loop3A_780 = vector.shape_cast %parallel_loop3A_779 : vector<1x1x16xf32> to vector<16xf32>
      %parallel_loop3A_781 = vector.shape_cast %parallel_loop3A_772 : vector<16xf32> to vector<1x1x16xf32>
      tpu.vector_store %arg6[%parallel_loop3A_776, %parallel_loop3A_777, %parallel_loop3A_778], %parallel_loop3A_781 {strides = array<i32>} : memref<4x128x128xf32, #tpu.memory_space<vmem>>, vector<1x1x16xf32>,
      %parallel_loop3A_782 = arith.constant 1 : i32
      %parallel_loop3A_783 = arith.addi %parallel_loop3A_501, %parallel_loop3A_782 : i32
      %parallel_loop3A_784 = arith.constant 2 : i32
      %parallel_loop3A_785 = arith.index_cast %parallel_loop3A_784 : i32 to index
      %parallel_loop3A_786 = arith.index_cast %parallel_loop3A_783 : i32 to index
      %parallel_loop3A_787 = arith.constant 96 : index
      %parallel_loop3A_788 = tpu.vector_load %arg6[%parallel_loop3A_785, %parallel_loop3A_786, %parallel_loop3A_787] {strides = array<i32>} : memref<4x128x128xf32, #tpu.memory_space<vmem>>, vector<1x1x16xf32>,
      %parallel_loop3A_789 = vector.shape_cast %parallel_loop3A_788 : vector<1x1x16xf32> to vector<16xf32>
      %parallel_loop3A_790 = arith.constant 11.3137083 : f32
      %parallel_loop3A_791 = vector.broadcast %parallel_loop3A_790 : f32 to vector<16xf32>
      %parallel_loop3A_792 = arith.mulf %parallel_loop3A_789, %parallel_loop3A_791 : vector<16xf32>
      %parallel_loop3A_793 = arith.constant 1 : i32
      %parallel_loop3A_794 = arith.addi %parallel_loop3A_501, %parallel_loop3A_793 : i32
      %parallel_loop3A_795 = arith.constant 2 : i32
      %parallel_loop3A_796 = arith.index_cast %parallel_loop3A_795 : i32 to index
      %parallel_loop3A_797 = arith.index_cast %parallel_loop3A_794 : i32 to index
      %parallel_loop3A_798 = arith.constant 96 : index
      %parallel_loop3A_799 = tpu.vector_load %arg6[%parallel_loop3A_796, %parallel_loop3A_797, %parallel_loop3A_798] {strides = array<i32>} : memref<4x128x128xf32, #tpu.memory_space<vmem>>, vector<1x1x16xf32>,
      %parallel_loop3A_800 = vector.shape_cast %parallel_loop3A_799 : vector<1x1x16xf32> to vector<16xf32>
      %parallel_loop3A_801 = vector.shape_cast %parallel_loop3A_792 : vector<16xf32> to vector<1x1x16xf32>
      tpu.vector_store %arg6[%parallel_loop3A_796, %parallel_loop3A_797, %parallel_loop3A_798], %parallel_loop3A_801 {strides = array<i32>} : memref<4x128x128xf32, #tpu.memory_space<vmem>>, vector<1x1x16xf32>,
      %parallel_loop3A_802 = arith.constant 1 : i32
      %parallel_loop3A_803 = arith.addi %parallel_loop3A_501, %parallel_loop3A_802 : i32
      %parallel_loop3A_804 = arith.constant 2 : i32
      %parallel_loop3A_805 = arith.index_cast %parallel_loop3A_804 : i32 to index
      %parallel_loop3A_806 = arith.index_cast %parallel_loop3A_803 : i32 to index
      %parallel_loop3A_807 = arith.constant 112 : index
      %parallel_loop3A_808 = tpu.vector_load %arg6[%parallel_loop3A_805, %parallel_loop3A_806, %parallel_loop3A_807] {strides = array<i32>} : memref<4x128x128xf32, #tpu.memory_space<vmem>>, vector<1x1x16xf32>,
      %parallel_loop3A_809 = vector.shape_cast %parallel_loop3A_808 : vector<1x1x16xf32> to vector<16xf32>
      %parallel_loop3A_810 = arith.constant 11.3137083 : f32
      %parallel_loop3A_811 = vector.broadcast %parallel_loop3A_810 : f32 to vector<16xf32>
      %parallel_loop3A_812 = arith.mulf %parallel_loop3A_809, %parallel_loop3A_811 : vector<16xf32>
      %parallel_loop3A_813 = arith.constant 1 : i32
      %parallel_loop3A_814 = arith.addi %parallel_loop3A_501, %parallel_loop3A_813 : i32
      %parallel_loop3A_815 = arith.constant 2 : i32
      %parallel_loop3A_816 = arith.index_cast %parallel_loop3A_815 : i32 to index
      %parallel_loop3A_817 = arith.index_cast %parallel_loop3A_814 : i32 to index
      %parallel_loop3A_818 = arith.constant 112 : index
      %parallel_loop3A_819 = tpu.vector_load %arg6[%parallel_loop3A_816, %parallel_loop3A_817, %parallel_loop3A_818] {strides = array<i32>} : memref<4x128x128xf32, #tpu.memory_space<vmem>>, vector<1x1x16xf32>,
      %parallel_loop3A_820 = vector.shape_cast %parallel_loop3A_819 : vector<1x1x16xf32> to vector<16xf32>
      %parallel_loop3A_821 = vector.shape_cast %parallel_loop3A_812 : vector<16xf32> to vector<1x1x16xf32>
      tpu.vector_store %arg6[%parallel_loop3A_816, %parallel_loop3A_817, %parallel_loop3A_818], %parallel_loop3A_821 {strides = array<i32>} : memref<4x128x128xf32, #tpu.memory_space<vmem>>, vector<1x1x16xf32>,
    } {sc.loop_unroll_factor = 1 : i64, sc.parallel_access}
    %add3A_389 = arith.constant 198 : i32
    %add3A_390 = arith.addi %mul3A_2, %add3A_389 : i32
    %mul3A_391 = arith.constant 128 : i32
    %mul3A_392 = arith.muli %add3A_390, %mul3A_391 : i32
    %dma_start3A_393 = arith.constant 2 : i32
    %dma_start3A_394 = arith.constant 0 : i32
    %dma_start3A_395 = arith.constant 0 : i32
    %dma_start3A_396 = tpu.memref_slice %arg6[%dma_start3A_393, %dma_start3A_394, %dma_start3A_395] : memref<4x128x128xf32, #tpu.memory_space<vmem>> -> memref<1x128x128xf32, #tpu.memory_space<vmem>>
    %dma_start3A_397 = tpu.memref_squeeze %dma_start3A_396 : memref<1x128x128xf32, #tpu.memory_space<vmem>> -> memref<128x128xf32, #tpu.memory_space<vmem>>
    %dma_start3A_398 = arith.constant 0 : i32
    %dma_start3A_399 = tpu.memref_slice %arg4[%mul3A_392, %dma_start3A_398] : memref<819200x128xf32, #tpu.memory_space<hbm>> -> memref<128x128xf32, #tpu.memory_space<hbm>>
    %dma_start3A_400 = arith.constant 0 : i32
    %dma_start3A_401 = tpu.memref_slice %arg4[%mul3A_392, %dma_start3A_400] : memref<819200x128xf32, #tpu.memory_space<hbm>> -> memref<128x128xf32, #tpu.memory_space<hbm>>
    %dma_start3A_402 = arith.constant 0 : i32
    %dma_start3A_403 = arith.constant 0 : i32
    %dma_start3A_404 = tpu.memref_slice %arg6[%dma_start3A_393, %dma_start3A_402, %dma_start3A_403] : memref<4x128x128xf32, #tpu.memory_space<vmem>> -> memref<1x128x128xf32, #tpu.memory_space<vmem>>
    %dma_start3A_405 = tpu.memref_squeeze %dma_start3A_404 : memref<1x128x128xf32, #tpu.memory_space<vmem>> -> memref<128x128xf32, #tpu.memory_space<vmem>>
    tpu.enqueue_dma source(%dma_start3A_405 : memref<128x128xf32, #tpu.memory_space<vmem>>) target(%dma_start3A_401 : memref<128x128xf32, #tpu.memory_space<hbm>>) target_semaphore(%arg13 : memref<!tpu.dma_semaphore, #tpu.memory_space<semaphore_mem>>)
    %dma_wait3A_406 = arith.constant 3 : i32
    %dma_wait3A_407 = arith.constant 0 : i32
    %dma_wait3A_408 = arith.constant 0 : i32
    %dma_wait3A_409 = tpu.memref_slice %arg6[%dma_wait3A_406, %dma_wait3A_407, %dma_wait3A_408] : memref<4x128x128xf32, #tpu.memory_space<vmem>> -> memref<1x128x128xf32, #tpu.memory_space<vmem>>
    %dma_wait3A_410 = tpu.memref_squeeze %dma_wait3A_409 : memref<1x128x128xf32, #tpu.memory_space<vmem>> -> memref<128x128xf32, #tpu.memory_space<vmem>>
    %dma_wait3A_411 = arith.constant 0 : i32
    %dma_wait3A_412 = arith.constant 0 : i32
    %dma_wait3A_413 = tpu.memref_slice %arg2[%dma_wait3A_411, %dma_wait3A_412] : memref<100000x128xf32, #tpu.memory_space<hbm>> -> memref<128x128xf32, #tpu.memory_space<hbm>>
    %dma_wait3A_414 = arith.constant 0 : i32
    %dma_wait3A_415 = arith.constant 0 : i32
    %dma_wait3A_416 = tpu.memref_slice %arg6[%dma_wait3A_406, %dma_wait3A_414, %dma_wait3A_415] : memref<4x128x128xf32, #tpu.memory_space<vmem>> -> memref<1x128x128xf32, #tpu.memory_space<vmem>>
    %dma_wait3A_417 = tpu.memref_squeeze %dma_wait3A_416 : memref<1x128x128xf32, #tpu.memory_space<vmem>> -> memref<128x128xf32, #tpu.memory_space<vmem>>
    %dma_wait3A_418 = arith.constant 0 : i32
    %dma_wait3A_419 = arith.constant 0 : i32
    %dma_wait3A_420 = tpu.memref_slice %arg2[%dma_wait3A_418, %dma_wait3A_419] : memref<100000x128xf32, #tpu.memory_space<hbm>> -> memref<128x128xf32, #tpu.memory_space<hbm>>
    tpu.wait_dma2 semaphore(%arg10 : memref<!tpu.dma_semaphore, #tpu.memory_space<semaphore_mem>>) src(%dma_wait3A_420 : memref<128x128xf32, #tpu.memory_space<hbm>>) dst(%dma_wait3A_417 : memref<128x128xf32, #tpu.memory_space<vmem>>)
    %parallel_loop3A_421 = arith.constant 0 : i32
    %parallel_loop3A_422 = arith.constant 128 : i32
    %parallel_loop3A_423 = arith.constant 2 : i32
    scf.for %parallel_loop3A_501 = %parallel_loop3A_421 to %parallel_loop3A_422 step %parallel_loop3A_423  : i32 {
      %parallel_loop3A_502 = arith.constant 0 : i32
      %parallel_loop3A_503 = arith.addi %parallel_loop3A_501, %parallel_loop3A_502 : i32
      %parallel_loop3A_504 = arith.constant 3 : i32
      %parallel_loop3A_505 = arith.index_cast %parallel_loop3A_504 : i32 to index
      %parallel_loop3A_506 = arith.index_cast %parallel_loop3A_503 : i32 to index
      %parallel_loop3A_507 = arith.constant 0 : index
      %parallel_loop3A_508 = tpu.vector_load %arg6[%parallel_loop3A_505, %parallel_loop3A_506, %parallel_loop3A_507] {strides = array<i32>} : memref<4x128x128xf32, #tpu.memory_space<vmem>>, vector<1x1x16xf32>,
      %parallel_loop3A_509 = vector.shape_cast %parallel_loop3A_508 : vector<1x1x16xf32> to vector<16xf32>
      %parallel_loop3A_510 = arith.constant 11.3137083 : f32
      %parallel_loop3A_511 = vector.broadcast %parallel_loop3A_510 : f32 to vector<16xf32>
      %parallel_loop3A_512 = arith.mulf %parallel_loop3A_509, %parallel_loop3A_511 : vector<16xf32>
      %parallel_loop3A_513 = arith.constant 0 : i32
      %parallel_loop3A_514 = arith.addi %parallel_loop3A_501, %parallel_loop3A_513 : i32
      %parallel_loop3A_515 = arith.constant 3 : i32
      %parallel_loop3A_516 = arith.index_cast %parallel_loop3A_515 : i32 to index
      %parallel_loop3A_517 = arith.index_cast %parallel_loop3A_514 : i32 to index
      %parallel_loop3A_518 = arith.constant 0 : index
      %parallel_loop3A_519 = tpu.vector_load %arg6[%parallel_loop3A_516, %parallel_loop3A_517, %parallel_loop3A_518] {strides = array<i32>} : memref<4x128x128xf32, #tpu.memory_space<vmem>>, vector<1x1x16xf32>,
      %parallel_loop3A_520 = vector.shape_cast %parallel_loop3A_519 : vector<1x1x16xf32> to vector<16xf32>
      %parallel_loop3A_521 = vector.shape_cast %parallel_loop3A_512 : vector<16xf32> to vector<1x1x16xf32>
      tpu.vector_store %arg6[%parallel_loop3A_516, %parallel_loop3A_517, %parallel_loop3A_518], %parallel_loop3A_521 {strides = array<i32>} : memref<4x128x128xf32, #tpu.memory_space<vmem>>, vector<1x1x16xf32>,
      %parallel_loop3A_522 = arith.constant 0 : i32
      %parallel_loop3A_523 = arith.addi %parallel_loop3A_501, %parallel_loop3A_522 : i32
      %parallel_loop3A_524 = arith.constant 3 : i32
      %parallel_loop3A_525 = arith.index_cast %parallel_loop3A_524 : i32 to index
      %parallel_loop3A_526 = arith.index_cast %parallel_loop3A_523 : i32 to index
      %parallel_loop3A_527 = arith.constant 16 : index
      %parallel_loop3A_528 = tpu.vector_load %arg6[%parallel_loop3A_525, %parallel_loop3A_526, %parallel_loop3A_527] {strides = array<i32>} : memref<4x128x128xf32, #tpu.memory_space<vmem>>, vector<1x1x16xf32>,
      %parallel_loop3A_529 = vector.shape_cast %parallel_loop3A_528 : vector<1x1x16xf32> to vector<16xf32>
      %parallel_loop3A_530 = arith.constant 11.3137083 : f32
      %parallel_loop3A_531 = vector.broadcast %parallel_loop3A_530 : f32 to vector<16xf32>
      %parallel_loop3A_532 = arith.mulf %parallel_loop3A_529, %parallel_loop3A_531 : vector<16xf32>
      %parallel_loop3A_533 = arith.constant 0 : i32
      %parallel_loop3A_534 = arith.addi %parallel_loop3A_501, %parallel_loop3A_533 : i32
      %parallel_loop3A_535 = arith.constant 3 : i32
      %parallel_loop3A_536 = arith.index_cast %parallel_loop3A_535 : i32 to index
      %parallel_loop3A_537 = arith.index_cast %parallel_loop3A_534 : i32 to index
      %parallel_loop3A_538 = arith.constant 16 : index
      %parallel_loop3A_539 = tpu.vector_load %arg6[%parallel_loop3A_536, %parallel_loop3A_537, %parallel_loop3A_538] {strides = array<i32>} : memref<4x128x128xf32, #tpu.memory_space<vmem>>, vector<1x1x16xf32>,
      %parallel_loop3A_540 = vector.shape_cast %parallel_loop3A_539 : vector<1x1x16xf32> to vector<16xf32>
      %parallel_loop3A_541 = vector.shape_cast %parallel_loop3A_532 : vector<16xf32> to vector<1x1x16xf32>
      tpu.vector_store %arg6[%parallel_loop3A_536, %parallel_loop3A_537, %parallel_loop3A_538], %parallel_loop3A_541 {strides = array<i32>} : memref<4x128x128xf32, #tpu.memory_space<vmem>>, vector<1x1x16xf32>,
      %parallel_loop3A_542 = arith.constant 0 : i32
      %parallel_loop3A_543 = arith.addi %parallel_loop3A_501, %parallel_loop3A_542 : i32
      %parallel_loop3A_544 = arith.constant 3 : i32
      %parallel_loop3A_545 = arith.index_cast %parallel_loop3A_544 : i32 to index
      %parallel_loop3A_546 = arith.index_cast %parallel_loop3A_543 : i32 to index
      %parallel_loop3A_547 = arith.constant 32 : index
      %parallel_loop3A_548 = tpu.vector_load %arg6[%parallel_loop3A_545, %parallel_loop3A_546, %parallel_loop3A_547] {strides = array<i32>} : memref<4x128x128xf32, #tpu.memory_space<vmem>>, vector<1x1x16xf32>,
      %parallel_loop3A_549 = vector.shape_cast %parallel_loop3A_548 : vector<1x1x16xf32> to vector<16xf32>
      %parallel_loop3A_550 = arith.constant 11.3137083 : f32
      %parallel_loop3A_551 = vector.broadcast %parallel_loop3A_550 : f32 to vector<16xf32>
      %parallel_loop3A_552 = arith.mulf %parallel_loop3A_549, %parallel_loop3A_551 : vector<16xf32>
      %parallel_loop3A_553 = arith.constant 0 : i32
      %parallel_loop3A_554 = arith.addi %parallel_loop3A_501, %parallel_loop3A_553 : i32
      %parallel_loop3A_555 = arith.constant 3 : i32
      %parallel_loop3A_556 = arith.index_cast %parallel_loop3A_555 : i32 to index
      %parallel_loop3A_557 = arith.index_cast %parallel_loop3A_554 : i32 to index
      %parallel_loop3A_558 = arith.constant 32 : index
      %parallel_loop3A_559 = tpu.vector_load %arg6[%parallel_loop3A_556, %parallel_loop3A_557, %parallel_loop3A_558] {strides = array<i32>} : memref<4x128x128xf32, #tpu.memory_space<vmem>>, vector<1x1x16xf32>,
      %parallel_loop3A_560 = vector.shape_cast %parallel_loop3A_559 : vector<1x1x16xf32> to vector<16xf32>
      %parallel_loop3A_561 = vector.shape_cast %parallel_loop3A_552 : vector<16xf32> to vector<1x1x16xf32>
      tpu.vector_store %arg6[%parallel_loop3A_556, %parallel_loop3A_557, %parallel_loop3A_558], %parallel_loop3A_561 {strides = array<i32>} : memref<4x128x128xf32, #tpu.memory_space<vmem>>, vector<1x1x16xf32>,
      %parallel_loop3A_562 = arith.constant 0 : i32
      %parallel_loop3A_563 = arith.addi %parallel_loop3A_501, %parallel_loop3A_562 : i32
      %parallel_loop3A_564 = arith.constant 3 : i32
      %parallel_loop3A_565 = arith.index_cast %parallel_loop3A_564 : i32 to index
      %parallel_loop3A_566 = arith.index_cast %parallel_loop3A_563 : i32 to index
      %parallel_loop3A_567 = arith.constant 48 : index
      %parallel_loop3A_568 = tpu.vector_load %arg6[%parallel_loop3A_565, %parallel_loop3A_566, %parallel_loop3A_567] {strides = array<i32>} : memref<4x128x128xf32, #tpu.memory_space<vmem>>, vector<1x1x16xf32>,
      %parallel_loop3A_569 = vector.shape_cast %parallel_loop3A_568 : vector<1x1x16xf32> to vector<16xf32>
      %parallel_loop3A_570 = arith.constant 11.3137083 : f32
      %parallel_loop3A_571 = vector.broadcast %parallel_loop3A_570 : f32 to vector<16xf32>
      %parallel_loop3A_572 = arith.mulf %parallel_loop3A_569, %parallel_loop3A_571 : vector<16xf32>
      %parallel_loop3A_573 = arith.constant 0 : i32
      %parallel_loop3A_574 = arith.addi %parallel_loop3A_501, %parallel_loop3A_573 : i32
      %parallel_loop3A_575 = arith.constant 3 : i32
      %parallel_loop3A_576 = arith.index_cast %parallel_loop3A_575 : i32 to index
      %parallel_loop3A_577 = arith.index_cast %parallel_loop3A_574 : i32 to index
      %parallel_loop3A_578 = arith.constant 48 : index
      %parallel_loop3A_579 = tpu.vector_load %arg6[%parallel_loop3A_576, %parallel_loop3A_577, %parallel_loop3A_578] {strides = array<i32>} : memref<4x128x128xf32, #tpu.memory_space<vmem>>, vector<1x1x16xf32>,
      %parallel_loop3A_580 = vector.shape_cast %parallel_loop3A_579 : vector<1x1x16xf32> to vector<16xf32>
      %parallel_loop3A_581 = vector.shape_cast %parallel_loop3A_572 : vector<16xf32> to vector<1x1x16xf32>
      tpu.vector_store %arg6[%parallel_loop3A_576, %parallel_loop3A_577, %parallel_loop3A_578], %parallel_loop3A_581 {strides = array<i32>} : memref<4x128x128xf32, #tpu.memory_space<vmem>>, vector<1x1x16xf32>,
      %parallel_loop3A_582 = arith.constant 0 : i32
      %parallel_loop3A_583 = arith.addi %parallel_loop3A_501, %parallel_loop3A_582 : i32
      %parallel_loop3A_584 = arith.constant 3 : i32
      %parallel_loop3A_585 = arith.index_cast %parallel_loop3A_584 : i32 to index
      %parallel_loop3A_586 = arith.index_cast %parallel_loop3A_583 : i32 to index
      %parallel_loop3A_587 = arith.constant 64 : index
      %parallel_loop3A_588 = tpu.vector_load %arg6[%parallel_loop3A_585, %parallel_loop3A_586, %parallel_loop3A_587] {strides = array<i32>} : memref<4x128x128xf32, #tpu.memory_space<vmem>>, vector<1x1x16xf32>,
      %parallel_loop3A_589 = vector.shape_cast %parallel_loop3A_588 : vector<1x1x16xf32> to vector<16xf32>
      %parallel_loop3A_590 = arith.constant 11.3137083 : f32
      %parallel_loop3A_591 = vector.broadcast %parallel_loop3A_590 : f32 to vector<16xf32>
      %parallel_loop3A_592 = arith.mulf %parallel_loop3A_589, %parallel_loop3A_591 : vector<16xf32>
      %parallel_loop3A_593 = arith.constant 0 : i32
      %parallel_loop3A_594 = arith.addi %parallel_loop3A_501, %parallel_loop3A_593 : i32
      %parallel_loop3A_595 = arith.constant 3 : i32
      %parallel_loop3A_596 = arith.index_cast %parallel_loop3A_595 : i32 to index
      %parallel_loop3A_597 = arith.index_cast %parallel_loop3A_594 : i32 to index
      %parallel_loop3A_598 = arith.constant 64 : index
      %parallel_loop3A_599 = tpu.vector_load %arg6[%parallel_loop3A_596, %parallel_loop3A_597, %parallel_loop3A_598] {strides = array<i32>} : memref<4x128x128xf32, #tpu.memory_space<vmem>>, vector<1x1x16xf32>,
      %parallel_loop3A_600 = vector.shape_cast %parallel_loop3A_599 : vector<1x1x16xf32> to vector<16xf32>
      %parallel_loop3A_601 = vector.shape_cast %parallel_loop3A_592 : vector<16xf32> to vector<1x1x16xf32>
      tpu.vector_store %arg6[%parallel_loop3A_596, %parallel_loop3A_597, %parallel_loop3A_598], %parallel_loop3A_601 {strides = array<i32>} : memref<4x128x128xf32, #tpu.memory_space<vmem>>, vector<1x1x16xf32>,
      %parallel_loop3A_602 = arith.constant 0 : i32
      %parallel_loop3A_603 = arith.addi %parallel_loop3A_501, %parallel_loop3A_602 : i32
      %parallel_loop3A_604 = arith.constant 3 : i32
      %parallel_loop3A_605 = arith.index_cast %parallel_loop3A_604 : i32 to index
      %parallel_loop3A_606 = arith.index_cast %parallel_loop3A_603 : i32 to index
      %parallel_loop3A_607 = arith.constant 80 : index
      %parallel_loop3A_608 = tpu.vector_load %arg6[%parallel_loop3A_605, %parallel_loop3A_606, %parallel_loop3A_607] {strides = array<i32>} : memref<4x128x128xf32, #tpu.memory_space<vmem>>, vector<1x1x16xf32>,
      %parallel_loop3A_609 = vector.shape_cast %parallel_loop3A_608 : vector<1x1x16xf32> to vector<16xf32>
      %parallel_loop3A_610 = arith.constant 11.3137083 : f32
      %parallel_loop3A_611 = vector.broadcast %parallel_loop3A_610 : f32 to vector<16xf32>
      %parallel_loop3A_612 = arith.mulf %parallel_loop3A_609, %parallel_loop3A_611 : vector<16xf32>
      %parallel_loop3A_613 = arith.constant 0 : i32
      %parallel_loop3A_614 = arith.addi %parallel_loop3A_501, %parallel_loop3A_613 : i32
      %parallel_loop3A_615 = arith.constant 3 : i32
      %parallel_loop3A_616 = arith.index_cast %parallel_loop3A_615 : i32 to index
      %parallel_loop3A_617 = arith.index_cast %parallel_loop3A_614 : i32 to index
      %parallel_loop3A_618 = arith.constant 80 : index
      %parallel_loop3A_619 = tpu.vector_load %arg6[%parallel_loop3A_616, %parallel_loop3A_617, %parallel_loop3A_618] {strides = array<i32>} : memref<4x128x128xf32, #tpu.memory_space<vmem>>, vector<1x1x16xf32>,
      %parallel_loop3A_620 = vector.shape_cast %parallel_loop3A_619 : vector<1x1x16xf32> to vector<16xf32>
      %parallel_loop3A_621 = vector.shape_cast %parallel_loop3A_612 : vector<16xf32> to vector<1x1x16xf32>
      tpu.vector_store %arg6[%parallel_loop3A_616, %parallel_loop3A_617, %parallel_loop3A_618], %parallel_loop3A_621 {strides = array<i32>} : memref<4x128x128xf32, #tpu.memory_space<vmem>>, vector<1x1x16xf32>,
      %parallel_loop3A_622 = arith.constant 0 : i32
      %parallel_loop3A_623 = arith.addi %parallel_loop3A_501, %parallel_loop3A_622 : i32
      %parallel_loop3A_624 = arith.constant 3 : i32
      %parallel_loop3A_625 = arith.index_cast %parallel_loop3A_624 : i32 to index
      %parallel_loop3A_626 = arith.index_cast %parallel_loop3A_623 : i32 to index
      %parallel_loop3A_627 = arith.constant 96 : index
      %parallel_loop3A_628 = tpu.vector_load %arg6[%parallel_loop3A_625, %parallel_loop3A_626, %parallel_loop3A_627] {strides = array<i32>} : memref<4x128x128xf32, #tpu.memory_space<vmem>>, vector<1x1x16xf32>,
      %parallel_loop3A_629 = vector.shape_cast %parallel_loop3A_628 : vector<1x1x16xf32> to vector<16xf32>
      %parallel_loop3A_630 = arith.constant 11.3137083 : f32
      %parallel_loop3A_631 = vector.broadcast %parallel_loop3A_630 : f32 to vector<16xf32>
      %parallel_loop3A_632 = arith.mulf %parallel_loop3A_629, %parallel_loop3A_631 : vector<16xf32>
      %parallel_loop3A_633 = arith.constant 0 : i32
      %parallel_loop3A_634 = arith.addi %parallel_loop3A_501, %parallel_loop3A_633 : i32
      %parallel_loop3A_635 = arith.constant 3 : i32
      %parallel_loop3A_636 = arith.index_cast %parallel_loop3A_635 : i32 to index
      %parallel_loop3A_637 = arith.index_cast %parallel_loop3A_634 : i32 to index
      %parallel_loop3A_638 = arith.constant 96 : index
      %parallel_loop3A_639 = tpu.vector_load %arg6[%parallel_loop3A_636, %parallel_loop3A_637, %parallel_loop3A_638] {strides = array<i32>} : memref<4x128x128xf32, #tpu.memory_space<vmem>>, vector<1x1x16xf32>,
      %parallel_loop3A_640 = vector.shape_cast %parallel_loop3A_639 : vector<1x1x16xf32> to vector<16xf32>
      %parallel_loop3A_641 = vector.shape_cast %parallel_loop3A_632 : vector<16xf32> to vector<1x1x16xf32>
      tpu.vector_store %arg6[%parallel_loop3A_636, %parallel_loop3A_637, %parallel_loop3A_638], %parallel_loop3A_641 {strides = array<i32>} : memref<4x128x128xf32, #tpu.memory_space<vmem>>, vector<1x1x16xf32>,
      %parallel_loop3A_642 = arith.constant 0 : i32
      %parallel_loop3A_643 = arith.addi %parallel_loop3A_501, %parallel_loop3A_642 : i32
      %parallel_loop3A_644 = arith.constant 3 : i32
      %parallel_loop3A_645 = arith.index_cast %parallel_loop3A_644 : i32 to index
      %parallel_loop3A_646 = arith.index_cast %parallel_loop3A_643 : i32 to index
      %parallel_loop3A_647 = arith.constant 112 : index
      %parallel_loop3A_648 = tpu.vector_load %arg6[%parallel_loop3A_645, %parallel_loop3A_646, %parallel_loop3A_647] {strides = array<i32>} : memref<4x128x128xf32, #tpu.memory_space<vmem>>, vector<1x1x16xf32>,
      %parallel_loop3A_649 = vector.shape_cast %parallel_loop3A_648 : vector<1x1x16xf32> to vector<16xf32>
      %parallel_loop3A_650 = arith.constant 11.3137083 : f32
      %parallel_loop3A_651 = vector.broadcast %parallel_loop3A_650 : f32 to vector<16xf32>
      %parallel_loop3A_652 = arith.mulf %parallel_loop3A_649, %parallel_loop3A_651 : vector<16xf32>
      %parallel_loop3A_653 = arith.constant 0 : i32
      %parallel_loop3A_654 = arith.addi %parallel_loop3A_501, %parallel_loop3A_653 : i32
      %parallel_loop3A_655 = arith.constant 3 : i32
      %parallel_loop3A_656 = arith.index_cast %parallel_loop3A_655 : i32 to index
      %parallel_loop3A_657 = arith.index_cast %parallel_loop3A_654 : i32 to index
      %parallel_loop3A_658 = arith.constant 112 : index
      %parallel_loop3A_659 = tpu.vector_load %arg6[%parallel_loop3A_656, %parallel_loop3A_657, %parallel_loop3A_658] {strides = array<i32>} : memref<4x128x128xf32, #tpu.memory_space<vmem>>, vector<1x1x16xf32>,
      %parallel_loop3A_660 = vector.shape_cast %parallel_loop3A_659 : vector<1x1x16xf32> to vector<16xf32>
      %parallel_loop3A_661 = vector.shape_cast %parallel_loop3A_652 : vector<16xf32> to vector<1x1x16xf32>
      tpu.vector_store %arg6[%parallel_loop3A_656, %parallel_loop3A_657, %parallel_loop3A_658], %parallel_loop3A_661 {strides = array<i32>} : memref<4x128x128xf32, #tpu.memory_space<vmem>>, vector<1x1x16xf32>,
      %parallel_loop3A_662 = arith.constant 1 : i32
      %parallel_loop3A_663 = arith.addi %parallel_loop3A_501, %parallel_loop3A_662 : i32
      %parallel_loop3A_664 = arith.constant 3 : i32
      %parallel_loop3A_665 = arith.index_cast %parallel_loop3A_664 : i32 to index
      %parallel_loop3A_666 = arith.index_cast %parallel_loop3A_663 : i32 to index
      %parallel_loop3A_667 = arith.constant 0 : index
      %parallel_loop3A_668 = tpu.vector_load %arg6[%parallel_loop3A_665, %parallel_loop3A_666, %parallel_loop3A_667] {strides = array<i32>} : memref<4x128x128xf32, #tpu.memory_space<vmem>>, vector<1x1x16xf32>,
      %parallel_loop3A_669 = vector.shape_cast %parallel_loop3A_668 : vector<1x1x16xf32> to vector<16xf32>
      %parallel_loop3A_670 = arith.constant 11.3137083 : f32
      %parallel_loop3A_671 = vector.broadcast %parallel_loop3A_670 : f32 to vector<16xf32>
      %parallel_loop3A_672 = arith.mulf %parallel_loop3A_669, %parallel_loop3A_671 : vector<16xf32>
      %parallel_loop3A_673 = arith.constant 1 : i32
      %parallel_loop3A_674 = arith.addi %parallel_loop3A_501, %parallel_loop3A_673 : i32
      %parallel_loop3A_675 = arith.constant 3 : i32
      %parallel_loop3A_676 = arith.index_cast %parallel_loop3A_675 : i32 to index
      %parallel_loop3A_677 = arith.index_cast %parallel_loop3A_674 : i32 to index
      %parallel_loop3A_678 = arith.constant 0 : index
      %parallel_loop3A_679 = tpu.vector_load %arg6[%parallel_loop3A_676, %parallel_loop3A_677, %parallel_loop3A_678] {strides = array<i32>} : memref<4x128x128xf32, #tpu.memory_space<vmem>>, vector<1x1x16xf32>,
      %parallel_loop3A_680 = vector.shape_cast %parallel_loop3A_679 : vector<1x1x16xf32> to vector<16xf32>
      %parallel_loop3A_681 = vector.shape_cast %parallel_loop3A_672 : vector<16xf32> to vector<1x1x16xf32>
      tpu.vector_store %arg6[%parallel_loop3A_676, %parallel_loop3A_677, %parallel_loop3A_678], %parallel_loop3A_681 {strides = array<i32>} : memref<4x128x128xf32, #tpu.memory_space<vmem>>, vector<1x1x16xf32>,
      %parallel_loop3A_682 = arith.constant 1 : i32
      %parallel_loop3A_683 = arith.addi %parallel_loop3A_501, %parallel_loop3A_682 : i32
      %parallel_loop3A_684 = arith.constant 3 : i32
      %parallel_loop3A_685 = arith.index_cast %parallel_loop3A_684 : i32 to index
      %parallel_loop3A_686 = arith.index_cast %parallel_loop3A_683 : i32 to index
      %parallel_loop3A_687 = arith.constant 16 : index
      %parallel_loop3A_688 = tpu.vector_load %arg6[%parallel_loop3A_685, %parallel_loop3A_686, %parallel_loop3A_687] {strides = array<i32>} : memref<4x128x128xf32, #tpu.memory_space<vmem>>, vector<1x1x16xf32>,
      %parallel_loop3A_689 = vector.shape_cast %parallel_loop3A_688 : vector<1x1x16xf32> to vector<16xf32>
      %parallel_loop3A_690 = arith.constant 11.3137083 : f32
      %parallel_loop3A_691 = vector.broadcast %parallel_loop3A_690 : f32 to vector<16xf32>
      %parallel_loop3A_692 = arith.mulf %parallel_loop3A_689, %parallel_loop3A_691 : vector<16xf32>
      %parallel_loop3A_693 = arith.constant 1 : i32
      %parallel_loop3A_694 = arith.addi %parallel_loop3A_501, %parallel_loop3A_693 : i32
      %parallel_loop3A_695 = arith.constant 3 : i32
      %parallel_loop3A_696 = arith.index_cast %parallel_loop3A_695 : i32 to index
      %parallel_loop3A_697 = arith.index_cast %parallel_loop3A_694 : i32 to index
      %parallel_loop3A_698 = arith.constant 16 : index
      %parallel_loop3A_699 = tpu.vector_load %arg6[%parallel_loop3A_696, %parallel_loop3A_697, %parallel_loop3A_698] {strides = array<i32>} : memref<4x128x128xf32, #tpu.memory_space<vmem>>, vector<1x1x16xf32>,
      %parallel_loop3A_700 = vector.shape_cast %parallel_loop3A_699 : vector<1x1x16xf32> to vector<16xf32>
      %parallel_loop3A_701 = vector.shape_cast %parallel_loop3A_692 : vector<16xf32> to vector<1x1x16xf32>
      tpu.vector_store %arg6[%parallel_loop3A_696, %parallel_loop3A_697, %parallel_loop3A_698], %parallel_loop3A_701 {strides = array<i32>} : memref<4x128x128xf32, #tpu.memory_space<vmem>>, vector<1x1x16xf32>,
      %parallel_loop3A_702 = arith.constant 1 : i32
      %parallel_loop3A_703 = arith.addi %parallel_loop3A_501, %parallel_loop3A_702 : i32
      %parallel_loop3A_704 = arith.constant 3 : i32
      %parallel_loop3A_705 = arith.index_cast %parallel_loop3A_704 : i32 to index
      %parallel_loop3A_706 = arith.index_cast %parallel_loop3A_703 : i32 to index
      %parallel_loop3A_707 = arith.constant 32 : index
      %parallel_loop3A_708 = tpu.vector_load %arg6[%parallel_loop3A_705, %parallel_loop3A_706, %parallel_loop3A_707] {strides = array<i32>} : memref<4x128x128xf32, #tpu.memory_space<vmem>>, vector<1x1x16xf32>,
      %parallel_loop3A_709 = vector.shape_cast %parallel_loop3A_708 : vector<1x1x16xf32> to vector<16xf32>
      %parallel_loop3A_710 = arith.constant 11.3137083 : f32
      %parallel_loop3A_711 = vector.broadcast %parallel_loop3A_710 : f32 to vector<16xf32>
      %parallel_loop3A_712 = arith.mulf %parallel_loop3A_709, %parallel_loop3A_711 : vector<16xf32>
      %parallel_loop3A_713 = arith.constant 1 : i32
      %parallel_loop3A_714 = arith.addi %parallel_loop3A_501, %parallel_loop3A_713 : i32
      %parallel_loop3A_715 = arith.constant 3 : i32
      %parallel_loop3A_716 = arith.index_cast %parallel_loop3A_715 : i32 to index
      %parallel_loop3A_717 = arith.index_cast %parallel_loop3A_714 : i32 to index
      %parallel_loop3A_718 = arith.constant 32 : index
      %parallel_loop3A_719 = tpu.vector_load %arg6[%parallel_loop3A_716, %parallel_loop3A_717, %parallel_loop3A_718] {strides = array<i32>} : memref<4x128x128xf32, #tpu.memory_space<vmem>>, vector<1x1x16xf32>,
      %parallel_loop3A_720 = vector.shape_cast %parallel_loop3A_719 : vector<1x1x16xf32> to vector<16xf32>
      %parallel_loop3A_721 = vector.shape_cast %parallel_loop3A_712 : vector<16xf32> to vector<1x1x16xf32>
      tpu.vector_store %arg6[%parallel_loop3A_716, %parallel_loop3A_717, %parallel_loop3A_718], %parallel_loop3A_721 {strides = array<i32>} : memref<4x128x128xf32, #tpu.memory_space<vmem>>, vector<1x1x16xf32>,
      %parallel_loop3A_722 = arith.constant 1 : i32
      %parallel_loop3A_723 = arith.addi %parallel_loop3A_501, %parallel_loop3A_722 : i32
      %parallel_loop3A_724 = arith.constant 3 : i32
      %parallel_loop3A_725 = arith.index_cast %parallel_loop3A_724 : i32 to index
      %parallel_loop3A_726 = arith.index_cast %parallel_loop3A_723 : i32 to index
      %parallel_loop3A_727 = arith.constant 48 : index
      %parallel_loop3A_728 = tpu.vector_load %arg6[%parallel_loop3A_725, %parallel_loop3A_726, %parallel_loop3A_727] {strides = array<i32>} : memref<4x128x128xf32, #tpu.memory_space<vmem>>, vector<1x1x16xf32>,
      %parallel_loop3A_729 = vector.shape_cast %parallel_loop3A_728 : vector<1x1x16xf32> to vector<16xf32>
      %parallel_loop3A_730 = arith.constant 11.3137083 : f32
      %parallel_loop3A_731 = vector.broadcast %parallel_loop3A_730 : f32 to vector<16xf32>
      %parallel_loop3A_732 = arith.mulf %parallel_loop3A_729, %parallel_loop3A_731 : vector<16xf32>
      %parallel_loop3A_733 = arith.constant 1 : i32
      %parallel_loop3A_734 = arith.addi %parallel_loop3A_501, %parallel_loop3A_733 : i32
      %parallel_loop3A_735 = arith.constant 3 : i32
      %parallel_loop3A_736 = arith.index_cast %parallel_loop3A_735 : i32 to index
      %parallel_loop3A_737 = arith.index_cast %parallel_loop3A_734 : i32 to index
      %parallel_loop3A_738 = arith.constant 48 : index
      %parallel_loop3A_739 = tpu.vector_load %arg6[%parallel_loop3A_736, %parallel_loop3A_737, %parallel_loop3A_738] {strides = array<i32>} : memref<4x128x128xf32, #tpu.memory_space<vmem>>, vector<1x1x16xf32>,
      %parallel_loop3A_740 = vector.shape_cast %parallel_loop3A_739 : vector<1x1x16xf32> to vector<16xf32>
      %parallel_loop3A_741 = vector.shape_cast %parallel_loop3A_732 : vector<16xf32> to vector<1x1x16xf32>
      tpu.vector_store %arg6[%parallel_loop3A_736, %parallel_loop3A_737, %parallel_loop3A_738], %parallel_loop3A_741 {strides = array<i32>} : memref<4x128x128xf32, #tpu.memory_space<vmem>>, vector<1x1x16xf32>,
      %parallel_loop3A_742 = arith.constant 1 : i32
      %parallel_loop3A_743 = arith.addi %parallel_loop3A_501, %parallel_loop3A_742 : i32
      %parallel_loop3A_744 = arith.constant 3 : i32
      %parallel_loop3A_745 = arith.index_cast %parallel_loop3A_744 : i32 to index
      %parallel_loop3A_746 = arith.index_cast %parallel_loop3A_743 : i32 to index
      %parallel_loop3A_747 = arith.constant 64 : index
      %parallel_loop3A_748 = tpu.vector_load %arg6[%parallel_loop3A_745, %parallel_loop3A_746, %parallel_loop3A_747] {strides = array<i32>} : memref<4x128x128xf32, #tpu.memory_space<vmem>>, vector<1x1x16xf32>,
      %parallel_loop3A_749 = vector.shape_cast %parallel_loop3A_748 : vector<1x1x16xf32> to vector<16xf32>
      %parallel_loop3A_750 = arith.constant 11.3137083 : f32
      %parallel_loop3A_751 = vector.broadcast %parallel_loop3A_750 : f32 to vector<16xf32>
      %parallel_loop3A_752 = arith.mulf %parallel_loop3A_749, %parallel_loop3A_751 : vector<16xf32>
      %parallel_loop3A_753 = arith.constant 1 : i32
      %parallel_loop3A_754 = arith.addi %parallel_loop3A_501, %parallel_loop3A_753 : i32
      %parallel_loop3A_755 = arith.constant 3 : i32
      %parallel_loop3A_756 = arith.index_cast %parallel_loop3A_755 : i32 to index
      %parallel_loop3A_757 = arith.index_cast %parallel_loop3A_754 : i32 to index
      %parallel_loop3A_758 = arith.constant 64 : index
      %parallel_loop3A_759 = tpu.vector_load %arg6[%parallel_loop3A_756, %parallel_loop3A_757, %parallel_loop3A_758] {strides = array<i32>} : memref<4x128x128xf32, #tpu.memory_space<vmem>>, vector<1x1x16xf32>,
      %parallel_loop3A_760 = vector.shape_cast %parallel_loop3A_759 : vector<1x1x16xf32> to vector<16xf32>
      %parallel_loop3A_761 = vector.shape_cast %parallel_loop3A_752 : vector<16xf32> to vector<1x1x16xf32>
      tpu.vector_store %arg6[%parallel_loop3A_756, %parallel_loop3A_757, %parallel_loop3A_758], %parallel_loop3A_761 {strides = array<i32>} : memref<4x128x128xf32, #tpu.memory_space<vmem>>, vector<1x1x16xf32>,
      %parallel_loop3A_762 = arith.constant 1 : i32
      %parallel_loop3A_763 = arith.addi %parallel_loop3A_501, %parallel_loop3A_762 : i32
      %parallel_loop3A_764 = arith.constant 3 : i32
      %parallel_loop3A_765 = arith.index_cast %parallel_loop3A_764 : i32 to index
      %parallel_loop3A_766 = arith.index_cast %parallel_loop3A_763 : i32 to index
      %parallel_loop3A_767 = arith.constant 80 : index
      %parallel_loop3A_768 = tpu.vector_load %arg6[%parallel_loop3A_765, %parallel_loop3A_766, %parallel_loop3A_767] {strides = array<i32>} : memref<4x128x128xf32, #tpu.memory_space<vmem>>, vector<1x1x16xf32>,
      %parallel_loop3A_769 = vector.shape_cast %parallel_loop3A_768 : vector<1x1x16xf32> to vector<16xf32>
      %parallel_loop3A_770 = arith.constant 11.3137083 : f32
      %parallel_loop3A_771 = vector.broadcast %parallel_loop3A_770 : f32 to vector<16xf32>
      %parallel_loop3A_772 = arith.mulf %parallel_loop3A_769, %parallel_loop3A_771 : vector<16xf32>
      %parallel_loop3A_773 = arith.constant 1 : i32
      %parallel_loop3A_774 = arith.addi %parallel_loop3A_501, %parallel_loop3A_773 : i32
      %parallel_loop3A_775 = arith.constant 3 : i32
      %parallel_loop3A_776 = arith.index_cast %parallel_loop3A_775 : i32 to index
      %parallel_loop3A_777 = arith.index_cast %parallel_loop3A_774 : i32 to index
      %parallel_loop3A_778 = arith.constant 80 : index
      %parallel_loop3A_779 = tpu.vector_load %arg6[%parallel_loop3A_776, %parallel_loop3A_777, %parallel_loop3A_778] {strides = array<i32>} : memref<4x128x128xf32, #tpu.memory_space<vmem>>, vector<1x1x16xf32>,
      %parallel_loop3A_780 = vector.shape_cast %parallel_loop3A_779 : vector<1x1x16xf32> to vector<16xf32>
      %parallel_loop3A_781 = vector.shape_cast %parallel_loop3A_772 : vector<16xf32> to vector<1x1x16xf32>
      tpu.vector_store %arg6[%parallel_loop3A_776, %parallel_loop3A_777, %parallel_loop3A_778], %parallel_loop3A_781 {strides = array<i32>} : memref<4x128x128xf32, #tpu.memory_space<vmem>>, vector<1x1x16xf32>,
      %parallel_loop3A_782 = arith.constant 1 : i32
      %parallel_loop3A_783 = arith.addi %parallel_loop3A_501, %parallel_loop3A_782 : i32
      %parallel_loop3A_784 = arith.constant 3 : i32
      %parallel_loop3A_785 = arith.index_cast %parallel_loop3A_784 : i32 to index
      %parallel_loop3A_786 = arith.index_cast %parallel_loop3A_783 : i32 to index
      %parallel_loop3A_787 = arith.constant 96 : index
      %parallel_loop3A_788 = tpu.vector_load %arg6[%parallel_loop3A_785, %parallel_loop3A_786, %parallel_loop3A_787] {strides = array<i32>} : memref<4x128x128xf32, #tpu.memory_space<vmem>>, vector<1x1x16xf32>,
      %parallel_loop3A_789 = vector.shape_cast %parallel_loop3A_788 : vector<1x1x16xf32> to vector<16xf32>
      %parallel_loop3A_790 = arith.constant 11.3137083 : f32
      %parallel_loop3A_791 = vector.broadcast %parallel_loop3A_790 : f32 to vector<16xf32>
      %parallel_loop3A_792 = arith.mulf %parallel_loop3A_789, %parallel_loop3A_791 : vector<16xf32>
      %parallel_loop3A_793 = arith.constant 1 : i32
      %parallel_loop3A_794 = arith.addi %parallel_loop3A_501, %parallel_loop3A_793 : i32
      %parallel_loop3A_795 = arith.constant 3 : i32
      %parallel_loop3A_796 = arith.index_cast %parallel_loop3A_795 : i32 to index
      %parallel_loop3A_797 = arith.index_cast %parallel_loop3A_794 : i32 to index
      %parallel_loop3A_798 = arith.constant 96 : index
      %parallel_loop3A_799 = tpu.vector_load %arg6[%parallel_loop3A_796, %parallel_loop3A_797, %parallel_loop3A_798] {strides = array<i32>} : memref<4x128x128xf32, #tpu.memory_space<vmem>>, vector<1x1x16xf32>,
      %parallel_loop3A_800 = vector.shape_cast %parallel_loop3A_799 : vector<1x1x16xf32> to vector<16xf32>
      %parallel_loop3A_801 = vector.shape_cast %parallel_loop3A_792 : vector<16xf32> to vector<1x1x16xf32>
      tpu.vector_store %arg6[%parallel_loop3A_796, %parallel_loop3A_797, %parallel_loop3A_798], %parallel_loop3A_801 {strides = array<i32>} : memref<4x128x128xf32, #tpu.memory_space<vmem>>, vector<1x1x16xf32>,
      %parallel_loop3A_802 = arith.constant 1 : i32
      %parallel_loop3A_803 = arith.addi %parallel_loop3A_501, %parallel_loop3A_802 : i32
      %parallel_loop3A_804 = arith.constant 3 : i32
      %parallel_loop3A_805 = arith.index_cast %parallel_loop3A_804 : i32 to index
      %parallel_loop3A_806 = arith.index_cast %parallel_loop3A_803 : i32 to index
      %parallel_loop3A_807 = arith.constant 112 : index
      %parallel_loop3A_808 = tpu.vector_load %arg6[%parallel_loop3A_805, %parallel_loop3A_806, %parallel_loop3A_807] {strides = array<i32>} : memref<4x128x128xf32, #tpu.memory_space<vmem>>, vector<1x1x16xf32>,
      %parallel_loop3A_809 = vector.shape_cast %parallel_loop3A_808 : vector<1x1x16xf32> to vector<16xf32>
      %parallel_loop3A_810 = arith.constant 11.3137083 : f32
      %parallel_loop3A_811 = vector.broadcast %parallel_loop3A_810 : f32 to vector<16xf32>
      %parallel_loop3A_812 = arith.mulf %parallel_loop3A_809, %parallel_loop3A_811 : vector<16xf32>
      %parallel_loop3A_813 = arith.constant 1 : i32
      %parallel_loop3A_814 = arith.addi %parallel_loop3A_501, %parallel_loop3A_813 : i32
      %parallel_loop3A_815 = arith.constant 3 : i32
      %parallel_loop3A_816 = arith.index_cast %parallel_loop3A_815 : i32 to index
      %parallel_loop3A_817 = arith.index_cast %parallel_loop3A_814 : i32 to index
      %parallel_loop3A_818 = arith.constant 112 : index
      %parallel_loop3A_819 = tpu.vector_load %arg6[%parallel_loop3A_816, %parallel_loop3A_817, %parallel_loop3A_818] {strides = array<i32>} : memref<4x128x128xf32, #tpu.memory_space<vmem>>, vector<1x1x16xf32>,
      %parallel_loop3A_820 = vector.shape_cast %parallel_loop3A_819 : vector<1x1x16xf32> to vector<16xf32>
      %parallel_loop3A_821 = vector.shape_cast %parallel_loop3A_812 : vector<16xf32> to vector<1x1x16xf32>
      tpu.vector_store %arg6[%parallel_loop3A_816, %parallel_loop3A_817, %parallel_loop3A_818], %parallel_loop3A_821 {strides = array<i32>} : memref<4x128x128xf32, #tpu.memory_space<vmem>>, vector<1x1x16xf32>,
    } {sc.loop_unroll_factor = 1 : i64, sc.parallel_access}
    %add3A_424 = arith.constant 199 : i32
    %add3A_425 = arith.addi %mul3A_2, %add3A_424 : i32
    %mul3A_426 = arith.constant 128 : i32
    %mul3A_427 = arith.muli %add3A_425, %mul3A_426 : i32
    %dma_start3A_428 = arith.constant 3 : i32
    %dma_start3A_429 = arith.constant 0 : i32
    %dma_start3A_430 = arith.constant 0 : i32
    %dma_start3A_431 = tpu.memref_slice %arg6[%dma_start3A_428, %dma_start3A_429, %dma_start3A_430] : memref<4x128x128xf32, #tpu.memory_space<vmem>> -> memref<1x128x128xf32, #tpu.memory_space<vmem>>
    %dma_start3A_432 = tpu.memref_squeeze %dma_start3A_431 : memref<1x128x128xf32, #tpu.memory_space<vmem>> -> memref<128x128xf32, #tpu.memory_space<vmem>>
    %dma_start3A_433 = arith.constant 0 : i32
    %dma_start3A_434 = tpu.memref_slice %arg4[%mul3A_427, %dma_start3A_433] : memref<819200x128xf32, #tpu.memory_space<hbm>> -> memref<128x128xf32, #tpu.memory_space<hbm>>
    %dma_start3A_435 = arith.constant 0 : i32
    %dma_start3A_436 = tpu.memref_slice %arg4[%mul3A_427, %dma_start3A_435] : memref<819200x128xf32, #tpu.memory_space<hbm>> -> memref<128x128xf32, #tpu.memory_space<hbm>>
    %dma_start3A_437 = arith.constant 0 : i32
    %dma_start3A_438 = arith.constant 0 : i32
    %dma_start3A_439 = tpu.memref_slice %arg6[%dma_start3A_428, %dma_start3A_437, %dma_start3A_438] : memref<4x128x128xf32, #tpu.memory_space<vmem>> -> memref<1x128x128xf32, #tpu.memory_space<vmem>>
    %dma_start3A_440 = tpu.memref_squeeze %dma_start3A_439 : memref<1x128x128xf32, #tpu.memory_space<vmem>> -> memref<128x128xf32, #tpu.memory_space<vmem>>
    tpu.enqueue_dma source(%dma_start3A_440 : memref<128x128xf32, #tpu.memory_space<vmem>>) target(%dma_start3A_436 : memref<128x128xf32, #tpu.memory_space<hbm>>) target_semaphore(%arg14 : memref<!tpu.dma_semaphore, #tpu.memory_space<semaphore_mem>>)
    %dma_wait3A_441 = arith.constant 0 : i32
    %dma_wait3A_442 = arith.constant 0 : i32
    %dma_wait3A_443 = arith.constant 0 : i32
    %dma_wait3A_444 = tpu.memref_slice %arg6[%dma_wait3A_441, %dma_wait3A_442, %dma_wait3A_443] : memref<4x128x128xf32, #tpu.memory_space<vmem>> -> memref<1x128x128xf32, #tpu.memory_space<vmem>>
    %dma_wait3A_445 = tpu.memref_squeeze %dma_wait3A_444 : memref<1x128x128xf32, #tpu.memory_space<vmem>> -> memref<128x128xf32, #tpu.memory_space<vmem>>
    %dma_wait3A_446 = arith.constant 0 : i32
    %dma_wait3A_447 = arith.constant 0 : i32
    %dma_wait3A_448 = tpu.memref_slice %arg4[%dma_wait3A_446, %dma_wait3A_447] : memref<819200x128xf32, #tpu.memory_space<hbm>> -> memref<128x128xf32, #tpu.memory_space<hbm>>
    %dma_wait3A_449 = arith.constant 0 : i32
    %dma_wait3A_450 = arith.constant 0 : i32
    %dma_wait3A_451 = tpu.memref_slice %arg4[%dma_wait3A_449, %dma_wait3A_450] : memref<819200x128xf32, #tpu.memory_space<hbm>> -> memref<128x128xf32, #tpu.memory_space<hbm>>
    %dma_wait3A_452 = arith.constant 0 : i32
    %dma_wait3A_453 = arith.constant 0 : i32
    %dma_wait3A_454 = tpu.memref_slice %arg6[%dma_wait3A_441, %dma_wait3A_452, %dma_wait3A_453] : memref<4x128x128xf32, #tpu.memory_space<vmem>> -> memref<1x128x128xf32, #tpu.memory_space<vmem>>
    %dma_wait3A_455 = tpu.memref_squeeze %dma_wait3A_454 : memref<1x128x128xf32, #tpu.memory_space<vmem>> -> memref<128x128xf32, #tpu.memory_space<vmem>>
    tpu.wait_dma2 semaphore(%arg11 : memref<!tpu.dma_semaphore, #tpu.memory_space<semaphore_mem>>) src(%dma_wait3A_455 : memref<128x128xf32, #tpu.memory_space<vmem>>) dst(%dma_wait3A_451 : memref<128x128xf32, #tpu.memory_space<hbm>>)
    %dma_wait3A_456 = arith.constant 1 : i32
    %dma_wait3A_457 = arith.constant 0 : i32
    %dma_wait3A_458 = arith.constant 0 : i32
    %dma_wait3A_459 = tpu.memref_slice %arg6[%dma_wait3A_456, %dma_wait3A_457, %dma_wait3A_458] : memref<4x128x128xf32, #tpu.memory_space<vmem>> -> memref<1x128x128xf32, #tpu.memory_space<vmem>>
    %dma_wait3A_460 = tpu.memref_squeeze %dma_wait3A_459 : memref<1x128x128xf32, #tpu.memory_space<vmem>> -> memref<128x128xf32, #tpu.memory_space<vmem>>
    %dma_wait3A_461 = arith.constant 0 : i32
    %dma_wait3A_462 = arith.constant 0 : i32
    %dma_wait3A_463 = tpu.memref_slice %arg4[%dma_wait3A_461, %dma_wait3A_462] : memref<819200x128xf32, #tpu.memory_space<hbm>> -> memref<128x128xf32, #tpu.memory_space<hbm>>
    %dma_wait3A_464 = arith.constant 0 : i32
    %dma_wait3A_465 = arith.constant 0 : i32
    %dma_wait3A_466 = tpu.memref_slice %arg4[%dma_wait3A_464, %dma_wait3A_465] : memref<819200x128xf32, #tpu.memory_space<hbm>> -> memref<128x128xf32, #tpu.memory_space<hbm>>
    %dma_wait3A_467 = arith.constant 0 : i32
    %dma_wait3A_468 = arith.constant 0 : i32
    %dma_wait3A_469 = tpu.memref_slice %arg6[%dma_wait3A_456, %dma_wait3A_467, %dma_wait3A_468] : memref<4x128x128xf32, #tpu.memory_space<vmem>> -> memref<1x128x128xf32, #tpu.memory_space<vmem>>
    %dma_wait3A_470 = tpu.memref_squeeze %dma_wait3A_469 : memref<1x128x128xf32, #tpu.memory_space<vmem>> -> memref<128x128xf32, #tpu.memory_space<vmem>>
    tpu.wait_dma2 semaphore(%arg12 : memref<!tpu.dma_semaphore, #tpu.memory_space<semaphore_mem>>) src(%dma_wait3A_470 : memref<128x128xf32, #tpu.memory_space<vmem>>) dst(%dma_wait3A_466 : memref<128x128xf32, #tpu.memory_space<hbm>>)
    %dma_wait3A_471 = arith.constant 2 : i32
    %dma_wait3A_472 = arith.constant 0 : i32
    %dma_wait3A_473 = arith.constant 0 : i32
    %dma_wait3A_474 = tpu.memref_slice %arg6[%dma_wait3A_471, %dma_wait3A_472, %dma_wait3A_473] : memref<4x128x128xf32, #tpu.memory_space<vmem>> -> memref<1x128x128xf32, #tpu.memory_space<vmem>>
    %dma_wait3A_475 = tpu.memref_squeeze %dma_wait3A_474 : memref<1x128x128xf32, #tpu.memory_space<vmem>> -> memref<128x128xf32, #tpu.memory_space<vmem>>
    %dma_wait3A_476 = arith.constant 0 : i32
    %dma_wait3A_477 = arith.constant 0 : i32
    %dma_wait3A_478 = tpu.memref_slice %arg4[%dma_wait3A_476, %dma_wait3A_477] : memref<819200x128xf32, #tpu.memory_space<hbm>> -> memref<128x128xf32, #tpu.memory_space<hbm>>
    %dma_wait3A_479 = arith.constant 0 : i32
    %dma_wait3A_480 = arith.constant 0 : i32
    %dma_wait3A_481 = tpu.memref_slice %arg4[%dma_wait3A_479, %dma_wait3A_480] : memref<819200x128xf32, #tpu.memory_space<hbm>> -> memref<128x128xf32, #tpu.memory_space<hbm>>
    %dma_wait3A_482 = arith.constant 0 : i32
    %dma_wait3A_483 = arith.constant 0 : i32
    %dma_wait3A_484 = tpu.memref_slice %arg6[%dma_wait3A_471, %dma_wait3A_482, %dma_wait3A_483] : memref<4x128x128xf32, #tpu.memory_space<vmem>> -> memref<1x128x128xf32, #tpu.memory_space<vmem>>
    %dma_wait3A_485 = tpu.memref_squeeze %dma_wait3A_484 : memref<1x128x128xf32, #tpu.memory_space<vmem>> -> memref<128x128xf32, #tpu.memory_space<vmem>>
    tpu.wait_dma2 semaphore(%arg13 : memref<!tpu.dma_semaphore, #tpu.memory_space<semaphore_mem>>) src(%dma_wait3A_485 : memref<128x128xf32, #tpu.memory_space<vmem>>) dst(%dma_wait3A_481 : memref<128x128xf32, #tpu.memory_space<hbm>>)
    %dma_wait3A_486 = arith.constant 3 : i32
    %dma_wait3A_487 = arith.constant 0 : i32
    %dma_wait3A_488 = arith.constant 0 : i32
    %dma_wait3A_489 = tpu.memref_slice %arg6[%dma_wait3A_486, %dma_wait3A_487, %dma_wait3A_488] : memref<4x128x128xf32, #tpu.memory_space<vmem>> -> memref<1x128x128xf32, #tpu.memory_space<vmem>>
    %dma_wait3A_490 = tpu.memref_squeeze %dma_wait3A_489 : memref<1x128x128xf32, #tpu.memory_space<vmem>> -> memref<128x128xf32, #tpu.memory_space<vmem>>
    %dma_wait3A_491 = arith.constant 0 : i32
    %dma_wait3A_492 = arith.constant 0 : i32
    %dma_wait3A_493 = tpu.memref_slice %arg4[%dma_wait3A_491, %dma_wait3A_492] : memref<819200x128xf32, #tpu.memory_space<hbm>> -> memref<128x128xf32, #tpu.memory_space<hbm>>
    %dma_wait3A_494 = arith.constant 0 : i32
    %dma_wait3A_495 = arith.constant 0 : i32
    %dma_wait3A_496 = tpu.memref_slice %arg4[%dma_wait3A_494, %dma_wait3A_495] : memref<819200x128xf32, #tpu.memory_space<hbm>> -> memref<128x128xf32, #tpu.memory_space<hbm>>
    %dma_wait3A_497 = arith.constant 0 : i32
    %dma_wait3A_498 = arith.constant 0 : i32
    %dma_wait3A_499 = tpu.memref_slice %arg6[%dma_wait3A_486, %dma_wait3A_497, %dma_wait3A_498] : memref<4x128x128xf32, #tpu.memory_space<vmem>> -> memref<1x128x128xf32, #tpu.memory_space<vmem>>
    %dma_wait3A_500 = tpu.memref_squeeze %dma_wait3A_499 : memref<1x128x128xf32, #tpu.memory_space<vmem>> -> memref<128x128xf32, #tpu.memory_space<vmem>>
    tpu.wait_dma2 semaphore(%arg14 : memref<!tpu.dma_semaphore, #tpu.memory_space<semaphore_mem>>) src(%dma_wait3A_500 : memref<128x128xf32, #tpu.memory_space<vmem>>) dst(%dma_wait3A_496 : memref<128x128xf32, #tpu.memory_space<hbm>>)
    return
  }
}

</mosaic_0001>

<sc_bundles>
// kernel: kernel.3.cloned.1.call-start
scs
__scs_entry_jumppad:
0x0: {  	(pc) =	sbr.rel $0x88, $3  }
0x1: {  	(tag) =	ssettag $0x0;
	lr =	simm.s32 $0x1  }
0x2: {  	[smem:$0x3F9F] =	sst lr;
	_ =	strace $0xD0000000  }
0x3: {  	_ = 	snop  }
0x4: {  	_ = 	snop  }
0x5: {  	_ = 	snop  }
0x6: {  	_ = 	snop  }
0x7: {  	_ = 	snop  }
__scs_overlays_trampoline_lowered:
0x8: {  	[smem:$0x3FAE] =	sst s0  }
0x9: {  	[smem:$0x3FAF] =	sst s1  }
0xa: {  	[smem:$0x3FB0] =	sst s2  }
0xb: {  	[smem:$0x3FB1] =	sst s3  }
0xc: {  	[smem:$0x3FB2] =	sst s4  }
0xd: {  	[smem:$0x3FB3] =	sst s5  }
0xe: {  	[smem:$0x3FB4] =	sst s6  }
0xf: {  	[smem:$0x3FB5] =	sst s7  }
0x10: {  	[smem:$0x3FB6] =	sst s8  }
0x11: {  	[smem:$0x3FB7] =	sst s9;
	s0 =	simm.s32 @!p0 $0x0  }
0x12: {  	s1 =	sld [smem:$0x3F9D];
	s0 =	simm.s32 @p0 $0x1  }
0x13: {  	[smem:$0x3FB8] =	sst s0;
	s0 =	simm.s32 @!p1 $0x0  }
0x14: {  	s2 =	sld [smem:$0x3F9C];
	s0 =	simm.s32 @p1 $0x1  }
0x15: {  	[smem:$0x3FB9] =	sst s0;
	s0 =	simm.s32 @!p2 $0x0  }
0x16: {  	s3 =	sld [smem:$0x3FDB];
	s0 =	simm.s32 @p2 $0x1  }
0x17: {  	s4 =	simm.s32 $0x1BF5;
	[smem:$0x3FBB] =	sst s0  }
0x18: {  	s0 =	sld [smem:$0x3F9E];
	_ =	swait.ge [sflag:s4], $0x0  }
0x19: {  	s7 =	sld [smem:$0x3F9F]  }
0x1a: {  	s8 =	sadd.s32 $0xFFFFE003, lr  }
0x1b: {  	s9 =	sadd.s32 $0xFFFFFEF7, lr;
	s5 =	simm.s32 $0xFFFFFFFF;
	p2 =	slt.u32 s8, $0xFFFFF086  }
0x1c: {  	p1 =	slt.u32 s9, $0xF7A;
	s5 =	simm.s32 @!p2 $0x0  }
0x1d: {  	s5 =	simm.s32 @p1 $0x1;
	p0 =	seq.s32 s7, s2  }
0x1e: {  	s7 =	smul.u32 @!p0 $0xF7A, s2;
	p2 =	seq.s32 @!p0 s5, $0x0  }
0x1f: {  	s9 =	smul.u32 $0xF7A, s1;
	s8 =	simm.s32 @!p0 $0x1BF5;
	p2 =	por !p2, p0  }
0x20: {  	[sflag:s8] =	ssyncset.s32 @!p0 $0xFFFFF086;
	s6 =	sadd.s32 @!p0 s3, s7;
	s7 =	simm.s32 @!p0 $0x108  }
0x21: {  	s3 =	sadd.s32 s3, s9;
	s6 =	sadd.s32 @!p0 $0x88, s6;
	s7 =	simm.s32 @p2 $0x1082  }
0x22: {  	[simem:s7], [sflag:s8] =	dma.local @!p0 [hbm:s6], $0xF7A  }
0x23: {  	s9 =	sor.u32 $0xD0000000, s2;
	s6 =	simm.s32 $0x108;
	_ =	swait.ge @!p0 [sflag:s8], $0x0  }
0x24: {  	s3 =	sadd.s32 $0x88, s3;
	s6 =	simm.s32 @!p1 $0x1082;
	[sflag:s4] =	ssyncset.s32 $0xFFFFF086  }
0x25: {  	[simem:s6], [sflag:s4] =	dma.local [hbm:s3], $0xF7A  }
0x26: {  	[smem:$0x3F9F] =	sst s1;
	(tag) =	ssettag s2;
	_ =	strace s9  }
0x27: {  	s1 =	sld [smem:$0x3FAF]  }
0x28: {  	s2 =	sld [smem:$0x3FB0]  }
0x29: {  	s4 =	sld [smem:$0x3FB2]  }
0x2a: {  	p0 =	seq.s32 s5, $0x0;
	s5 =	sld [smem:$0x3FB3]  }
0x2b: {  	s6 =	sld [smem:$0x3FB4]  }
0x2c: {  	s7 =	sld [smem:$0x3FB5]  }
0x2d: {  	s3 =	simm.s32 $0x108;
	s8 =	sld [smem:$0x3FB6]  }
0x2e: {  	s3 =	simm.s32 @!p0 $0x1082;
	s9 =	sld [smem:$0x3FB7]  }
0x2f: {  	lr =	sadd.s32 s0, s3;
	s0 =	sld [smem:$0x3FAE]  }
0x30: {  	s3 =	sld [smem:$0x3FB1]  }
0x31: {  	[smem:$0x3FBA] =	sst s10  }
0x32: {  	s10 =	sld [smem:$0x3FB8];
	_ =	sdelay $0x3  }
0x33: {  	p0 =	seq.s32 s10, $0x1;
	s10 =	sld [smem:$0x3FBA];
	_ =	sdelay $0x3  }
0x34: {  	[smem:$0x3FBA] =	sst s10  }
0x35: {  	s10 =	sld [smem:$0x3FB9];
	_ =	sdelay $0x3  }
0x36: {  	p1 =	seq.s32 s10, $0x1;
	s10 =	sld [smem:$0x3FBA];
	_ =	sdelay $0x3  }
0x37: {  	[smem:$0x3FBA] =	sst s10  }
0x38: {  	s10 =	sld [smem:$0x3FBB]  }
0x39: {  	_ = 	snop;
	(pc) =	sbr.ind lr, $3  }
0x3a: {  	_ = 	snop  }
0x3b: {  	_ = 	snop  }
0x3c: {  	p2 =	seq.s32 s10, $0x1;
	s10 =	sld [smem:$0x3FBA]  }
0x3d: {  	_ =	shalt  }
0x3e: {  	_ =	shalt  }
0x3f: {  	_ =	shalt  }
0x40: {  	_ =	shalt  }
0x41: {  	_ =	shalt  }
0x42: {  	_ =	shalt  }
0x43: {  	_ =	shalt  }
0x44: {  	_ =	shalt  }
0x45: {  	_ =	shalt  }
0x46: {  	_ =	shalt  }
0x47: {  	_ =	shalt  }
0x48: {  	_ =	shalt  }
0x49: {  	_ =	shalt  }
0x4a: {  	_ =	shalt  }
0x4b: {  	_ =	shalt  }
0x4c: {  	_ =	shalt  }
0x4d: {  	_ =	shalt  }
0x4e: {  	_ =	shalt  }
0x4f: {  	_ =	shalt  }
0x50: {  	_ =	shalt  }
0x51: {  	_ =	shalt  }
0x52: {  	_ =	shalt  }
0x53: {  	_ =	shalt  }
0x54: {  	_ =	shalt  }
0x55: {  	_ =	shalt  }
0x56: {  	_ =	shalt  }
0x57: {  	_ =	shalt  }
0x58: {  	_ =	shalt  }
0x59: {  	_ =	shalt  }
0x5a: {  	_ =	shalt  }
0x5b: {  	_ =	shalt  }
0x5c: {  	_ =	shalt  }
0x5d: {  	_ =	shalt  }
0x5e: {  	_ =	shalt  }
0x5f: {  	_ =	shalt  }
0x60: {  	_ =	shalt  }
0x61: {  	_ =	shalt  }
0x62: {  	_ =	shalt  }
0x63: {  	_ =	shalt  }
0x64: {  	_ =	shalt  }
0x65: {  	_ =	shalt  }
0x66: {  	_ =	shalt  }
0x67: {  	_ =	shalt  }
0x68: {  	_ =	shalt  }
0x69: {  	_ =	shalt  }
0x6a: {  	_ =	shalt  }
0x6b: {  	_ =	shalt  }
0x6c: {  	_ =	shalt  }
0x6d: {  	_ =	shalt  }
0x6e: {  	_ =	shalt  }
0x6f: {  	_ =	shalt  }
0x70: {  	_ =	shalt  }
0x71: {  	_ =	shalt  }
0x72: {  	_ =	shalt  }
0x73: {  	_ =	shalt  }
0x74: {  	_ =	shalt  }
0x75: {  	_ =	shalt  }
0x76: {  	_ =	shalt  }
0x77: {  	_ =	shalt  }
0x78: {  	_ =	shalt  }
0x79: {  	_ =	shalt  }
0x7a: {  	_ =	shalt  }
0x7b: {  	_ =	shalt  }
0x7c: {  	_ =	shalt  }
0x7d: {  	_ =	shalt  }
0x7e: {  	_ =	shalt  }
0x7f: {  	_ =	shalt  }
0x80: {  	_ =	shalt  }
0x81: {  	_ =	shalt  }
0x82: {  	_ =	shalt  }
0x83: {  	_ =	shalt  }
0x84: {  	_ =	shalt  }
0x85: {  	_ =	shalt  }
0x86: {  	_ =	shalt  }
0x87: {  	_ =	shalt  }
.Lfunc_end0:
.L_simem_size_0:
called_computation_lowered:
.L_overlay_start_0:
0x88: {  	s2 =	sld [smem:$0x3FD9]  }
0x89: {  	s3 =	sld [smem:$0x3FFE];
	_ =	sdelay $0x1  }
0x8a: {  	s1 =	srdreg.scid  }
0x8b: {  	s0 =	sand.u32 $0x1, s1  }
0x8c: {  	s17 =	sshll.u32 s0, $0xA;
	s2 =	sadd.s32 s3, s2  }
0x8d: {  	s2 =	sadd.s32 s2, s17  }
0x8e: {  	[smem:$0x3FC6] =	sst s2  }
0x8f: {  	_ = 	snop  }
0x90: {  	s2 =	sld [smem:$0x3FC8]  }
0x91: {  	s18 =	sld [smem:$0x3FD0];
	(tm) =	ssettm $0x1  }
0x92: {  	s4 =	sld [smem:$0x3FFB];
	_ =	sdelay $0x3  }
0x93: {  	_ =	strace s4  }
0x94: {  	s4 =	sld [smem:$0x3FFC];
	_ =	sdelay $0x3  }
0x95: {  	_ =	strace s4  }
0x96: {  	s4 =	sld [smem:$0x3FFD];
	_ =	sdelay $0x3  }
0x97: {  	_ =	strace s4  }
0x98: {  	_ =	strace $0x8FFFFFFF  }
0x99: {  	s19 =	sld [smem:$0x3FDB];
	_ =	sdelay $0x1  }
0x9a: {  	s5 =	simm.s32 $_scs_section_size  }
0x9b: {  	s6 =	simm.s32 $_size__tile_overlayer_lowered;
	s7 =	simm.s32 $_tile_overlayer_lowered  }
0x9c: {  	s22 =	simm.s32 $0x1BFF;
	s21 =	sshll.u32 s7, $0x1;
	s4 =	sadd.s32 s5, s19  }
0x9d: {  	s8 =	simm.s32 $0x0;
	s20 =	sshll.u32 s6, $0x1;
	s6 =	sadd.s32 s21, s4  }
0x9e: {  	[timem:s8], [sflag:s22] =	dma.local [hbm:s6], s20  }
0x9f: {  	_ =	swait.ge [sflag:s22], s20  }
0xa0: {  	s5 =	ssub.s32 $0x0, s20;
	[sflag:s22] =	ssyncset.done $0x0  }
0xa1: {  	[sflag:s22] =	ssyncadd.s32 s5;
	_ =	sdelay $0x1  }
0xa2: {  	s23 =	simm.s32 $0x1B8B  }
0xa3: {  	_ =	swait.ge [sflag:s23], $0x1  }
0xa4: {  	[sflag:s23] =	ssyncset.done $0x0  }
0xa5: {  	s25 =	simm.s32 $0x1B8E;
	s24 =	sld [smem:$0x3FFE];
	[sflag:s23] =	ssyncadd.s32 $0xFFFFFFFF  }
0xa6: {  	s26 =	simm.s32 $execute0_lowered;
	[smem:$0x3FD2] =	sst s25  }
0xa7: {  	s6 =	sshll.u32 s26, $0x1;
	_ =	strace $0x80000046;
	[dreg:$0x1] =	wrdreg $0xFFFFFFFF  }
0xa8: {  	s28 =	simm.s32 $_size_execute0_lowered;
	s4 =	sadd.s32 s4, s6;
	[dreg:$0x0] =	wrdreg $0x0  }
0xa9: {  	s6 =	sshll.u32 s28, $0x1;
	[dreg:$0x2] =	wrdreg s4  }
0xaa: {  	[dreg:$0x3] =	wrdreg s6  }
0xab: {  	[dreg:$0x4] =	wrdreg $0xC0  }
0xac: {  	_ =	task [dreg:s8], $0x5FFFF  }
0xad: {  	[dreg:$0x1] =	wrdreg $0xFFFFFFFF  }
0xae: {  	[dreg:$0x0] =	wrdreg $0x60  }
0xaf: {  	[dreg:$0x2] =	wrdreg s2  }
0xb0: {  	[dreg:$0x3] =	wrdreg s24  }
0xb1: {  	[dreg:$0x4] =	wrdreg s18  }
0xb2: {  	[dreg:$0x5] =	wrdreg $0x9  }
0xb3: {  	_ =	task.clear_ibuf [dreg:s8], $0x6FFFF;
	_ =	strace $0x90000046  }
0xb4: {  	s29 =	simm.s32 $0x9;
	_ =	strace $0x80000048  }
0xb5: {  	_ =	swait.ge [sflag:s29], $0x1  }
0xb6: {  	[sflag:s29] =	ssyncadd.s32 $0xFFFFFFFF  }
0xb7: {  	_ =	strace $0x90000048  }
0xb8: {  	_ =	sfence  }
0xb9: {  	s30 =	sld [smem:$0x0];
	_ =	sdelay $0x2  }
0xba: {  	s31 =	sshll.u32 s1, $0xD;
	s1 =	sshrl.u32 s1, $0x2  }
0xbb: {  	s3 =	sand.u32 $0x4000, s31;
	s1 =	sadd.s32 s1, s30  }
0xbc: {  	s0 =	sor.u32 s3, s0;
	s1 =	sshll.u32 s1, $0x11  }
0xbd: {  	s0 =	sor.u32 s1, s0  }
0xbe: {  	s0 =	sadd.s32 $0x8F2B, s0  }
0xbf: {  	[sflag:s0] =	ssyncadd.remote.s32 $0x1  }
0xc0: {  	_ =	sfence.sel $0xFFFF  }
0xc1: {  	[dreg:$0x0] =	wrdreg $0xFFFFFFFF;
	(pc) =	sbr.abs _section_cstart, $3  }
0xc2: {  	[dreg:$0x1] =	wrdreg $0xFFFFFFFF  }
0xc3: {  	_ =	task.clear_ibuf [dreg:s8], $0x2FFFF;
	_ =	strace $0x9FFFFFFF  }
0xc4: {  	(tm) =	ssettm $0x7FFFFFFF  }
0xc5: {  	_ =	shalt  }
tec
execute0_lowered:
.L_overlay_start_1:
0x0: {  	(tag) =	ssettag $0x1  }
0x1: {  	s1 =	rddreg [dreg:$0x0]  }
0x2: {  	s0 =	rddreg [dreg:$0x1];
	s2 =	srdreg.scid  }
0x3: {  	s4 =	stileid.u32;
	s3 =	rddreg [dreg:$0x2]  }
0x4: {  	s17 =	simm.s32 $0x9;
	s18 =	simm.s32 $0x80;
	s19 =	simm.s32 $0x6400  }
0x5: {  	s20 =	simm.s32 $0xA400;
	s2 =	sand.u32 $0x1, s2;
	s5 =	sshll.u32 s4, $0x1  }
0x6: {  	s28 =	simm.s32 $0x5;
	s30 =	simm.s32 $0x3;
	s5 =	sor.u32 s2, s5  }
0x7: {  	s31 =	simm.s32 $0x6;
	s4 =	simm.s32 $0x0;
	s6 =	smul.u32 $0xC80, s5  }
0x8: {  	s29 =	simm.s32 $0x0;
	[smem:$0x7FF] =	sst s4;
	s7 =	smul.u32 $0x64000, s5  }
0x9: {  	s2 =	ssub.s32 $0x2, s2;
	_ =	strace $0x80000047;
	s8 =	smul.u32 $0x320000, s5  }
0xa: {  	s21 =	sshrl.u32 s2, $0x1;
	s5 =	smul.u32 $0xC8, s5;
	s0 =	sadd.s32 s6, s0  }
0xb: {  	s2 =	ssub.s32 s2, s21;
	s6 =	sadd.s32 s3, s7;
	s0 =	sadd.s32 $0x400, s0  }
0xc: {  	s21 =	simm.s32 $0x7;
	s22 =	sadd.s32 $0x800, s6;
	[dreg:$0x4] =	wrdreg s0  }
0xd: {  	s23 =	sshrl.u32 s8, $0x3;
	s7 =	sadd.s32 $0x1000, s6;
	[dreg:$0x5] =	wrdreg s22  }
0xe: {  	s11 =	sor.u32 $0x1, s5;
	s24 =	sadd.s32 $0x1800, s6;
	[dreg:$0x6] =	wrdreg s7  }
0xf: {  	s16 =	smax.u32 s2, $0x1;
	[dreg:$0x7] =	wrdreg s24;
	s0 =	sadd.s32 s3, s23  }
0x10: {  	s22 =	simm.s32 $0xE400;
	s23 =	simm.s32 $0x1;
	s24 =	simm.s32 $0x8  }
0x11: {  	s25 =	sadd.s32 $0x62000, s0;
	s26 =	sadd.s32 $0x62800, s0;
	s14 =	sadd.s32 $0x63000, s0  }
0x12: {  	s15 =	sadd.s32 $0x63800, s0;
	s0 =	simm.s32 $0x4;
	[dreg:$0x8] =	wrdreg s25  }
0x13: {  	[dreg:$0x9] =	wrdreg s26;
	s25 =	simm.s32 $0x12400;
	s26 =	simm.s32 $0x2  }
.LBB2_1:
0x14: {  	s2 =	rddreg [dreg:$0x4]  }
0x15: {  	[tilespmem:s4], [sflag:$0x9] =	stream.linear.gather [hbm4b:s2+s4], $0x6400, $0x38;
	[tilespmem:$0x16400] =	vst v63  }
0x16: {  	_ =	swait.ge [sflag:s17], $0x6400  }
0x17: {  	[sflag:s17] =	ssyncset.done $0x0  }
0x18: {  	[sflag:s17] =	ssyncadd.s32 $0xFFFF9C00  }
0x19: {  	[tilespmem:s19], [sflag:$0x1] =	stream.indirect.gather [hbm4b:s1+s18], $0x80, s4, s18, $0xb8;
	[tilespmem:$0x16400] =	vst v63  }
0x1a: {  	_ = 	snop  }
0x1b: {  	[tilespmem:s20], [sflag:$0x2] =	stream.indirect.gather [hbm4b:s1+s18], $0x80, s18, s18, $0xb8;
	[tilespmem:$0x16400] =	vst v63  }
0x1c: {  	s13 =	simm.s32 $0x100  }
0x1d: {  	[tilespmem:s22], [sflag:$0x3] =	stream.indirect.gather [hbm4b:s1+s18], $0x80, s13, s18, $0xb8;
	[tilespmem:$0x16400] =	vst v63  }
0x1e: {  	_ =	swait.ge [sflag:s23], $0x4000  }
0x1f: {  	[sflag:s23] =	ssyncset.done $0x0  }
0x20: {  	s2 =	simm.s32 $0x6480;
	[sflag:s23] =	ssyncadd.s32 $0xFFFFC000  }
0x21: {  	v0 =	vld [tilespmem:s2+$0x70]  }
0x22: {  	v1 =	vld [tilespmem:s2+$0xFFFFFF90]  }
0x23: {  	v2 =	vld [tilespmem:s2+$0xFFFFFFA0]  }
0x24: {  	v3 =	vld [tilespmem:s2+$0xFFFFFFB0]  }
0x25: {  	v4 =	vld [tilespmem:s2+$0xFFFFFFC0]  }
0x26: {  	v5 =	vld [tilespmem:s2+$0xFFFFFFD0];
	v0 =	vmul.f32 $1.131370830e+01, v0  }
0x27: {  	v6 =	vld [tilespmem:s2+$0xFFFFFFE0];
	v1 =	vmul.f32 $1.131370830e+01, v1  }
0x28: {  	v7 =	vld [tilespmem:s2+$0xFFFFFFF0];
	[tilespmem:s2+$0x70] =	vst v0;
	v0 =	vmul.f32 $1.131370830e+01, v2  }
0x29: {  	v8 =	vld [tilespmem:s2+$0x0];
	[tilespmem:s2+$0xFFFFFF90] =	vst v1;
	v1 =	vmul.f32 $1.131370830e+01, v3  }
0x2a: {  	v9 =	vld [tilespmem:s2+$0x10];
	[tilespmem:s2+$0xFFFFFFA0] =	vst v0;
	v0 =	vmul.f32 $1.131370830e+01, v4  }
0x2b: {  	v10 =	vld [tilespmem:s2+$0x20];
	[tilespmem:s2+$0xFFFFFFB0] =	vst v1;
	v1 =	vmul.f32 $1.131370830e+01, v5  }
0x2c: {  	v2 =	vmul.f32 $1.131370830e+01, v6;
	[tilespmem:s2+$0xFFFFFFC0] =	vst v0;
	v0 =	vld [tilespmem:s2+$0x30]  }
0x2d: {  	v3 =	vmul.f32 $1.131370830e+01, v7;
	[tilespmem:s2+$0xFFFFFFD0] =	vst v1;
	v1 =	vld [tilespmem:s2+$0x40]  }
0x2e: {  	v6 =	vmul.f32 $1.131370830e+01, v8;
	[tilespmem:s2+$0xFFFFFFE0] =	vst v2;
	v2 =	vld [tilespmem:s2+$0x50]  }
0x2f: {  	[tilespmem:s2+$0xFFFFFFF0] =	vst v3;
	v4 =	vld [tilespmem:s2+$0x60];
	v5 =	vmul.f32 $1.131370830e+01, v9  }
0x30: {  	s7 =	simm.s32 $0x0;
	s8 =	simm.s32 $0x6580;
	v3 =	vld [tilespmem:s2+$0xFFFFFF80];
	[tilespmem:s2+$0x0] =	vst v6;
	v6 =	vmul.f32 $1.131370830e+01, v10  }
.LBB2_2:
0x31: {  	v7 =	vld [tilespmem:s8+$0x70];
	s7 =	sadd.s32 $0x2, s7;
	[tilespmem:s2+$0x10] =	vst v5;
	v0 =	vmul.f32 $1.131370830e+01, v0  }
0x32: {  	v5 =	vld [tilespmem:s8+$0xFFFFFF90];
	p0 =	slt.u32 s7, $0x7E;
	[tilespmem:s2+$0x20] =	vst v6;
	v1 =	vmul.f32 $1.131370830e+01, v1  }
0x33: {  	v6 =	vld [tilespmem:s8+$0xFFFFFFA0];
	[tilespmem:s2+$0x30] =	vst v0;
	v0 =	vmul.f32 $1.131370830e+01, v2  }
0x34: {  	v2 =	vld [tilespmem:s8+$0xFFFFFFB0];
	[tilespmem:s2+$0x40] =	vst v1;
	v1 =	vmul.f32 $1.131370830e+01, v4  }
0x35: {  	v4 =	vld [tilespmem:s8+$0xFFFFFFC0];
	v3 =	vmul.f32 $1.131370830e+01, v3;
	[tilespmem:s2+$0x50] =	vst v0  }
0x36: {  	v0 =	vld [tilespmem:s8+$0xFFFFFFD0];
	v7 =	vmul.f32 $1.131370830e+01, v7;
	[tilespmem:s2+$0x60] =	vst v1  }
0x37: {  	v1 =	vmul.f32 $1.131370830e+01, v5;
	v5 =	vld [tilespmem:s8+$0xFFFFFFE0];
	[tilespmem:s2+$0xFFFFFF80] =	vst v3;
	s2 =	smov.u32 s8  }
0x38: {  	v3 =	vmul.f32 $1.131370830e+01, v6;
	v6 =	vld [tilespmem:s8+$0xFFFFFFF0];
	[tilespmem:s8+$0x70] =	vst v7  }
0x39: {  	[tilespmem:s8+$0xFFFFFF90] =	vst v1;
	v1 =	vmul.f32 $1.131370830e+01, v2;
	v2 =	vld [tilespmem:s8+$0x0]  }
0x3a: {  	[tilespmem:s8+$0xFFFFFFA0] =	vst v3;
	v3 =	vmul.f32 $1.131370830e+01, v4;
	v4 =	vld [tilespmem:s8+$0x10]  }
0x3b: {  	[tilespmem:s8+$0xFFFFFFB0] =	vst v1;
	v1 =	vmul.f32 $1.131370830e+01, v0;
	v7 =	vld [tilespmem:s8+$0x20]  }
.Ltmp0:
0x3c: {  	[tilespmem:s8+$0xFFFFFFC0] =	vst v3;
	v3 =	vmul.f32 $1.131370830e+01, v5;
	v0 =	vld [tilespmem:s8+$0x30];
	(pc) =	sbr.rel @p0 .LBB2_2-.Ltmp0, $4  }
0x3d: {  	[tilespmem:s8+$0xFFFFFFD0] =	vst v1;
	v5 =	vmul.f32 $1.131370830e+01, v6;
	v1 =	vld [tilespmem:s8+$0x40]  }
0x3e: {  	[tilespmem:s8+$0xFFFFFFE0] =	vst v3;
	v6 =	vmul.f32 $1.131370830e+01, v2;
	v2 =	vld [tilespmem:s8+$0x50]  }
0x3f: {  	[tilespmem:s8+$0xFFFFFFF0] =	vst v5;
	v5 =	vmul.f32 $1.131370830e+01, v4;
	v4 =	vld [tilespmem:s8+$0x60]  }
0x40: {  	s8 =	sadd.s32 $0x100, s8;
	v3 =	vld [tilespmem:s2+$0xFFFFFF80];
	[tilespmem:s2+$0x0] =	vst v6;
	v6 =	vmul.f32 $1.131370830e+01, v7  }
0x41: {  	[tilespmem:s2+$0x10] =	vst v5;
	v0 =	vmul.f32 $1.131370830e+01, v0  }
0x42: {  	[tilespmem:s2+$0x20] =	vst v6;
	v1 =	vmul.f32 $1.131370830e+01, v1  }
0x43: {  	[tilespmem:s2+$0x30] =	vst v0;
	v0 =	vmul.f32 $1.131370830e+01, v2  }
0x44: {  	[tilespmem:s2+$0x40] =	vst v1;
	v1 =	vmul.f32 $1.131370830e+01, v4  }
0x45: {  	v2 =	vmul.f32 $1.131370830e+01, v3;
	[tilespmem:s2+$0x50] =	vst v0  }
0x46: {  	[tilespmem:s2+$0x60] =	vst v1  }
0x47: {  	[tilespmem:s2+$0xFFFFFF80] =	vst v2  }
0x48: {  	[hbm4b:s6+s4] =	stream.linear.scatter [tilespmem:s19], [sflag:$0x5], $0x4000, $0x38;
	[tilespmem:$0x16400] =	vst v63  }
0x49: {  	s13 =	simm.s32 $0x180  }
0x4a: {  	[tilespmem:s25], [sflag:$0x4] =	stream.indirect.gather [hbm4b:s1+s18], $0x80, s13, s18, $0xb8;
	[tilespmem:$0x16400] =	vst v63  }
0x4b: {  	_ =	swait.ge [sflag:s26], $0x4000  }
0x4c: {  	[sflag:s26] =	ssyncset.done $0x0  }
0x4d: {  	s2 =	simm.s32 $0xA400;
	[sflag:s26] =	ssyncadd.s32 $0xFFFFC000  }
0x4e: {  	v0 =	vld [tilespmem:s2+$0xF0]  }
0x4f: {  	v1 =	vld [tilespmem:s2+$0x10]  }
0x50: {  	v2 =	vld [tilespmem:s2+$0x20]  }
0x51: {  	v3 =	vld [tilespmem:s2+$0x30]  }
0x52: {  	v4 =	vld [tilespmem:s2+$0x40]  }
0x53: {  	v5 =	vld [tilespmem:s2+$0x50];
	v0 =	vmul.f32 $1.131370830e+01, v0  }
0x54: {  	v6 =	vld [tilespmem:s2+$0x60];
	v1 =	vmul.f32 $1.131370830e+01, v1  }
0x55: {  	v7 =	vld [tilespmem:s2+$0x70];
	[tilespmem:s2+$0xF0] =	vst v0;
	v0 =	vmul.f32 $1.131370830e+01, v2  }
0x56: {  	v8 =	vld [tilespmem:s2+$0x80];
	[tilespmem:s2+$0x10] =	vst v1;
	v1 =	vmul.f32 $1.131370830e+01, v3  }
0x57: {  	v9 =	vld [tilespmem:s2+$0x90];
	[tilespmem:s2+$0x20] =	vst v0;
	v0 =	vmul.f32 $1.131370830e+01, v4  }
0x58: {  	v10 =	vld [tilespmem:s2+$0xA0];
	[tilespmem:s2+$0x30] =	vst v1;
	v1 =	vmul.f32 $1.131370830e+01, v5  }
0x59: {  	v2 =	vmul.f32 $1.131370830e+01, v6;
	[tilespmem:s2+$0x40] =	vst v0;
	v0 =	vld [tilespmem:s2+$0xB0]  }
0x5a: {  	v3 =	vmul.f32 $1.131370830e+01, v7;
	[tilespmem:s2+$0x50] =	vst v1;
	v1 =	vld [tilespmem:s2+$0xC0]  }
0x5b: {  	v6 =	vmul.f32 $1.131370830e+01, v8;
	[tilespmem:s2+$0x60] =	vst v2;
	v2 =	vld [tilespmem:s2+$0xD0]  }
0x5c: {  	[tilespmem:s2+$0x70] =	vst v3;
	v4 =	vld [tilespmem:s2+$0xE0];
	v5 =	vmul.f32 $1.131370830e+01, v9  }
0x5d: {  	s7 =	simm.s32 $0x0;
	s8 =	simm.s32 $0xA500;
	v3 =	vld [tilespmem:s2+$0x0];
	[tilespmem:s2+$0x80] =	vst v6;
	v6 =	vmul.f32 $1.131370830e+01, v10  }
.LBB2_4:
0x5e: {  	v7 =	vld [tilespmem:s8+$0xF0];
	s7 =	sadd.s32 $0x2, s7;
	[tilespmem:s2+$0x90] =	vst v5;
	v0 =	vmul.f32 $1.131370830e+01, v0  }
0x5f: {  	v5 =	vld [tilespmem:s8+$0x10];
	p0 =	slt.u32 s7, $0x7E;
	[tilespmem:s2+$0xA0] =	vst v6;
	v1 =	vmul.f32 $1.131370830e+01, v1  }
0x60: {  	v6 =	vld [tilespmem:s8+$0x20];
	[tilespmem:s2+$0xB0] =	vst v0;
	v0 =	vmul.f32 $1.131370830e+01, v2  }
0x61: {  	v2 =	vld [tilespmem:s8+$0x30];
	[tilespmem:s2+$0xC0] =	vst v1;
	v1 =	vmul.f32 $1.131370830e+01, v4  }
0x62: {  	v4 =	vld [tilespmem:s8+$0x40];
	v3 =	vmul.f32 $1.131370830e+01, v3;
	[tilespmem:s2+$0xD0] =	vst v0  }
0x63: {  	v0 =	vld [tilespmem:s8+$0x50];
	v7 =	vmul.f32 $1.131370830e+01, v7;
	[tilespmem:s2+$0xE0] =	vst v1  }
0x64: {  	v1 =	vmul.f32 $1.131370830e+01, v5;
	v5 =	vld [tilespmem:s8+$0x60];
	[tilespmem:s2+$0x0] =	vst v3;
	s2 =	smov.u32 s8  }
0x65: {  	v3 =	vmul.f32 $1.131370830e+01, v6;
	v6 =	vld [tilespmem:s8+$0x70];
	[tilespmem:s8+$0xF0] =	vst v7  }
0x66: {  	[tilespmem:s8+$0x10] =	vst v1;
	v1 =	vmul.f32 $1.131370830e+01, v2;
	v2 =	vld [tilespmem:s8+$0x80]  }
0x67: {  	[tilespmem:s8+$0x20] =	vst v3;
	v3 =	vmul.f32 $1.131370830e+01, v4;
	v4 =	vld [tilespmem:s8+$0x90]  }
0x68: {  	[tilespmem:s8+$0x30] =	vst v1;
	v1 =	vmul.f32 $1.131370830e+01, v0;
	v7 =	vld [tilespmem:s8+$0xA0]  }
.Ltmp1:
0x69: {  	[tilespmem:s8+$0x40] =	vst v3;
	v3 =	vmul.f32 $1.131370830e+01, v5;
	v0 =	vld [tilespmem:s8+$0xB0];
	(pc) =	sbr.rel @p0 .LBB2_4-.Ltmp1, $4  }
0x6a: {  	[tilespmem:s8+$0x50] =	vst v1;
	v5 =	vmul.f32 $1.131370830e+01, v6;
	v1 =	vld [tilespmem:s8+$0xC0]  }
0x6b: {  	[tilespmem:s8+$0x60] =	vst v3;
	v6 =	vmul.f32 $1.131370830e+01, v2;
	v2 =	vld [tilespmem:s8+$0xD0]  }
0x6c: {  	[tilespmem:s8+$0x70] =	vst v5;
	v5 =	vmul.f32 $1.131370830e+01, v4;
	v4 =	vld [tilespmem:s8+$0xE0]  }
0x6d: {  	s8 =	sadd.s32 $0x100, s8;
	v3 =	vld [tilespmem:s2+$0x0];
	[tilespmem:s2+$0x80] =	vst v6;
	v6 =	vmul.f32 $1.131370830e+01, v7  }
0x6e: {  	[tilespmem:s2+$0x90] =	vst v5;
	v0 =	vmul.f32 $1.131370830e+01, v0  }
0x6f: {  	[tilespmem:s2+$0xA0] =	vst v6;
	v1 =	vmul.f32 $1.131370830e+01, v1  }
0x70: {  	[tilespmem:s2+$0xB0] =	vst v0;
	v0 =	vmul.f32 $1.131370830e+01, v2  }
0x71: {  	[tilespmem:s2+$0xC0] =	vst v1;
	v1 =	vmul.f32 $1.131370830e+01, v4  }
0x72: {  	v2 =	vmul.f32 $1.131370830e+01, v3;
	[tilespmem:s2+$0xD0] =	vst v0  }
0x73: {  	[tilespmem:s2+$0xE0] =	vst v1  }
0x74: {  	[tilespmem:s2+$0x0] =	vst v2  }
0x75: {  	s2 =	rddreg [dreg:$0x5]  }
0x76: {  	[hbm4b:s2+s4] =	stream.linear.scatter [tilespmem:s20], [sflag:$0x6], $0x4000, $0x38;
	[tilespmem:$0x16400] =	vst v63  }
0x77: {  	_ =	swait.ge [sflag:s28], $0x4000  }
0x78: {  	[sflag:s28] =	ssyncset.done $0x0  }
0x79: {  	s13 =	simm.s32 $0x200;
	[sflag:s28] =	ssyncadd.s32 $0xFFFFC000  }
0x7a: {  	[tilespmem:s19], [sflag:$0x1] =	stream.indirect.gather [hbm4b:s1+s18], $0x80, s13, s18, $0xb8;
	[tilespmem:$0x16400] =	vst v63  }
0x7b: {  	_ =	swait.ge [sflag:s30], $0x4000  }
0x7c: {  	[sflag:s30] =	ssyncset.done $0x0  }
0x7d: {  	s2 =	simm.s32 $0xE400;
	[sflag:s30] =	ssyncadd.s32 $0xFFFFC000  }
0x7e: {  	v0 =	vld [tilespmem:s2+$0xF0]  }
0x7f: {  	v1 =	vld [tilespmem:s2+$0x10]  }
0x80: {  	v2 =	vld [tilespmem:s2+$0x20]  }
0x81: {  	v3 =	vld [tilespmem:s2+$0x30]  }
0x82: {  	v4 =	vld [tilespmem:s2+$0x40]  }
0x83: {  	v5 =	vld [tilespmem:s2+$0x50];
	v0 =	vmul.f32 $1.131370830e+01, v0  }
0x84: {  	v6 =	vld [tilespmem:s2+$0x60];
	v1 =	vmul.f32 $1.131370830e+01, v1  }
0x85: {  	v7 =	vld [tilespmem:s2+$0x70];
	[tilespmem:s2+$0xF0] =	vst v0;
	v0 =	vmul.f32 $1.131370830e+01, v2  }
0x86: {  	v8 =	vld [tilespmem:s2+$0x80];
	[tilespmem:s2+$0x10] =	vst v1;
	v1 =	vmul.f32 $1.131370830e+01, v3  }
0x87: {  	v9 =	vld [tilespmem:s2+$0x90];
	[tilespmem:s2+$0x20] =	vst v0;
	v0 =	vmul.f32 $1.131370830e+01, v4  }
0x88: {  	v10 =	vld [tilespmem:s2+$0xA0];
	[tilespmem:s2+$0x30] =	vst v1;
	v1 =	vmul.f32 $1.131370830e+01, v5  }
0x89: {  	v2 =	vmul.f32 $1.131370830e+01, v6;
	[tilespmem:s2+$0x40] =	vst v0;
	v0 =	vld [tilespmem:s2+$0xB0]  }
0x8a: {  	v3 =	vmul.f32 $1.131370830e+01, v7;
	[tilespmem:s2+$0x50] =	vst v1;
	v1 =	vld [tilespmem:s2+$0xC0]  }
0x8b: {  	v6 =	vmul.f32 $1.131370830e+01, v8;
	[tilespmem:s2+$0x60] =	vst v2;
	v2 =	vld [tilespmem:s2+$0xD0]  }
0x8c: {  	[tilespmem:s2+$0x70] =	vst v3;
	v4 =	vld [tilespmem:s2+$0xE0];
	v5 =	vmul.f32 $1.131370830e+01, v9  }
0x8d: {  	s7 =	simm.s32 $0x0;
	s8 =	simm.s32 $0xE500;
	v3 =	vld [tilespmem:s2+$0x0];
	[tilespmem:s2+$0x80] =	vst v6;
	v6 =	vmul.f32 $1.131370830e+01, v10  }
.LBB2_6:
0x8e: {  	v7 =	vld [tilespmem:s8+$0xF0];
	s7 =	sadd.s32 $0x2, s7;
	[tilespmem:s2+$0x90] =	vst v5;
	v0 =	vmul.f32 $1.131370830e+01, v0  }
0x8f: {  	v5 =	vld [tilespmem:s8+$0x10];
	p0 =	slt.u32 s7, $0x7E;
	[tilespmem:s2+$0xA0] =	vst v6;
	v1 =	vmul.f32 $1.131370830e+01, v1  }
0x90: {  	v6 =	vld [tilespmem:s8+$0x20];
	[tilespmem:s2+$0xB0] =	vst v0;
	v0 =	vmul.f32 $1.131370830e+01, v2  }
0x91: {  	v2 =	vld [tilespmem:s8+$0x30];
	[tilespmem:s2+$0xC0] =	vst v1;
	v1 =	vmul.f32 $1.131370830e+01, v4  }
0x92: {  	v4 =	vld [tilespmem:s8+$0x40];
	v3 =	vmul.f32 $1.131370830e+01, v3;
	[tilespmem:s2+$0xD0] =	vst v0  }
0x93: {  	v0 =	vld [tilespmem:s8+$0x50];
	v7 =	vmul.f32 $1.131370830e+01, v7;
	[tilespmem:s2+$0xE0] =	vst v1  }
0x94: {  	v1 =	vmul.f32 $1.131370830e+01, v5;
	v5 =	vld [tilespmem:s8+$0x60];
	[tilespmem:s2+$0x0] =	vst v3;
	s2 =	smov.u32 s8  }
0x95: {  	v3 =	vmul.f32 $1.131370830e+01, v6;
	v6 =	vld [tilespmem:s8+$0x70];
	[tilespmem:s8+$0xF0] =	vst v7  }
0x96: {  	[tilespmem:s8+$0x10] =	vst v1;
	v1 =	vmul.f32 $1.131370830e+01, v2;
	v2 =	vld [tilespmem:s8+$0x80]  }
0x97: {  	[tilespmem:s8+$0x20] =	vst v3;
	v3 =	vmul.f32 $1.131370830e+01, v4;
	v4 =	vld [tilespmem:s8+$0x90]  }
0x98: {  	[tilespmem:s8+$0x30] =	vst v1;
	v1 =	vmul.f32 $1.131370830e+01, v0;
	v7 =	vld [tilespmem:s8+$0xA0]  }
.Ltmp2:
0x99: {  	[tilespmem:s8+$0x40] =	vst v3;
	v3 =	vmul.f32 $1.131370830e+01, v5;
	v0 =	vld [tilespmem:s8+$0xB0];
	(pc) =	sbr.rel @p0 .LBB2_6-.Ltmp2, $4  }
0x9a: {  	[tilespmem:s8+$0x50] =	vst v1;
	v5 =	vmul.f32 $1.131370830e+01, v6;
	v1 =	vld [tilespmem:s8+$0xC0]  }
0x9b: {  	[tilespmem:s8+$0x60] =	vst v3;
	v6 =	vmul.f32 $1.131370830e+01, v2;
	v2 =	vld [tilespmem:s8+$0xD0]  }
0x9c: {  	[tilespmem:s8+$0x70] =	vst v5;
	v5 =	vmul.f32 $1.131370830e+01, v4;
	v4 =	vld [tilespmem:s8+$0xE0]  }
0x9d: {  	s8 =	sadd.s32 $0x100, s8;
	v3 =	vld [tilespmem:s2+$0x0];
	[tilespmem:s2+$0x80] =	vst v6;
	v6 =	vmul.f32 $1.131370830e+01, v7  }
0x9e: {  	[tilespmem:s2+$0x90] =	vst v5;
	v0 =	vmul.f32 $1.131370830e+01, v0  }
0x9f: {  	[tilespmem:s2+$0xA0] =	vst v6;
	v1 =	vmul.f32 $1.131370830e+01, v1  }
0xa0: {  	[tilespmem:s2+$0xB0] =	vst v0;
	v0 =	vmul.f32 $1.131370830e+01, v2  }
0xa1: {  	[tilespmem:s2+$0xC0] =	vst v1;
	v1 =	vmul.f32 $1.131370830e+01, v4  }
0xa2: {  	v2 =	vmul.f32 $1.131370830e+01, v3;
	[tilespmem:s2+$0xD0] =	vst v0  }
0xa3: {  	[tilespmem:s2+$0xE0] =	vst v1  }
0xa4: {  	[tilespmem:s2+$0x0] =	vst v2  }
0xa5: {  	s2 =	rddreg [dreg:$0x6]  }
0xa6: {  	[hbm4b:s2+s4] =	stream.linear.scatter [tilespmem:s22], [sflag:$0x7], $0x4000, $0x38;
	[tilespmem:$0x16400] =	vst v63  }
0xa7: {  	_ =	swait.ge [sflag:s31], $0x4000  }
0xa8: {  	[sflag:s31] =	ssyncset.done $0x0  }
0xa9: {  	s13 =	simm.s32 $0x280;
	[sflag:s31] =	ssyncadd.s32 $0xFFFFC000  }
0xaa: {  	[tilespmem:s20], [sflag:$0x2] =	stream.indirect.gather [hbm4b:s1+s18], $0x80, s13, s18, $0xb8;
	[tilespmem:$0x16400] =	vst v63  }
0xab: {  	_ =	swait.ge [sflag:s0], $0x4000  }
0xac: {  	[sflag:s0] =	ssyncset.done $0x0  }
0xad: {  	s2 =	simm.s32 $0x12400;
	[sflag:s0] =	ssyncadd.s32 $0xFFFFC000  }
0xae: {  	v0 =	vld [tilespmem:s2+$0xF0]  }
0xaf: {  	v1 =	vld [tilespmem:s2+$0x10]  }
0xb0: {  	v2 =	vld [tilespmem:s2+$0x20]  }
0xb1: {  	v3 =	vld [tilespmem:s2+$0x30]  }
0xb2: {  	v4 =	vld [tilespmem:s2+$0x40]  }
0xb3: {  	v5 =	vld [tilespmem:s2+$0x50];
	v0 =	vmul.f32 $1.131370830e+01, v0  }
0xb4: {  	v6 =	vld [tilespmem:s2+$0x60];
	v1 =	vmul.f32 $1.131370830e+01, v1  }
0xb5: {  	v7 =	vld [tilespmem:s2+$0x70];
	[tilespmem:s2+$0xF0] =	vst v0;
	v0 =	vmul.f32 $1.131370830e+01, v2  }
0xb6: {  	v8 =	vld [tilespmem:s2+$0x80];
	[tilespmem:s2+$0x10] =	vst v1;
	v1 =	vmul.f32 $1.131370830e+01, v3  }
0xb7: {  	v9 =	vld [tilespmem:s2+$0x90];
	[tilespmem:s2+$0x20] =	vst v0;
	v0 =	vmul.f32 $1.131370830e+01, v4  }
0xb8: {  	v10 =	vld [tilespmem:s2+$0xA0];
	[tilespmem:s2+$0x30] =	vst v1;
	v1 =	vmul.f32 $1.131370830e+01, v5  }
0xb9: {  	v2 =	vmul.f32 $1.131370830e+01, v6;
	[tilespmem:s2+$0x40] =	vst v0;
	v0 =	vld [tilespmem:s2+$0xB0]  }
0xba: {  	v3 =	vmul.f32 $1.131370830e+01, v7;
	[tilespmem:s2+$0x50] =	vst v1;
	v1 =	vld [tilespmem:s2+$0xC0]  }
0xbb: {  	v6 =	vmul.f32 $1.131370830e+01, v8;
	[tilespmem:s2+$0x60] =	vst v2;
	v2 =	vld [tilespmem:s2+$0xD0]  }
0xbc: {  	[tilespmem:s2+$0x70] =	vst v3;
	v4 =	vld [tilespmem:s2+$0xE0];
	v5 =	vmul.f32 $1.131370830e+01, v9  }
0xbd: {  	s7 =	simm.s32 $0x0;
	s8 =	simm.s32 $0x12500;
	v3 =	vld [tilespmem:s2+$0x0];
	[tilespmem:s2+$0x80] =	vst v6;
	v6 =	vmul.f32 $1.131370830e+01, v10  }
.LBB2_8:
0xbe: {  	v7 =	vld [tilespmem:s8+$0xF0];
	s7 =	sadd.s32 $0x2, s7;
	[tilespmem:s2+$0x90] =	vst v5;
	v0 =	vmul.f32 $1.131370830e+01, v0  }
0xbf: {  	v5 =	vld [tilespmem:s8+$0x10];
	p0 =	slt.u32 s7, $0x7E;
	[tilespmem:s2+$0xA0] =	vst v6;
	v1 =	vmul.f32 $1.131370830e+01, v1  }
0xc0: {  	v6 =	vld [tilespmem:s8+$0x20];
	[tilespmem:s2+$0xB0] =	vst v0;
	v0 =	vmul.f32 $1.131370830e+01, v2  }
0xc1: {  	v2 =	vld [tilespmem:s8+$0x30];
	[tilespmem:s2+$0xC0] =	vst v1;
	v1 =	vmul.f32 $1.131370830e+01, v4  }
0xc2: {  	v4 =	vld [tilespmem:s8+$0x40];
	v3 =	vmul.f32 $1.131370830e+01, v3;
	[tilespmem:s2+$0xD0] =	vst v0  }
0xc3: {  	v0 =	vld [tilespmem:s8+$0x50];
	v7 =	vmul.f32 $1.131370830e+01, v7;
	[tilespmem:s2+$0xE0] =	vst v1  }
0xc4: {  	v1 =	vmul.f32 $1.131370830e+01, v5;
	v5 =	vld [tilespmem:s8+$0x60];
	[tilespmem:s2+$0x0] =	vst v3;
	s2 =	smov.u32 s8  }
0xc5: {  	v3 =	vmul.f32 $1.131370830e+01, v6;
	v6 =	vld [tilespmem:s8+$0x70];
	[tilespmem:s8+$0xF0] =	vst v7  }
0xc6: {  	[tilespmem:s8+$0x10] =	vst v1;
	v1 =	vmul.f32 $1.131370830e+01, v2;
	v2 =	vld [tilespmem:s8+$0x80]  }
0xc7: {  	[tilespmem:s8+$0x20] =	vst v3;
	v3 =	vmul.f32 $1.131370830e+01, v4;
	v4 =	vld [tilespmem:s8+$0x90]  }
0xc8: {  	[tilespmem:s8+$0x30] =	vst v1;
	v1 =	vmul.f32 $1.131370830e+01, v0;
	v7 =	vld [tilespmem:s8+$0xA0]  }
.Ltmp3:
0xc9: {  	[tilespmem:s8+$0x40] =	vst v3;
	v3 =	vmul.f32 $1.131370830e+01, v5;
	v0 =	vld [tilespmem:s8+$0xB0];
	(pc) =	sbr.rel @p0 .LBB2_8-.Ltmp3, $4  }
0xca: {  	[tilespmem:s8+$0x50] =	vst v1;
	v5 =	vmul.f32 $1.131370830e+01, v6;
	v1 =	vld [tilespmem:s8+$0xC0]  }
0xcb: {  	[tilespmem:s8+$0x60] =	vst v3;
	v6 =	vmul.f32 $1.131370830e+01, v2;
	v2 =	vld [tilespmem:s8+$0xD0]  }
0xcc: {  	[tilespmem:s8+$0x70] =	vst v5;
	v5 =	vmul.f32 $1.131370830e+01, v4;
	v4 =	vld [tilespmem:s8+$0xE0]  }
0xcd: {  	s8 =	sadd.s32 $0x100, s8;
	v3 =	vld [tilespmem:s2+$0x0];
	[tilespmem:s2+$0x80] =	vst v6;
	v6 =	vmul.f32 $1.131370830e+01, v7  }
0xce: {  	[tilespmem:s2+$0x90] =	vst v5;
	v0 =	vmul.f32 $1.131370830e+01, v0  }
0xcf: {  	[tilespmem:s2+$0xA0] =	vst v6;
	v1 =	vmul.f32 $1.131370830e+01, v1  }
0xd0: {  	[tilespmem:s2+$0xB0] =	vst v0;
	v61 =	vmul.f32 $1.131370830e+01, v2  }
0xd1: {  	[tilespmem:s2+$0xC0] =	vst v1;
	v62 =	vmul.f32 $1.131370830e+01, v4  }
0xd2: {  	v63 =	vmul.f32 $1.131370830e+01, v3;
	[tilespmem:s2+$0xD0] =	vst v61  }
0xd3: {  	[tilespmem:s2+$0xE0] =	vst v62  }
0xd4: {  	[tilespmem:s2+$0x0] =	vst v63  }
0xd5: {  	s2 =	rddreg [dreg:$0x7]  }
0xd6: {  	[hbm4b:s2+s4] =	stream.linear.scatter [tilespmem:s25], [sflag:$0x8], $0x4000, $0x38;
	[tilespmem:$0x16400] =	vst v63  }
0xd7: {  	s2 =	simm.s32 $0x1  }
.LBB2_10:
0xd8: {  	s9 =	sshll.u32 s2, $0x2  }
0xd9: {  	_ =	swait.ge [sflag:s21], $0x4000;
	s7 =	sor.u32 $0x2, s9  }
0xda: {  	[sflag:s21] =	ssyncset.done $0x0;
	s8 =	sshll.u32 s7, $0x7  }
0xdb: {  	[sflag:s21] =	ssyncadd.s32 $0xFFFFC000;
	s8 =	sand.u32 $0x3FFFFF00, s8  }
0xdc: {  	[tilespmem:s22], [sflag:$0x3] =	stream.indirect.gather [hbm4b:s1+s18], $0x80, s8, s18, $0xb8;
	[tilespmem:$0x16400] =	vst v63  }
0xdd: {  	_ =	swait.ge [sflag:s23], $0x4000  }
0xde: {  	[sflag:s23] =	ssyncset.done $0x0  }
0xdf: {  	s8 =	simm.s32 $0x6480;
	[sflag:s23] =	ssyncadd.s32 $0xFFFFC000  }
0xe0: {  	v0 =	vld [tilespmem:s8+$0x70]  }
0xe1: {  	v1 =	vld [tilespmem:s8+$0xFFFFFF90]  }
0xe2: {  	v2 =	vld [tilespmem:s8+$0xFFFFFFA0]  }
0xe3: {  	v3 =	vld [tilespmem:s8+$0xFFFFFFB0]  }
0xe4: {  	v4 =	vld [tilespmem:s8+$0xFFFFFFC0]  }
0xe5: {  	v5 =	vld [tilespmem:s8+$0xFFFFFFD0];
	v0 =	vmul.f32 $1.131370830e+01, v0  }
0xe6: {  	v6 =	vld [tilespmem:s8+$0xFFFFFFE0];
	v1 =	vmul.f32 $1.131370830e+01, v1  }
0xe7: {  	v7 =	vld [tilespmem:s8+$0xFFFFFFF0];
	[tilespmem:s8+$0x70] =	vst v0;
	v0 =	vmul.f32 $1.131370830e+01, v2  }
0xe8: {  	[tilespmem:s8+$0xFFFFFF90] =	vst v1;
	v2 =	vld [tilespmem:s8+$0x0];
	v1 =	vmul.f32 $1.131370830e+01, v3  }
0xe9: {  	v8 =	vld [tilespmem:s8+$0x10];
	[tilespmem:s8+$0xFFFFFFA0] =	vst v0;
	v0 =	vmul.f32 $1.131370830e+01, v4  }
0xea: {  	v9 =	vld [tilespmem:s8+$0x20];
	[tilespmem:s8+$0xFFFFFFB0] =	vst v1;
	v1 =	vmul.f32 $1.131370830e+01, v5  }
0xeb: {  	v3 =	vmul.f32 $1.131370830e+01, v6;
	[tilespmem:s8+$0xFFFFFFC0] =	vst v0;
	v0 =	vld [tilespmem:s8+$0x30]  }
0xec: {  	v4 =	vmul.f32 $1.131370830e+01, v7;
	[tilespmem:s8+$0xFFFFFFD0] =	vst v1;
	v1 =	vld [tilespmem:s8+$0x40]  }
0xed: {  	[tilespmem:s8+$0xFFFFFFE0] =	vst v3;
	v3 =	vld [tilespmem:s8+$0x50];
	v6 =	vmul.f32 $1.131370830e+01, v2  }
0xee: {  	v5 =	vmul.f32 $1.131370830e+01, v8;
	[tilespmem:s8+$0xFFFFFFF0] =	vst v4;
	v4 =	vld [tilespmem:s8+$0x60]  }
0xef: {  	s10 =	simm.s32 $0x0;
	s12 =	simm.s32 $0x6580;
	v2 =	vld [tilespmem:s8+$0xFFFFFF80];
	[tilespmem:s8+$0x0] =	vst v6;
	v6 =	vmul.f32 $1.131370830e+01, v9  }
.LBB2_11:
0xf0: {  	v7 =	vld [tilespmem:s12+$0x70];
	s10 =	sadd.s32 $0x2, s10;
	[tilespmem:s8+$0x10] =	vst v5;
	v0 =	vmul.f32 $1.131370830e+01, v0  }
0xf1: {  	v5 =	vld [tilespmem:s12+$0xFFFFFF90];
	p0 =	slt.u32 s10, $0x7E;
	[tilespmem:s8+$0x20] =	vst v6;
	v1 =	vmul.f32 $1.131370830e+01, v1  }
0xf2: {  	v6 =	vld [tilespmem:s12+$0xFFFFFFA0];
	[tilespmem:s8+$0x30] =	vst v0;
	v0 =	vmul.f32 $1.131370830e+01, v3  }
0xf3: {  	v3 =	vld [tilespmem:s12+$0xFFFFFFB0];
	[tilespmem:s8+$0x40] =	vst v1;
	v1 =	vmul.f32 $1.131370830e+01, v4  }
0xf4: {  	v4 =	vld [tilespmem:s12+$0xFFFFFFC0];
	v2 =	vmul.f32 $1.131370830e+01, v2;
	[tilespmem:s8+$0x50] =	vst v0  }
0xf5: {  	v0 =	vld [tilespmem:s12+$0xFFFFFFD0];
	v7 =	vmul.f32 $1.131370830e+01, v7;
	[tilespmem:s8+$0x60] =	vst v1  }
0xf6: {  	v1 =	vmul.f32 $1.131370830e+01, v5;
	v5 =	vld [tilespmem:s12+$0xFFFFFFE0];
	[tilespmem:s8+$0xFFFFFF80] =	vst v2;
	s8 =	smov.u32 s12  }
0xf7: {  	v2 =	vmul.f32 $1.131370830e+01, v6;
	v6 =	vld [tilespmem:s12+$0xFFFFFFF0];
	[tilespmem:s12+$0x70] =	vst v7  }
0xf8: {  	[tilespmem:s12+$0xFFFFFF90] =	vst v1;
	v1 =	vmul.f32 $1.131370830e+01, v3;
	v3 =	vld [tilespmem:s12+$0x0]  }
0xf9: {  	[tilespmem:s12+$0xFFFFFFA0] =	vst v2;
	v2 =	vmul.f32 $1.131370830e+01, v4;
	v4 =	vld [tilespmem:s12+$0x10]  }
0xfa: {  	[tilespmem:s12+$0xFFFFFFB0] =	vst v1;
	v1 =	vmul.f32 $1.131370830e+01, v0;
	v7 =	vld [tilespmem:s12+$0x20]  }
.Ltmp4:
0xfb: {  	[tilespmem:s12+$0xFFFFFFC0] =	vst v2;
	v2 =	vmul.f32 $1.131370830e+01, v5;
	v0 =	vld [tilespmem:s12+$0x30];
	(pc) =	sbr.rel @p0 .LBB2_11-.Ltmp4, $4  }
0xfc: {  	[tilespmem:s12+$0xFFFFFFD0] =	vst v1;
	v5 =	vmul.f32 $1.131370830e+01, v6;
	v1 =	vld [tilespmem:s12+$0x40]  }
0xfd: {  	[tilespmem:s12+$0xFFFFFFE0] =	vst v2;
	v6 =	vmul.f32 $1.131370830e+01, v3;
	v3 =	vld [tilespmem:s12+$0x50]  }
0xfe: {  	[tilespmem:s12+$0xFFFFFFF0] =	vst v5;
	v5 =	vmul.f32 $1.131370830e+01, v4;
	v4 =	vld [tilespmem:s12+$0x60]  }
0xff: {  	s12 =	sadd.s32 $0x100, s12;
	v2 =	vld [tilespmem:s8+$0xFFFFFF80];
	[tilespmem:s8+$0x0] =	vst v6;
	v6 =	vmul.f32 $1.131370830e+01, v7  }
0x100: {  	[tilespmem:s8+$0x10] =	vst v5;
	v0 =	vmul.f32 $1.131370830e+01, v0  }
0x101: {  	[tilespmem:s8+$0x20] =	vst v6;
	v1 =	vmul.f32 $1.131370830e+01, v1  }
0x102: {  	[tilespmem:s8+$0x30] =	vst v0;
	v0 =	vmul.f32 $1.131370830e+01, v3  }
0x103: {  	s10 =	sadd.s32 s5, s9;
	[tilespmem:s8+$0x40] =	vst v1;
	v1 =	vmul.f32 $1.131370830e+01, v4  }
0x104: {  	s10 =	sshll.u32 s10, $0xB;
	v2 =	vmul.f32 $1.131370830e+01, v2;
	[tilespmem:s8+$0x50] =	vst v0  }
0x105: {  	s10 =	sand.u32 $0x1FFFE000, s10;
	[tilespmem:s8+$0x60] =	vst v1  }
0x106: {  	s12 =	sadd.s32 s3, s10;
	[tilespmem:s8+$0xFFFFFF80] =	vst v2  }
0x107: {  	[hbm4b:s12+s4] =	stream.linear.scatter [tilespmem:s19], [sflag:$0x5], $0x4000, $0x38;
	[tilespmem:$0x16400] =	vst v63  }
0x108: {  	s8 =	sor.u32 $0x3, s9;
	_ =	swait.ge [sflag:s24], $0x4000  }
0x109: {  	s13 =	sshll.u32 s8, $0x7;
	[sflag:s24] =	ssyncset.done $0x0  }
0x10a: {  	s10 =	sand.u32 $0x3FFFFF80, s13;
	[sflag:s24] =	ssyncadd.s32 $0xFFFFC000  }
0x10b: {  	[tilespmem:s25], [sflag:$0x4] =	stream.indirect.gather [hbm4b:s1+s18], $0x80, s10, s18, $0xb8;
	[tilespmem:$0x16400] =	vst v63  }
0x10c: {  	_ =	swait.ge [sflag:s26], $0x4000  }
0x10d: {  	[sflag:s26] =	ssyncset.done $0x0  }
0x10e: {  	s10 =	simm.s32 $0xA400;
	[sflag:s26] =	ssyncadd.s32 $0xFFFFC000  }
0x10f: {  	v0 =	vld [tilespmem:s10+$0xF0]  }
0x110: {  	v1 =	vld [tilespmem:s10+$0x10]  }
0x111: {  	v2 =	vld [tilespmem:s10+$0x20]  }
0x112: {  	v3 =	vld [tilespmem:s10+$0x30]  }
0x113: {  	v4 =	vld [tilespmem:s10+$0x40]  }
0x114: {  	v5 =	vld [tilespmem:s10+$0x50];
	v0 =	vmul.f32 $1.131370830e+01, v0  }
0x115: {  	v6 =	vld [tilespmem:s10+$0x60];
	v1 =	vmul.f32 $1.131370830e+01, v1  }
0x116: {  	v7 =	vld [tilespmem:s10+$0x70];
	[tilespmem:s10+$0xF0] =	vst v0;
	v0 =	vmul.f32 $1.131370830e+01, v2  }
0x117: {  	[tilespmem:s10+$0x10] =	vst v1;
	v2 =	vld [tilespmem:s10+$0x80];
	v1 =	vmul.f32 $1.131370830e+01, v3  }
0x118: {  	v8 =	vld [tilespmem:s10+$0x90];
	[tilespmem:s10+$0x20] =	vst v0;
	v0 =	vmul.f32 $1.131370830e+01, v4  }
0x119: {  	v9 =	vld [tilespmem:s10+$0xA0];
	[tilespmem:s10+$0x30] =	vst v1;
	v1 =	vmul.f32 $1.131370830e+01, v5  }
0x11a: {  	v3 =	vmul.f32 $1.131370830e+01, v6;
	[tilespmem:s10+$0x40] =	vst v0;
	v0 =	vld [tilespmem:s10+$0xB0]  }
0x11b: {  	v4 =	vmul.f32 $1.131370830e+01, v7;
	[tilespmem:s10+$0x50] =	vst v1;
	v1 =	vld [tilespmem:s10+$0xC0]  }
0x11c: {  	[tilespmem:s10+$0x60] =	vst v3;
	v3 =	vld [tilespmem:s10+$0xD0];
	v6 =	vmul.f32 $1.131370830e+01, v2  }
0x11d: {  	v5 =	vmul.f32 $1.131370830e+01, v8;
	[tilespmem:s10+$0x70] =	vst v4;
	v4 =	vld [tilespmem:s10+$0xE0]  }
0x11e: {  	s12 =	simm.s32 $0x0;
	s13 =	simm.s32 $0xA500;
	v2 =	vld [tilespmem:s10+$0x0];
	[tilespmem:s10+$0x80] =	vst v6;
	v6 =	vmul.f32 $1.131370830e+01, v9  }
.LBB2_13:
0x11f: {  	v7 =	vld [tilespmem:s13+$0xF0];
	s12 =	sadd.s32 $0x2, s12;
	[tilespmem:s10+$0x90] =	vst v5;
	v0 =	vmul.f32 $1.131370830e+01, v0  }
0x120: {  	v5 =	vld [tilespmem:s13+$0x10];
	p0 =	slt.u32 s12, $0x7E;
	[tilespmem:s10+$0xA0] =	vst v6;
	v1 =	vmul.f32 $1.131370830e+01, v1  }
0x121: {  	v6 =	vld [tilespmem:s13+$0x20];
	[tilespmem:s10+$0xB0] =	vst v0;
	v0 =	vmul.f32 $1.131370830e+01, v3  }
0x122: {  	v3 =	vld [tilespmem:s13+$0x30];
	[tilespmem:s10+$0xC0] =	vst v1;
	v1 =	vmul.f32 $1.131370830e+01, v4  }
0x123: {  	v4 =	vld [tilespmem:s13+$0x40];
	v2 =	vmul.f32 $1.131370830e+01, v2;
	[tilespmem:s10+$0xD0] =	vst v0  }
0x124: {  	v0 =	vld [tilespmem:s13+$0x50];
	v7 =	vmul.f32 $1.131370830e+01, v7;
	[tilespmem:s10+$0xE0] =	vst v1  }
0x125: {  	v1 =	vmul.f32 $1.131370830e+01, v5;
	v5 =	vld [tilespmem:s13+$0x60];
	[tilespmem:s10+$0x0] =	vst v2;
	s10 =	smov.u32 s13  }
0x126: {  	v2 =	vmul.f32 $1.131370830e+01, v6;
	v6 =	vld [tilespmem:s13+$0x70];
	[tilespmem:s13+$0xF0] =	vst v7  }
0x127: {  	[tilespmem:s13+$0x10] =	vst v1;
	v1 =	vmul.f32 $1.131370830e+01, v3;
	v3 =	vld [tilespmem:s13+$0x80]  }
0x128: {  	[tilespmem:s13+$0x20] =	vst v2;
	v2 =	vmul.f32 $1.131370830e+01, v4;
	v4 =	vld [tilespmem:s13+$0x90]  }
0x129: {  	[tilespmem:s13+$0x30] =	vst v1;
	v1 =	vmul.f32 $1.131370830e+01, v0;
	v7 =	vld [tilespmem:s13+$0xA0]  }
.Ltmp5:
0x12a: {  	[tilespmem:s13+$0x40] =	vst v2;
	v2 =	vmul.f32 $1.131370830e+01, v5;
	v0 =	vld [tilespmem:s13+$0xB0];
	(pc) =	sbr.rel @p0 .LBB2_13-.Ltmp5, $4  }
0x12b: {  	[tilespmem:s13+$0x50] =	vst v1;
	v5 =	vmul.f32 $1.131370830e+01, v6;
	v1 =	vld [tilespmem:s13+$0xC0]  }
0x12c: {  	[tilespmem:s13+$0x60] =	vst v2;
	v6 =	vmul.f32 $1.131370830e+01, v3;
	v3 =	vld [tilespmem:s13+$0xD0]  }
0x12d: {  	[tilespmem:s13+$0x70] =	vst v5;
	v5 =	vmul.f32 $1.131370830e+01, v4;
	v4 =	vld [tilespmem:s13+$0xE0]  }
0x12e: {  	s13 =	sadd.s32 $0x100, s13;
	v2 =	vld [tilespmem:s10+$0x0];
	[tilespmem:s10+$0x80] =	vst v6;
	v6 =	vmul.f32 $1.131370830e+01, v7  }
0x12f: {  	[tilespmem:s10+$0x90] =	vst v5;
	v0 =	vmul.f32 $1.131370830e+01, v0  }
0x130: {  	[tilespmem:s10+$0xA0] =	vst v6;
	v1 =	vmul.f32 $1.131370830e+01, v1  }
0x131: {  	[tilespmem:s10+$0xB0] =	vst v0;
	v0 =	vmul.f32 $1.131370830e+01, v3  }
0x132: {  	s9 =	sadd.s32 s9, s11;
	[tilespmem:s10+$0xC0] =	vst v1;
	v1 =	vmul.f32 $1.131370830e+01, v4  }
0x133: {  	s9 =	sshll.u32 s9, $0xB;
	v2 =	vmul.f32 $1.131370830e+01, v2;
	[tilespmem:s10+$0xD0] =	vst v0  }
0x134: {  	s9 =	sand.u32 $0x1FFFE800, s9;
	[tilespmem:s10+$0xE0] =	vst v1  }
0x135: {  	s9 =	sadd.s32 s3, s9;
	[tilespmem:s10+$0x0] =	vst v2  }
0x136: {  	[hbm4b:s9+s4] =	stream.linear.scatter [tilespmem:s20], [sflag:$0x6], $0x4000, $0x38;
	[tilespmem:$0x16400] =	vst v63  }
0x137: {  	s12 =	sshll.u32 s2, $0x9;
	_ =	swait.ge [sflag:s28], $0x4000  }
0x138: {  	s9 =	sand.u32 $0x3FFFFE00, s12;
	[sflag:s28] =	ssyncset.done $0x0  }
0x139: {  	s13 =	sadd.s32 $0x200, s9;
	[sflag:s28] =	ssyncadd.s32 $0xFFFFC000  }
0x13a: {  	[tilespmem:s19], [sflag:$0x1] =	stream.indirect.gather [hbm4b:s1+s18], $0x80, s13, s18, $0xb8;
	[tilespmem:$0x16400] =	vst v63  }
0x13b: {  	_ =	swait.ge [sflag:s30], $0x4000  }
0x13c: {  	[sflag:s30] =	ssyncset.done $0x0  }
0x13d: {  	s10 =	simm.s32 $0xE400;
	[sflag:s30] =	ssyncadd.s32 $0xFFFFC000  }
0x13e: {  	v0 =	vld [tilespmem:s10+$0xF0]  }
0x13f: {  	v1 =	vld [tilespmem:s10+$0x10]  }
0x140: {  	v2 =	vld [tilespmem:s10+$0x20]  }
0x141: {  	v3 =	vld [tilespmem:s10+$0x30]  }
0x142: {  	v4 =	vld [tilespmem:s10+$0x40]  }
0x143: {  	v5 =	vld [tilespmem:s10+$0x50];
	v0 =	vmul.f32 $1.131370830e+01, v0  }
0x144: {  	v6 =	vld [tilespmem:s10+$0x60];
	v1 =	vmul.f32 $1.131370830e+01, v1  }
0x145: {  	v7 =	vld [tilespmem:s10+$0x70];
	[tilespmem:s10+$0xF0] =	vst v0;
	v0 =	vmul.f32 $1.131370830e+01, v2  }
0x146: {  	[tilespmem:s10+$0x10] =	vst v1;
	v2 =	vld [tilespmem:s10+$0x80];
	v1 =	vmul.f32 $1.131370830e+01, v3  }
0x147: {  	v8 =	vld [tilespmem:s10+$0x90];
	[tilespmem:s10+$0x20] =	vst v0;
	v0 =	vmul.f32 $1.131370830e+01, v4  }
0x148: {  	v9 =	vld [tilespmem:s10+$0xA0];
	[tilespmem:s10+$0x30] =	vst v1;
	v1 =	vmul.f32 $1.131370830e+01, v5  }
0x149: {  	v3 =	vmul.f32 $1.131370830e+01, v6;
	[tilespmem:s10+$0x40] =	vst v0;
	v0 =	vld [tilespmem:s10+$0xB0]  }
0x14a: {  	v4 =	vmul.f32 $1.131370830e+01, v7;
	[tilespmem:s10+$0x50] =	vst v1;
	v1 =	vld [tilespmem:s10+$0xC0]  }
0x14b: {  	[tilespmem:s10+$0x60] =	vst v3;
	v3 =	vld [tilespmem:s10+$0xD0];
	v6 =	vmul.f32 $1.131370830e+01, v2  }
0x14c: {  	v5 =	vmul.f32 $1.131370830e+01, v8;
	[tilespmem:s10+$0x70] =	vst v4;
	v4 =	vld [tilespmem:s10+$0xE0]  }
0x14d: {  	s12 =	simm.s32 $0x0;
	s13 =	simm.s32 $0xE500;
	v2 =	vld [tilespmem:s10+$0x0];
	[tilespmem:s10+$0x80] =	vst v6;
	v6 =	vmul.f32 $1.131370830e+01, v9  }
.LBB2_15:
0x14e: {  	v7 =	vld [tilespmem:s13+$0xF0];
	s12 =	sadd.s32 $0x2, s12;
	[tilespmem:s10+$0x90] =	vst v5;
	v0 =	vmul.f32 $1.131370830e+01, v0  }
0x14f: {  	v5 =	vld [tilespmem:s13+$0x10];
	p0 =	slt.u32 s12, $0x7E;
	[tilespmem:s10+$0xA0] =	vst v6;
	v1 =	vmul.f32 $1.131370830e+01, v1  }
0x150: {  	v6 =	vld [tilespmem:s13+$0x20];
	[tilespmem:s10+$0xB0] =	vst v0;
	v0 =	vmul.f32 $1.131370830e+01, v3  }
0x151: {  	v3 =	vld [tilespmem:s13+$0x30];
	[tilespmem:s10+$0xC0] =	vst v1;
	v1 =	vmul.f32 $1.131370830e+01, v4  }
0x152: {  	v4 =	vld [tilespmem:s13+$0x40];
	v2 =	vmul.f32 $1.131370830e+01, v2;
	[tilespmem:s10+$0xD0] =	vst v0  }
0x153: {  	v0 =	vld [tilespmem:s13+$0x50];
	v7 =	vmul.f32 $1.131370830e+01, v7;
	[tilespmem:s10+$0xE0] =	vst v1  }
0x154: {  	v1 =	vmul.f32 $1.131370830e+01, v5;
	v5 =	vld [tilespmem:s13+$0x60];
	[tilespmem:s10+$0x0] =	vst v2;
	s10 =	smov.u32 s13  }
0x155: {  	v2 =	vmul.f32 $1.131370830e+01, v6;
	v6 =	vld [tilespmem:s13+$0x70];
	[tilespmem:s13+$0xF0] =	vst v7  }
0x156: {  	[tilespmem:s13+$0x10] =	vst v1;
	v1 =	vmul.f32 $1.131370830e+01, v3;
	v3 =	vld [tilespmem:s13+$0x80]  }
0x157: {  	[tilespmem:s13+$0x20] =	vst v2;
	v2 =	vmul.f32 $1.131370830e+01, v4;
	v4 =	vld [tilespmem:s13+$0x90]  }
0x158: {  	[tilespmem:s13+$0x30] =	vst v1;
	v1 =	vmul.f32 $1.131370830e+01, v0;
	v7 =	vld [tilespmem:s13+$0xA0]  }
.Ltmp6:
0x159: {  	[tilespmem:s13+$0x40] =	vst v2;
	v2 =	vmul.f32 $1.131370830e+01, v5;
	v0 =	vld [tilespmem:s13+$0xB0];
	(pc) =	sbr.rel @p0 .LBB2_15-.Ltmp6, $4  }
0x15a: {  	[tilespmem:s13+$0x50] =	vst v1;
	v5 =	vmul.f32 $1.131370830e+01, v6;
	v1 =	vld [tilespmem:s13+$0xC0]  }
0x15b: {  	[tilespmem:s13+$0x60] =	vst v2;
	v6 =	vmul.f32 $1.131370830e+01, v3;
	v3 =	vld [tilespmem:s13+$0xD0]  }
0x15c: {  	[tilespmem:s13+$0x70] =	vst v5;
	v5 =	vmul.f32 $1.131370830e+01, v4;
	v4 =	vld [tilespmem:s13+$0xE0]  }
0x15d: {  	s13 =	sadd.s32 $0x100, s13;
	v2 =	vld [tilespmem:s10+$0x0];
	[tilespmem:s10+$0x80] =	vst v6;
	v6 =	vmul.f32 $1.131370830e+01, v7  }
0x15e: {  	[tilespmem:s10+$0x90] =	vst v5;
	v0 =	vmul.f32 $1.131370830e+01, v0  }
0x15f: {  	[tilespmem:s10+$0xA0] =	vst v6;
	v1 =	vmul.f32 $1.131370830e+01, v1  }
0x160: {  	[tilespmem:s10+$0xB0] =	vst v0;
	v0 =	vmul.f32 $1.131370830e+01, v3  }
0x161: {  	s7 =	sadd.s32 s5, s7;
	[tilespmem:s10+$0xC0] =	vst v1;
	v1 =	vmul.f32 $1.131370830e+01, v4  }
0x162: {  	s7 =	sshll.u32 s7, $0xB;
	v2 =	vmul.f32 $1.131370830e+01, v2;
	[tilespmem:s10+$0xD0] =	vst v0  }
0x163: {  	s7 =	sand.u32 $0x1FFFF000, s7;
	[tilespmem:s10+$0xE0] =	vst v1  }
0x164: {  	s7 =	sadd.s32 s3, s7;
	[tilespmem:s10+$0x0] =	vst v2  }
0x165: {  	[hbm4b:s7+s4] =	stream.linear.scatter [tilespmem:s22], [sflag:$0x7], $0x4000, $0x38;
	[tilespmem:$0x16400] =	vst v63  }
0x166: {  	_ =	swait.ge [sflag:s31], $0x4000  }
0x167: {  	[sflag:s31] =	ssyncset.done $0x0  }
0x168: {  	s13 =	sadd.s32 $0x280, s9;
	[sflag:s31] =	ssyncadd.s32 $0xFFFFC000  }
0x169: {  	[tilespmem:s20], [sflag:$0x2] =	stream.indirect.gather [hbm4b:s1+s18], $0x80, s13, s18, $0xb8;
	[tilespmem:$0x16400] =	vst v63  }
0x16a: {  	_ =	swait.ge [sflag:s0], $0x4000  }
0x16b: {  	[sflag:s0] =	ssyncset.done $0x0  }
0x16c: {  	s7 =	simm.s32 $0x12400;
	[sflag:s0] =	ssyncadd.s32 $0xFFFFC000  }
0x16d: {  	v0 =	vld [tilespmem:s7+$0xF0]  }
0x16e: {  	v1 =	vld [tilespmem:s7+$0x10]  }
0x16f: {  	v2 =	vld [tilespmem:s7+$0x20]  }
0x170: {  	v3 =	vld [tilespmem:s7+$0x30]  }
0x171: {  	v4 =	vld [tilespmem:s7+$0x40]  }
0x172: {  	v5 =	vld [tilespmem:s7+$0x50];
	v0 =	vmul.f32 $1.131370830e+01, v0  }
0x173: {  	v6 =	vld [tilespmem:s7+$0x60];
	v1 =	vmul.f32 $1.131370830e+01, v1  }
0x174: {  	v7 =	vld [tilespmem:s7+$0x70];
	[tilespmem:s7+$0xF0] =	vst v0;
	v0 =	vmul.f32 $1.131370830e+01, v2  }
0x175: {  	[tilespmem:s7+$0x10] =	vst v1;
	v2 =	vld [tilespmem:s7+$0x80];
	v1 =	vmul.f32 $1.131370830e+01, v3  }
0x176: {  	v8 =	vld [tilespmem:s7+$0x90];
	[tilespmem:s7+$0x20] =	vst v0;
	v0 =	vmul.f32 $1.131370830e+01, v4  }
0x177: {  	v9 =	vld [tilespmem:s7+$0xA0];
	[tilespmem:s7+$0x30] =	vst v1;
	v1 =	vmul.f32 $1.131370830e+01, v5  }
0x178: {  	v3 =	vmul.f32 $1.131370830e+01, v6;
	[tilespmem:s7+$0x40] =	vst v0;
	v0 =	vld [tilespmem:s7+$0xB0]  }
0x179: {  	v4 =	vmul.f32 $1.131370830e+01, v7;
	[tilespmem:s7+$0x50] =	vst v1;
	v1 =	vld [tilespmem:s7+$0xC0]  }
0x17a: {  	[tilespmem:s7+$0x60] =	vst v3;
	v3 =	vld [tilespmem:s7+$0xD0];
	v6 =	vmul.f32 $1.131370830e+01, v2  }
0x17b: {  	v5 =	vmul.f32 $1.131370830e+01, v8;
	[tilespmem:s7+$0x70] =	vst v4;
	v4 =	vld [tilespmem:s7+$0xE0]  }
0x17c: {  	s9 =	simm.s32 $0x0;
	s10 =	simm.s32 $0x12500;
	v2 =	vld [tilespmem:s7+$0x0];
	[tilespmem:s7+$0x80] =	vst v6;
	v6 =	vmul.f32 $1.131370830e+01, v9  }
.LBB2_17:
0x17d: {  	v7 =	vld [tilespmem:s10+$0xF0];
	s9 =	sadd.s32 $0x2, s9;
	[tilespmem:s7+$0x90] =	vst v5;
	v0 =	vmul.f32 $1.131370830e+01, v0  }
0x17e: {  	v5 =	vld [tilespmem:s10+$0x10];
	p0 =	slt.u32 s9, $0x7E;
	[tilespmem:s7+$0xA0] =	vst v6;
	v1 =	vmul.f32 $1.131370830e+01, v1  }
0x17f: {  	v6 =	vld [tilespmem:s10+$0x20];
	[tilespmem:s7+$0xB0] =	vst v0;
	v0 =	vmul.f32 $1.131370830e+01, v3  }
0x180: {  	v3 =	vld [tilespmem:s10+$0x30];
	[tilespmem:s7+$0xC0] =	vst v1;
	v1 =	vmul.f32 $1.131370830e+01, v4  }
0x181: {  	v4 =	vld [tilespmem:s10+$0x40];
	v2 =	vmul.f32 $1.131370830e+01, v2;
	[tilespmem:s7+$0xD0] =	vst v0  }
0x182: {  	v0 =	vld [tilespmem:s10+$0x50];
	v7 =	vmul.f32 $1.131370830e+01, v7;
	[tilespmem:s7+$0xE0] =	vst v1  }
0x183: {  	v1 =	vmul.f32 $1.131370830e+01, v5;
	v5 =	vld [tilespmem:s10+$0x60];
	[tilespmem:s7+$0x0] =	vst v2;
	s7 =	smov.u32 s10  }
0x184: {  	v2 =	vmul.f32 $1.131370830e+01, v6;
	v6 =	vld [tilespmem:s10+$0x70];
	[tilespmem:s10+$0xF0] =	vst v7  }
0x185: {  	[tilespmem:s10+$0x10] =	vst v1;
	v1 =	vmul.f32 $1.131370830e+01, v3;
	v3 =	vld [tilespmem:s10+$0x80]  }
0x186: {  	[tilespmem:s10+$0x20] =	vst v2;
	v2 =	vmul.f32 $1.131370830e+01, v4;
	v4 =	vld [tilespmem:s10+$0x90]  }
0x187: {  	[tilespmem:s10+$0x30] =	vst v1;
	v1 =	vmul.f32 $1.131370830e+01, v0;
	v7 =	vld [tilespmem:s10+$0xA0]  }
.Ltmp7:
0x188: {  	[tilespmem:s10+$0x40] =	vst v2;
	v2 =	vmul.f32 $1.131370830e+01, v5;
	v0 =	vld [tilespmem:s10+$0xB0];
	(pc) =	sbr.rel @p0 .LBB2_17-.Ltmp7, $4  }
0x189: {  	[tilespmem:s10+$0x50] =	vst v1;
	v5 =	vmul.f32 $1.131370830e+01, v6;
	v1 =	vld [tilespmem:s10+$0xC0]  }
0x18a: {  	[tilespmem:s10+$0x60] =	vst v2;
	v6 =	vmul.f32 $1.131370830e+01, v3;
	v3 =	vld [tilespmem:s10+$0xD0]  }
0x18b: {  	[tilespmem:s10+$0x70] =	vst v5;
	v5 =	vmul.f32 $1.131370830e+01, v4;
	v4 =	vld [tilespmem:s10+$0xE0]  }
0x18c: {  	s10 =	sadd.s32 $0x100, s10;
	v2 =	vld [tilespmem:s7+$0x0];
	[tilespmem:s7+$0x80] =	vst v6;
	v6 =	vmul.f32 $1.131370830e+01, v7  }
0x18d: {  	[tilespmem:s7+$0x90] =	vst v5;
	v0 =	vmul.f32 $1.131370830e+01, v0  }
0x18e: {  	s2 =	sadd.s32 $0x1, s2;
	[tilespmem:s7+$0xA0] =	vst v6;
	v1 =	vmul.f32 $1.131370830e+01, v1  }
0x18f: {  	p0 =	sne.s32 s2, $0x31;
	[tilespmem:s7+$0xB0] =	vst v0;
	v62 =	vmul.f32 $1.131370830e+01, v3  }
.Ltmp8:
0x190: {  	s8 =	sadd.s32 s5, s8;
	[tilespmem:s7+$0xC0] =	vst v1;
	v63 =	vmul.f32 $1.131370830e+01, v4;
	(pc) =	sbr.rel @p0 .LBB2_10-.Ltmp8, $4  }
0x191: {  	s8 =	sshll.u32 s8, $0xB;
	v2 =	vmul.f32 $1.131370830e+01, v2;
	[tilespmem:s7+$0xD0] =	vst v62  }
0x192: {  	s8 =	sand.u32 $0x1FFFF800, s8;
	[tilespmem:s7+$0xE0] =	vst v63  }
0x193: {  	s13 =	sadd.s32 s3, s8;
	[tilespmem:s7+$0x0] =	vst v2  }
0x194: {  	[hbm4b:s13+s4] =	stream.linear.scatter [tilespmem:s25], [sflag:$0x8], $0x4000, $0x38;
	[tilespmem:$0x16400] =	vst v63  }
0x195: {  	_ =	swait.ge [sflag:s21], $0x4000  }
0x196: {  	[sflag:s21] =	ssyncset.done $0x0  }
0x197: {  	s2 =	simm.s32 $0x6300;
	[sflag:s21] =	ssyncadd.s32 $0xFFFFC000  }
0x198: {  	[tilespmem:s22], [sflag:$0x3] =	stream.indirect.gather [hbm4b:s1+s18], $0x80, s2, s18, $0xb8;
	[tilespmem:$0x16400] =	vst v63  }
0x199: {  	_ =	swait.ge [sflag:s24], $0x4000  }
0x19a: {  	[sflag:s24] =	ssyncset.done $0x0  }
0x19b: {  	s13 =	simm.s32 $0x6380;
	[sflag:s24] =	ssyncadd.s32 $0xFFFFC000  }
0x19c: {  	[tilespmem:s25], [sflag:$0x4] =	stream.indirect.gather [hbm4b:s1+s18], $0x80, s13, s18, $0xb8;
	[tilespmem:$0x16400] =	vst v63  }
0x19d: {  	_ =	swait.ge [sflag:s23], $0x4000  }
0x19e: {  	[sflag:s23] =	ssyncset.done $0x0  }
0x19f: {  	s2 =	simm.s32 $0x6480;
	[sflag:s23] =	ssyncadd.s32 $0xFFFFC000  }
0x1a0: {  	v0 =	vld [tilespmem:s2+$0x70]  }
0x1a1: {  	v1 =	vld [tilespmem:s2+$0xFFFFFF90]  }
0x1a2: {  	v2 =	vld [tilespmem:s2+$0xFFFFFFA0]  }
0x1a3: {  	v3 =	vld [tilespmem:s2+$0xFFFFFFB0]  }
0x1a4: {  	v4 =	vld [tilespmem:s2+$0xFFFFFFC0]  }
0x1a5: {  	v5 =	vld [tilespmem:s2+$0xFFFFFFD0];
	v0 =	vmul.f32 $1.131370830e+01, v0  }
0x1a6: {  	v6 =	vld [tilespmem:s2+$0xFFFFFFE0];
	v1 =	vmul.f32 $1.131370830e+01, v1  }
0x1a7: {  	v7 =	vld [tilespmem:s2+$0xFFFFFFF0];
	[tilespmem:s2+$0x70] =	vst v0;
	v0 =	vmul.f32 $1.131370830e+01, v2  }
0x1a8: {  	v8 =	vld [tilespmem:s2+$0x0];
	[tilespmem:s2+$0xFFFFFF90] =	vst v1;
	v1 =	vmul.f32 $1.131370830e+01, v3  }
0x1a9: {  	v9 =	vld [tilespmem:s2+$0x10];
	[tilespmem:s2+$0xFFFFFFA0] =	vst v0;
	v0 =	vmul.f32 $1.131370830e+01, v4  }
0x1aa: {  	v10 =	vld [tilespmem:s2+$0x20];
	[tilespmem:s2+$0xFFFFFFB0] =	vst v1;
	v1 =	vmul.f32 $1.131370830e+01, v5  }
0x1ab: {  	v2 =	vmul.f32 $1.131370830e+01, v6;
	[tilespmem:s2+$0xFFFFFFC0] =	vst v0;
	v0 =	vld [tilespmem:s2+$0x30]  }
0x1ac: {  	v3 =	vmul.f32 $1.131370830e+01, v7;
	[tilespmem:s2+$0xFFFFFFD0] =	vst v1;
	v1 =	vld [tilespmem:s2+$0x40]  }
0x1ad: {  	v6 =	vmul.f32 $1.131370830e+01, v8;
	[tilespmem:s2+$0xFFFFFFE0] =	vst v2;
	v2 =	vld [tilespmem:s2+$0x50]  }
0x1ae: {  	[tilespmem:s2+$0xFFFFFFF0] =	vst v3;
	v4 =	vld [tilespmem:s2+$0x60];
	v5 =	vmul.f32 $1.131370830e+01, v9  }
0x1af: {  	s7 =	simm.s32 $0x0;
	s8 =	simm.s32 $0x6580;
	v3 =	vld [tilespmem:s2+$0xFFFFFF80];
	[tilespmem:s2+$0x0] =	vst v6;
	v6 =	vmul.f32 $1.131370830e+01, v10  }
.LBB2_20:
0x1b0: {  	v7 =	vld [tilespmem:s8+$0x70];
	s7 =	sadd.s32 $0x2, s7;
	[tilespmem:s2+$0x10] =	vst v5;
	v0 =	vmul.f32 $1.131370830e+01, v0  }
0x1b1: {  	v5 =	vld [tilespmem:s8+$0xFFFFFF90];
	p0 =	slt.u32 s7, $0x7E;
	[tilespmem:s2+$0x20] =	vst v6;
	v1 =	vmul.f32 $1.131370830e+01, v1  }
0x1b2: {  	v6 =	vld [tilespmem:s8+$0xFFFFFFA0];
	[tilespmem:s2+$0x30] =	vst v0;
	v0 =	vmul.f32 $1.131370830e+01, v2  }
0x1b3: {  	v2 =	vld [tilespmem:s8+$0xFFFFFFB0];
	[tilespmem:s2+$0x40] =	vst v1;
	v1 =	vmul.f32 $1.131370830e+01, v4  }
0x1b4: {  	v4 =	vld [tilespmem:s8+$0xFFFFFFC0];
	v3 =	vmul.f32 $1.131370830e+01, v3;
	[tilespmem:s2+$0x50] =	vst v0  }
0x1b5: {  	v0 =	vld [tilespmem:s8+$0xFFFFFFD0];
	v7 =	vmul.f32 $1.131370830e+01, v7;
	[tilespmem:s2+$0x60] =	vst v1  }
0x1b6: {  	v1 =	vmul.f32 $1.131370830e+01, v5;
	v5 =	vld [tilespmem:s8+$0xFFFFFFE0];
	[tilespmem:s2+$0xFFFFFF80] =	vst v3;
	s2 =	smov.u32 s8  }
0x1b7: {  	v3 =	vmul.f32 $1.131370830e+01, v6;
	v6 =	vld [tilespmem:s8+$0xFFFFFFF0];
	[tilespmem:s8+$0x70] =	vst v7  }
0x1b8: {  	[tilespmem:s8+$0xFFFFFF90] =	vst v1;
	v1 =	vmul.f32 $1.131370830e+01, v2;
	v2 =	vld [tilespmem:s8+$0x0]  }
0x1b9: {  	[tilespmem:s8+$0xFFFFFFA0] =	vst v3;
	v3 =	vmul.f32 $1.131370830e+01, v4;
	v4 =	vld [tilespmem:s8+$0x10]  }
0x1ba: {  	[tilespmem:s8+$0xFFFFFFB0] =	vst v1;
	v1 =	vmul.f32 $1.131370830e+01, v0;
	v7 =	vld [tilespmem:s8+$0x20]  }
.Ltmp9:
0x1bb: {  	[tilespmem:s8+$0xFFFFFFC0] =	vst v3;
	v3 =	vmul.f32 $1.131370830e+01, v5;
	v0 =	vld [tilespmem:s8+$0x30];
	(pc) =	sbr.rel @p0 .LBB2_20-.Ltmp9, $4  }
0x1bc: {  	[tilespmem:s8+$0xFFFFFFD0] =	vst v1;
	v5 =	vmul.f32 $1.131370830e+01, v6;
	v1 =	vld [tilespmem:s8+$0x40]  }
0x1bd: {  	[tilespmem:s8+$0xFFFFFFE0] =	vst v3;
	v6 =	vmul.f32 $1.131370830e+01, v2;
	v2 =	vld [tilespmem:s8+$0x50]  }
0x1be: {  	[tilespmem:s8+$0xFFFFFFF0] =	vst v5;
	v5 =	vmul.f32 $1.131370830e+01, v4;
	v4 =	vld [tilespmem:s8+$0x60]  }
0x1bf: {  	s8 =	sadd.s32 $0x100, s8;
	v3 =	vld [tilespmem:s2+$0xFFFFFF80];
	[tilespmem:s2+$0x0] =	vst v6;
	v6 =	vmul.f32 $1.131370830e+01, v7  }
0x1c0: {  	[tilespmem:s2+$0x10] =	vst v5;
	v0 =	vmul.f32 $1.131370830e+01, v0  }
0x1c1: {  	[tilespmem:s2+$0x20] =	vst v6;
	v1 =	vmul.f32 $1.131370830e+01, v1  }
0x1c2: {  	[tilespmem:s2+$0x30] =	vst v0;
	v0 =	vmul.f32 $1.131370830e+01, v2  }
0x1c3: {  	[tilespmem:s2+$0x40] =	vst v1;
	v1 =	vmul.f32 $1.131370830e+01, v4  }
0x1c4: {  	v2 =	vmul.f32 $1.131370830e+01, v3;
	[tilespmem:s2+$0x50] =	vst v0  }
0x1c5: {  	[tilespmem:s2+$0x60] =	vst v1  }
0x1c6: {  	[tilespmem:s2+$0xFFFFFF80] =	vst v2  }
0x1c7: {  	s2 =	rddreg [dreg:$0x8]  }
0x1c8: {  	[hbm4b:s2+s4] =	stream.linear.scatter [tilespmem:s19], [sflag:$0x5], $0x4000, $0x38;
	[tilespmem:$0x16400] =	vst v63  }
0x1c9: {  	_ =	swait.ge [sflag:s26], $0x4000  }
0x1ca: {  	[sflag:s26] =	ssyncset.done $0x0  }
0x1cb: {  	s2 =	simm.s32 $0xA400;
	[sflag:s26] =	ssyncadd.s32 $0xFFFFC000  }
0x1cc: {  	v0 =	vld [tilespmem:s2+$0xF0]  }
0x1cd: {  	v1 =	vld [tilespmem:s2+$0x10]  }
0x1ce: {  	v2 =	vld [tilespmem:s2+$0x20]  }
0x1cf: {  	v3 =	vld [tilespmem:s2+$0x30]  }
0x1d0: {  	v4 =	vld [tilespmem:s2+$0x40]  }
0x1d1: {  	v5 =	vld [tilespmem:s2+$0x50];
	v0 =	vmul.f32 $1.131370830e+01, v0  }
0x1d2: {  	v6 =	vld [tilespmem:s2+$0x60];
	v1 =	vmul.f32 $1.131370830e+01, v1  }
0x1d3: {  	v7 =	vld [tilespmem:s2+$0x70];
	[tilespmem:s2+$0xF0] =	vst v0;
	v0 =	vmul.f32 $1.131370830e+01, v2  }
0x1d4: {  	v8 =	vld [tilespmem:s2+$0x80];
	[tilespmem:s2+$0x10] =	vst v1;
	v1 =	vmul.f32 $1.131370830e+01, v3  }
0x1d5: {  	v9 =	vld [tilespmem:s2+$0x90];
	[tilespmem:s2+$0x20] =	vst v0;
	v0 =	vmul.f32 $1.131370830e+01, v4  }
0x1d6: {  	v10 =	vld [tilespmem:s2+$0xA0];
	[tilespmem:s2+$0x30] =	vst v1;
	v1 =	vmul.f32 $1.131370830e+01, v5  }
0x1d7: {  	v2 =	vmul.f32 $1.131370830e+01, v6;
	[tilespmem:s2+$0x40] =	vst v0;
	v0 =	vld [tilespmem:s2+$0xB0]  }
0x1d8: {  	v3 =	vmul.f32 $1.131370830e+01, v7;
	[tilespmem:s2+$0x50] =	vst v1;
	v1 =	vld [tilespmem:s2+$0xC0]  }
0x1d9: {  	v6 =	vmul.f32 $1.131370830e+01, v8;
	[tilespmem:s2+$0x60] =	vst v2;
	v2 =	vld [tilespmem:s2+$0xD0]  }
0x1da: {  	[tilespmem:s2+$0x70] =	vst v3;
	v4 =	vld [tilespmem:s2+$0xE0];
	v5 =	vmul.f32 $1.131370830e+01, v9  }
0x1db: {  	s7 =	simm.s32 $0x0;
	s8 =	simm.s32 $0xA500;
	v3 =	vld [tilespmem:s2+$0x0];
	[tilespmem:s2+$0x80] =	vst v6;
	v6 =	vmul.f32 $1.131370830e+01, v10  }
.LBB2_22:
0x1dc: {  	v7 =	vld [tilespmem:s8+$0xF0];
	s7 =	sadd.s32 $0x2, s7;
	[tilespmem:s2+$0x90] =	vst v5;
	v0 =	vmul.f32 $1.131370830e+01, v0  }
0x1dd: {  	v5 =	vld [tilespmem:s8+$0x10];
	p0 =	slt.u32 s7, $0x7E;
	[tilespmem:s2+$0xA0] =	vst v6;
	v1 =	vmul.f32 $1.131370830e+01, v1  }
0x1de: {  	v6 =	vld [tilespmem:s8+$0x20];
	[tilespmem:s2+$0xB0] =	vst v0;
	v0 =	vmul.f32 $1.131370830e+01, v2  }
0x1df: {  	v2 =	vld [tilespmem:s8+$0x30];
	[tilespmem:s2+$0xC0] =	vst v1;
	v1 =	vmul.f32 $1.131370830e+01, v4  }
0x1e0: {  	v4 =	vld [tilespmem:s8+$0x40];
	v3 =	vmul.f32 $1.131370830e+01, v3;
	[tilespmem:s2+$0xD0] =	vst v0  }
0x1e1: {  	v0 =	vld [tilespmem:s8+$0x50];
	v7 =	vmul.f32 $1.131370830e+01, v7;
	[tilespmem:s2+$0xE0] =	vst v1  }
0x1e2: {  	v1 =	vmul.f32 $1.131370830e+01, v5;
	v5 =	vld [tilespmem:s8+$0x60];
	[tilespmem:s2+$0x0] =	vst v3;
	s2 =	smov.u32 s8  }
0x1e3: {  	v3 =	vmul.f32 $1.131370830e+01, v6;
	v6 =	vld [tilespmem:s8+$0x70];
	[tilespmem:s8+$0xF0] =	vst v7  }
0x1e4: {  	[tilespmem:s8+$0x10] =	vst v1;
	v1 =	vmul.f32 $1.131370830e+01, v2;
	v2 =	vld [tilespmem:s8+$0x80]  }
0x1e5: {  	[tilespmem:s8+$0x20] =	vst v3;
	v3 =	vmul.f32 $1.131370830e+01, v4;
	v4 =	vld [tilespmem:s8+$0x90]  }
0x1e6: {  	[tilespmem:s8+$0x30] =	vst v1;
	v1 =	vmul.f32 $1.131370830e+01, v0;
	v7 =	vld [tilespmem:s8+$0xA0]  }
.Ltmp10:
0x1e7: {  	[tilespmem:s8+$0x40] =	vst v3;
	v3 =	vmul.f32 $1.131370830e+01, v5;
	v0 =	vld [tilespmem:s8+$0xB0];
	(pc) =	sbr.rel @p0 .LBB2_22-.Ltmp10, $4  }
0x1e8: {  	[tilespmem:s8+$0x50] =	vst v1;
	v5 =	vmul.f32 $1.131370830e+01, v6;
	v1 =	vld [tilespmem:s8+$0xC0]  }
0x1e9: {  	[tilespmem:s8+$0x60] =	vst v3;
	v6 =	vmul.f32 $1.131370830e+01, v2;
	v2 =	vld [tilespmem:s8+$0xD0]  }
0x1ea: {  	[tilespmem:s8+$0x70] =	vst v5;
	v5 =	vmul.f32 $1.131370830e+01, v4;
	v4 =	vld [tilespmem:s8+$0xE0]  }
0x1eb: {  	s8 =	sadd.s32 $0x100, s8;
	v3 =	vld [tilespmem:s2+$0x0];
	[tilespmem:s2+$0x80] =	vst v6;
	v6 =	vmul.f32 $1.131370830e+01, v7  }
0x1ec: {  	[tilespmem:s2+$0x90] =	vst v5;
	v0 =	vmul.f32 $1.131370830e+01, v0  }
0x1ed: {  	[tilespmem:s2+$0xA0] =	vst v6;
	v1 =	vmul.f32 $1.131370830e+01, v1  }
0x1ee: {  	[tilespmem:s2+$0xB0] =	vst v0;
	v0 =	vmul.f32 $1.131370830e+01, v2  }
0x1ef: {  	[tilespmem:s2+$0xC0] =	vst v1;
	v1 =	vmul.f32 $1.131370830e+01, v4  }
0x1f0: {  	v2 =	vmul.f32 $1.131370830e+01, v3;
	[tilespmem:s2+$0xD0] =	vst v0  }
0x1f1: {  	[tilespmem:s2+$0xE0] =	vst v1  }
0x1f2: {  	[tilespmem:s2+$0x0] =	vst v2  }
0x1f3: {  	s2 =	rddreg [dreg:$0x9]  }
0x1f4: {  	[hbm4b:s2+s4] =	stream.linear.scatter [tilespmem:s20], [sflag:$0x6], $0x4000, $0x38;
	[tilespmem:$0x16400] =	vst v63  }
0x1f5: {  	_ =	swait.ge [sflag:s30], $0x4000  }
0x1f6: {  	[sflag:s30] =	ssyncset.done $0x0  }
0x1f7: {  	s2 =	simm.s32 $0xE400;
	[sflag:s30] =	ssyncadd.s32 $0xFFFFC000  }
0x1f8: {  	v0 =	vld [tilespmem:s2+$0xF0]  }
0x1f9: {  	v1 =	vld [tilespmem:s2+$0x10]  }
0x1fa: {  	v2 =	vld [tilespmem:s2+$0x20]  }
0x1fb: {  	v3 =	vld [tilespmem:s2+$0x30]  }
0x1fc: {  	v4 =	vld [tilespmem:s2+$0x40]  }
0x1fd: {  	v5 =	vld [tilespmem:s2+$0x50];
	v0 =	vmul.f32 $1.131370830e+01, v0  }
0x1fe: {  	v6 =	vld [tilespmem:s2+$0x60];
	v1 =	vmul.f32 $1.131370830e+01, v1  }
0x1ff: {  	v7 =	vld [tilespmem:s2+$0x70];
	[tilespmem:s2+$0xF0] =	vst v0;
	v0 =	vmul.f32 $1.131370830e+01, v2  }
0x200: {  	v8 =	vld [tilespmem:s2+$0x80];
	[tilespmem:s2+$0x10] =	vst v1;
	v1 =	vmul.f32 $1.131370830e+01, v3  }
0x201: {  	v9 =	vld [tilespmem:s2+$0x90];
	[tilespmem:s2+$0x20] =	vst v0;
	v0 =	vmul.f32 $1.131370830e+01, v4  }
0x202: {  	v10 =	vld [tilespmem:s2+$0xA0];
	[tilespmem:s2+$0x30] =	vst v1;
	v1 =	vmul.f32 $1.131370830e+01, v5  }
0x203: {  	v2 =	vmul.f32 $1.131370830e+01, v6;
	[tilespmem:s2+$0x40] =	vst v0;
	v0 =	vld [tilespmem:s2+$0xB0]  }
0x204: {  	v3 =	vmul.f32 $1.131370830e+01, v7;
	[tilespmem:s2+$0x50] =	vst v1;
	v1 =	vld [tilespmem:s2+$0xC0]  }
0x205: {  	v6 =	vmul.f32 $1.131370830e+01, v8;
	[tilespmem:s2+$0x60] =	vst v2;
	v2 =	vld [tilespmem:s2+$0xD0]  }
0x206: {  	[tilespmem:s2+$0x70] =	vst v3;
	v4 =	vld [tilespmem:s2+$0xE0];
	v5 =	vmul.f32 $1.131370830e+01, v9  }
0x207: {  	s7 =	simm.s32 $0x0;
	s8 =	simm.s32 $0xE500;
	v3 =	vld [tilespmem:s2+$0x0];
	[tilespmem:s2+$0x80] =	vst v6;
	v6 =	vmul.f32 $1.131370830e+01, v10  }
.LBB2_24:
0x208: {  	v7 =	vld [tilespmem:s8+$0xF0];
	s7 =	sadd.s32 $0x2, s7;
	[tilespmem:s2+$0x90] =	vst v5;
	v0 =	vmul.f32 $1.131370830e+01, v0  }
0x209: {  	v5 =	vld [tilespmem:s8+$0x10];
	p0 =	slt.u32 s7, $0x7E;
	[tilespmem:s2+$0xA0] =	vst v6;
	v1 =	vmul.f32 $1.131370830e+01, v1  }
0x20a: {  	v6 =	vld [tilespmem:s8+$0x20];
	[tilespmem:s2+$0xB0] =	vst v0;
	v0 =	vmul.f32 $1.131370830e+01, v2  }
0x20b: {  	v2 =	vld [tilespmem:s8+$0x30];
	[tilespmem:s2+$0xC0] =	vst v1;
	v1 =	vmul.f32 $1.131370830e+01, v4  }
0x20c: {  	v4 =	vld [tilespmem:s8+$0x40];
	v3 =	vmul.f32 $1.131370830e+01, v3;
	[tilespmem:s2+$0xD0] =	vst v0  }
0x20d: {  	v0 =	vld [tilespmem:s8+$0x50];
	v7 =	vmul.f32 $1.131370830e+01, v7;
	[tilespmem:s2+$0xE0] =	vst v1  }
0x20e: {  	v1 =	vmul.f32 $1.131370830e+01, v5;
	v5 =	vld [tilespmem:s8+$0x60];
	[tilespmem:s2+$0x0] =	vst v3;
	s2 =	smov.u32 s8  }
0x20f: {  	v3 =	vmul.f32 $1.131370830e+01, v6;
	v6 =	vld [tilespmem:s8+$0x70];
	[tilespmem:s8+$0xF0] =	vst v7  }
0x210: {  	[tilespmem:s8+$0x10] =	vst v1;
	v1 =	vmul.f32 $1.131370830e+01, v2;
	v2 =	vld [tilespmem:s8+$0x80]  }
0x211: {  	[tilespmem:s8+$0x20] =	vst v3;
	v3 =	vmul.f32 $1.131370830e+01, v4;
	v4 =	vld [tilespmem:s8+$0x90]  }
0x212: {  	[tilespmem:s8+$0x30] =	vst v1;
	v1 =	vmul.f32 $1.131370830e+01, v0;
	v7 =	vld [tilespmem:s8+$0xA0]  }
.Ltmp11:
0x213: {  	[tilespmem:s8+$0x40] =	vst v3;
	v3 =	vmul.f32 $1.131370830e+01, v5;
	v0 =	vld [tilespmem:s8+$0xB0];
	(pc) =	sbr.rel @p0 .LBB2_24-.Ltmp11, $4  }
0x214: {  	[tilespmem:s8+$0x50] =	vst v1;
	v5 =	vmul.f32 $1.131370830e+01, v6;
	v1 =	vld [tilespmem:s8+$0xC0]  }
0x215: {  	[tilespmem:s8+$0x60] =	vst v3;
	v6 =	vmul.f32 $1.131370830e+01, v2;
	v2 =	vld [tilespmem:s8+$0xD0]  }
0x216: {  	[tilespmem:s8+$0x70] =	vst v5;
	v5 =	vmul.f32 $1.131370830e+01, v4;
	v4 =	vld [tilespmem:s8+$0xE0]  }
0x217: {  	s8 =	sadd.s32 $0x100, s8;
	v3 =	vld [tilespmem:s2+$0x0];
	[tilespmem:s2+$0x80] =	vst v6;
	v6 =	vmul.f32 $1.131370830e+01, v7  }
0x218: {  	[tilespmem:s2+$0x90] =	vst v5;
	v0 =	vmul.f32 $1.131370830e+01, v0  }
0x219: {  	[tilespmem:s2+$0xA0] =	vst v6;
	v1 =	vmul.f32 $1.131370830e+01, v1  }
0x21a: {  	[tilespmem:s2+$0xB0] =	vst v0;
	v0 =	vmul.f32 $1.131370830e+01, v2  }
0x21b: {  	[tilespmem:s2+$0xC0] =	vst v1;
	v1 =	vmul.f32 $1.131370830e+01, v4  }
0x21c: {  	v2 =	vmul.f32 $1.131370830e+01, v3;
	[tilespmem:s2+$0xD0] =	vst v0  }
0x21d: {  	[tilespmem:s2+$0xE0] =	vst v1  }
0x21e: {  	[tilespmem:s2+$0x0] =	vst v2  }
0x21f: {  	[hbm4b:s14+s4] =	stream.linear.scatter [tilespmem:s22], [sflag:$0x7], $0x4000, $0x38;
	[tilespmem:$0x16400] =	vst v63  }
0x220: {  	_ =	swait.ge [sflag:s0], $0x4000  }
0x221: {  	[sflag:s0] =	ssyncset.done $0x0  }
0x222: {  	s2 =	simm.s32 $0x12400;
	[sflag:s0] =	ssyncadd.s32 $0xFFFFC000  }
0x223: {  	v0 =	vld [tilespmem:s2+$0xF0]  }
0x224: {  	v1 =	vld [tilespmem:s2+$0x10]  }
0x225: {  	v2 =	vld [tilespmem:s2+$0x20]  }
0x226: {  	v3 =	vld [tilespmem:s2+$0x30]  }
0x227: {  	v4 =	vld [tilespmem:s2+$0x40]  }
0x228: {  	v5 =	vld [tilespmem:s2+$0x50];
	v0 =	vmul.f32 $1.131370830e+01, v0  }
0x229: {  	v6 =	vld [tilespmem:s2+$0x60];
	v1 =	vmul.f32 $1.131370830e+01, v1  }
0x22a: {  	v7 =	vld [tilespmem:s2+$0x70];
	[tilespmem:s2+$0xF0] =	vst v0;
	v0 =	vmul.f32 $1.131370830e+01, v2  }
0x22b: {  	v8 =	vld [tilespmem:s2+$0x80];
	[tilespmem:s2+$0x10] =	vst v1;
	v1 =	vmul.f32 $1.131370830e+01, v3  }
0x22c: {  	v9 =	vld [tilespmem:s2+$0x90];
	[tilespmem:s2+$0x20] =	vst v0;
	v0 =	vmul.f32 $1.131370830e+01, v4  }
0x22d: {  	v10 =	vld [tilespmem:s2+$0xA0];
	[tilespmem:s2+$0x30] =	vst v1;
	v1 =	vmul.f32 $1.131370830e+01, v5  }
0x22e: {  	v2 =	vmul.f32 $1.131370830e+01, v6;
	[tilespmem:s2+$0x40] =	vst v0;
	v0 =	vld [tilespmem:s2+$0xB0]  }
0x22f: {  	v3 =	vmul.f32 $1.131370830e+01, v7;
	[tilespmem:s2+$0x50] =	vst v1;
	v1 =	vld [tilespmem:s2+$0xC0]  }
0x230: {  	v6 =	vmul.f32 $1.131370830e+01, v8;
	[tilespmem:s2+$0x60] =	vst v2;
	v2 =	vld [tilespmem:s2+$0xD0]  }
0x231: {  	[tilespmem:s2+$0x70] =	vst v3;
	v4 =	vld [tilespmem:s2+$0xE0];
	v5 =	vmul.f32 $1.131370830e+01, v9  }
0x232: {  	s7 =	simm.s32 $0x0;
	s8 =	simm.s32 $0x12500;
	v3 =	vld [tilespmem:s2+$0x0];
	[tilespmem:s2+$0x80] =	vst v6;
	v6 =	vmul.f32 $1.131370830e+01, v10  }
.LBB2_26:
0x233: {  	v7 =	vld [tilespmem:s8+$0xF0];
	s7 =	sadd.s32 $0x2, s7;
	[tilespmem:s2+$0x90] =	vst v5;
	v0 =	vmul.f32 $1.131370830e+01, v0  }
0x234: {  	v5 =	vld [tilespmem:s8+$0x10];
	p0 =	slt.u32 s7, $0x7E;
	[tilespmem:s2+$0xA0] =	vst v6;
	v1 =	vmul.f32 $1.131370830e+01, v1  }
0x235: {  	v6 =	vld [tilespmem:s8+$0x20];
	[tilespmem:s2+$0xB0] =	vst v0;
	v0 =	vmul.f32 $1.131370830e+01, v2  }
0x236: {  	v2 =	vld [tilespmem:s8+$0x30];
	[tilespmem:s2+$0xC0] =	vst v1;
	v1 =	vmul.f32 $1.131370830e+01, v4  }
0x237: {  	v4 =	vld [tilespmem:s8+$0x40];
	v3 =	vmul.f32 $1.131370830e+01, v3;
	[tilespmem:s2+$0xD0] =	vst v0  }
0x238: {  	v0 =	vld [tilespmem:s8+$0x50];
	v7 =	vmul.f32 $1.131370830e+01, v7;
	[tilespmem:s2+$0xE0] =	vst v1  }
0x239: {  	v1 =	vmul.f32 $1.131370830e+01, v5;
	v5 =	vld [tilespmem:s8+$0x60];
	[tilespmem:s2+$0x0] =	vst v3;
	s2 =	smov.u32 s8  }
0x23a: {  	v3 =	vmul.f32 $1.131370830e+01, v6;
	v6 =	vld [tilespmem:s8+$0x70];
	[tilespmem:s8+$0xF0] =	vst v7  }
0x23b: {  	[tilespmem:s8+$0x10] =	vst v1;
	v1 =	vmul.f32 $1.131370830e+01, v2;
	v2 =	vld [tilespmem:s8+$0x80]  }
0x23c: {  	[tilespmem:s8+$0x20] =	vst v3;
	v3 =	vmul.f32 $1.131370830e+01, v4;
	v4 =	vld [tilespmem:s8+$0x90]  }
0x23d: {  	[tilespmem:s8+$0x30] =	vst v1;
	v1 =	vmul.f32 $1.131370830e+01, v0;
	v7 =	vld [tilespmem:s8+$0xA0]  }
.Ltmp12:
0x23e: {  	[tilespmem:s8+$0x40] =	vst v3;
	v3 =	vmul.f32 $1.131370830e+01, v5;
	v0 =	vld [tilespmem:s8+$0xB0];
	(pc) =	sbr.rel @p0 .LBB2_26-.Ltmp12, $4  }
0x23f: {  	[tilespmem:s8+$0x50] =	vst v1;
	v5 =	vmul.f32 $1.131370830e+01, v6;
	v1 =	vld [tilespmem:s8+$0xC0]  }
0x240: {  	[tilespmem:s8+$0x60] =	vst v3;
	v6 =	vmul.f32 $1.131370830e+01, v2;
	v2 =	vld [tilespmem:s8+$0xD0]  }
0x241: {  	[tilespmem:s8+$0x70] =	vst v5;
	v5 =	vmul.f32 $1.131370830e+01, v4;
	v4 =	vld [tilespmem:s8+$0xE0]  }
0x242: {  	s8 =	sadd.s32 $0x100, s8;
	v3 =	vld [tilespmem:s2+$0x0];
	[tilespmem:s2+$0x80] =	vst v6;
	v6 =	vmul.f32 $1.131370830e+01, v7  }
0x243: {  	[tilespmem:s2+$0x90] =	vst v5;
	v0 =	vmul.f32 $1.131370830e+01, v0  }
0x244: {  	[tilespmem:s2+$0xA0] =	vst v6;
	v1 =	vmul.f32 $1.131370830e+01, v1  }
0x245: {  	[tilespmem:s2+$0xB0] =	vst v0;
	v61 =	vmul.f32 $1.131370830e+01, v2  }
0x246: {  	[tilespmem:s2+$0xC0] =	vst v1;
	v62 =	vmul.f32 $1.131370830e+01, v4  }
0x247: {  	v63 =	vmul.f32 $1.131370830e+01, v3;
	[tilespmem:s2+$0xD0] =	vst v61  }
0x248: {  	[tilespmem:s2+$0xE0] =	vst v62  }
0x249: {  	[tilespmem:s2+$0x0] =	vst v63  }
0x24a: {  	[hbm4b:s15+s4] =	stream.linear.scatter [tilespmem:s25], [sflag:$0x8], $0x4000, $0x38;
	[tilespmem:$0x16400] =	vst v63  }
0x24b: {  	_ =	swait.ge [sflag:s28], $0x4000  }
0x24c: {  	[sflag:s28] =	ssyncset.done $0x0  }
0x24d: {  	[sflag:s28] =	ssyncadd.s32 $0xFFFFC000  }
0x24e: {  	_ =	swait.ge [sflag:s31], $0x4000  }
0x24f: {  	[sflag:s31] =	ssyncset.done $0x0  }
0x250: {  	s29 =	sadd.s32 $0x1, s29;
	[sflag:s31] =	ssyncadd.s32 $0xFFFFC000  }
0x251: {  	p0 =	sne.s32 s29, s16;
	_ =	swait.ge [sflag:s21], $0x4000  }
.Ltmp13:
0x252: {  	[sflag:s21] =	ssyncset.done $0x0;
	(pc) =	sbr.rel @p0 .LBB2_1-.Ltmp13, $4  }
0x253: {  	[sflag:s21] =	ssyncadd.s32 $0xFFFFC000  }
0x254: {  	_ =	swait.ge [sflag:s24], $0x4000  }
0x255: {  	[sflag:s24] =	ssyncset.done $0x0  }
0x256: {  	[sflag:s24] =	ssyncadd.s32 $0xFFFFC000  }
0x257: {  	_ =	sfence.sel $0x180000  }
0x258: {  	[bflag:$0x0] =	sbarrier.arrive $0xFFFF  }
0x259: {  	_ =	strace $0x90000047  }
0x25a: {  	s0 =	stileid.u32;
	[bflag:$0x2] =	sbarrier.arrive $0xFFFF  }
0x25b: {  	p0 =	sne.s32 s0, $0x0;
	s0 =	rddreg [dreg:$0x3]  }
0x25c: {  	s0 =	sadd.s32 @!p0 $0x100000, s0  }
0x25d: {  	[sflag:s0] =	ssyncadd.tile.s32 @!p0 $0x1;
	_ =	shalt  }
.Lfunc_end2:
_tile_overlayer_lowered:
.L_overlay_start_2:
0x25e: {  	(tag) =	ssettag $0x2  }
0x25f: {  	s0 =	rddreg [dreg:$0x0];
	s2 =	stileid.u32  }
0x260: {  	s1 =	rddreg [dreg:$0x1];
	p0 =	sne.s32 s2, $0x0  }
0x261: {  	s3 =	rddreg [dreg:$0x2];
	[bflag:$0x3] =	sbarrier.arrive $0xFFFF;
	s2 =	simm.s32 @!p0 $0x1C09  }
0x262: {  	[timem:s3], [sflag:s2] =	dma.local @!p0 [hbm:s0], s1  }
0x263: {  	s0 =	simm.s32 @!p0 $0x9  }
0x264: {  	_ =	swait.ge @!p0 [sflag:s0], s1  }
0x265: {  	s1 =	ssub.s32 @!p0 $0x0, s1;
	[sflag:s0] =	ssyncset.done @!p0 $0x0  }
0x266: {  	[sflag:s0] =	ssyncadd.s32 @!p0 s1  }
0x267: {  	[bflag:$0x3] =	sbarrier.arrive $0xFFFF  }
0x268: {  	_ =	shalt  }

</sc_bundles>
